<compile_context>
chip_gen: v7x
topology: tpu7x:2x2x1
jax: 0.10.2.dev20260603
libtpu: 0.0.44.dev20260713+nightly
codegen_flags: <defaults>
</compile_context>

<pallas_src>
import functools

import jax
import jax.numpy as jnp
from jax import lax
from jax.experimental import pallas as pl
from jax.experimental.pallas import tpu as pltpu
from jax.experimental.pallas import tpu_sc as plsc

TM = 256
BN = 512


def _gelu(x):
    return x * 0.5 * (1.0 + jax.lax.erf(x * 0.7071067811865476))


def _router_kernel(x_ref, wg_ref, g0_ref, g1_ref, c0_ref, c1_ref,
                   cnt_ref, meta_ref, carry_s,
                   *, bn, nb, tm, nt, n_experts):
    b = pl.program_id(0)

    @pl.when(b == 0)
    def _init():
        carry_s[...] = jnp.zeros_like(carry_s)

    logits = jnp.dot(x_ref[...], wg_ref[...],
                     preferred_element_type=jnp.float32)
    eids = jax.lax.broadcasted_iota(jnp.int32, logits.shape, 1)
    top1 = jnp.max(logits, axis=-1, keepdims=True)
    a1 = jnp.argmax(logits, axis=-1)[:, None]
    masked = jnp.where(eids == a1, -jnp.inf, logits)
    top2 = jnp.max(masked, axis=-1, keepdims=True)
    a2 = jnp.argmax(masked, axis=-1)[:, None]
    m = jnp.maximum(top1, top2)
    e1 = jnp.exp(top1 - m)
    e2 = jnp.exp(top2 - m)
    z = e1 + e2
    g0_ref[...] = e1 / z
    g1_ref[...] = e2 / z

    amat = ((eids == a1) | (eids == a2)).astype(jnp.float32)
    ri = jax.lax.broadcasted_iota(jnp.int32, (bn, bn), 0)
    ci = jax.lax.broadcasted_iota(jnp.int32, (bn, bn), 1)
    tri = (ci < ri).astype(jnp.float32)
    rank_b = jnp.dot(tri, amat, preferred_element_type=jnp.float32) + carry_s[...]
    r1 = jnp.sum(jnp.where(eids == a1, rank_b, 0.0), axis=1, keepdims=True)
    r2 = jnp.sum(jnp.where(eids == a2, rank_b, 0.0), axis=1, keepdims=True)
    c0_ref[...] = a1 * 8192 + r1.astype(jnp.int32)
    c1_ref[...] = a2 * 8192 + r2.astype(jnp.int32)
    carry_s[...] += jnp.sum(amat, axis=0, keepdims=True)

    @pl.when(b == nb - 1)
    def _meta():
        counts = carry_s[...].astype(jnp.int32)
        cids = jax.lax.broadcasted_iota(jnp.int32, cnt_ref.shape, 0)
        pb_acc = jnp.zeros(cnt_ref.shape, jnp.int32)
        iota_t = jax.lax.broadcasted_iota(jnp.int32, (1, nt), 1) * tm
        te_acc = jnp.zeros((1, nt), jnp.int32)
        s = jnp.zeros((), jnp.int32)
        pcs = []
        for e in range(n_experts):
            ne = counts[0, e]
            pb_acc = pb_acc + jnp.where(cids == e, s, 0)
            pc = ((ne + tm - 1) // tm) * tm
            pcs.append(pc)
            s = s + pc
            te_acc = te_acc + (iota_t >= s).astype(jnp.int32)
        cnt_ref[...] = pb_acc

        last_used = jnp.zeros((), jnp.int32)
        for e in range(n_experts):
            last_used = jnp.where(pcs[e] > 0, e, last_used)
        te_vals = jnp.minimum(te_acc, last_used)
        tv = (iota_t < s).astype(jnp.int32)

        rid = jnp.zeros((), jnp.int32)
        run_par = []
        for e in range(n_experts):
            run_par.append(rid % 2)
            rid = rid + (pcs[e] > 0).astype(jnp.int32)
        nxt = jnp.full((), -1, jnp.int32)
        nxt_list = [None] * n_experts
        for e in reversed(range(n_experts)):
            nxt_list[e] = nxt
            nxt = jnp.where(pcs[e] > 0, e, nxt)
        par_t = jnp.zeros((1, nt), jnp.int32)
        nx_t = jnp.zeros((1, nt), jnp.int32)
        for e in range(n_experts):
            par_t = jnp.where(te_vals == e, run_par[e], par_t)
            nx_t = jnp.where(te_vals == e, nxt_list[e], nx_t)
        meta_ref[...] = jnp.concatenate([te_vals, tv, par_t, nx_t], axis=1)


def _router(xf, Wg, nt):
    n, c = xf.shape
    e = Wg.shape[1]
    nb = n // BN
    return pl.pallas_call(
        functools.partial(_router_kernel, bn=BN, nb=nb, tm=TM, nt=nt,
                          n_experts=e),
        grid=(nb,),
        in_specs=[
            pl.BlockSpec((BN, c), lambda b: (b, 0)),
            pl.BlockSpec((c, e), lambda b: (0, 0)),
        ],
        out_specs=[
            pl.BlockSpec((BN, 1), lambda b: (b, 0)),
            pl.BlockSpec((BN, 1), lambda b: (b, 0)),
            pl.BlockSpec((BN, 1), lambda b: (b, 0)),
            pl.BlockSpec((BN, 1), lambda b: (b, 0)),
            pl.BlockSpec((8, 16), lambda b: (0, 0)),
            pl.BlockSpec((1, 4 * nt), lambda b: (0, 0)),
        ],
        out_shape=[
            jax.ShapeDtypeStruct((n, 1), jnp.float32),
            jax.ShapeDtypeStruct((n, 1), jnp.float32),
            jax.ShapeDtypeStruct((n, 1), jnp.int32),
            jax.ShapeDtypeStruct((n, 1), jnp.int32),
            jax.ShapeDtypeStruct((8, 16), jnp.int32),
            jax.ShapeDtypeStruct((1, 4 * nt), jnp.int32),
        ],
        scratch_shapes=[pltpu.VMEM((1, e), jnp.float32)],
    )(xf, Wg)


def _slot_prelude(pb_hbm, pb_ref):
    pltpu.sync_copy(pb_hbm, pb_ref)


def _slot_chunk(code_hbm, base, ch, n_experts, c_v, pb_ref, idx_v):
    pltpu.sync_copy(code_hbm.at[pl.ds(base, ch)], c_v)
    for j in range(ch // 16):
        sl = pl.ds(j * 16, 16)
        c16 = c_v[sl]
        e16 = jnp.right_shift(c16, 13)
        acc = c16 & 8191
        for e in range(n_experts):
            acc = acc + jnp.where(e16 == e, pb_ref[e], 0)
        idx_v[sl] = acc


def _dispatch_body(tpw, ch, x_hbm, c0_hbm, c1_hbm,
                   pb_hbm, xs_out, rows_v, idx0_v, idx1_v, c_v, pb_ref,
                   sem):
    wid = lax.axis_index("s") * 2 + lax.axis_index("c")
    _slot_prelude(pb_hbm, pb_ref)
    for c in range(tpw // ch):
        base = pl.multiple_of(wid * tpw + c * ch, ch)
        pltpu.sync_copy(x_hbm.at[pl.ds(base, ch)], rows_v)
        _slot_chunk(c0_hbm, base, ch, 8, c_v, pb_ref, idx0_v)
        cp0 = pltpu.async_copy(rows_v, xs_out.at[idx0_v], sem)
        _slot_chunk(c1_hbm, base, ch, 8, c_v, pb_ref, idx1_v)
        cp1 = pltpu.async_copy(rows_v, xs_out.at[idx1_v], sem)
        cp0.wait()
        cp1.wait()


def _dispatch(xf, c0, c1, pb16, nslot):
    n, c = xf.shape
    nw = 32
    tpw = n // nw
    ch = min(128, tpw)
    mesh = plsc.VectorSubcoreMesh(core_axis_name="c", subcore_axis_name="s")
    f = pl.kernel(
        functools.partial(_dispatch_body, tpw, ch),
        mesh=mesh,
        out_type=jax.ShapeDtypeStruct((nslot, c), jnp.float32),
        scratch_types=[
            pltpu.VMEM((ch, c), jnp.float32),
            pltpu.VMEM((ch,), jnp.int32),
            pltpu.VMEM((ch,), jnp.int32),
            pltpu.VMEM((ch,), jnp.int32),
            pltpu.VMEM((8, 16), jnp.int32),
            pltpu.SemaphoreType.DMA,
        ],
    )
    return f(xf, c0, c1, pb16)


def _gemm_kernel(meta_ref, xs_ref, b1_ref, b2_ref, w1_hbm, w2_hbm, out_ref,
                 w1_buf, w2_buf, sem1, sem2, *, nt):
    i = pl.program_id(0)
    e = meta_ref[i]
    valid = meta_ref[nt + i]
    par = meta_ref[2 * nt + i]
    nxt = meta_ref[3 * nt + i]
    prev = meta_ref[jnp.maximum(i - 1, 0)]
    first = jnp.logical_or(i == 0, prev != e)

    def _issue(expert, slot):
        pltpu.make_async_copy(w1_hbm.at[expert], w1_buf.at[slot],
                              sem1.at[slot]).start()
        pltpu.make_async_copy(w2_hbm.at[expert], w2_buf.at[slot],
                              sem2.at[slot]).start()

    @pl.when(i == 0)
    def _prologue():
        _issue(e, par)

    @pl.when(first)
    def _run_start():
        @pl.when(nxt >= 0)
        def _prefetch_next():
            _issue(nxt, 1 - par)

        pltpu.make_async_copy(w1_hbm.at[e], w1_buf.at[par],
                              sem1.at[par]).wait()
        pltpu.make_async_copy(w2_hbm.at[e], w2_buf.at[par],
                              sem2.at[par]).wait()

    @pl.when(valid == 1)
    def _compute():
        h = _gelu(jnp.dot(xs_ref[...], w1_buf[par],
                          preferred_element_type=jnp.float32) + b1_ref[0])
        out_ref[...] = (jnp.dot(h, w2_buf[par],
                                preferred_element_type=jnp.float32)
                        + b2_ref[0])


def _grouped_gemm(meta, xs, W1, b1, W2, b2, nt):
    nslot, c = xs.shape
    e, _, h = W1.shape
    grid_spec = pltpu.PrefetchScalarGridSpec(
        num_scalar_prefetch=1,
        grid=(nt,),
        in_specs=[
            pl.BlockSpec((TM, c), lambda i, m: (i, 0)),
            pl.BlockSpec((1, 1, h), lambda i, m: (m[i], 0, 0)),
            pl.BlockSpec((1, 1, c), lambda i, m: (m[i], 0, 0)),
            pl.BlockSpec(memory_space=pl.ANY),
            pl.BlockSpec(memory_space=pl.ANY),
        ],
        out_specs=pl.BlockSpec((TM, c), lambda i, m: (i, 0)),
        scratch_shapes=[
            pltpu.VMEM((2, c, h), jnp.float32),
            pltpu.VMEM((2, h, c), jnp.float32),
            pltpu.SemaphoreType.DMA((2,)),
            pltpu.SemaphoreType.DMA((2,)),
        ],
    )
    return pl.pallas_call(
        functools.partial(_gemm_kernel, nt=nt),
        grid_spec=grid_spec,
        out_shape=jax.ShapeDtypeStruct((nslot, c), jnp.float32),
        compiler_params=pltpu.CompilerParams(
            vmem_limit_bytes=100 * 1024 * 1024),
    )(meta, xs, b1.reshape(e, 1, h), b2.reshape(e, 1, c), W1, W2)


def _gather2_body(tpw, ch, ys_hbm, c0_hbm, c1_hbm,
                  pb_hbm, z0_hbm, z1_hbm, i0_v, i1_v, y0_v, y1_v, c_v, pb_ref,
                  sem):
    wid = lax.axis_index("s") * 2 + lax.axis_index("c")
    _slot_prelude(pb_hbm, pb_ref)
    for c in range(tpw // ch):
        base = pl.multiple_of(wid * tpw + c * ch, ch)
        _slot_chunk(c0_hbm, base, ch, 8, c_v, pb_ref, i0_v)
        cp0 = pltpu.async_copy(ys_hbm.at[i0_v], y0_v, sem)
        _slot_chunk(c1_hbm, base, ch, 8, c_v, pb_ref, i1_v)
        cp1 = pltpu.async_copy(ys_hbm.at[i1_v], y1_v, sem)
        cp0.wait()
        pltpu.sync_copy(y0_v, z0_hbm.at[pl.ds(base, ch)])
        cp1.wait()
        pltpu.sync_copy(y1_v, z1_hbm.at[pl.ds(base, ch)])


def _gather2(ys, c0, c1, pb16, n):
    nslot, c = ys.shape
    nw = 32
    tpw = n // nw
    ch = min(64, tpw)
    mesh = plsc.VectorSubcoreMesh(core_axis_name="c", subcore_axis_name="s")
    f = pl.kernel(
        functools.partial(_gather2_body, tpw, ch),
        mesh=mesh,
        out_type=(jax.ShapeDtypeStruct((n, c), jnp.float32),
                  jax.ShapeDtypeStruct((n, c), jnp.float32)),
        scratch_types=[
            pltpu.VMEM((ch,), jnp.int32),
            pltpu.VMEM((ch,), jnp.int32),
            pltpu.VMEM((ch, c), jnp.float32),
            pltpu.VMEM((ch, c), jnp.float32),
            pltpu.VMEM((ch,), jnp.int32),
            pltpu.VMEM((8, 16), jnp.int32),
            pltpu.SemaphoreType.DMA,
        ],
    )
    return f(ys, c0, c1, pb16)


def _blend_kernel(z0_ref, z1_ref, g0_ref, g1_ref, out_ref):
    out_ref[...] = g0_ref[...] * z0_ref[...] + g1_ref[...] * z1_ref[...]


def _blend(z0, z1, g0, g1):
    n, c = z0.shape
    bn = min(n, 1024)
    return pl.pallas_call(
        _blend_kernel,
        grid=(n // bn,),
        in_specs=[
            pl.BlockSpec((bn, c), lambda b: (b, 0)),
            pl.BlockSpec((bn, c), lambda b: (b, 0)),
            pl.BlockSpec((bn, 1), lambda b: (b, 0)),
            pl.BlockSpec((bn, 1), lambda b: (b, 0)),
        ],
        out_specs=pl.BlockSpec((bn, c), lambda b: (b, 0)),
        out_shape=jax.ShapeDtypeStruct((n, c), jnp.float32),
    )(z0, z1, g0, g1)


def kernel(x, Wg, W1, b1, W2, b2):
    Bx, Tx, C = x.shape
    E = Wg.shape[1]
    N = Bx * Tx
    nt = (2 * N) // TM + E
    nslot = nt * TM
    xf = x.reshape(N, C)

    g0, g1, c0, c1, pb16, meta = _router(xf, Wg, nt)
    c0 = c0.reshape(N)
    c1 = c1.reshape(N)
    meta = meta.reshape(4 * nt)

    xs = _dispatch(xf, c0, c1, pb16, nslot)
    ys = _grouped_gemm(meta, xs, W1, b1, W2, b2, nt)
    z0, z1 = _gather2(ys, c0, c1, pb16, N)
    outf = _blend(z0, z1, g0, g1)
    return outf.reshape(Bx, Tx, C)

# --- scband reference (transcript-rebuilt; emitter-appended) ---
"""Pipeline reference for scband-mo-effn-85126251807534 (READ-ONLY COPY).

The authoritative reference and input builder live on the scoring server;
editing this copy changes nothing except your own understanding.
"""

import jax, jax.numpy as jnp
import numpy as np

N_EMBD = 768
N_EXPERTS = 8
HIDDEN = 4 * N_EMBD
B, T = 2, 2048


def setup_inputs(seed: int = 0) -> dict:
    key = jax.random.key(seed)
    k = jax.random.split(key, 6)
    x = jax.random.normal(k[0], (B, T, N_EMBD), dtype=jnp.float32)
    Wg = jax.random.normal(k[1], (N_EMBD, N_EXPERTS), dtype=jnp.float32) * (1.0 / np.sqrt(N_EMBD))
    W1 = jax.random.normal(k[2], (N_EXPERTS, N_EMBD, HIDDEN), dtype=jnp.float32) * (1.0 / np.sqrt(N_EMBD))
    b1 = jnp.zeros((N_EXPERTS, HIDDEN), dtype=jnp.float32)
    W2 = jax.random.normal(k[3], (N_EXPERTS, HIDDEN, N_EMBD), dtype=jnp.float32) * (1.0 / np.sqrt(HIDDEN))
    b2 = jnp.zeros((N_EXPERTS, N_EMBD), dtype=jnp.float32)
    return {"x": x, "Wg": Wg, "W1": W1, "b1": b1, "W2": W2, "b2": b2}


def reference(x, Wg, W1, b1, W2, b2):
    Bx, Tx, C = x.shape
    xf = x.reshape(Bx * Tx, C)
    # Top2Router
    logits = xf @ Wg  # [N, E]
    topk_vals, topk_idx = jax.lax.top_k(logits, 2)  # [N, 2]
    gates = jax.nn.softmax(topk_vals, axis=-1)  # [N, 2]
    # dense-equivalent dispatch: combine weight per (token, expert)
    onehot = jax.nn.one_hot(topk_idx, N_EXPERTS, dtype=xf.dtype)  # [N, 2, E]
    comb = jnp.einsum('ti,tie->te', gates, onehot)  # [N, E]
    # expert MLPs (dropout=0 / eval mode). torch nn.GELU() is the exact (erf) variant.
    h = jax.nn.gelu(jnp.einsum('tc,ech->teh', xf, W1) + b1[None, :, :], approximate=False)  # [N, E, H]
    y = jnp.einsum('teh,ehc->tec', h, W2) + b2[None, :, :]  # [N, E, C]
    out = jnp.einsum('te,tec->tc', comb, y)  # [N, C]
    return out.reshape(Bx, Tx, C)

if __name__ == "__main__":
    import jax
    _d = setup_inputs()
    print(jax.jit(kernel)(*tuple(_d.values())))

</pallas_src>

<mosaic_0001>
#map = affine_map<(d0, d1) -> (0, 0)>
#map1 = affine_map<(d0, d1) -> (0)>
module attributes {stable_mosaic.version = 14 : i64} {
  func.func @_gather2_body(%arg0: i32, %arg1: i32, %arg2: memref<10240x768xf32, #tpu.memory_space<hbm>>, %arg3: memref<4096xi32, #tpu.memory_space<hbm>>, %arg4: memref<4096xi32, #tpu.memory_space<hbm>>, %arg5: memref<8x16xi32, #tpu.memory_space<hbm>>, %arg6: memref<4096x768xf32, #tpu.memory_space<hbm>>, %arg7: memref<4096x768xf32, #tpu.memory_space<hbm>>, %arg8: memref<64xi32, #tpu.memory_space<vmem>>, %arg9: memref<64xi32, #tpu.memory_space<vmem>>, %arg10: memref<64x768xf32, #tpu.memory_space<vmem>>, %arg11: memref<64x768xf32, #tpu.memory_space<vmem>>, %arg12: memref<64xi32, #tpu.memory_space<vmem>>, %arg13: memref<8x16xi32, #tpu.memory_space<vmem>>, %arg14: memref<!tpu.dma_semaphore, #tpu.memory_space<semaphore_mem>>) attributes {dimension_semantics = [#tpu.dimension_semantics<core_parallel>, #tpu.dimension_semantics<subcore_parallel>], iteration_bounds = array<i64: 2, 16>, scalar_prefetch = 0 : i64, scratch_operands = 7 : i64, tpu.core_type = #tpu.core_type<sc_vector_subcore>, window_params = [{transform_indices = #map}, {transform_indices = #map1}, {transform_indices = #map1}, {transform_indices = #map}, {transform_indices = #map}, {transform_indices = #map}]} {
    %mul3A = arith.constant 2 : i32
    %mul3A_0 = arith.muli %arg1, %mul3A : i32
    %add3A = arith.addi %mul3A_0, %arg0 : i32
    "tpu.region"() ({
      %run_scoped3A = tpu.sem_alloc : memref<!tpu.dma_semaphore, #tpu.memory_space<semaphore_mem>>
      tpu.enqueue_dma source(%arg5 : memref<8x16xi32, #tpu.memory_space<hbm>>) target(%arg13 : memref<8x16xi32, #tpu.memory_space<vmem>>) target_semaphore(%run_scoped3A : memref<!tpu.dma_semaphore, #tpu.memory_space<semaphore_mem>>)
      tpu.wait_dma2 semaphore(%run_scoped3A : memref<!tpu.dma_semaphore, #tpu.memory_space<semaphore_mem>>) src(%arg5 : memref<8x16xi32, #tpu.memory_space<hbm>>) dst(%arg13 : memref<8x16xi32, #tpu.memory_space<vmem>>)
      tpu.yield
    }) : () -> ()
    %mul3A_1 = arith.constant 128 : i32
    %mul3A_2 = arith.muli %add3A, %mul3A_1 : i32
    %add3A_3 = arith.constant 0 : i32
    %add3A_4 = arith.addi %mul3A_2, %add3A_3 : i32
    %multiple_of3A = tpu.assume_multiple %add3A_4, 64 : i32
    "tpu.region"() ({
      %run_scoped3A = tpu.sem_alloc : memref<!tpu.dma_semaphore, #tpu.memory_space<semaphore_mem>>
      %dma_start3A_1768 = tpu.memref_slice %arg3[%multiple_of3A] : memref<4096xi32, #tpu.memory_space<hbm>> -> memref<64xi32, #tpu.memory_space<hbm>>
      %dma_start3A_1769 = tpu.memref_slice %arg3[%multiple_of3A] : memref<4096xi32, #tpu.memory_space<hbm>> -> memref<64xi32, #tpu.memory_space<hbm>>
      tpu.enqueue_dma source(%dma_start3A_1769 : memref<64xi32, #tpu.memory_space<hbm>>) target(%arg12 : memref<64xi32, #tpu.memory_space<vmem>>) target_semaphore(%run_scoped3A : memref<!tpu.dma_semaphore, #tpu.memory_space<semaphore_mem>>)
      %dma_wait3A_1770 = tpu.memref_slice %arg3[%multiple_of3A] : memref<4096xi32, #tpu.memory_space<hbm>> -> memref<64xi32, #tpu.memory_space<hbm>>
      %dma_wait3A_1771 = tpu.memref_slice %arg3[%multiple_of3A] : memref<4096xi32, #tpu.memory_space<hbm>> -> memref<64xi32, #tpu.memory_space<hbm>>
      tpu.wait_dma2 semaphore(%run_scoped3A : memref<!tpu.dma_semaphore, #tpu.memory_space<semaphore_mem>>) src(%dma_wait3A_1771 : memref<64xi32, #tpu.memory_space<hbm>>) dst(%arg12 : memref<64xi32, #tpu.memory_space<vmem>>)
      tpu.yield
    }) : () -> ()
    %get3A = arith.constant 0 : index
    %get3A_5 = tpu.vector_load %arg12[%get3A] {strides = array<i32>} : memref<64xi32, #tpu.memory_space<vmem>>, vector<16xi32>,
    %get3A_6 = vector.shape_cast %get3A_5 : vector<16xi32> to vector<16xi32>
    %shift_right_arithmetic3A = arith.constant 13 : i32
    %shift_right_arithmetic3A_7 = vector.broadcast %shift_right_arithmetic3A : i32 to vector<16xi32>
    %shift_right_arithmetic3A_8 = arith.shrsi %get3A_6, %shift_right_arithmetic3A_7 : vector<16xi32>
    %and3A = arith.constant 8191 : i32
    %and3A_9 = vector.broadcast %and3A : i32 to vector<16xi32>
    %and3A_10 = arith.andi %get3A_6, %and3A_9 : vector<16xi32>
    %eq3A = arith.constant 0 : i32
    %eq3A_11 = vector.broadcast %eq3A : i32 to vector<16xi32>
    %eq3A_12 = arith.cmpi eq, %shift_right_arithmetic3A_8, %eq3A_11 : vector<16xi32>
    %get3A_13 = arith.constant 0 : i32
    %get3A_14 = arith.index_cast %get3A_13 : i32 to index
    %get3A_15 = arith.constant 0 : index
    %get3A_16 = tpu.vector_load %arg13[%get3A_14, %get3A_15] {strides = array<i32>} : memref<8x16xi32, #tpu.memory_space<vmem>>, vector<1x16xi32>,
    %get3A_17 = vector.shape_cast %get3A_16 : vector<1x16xi32> to vector<16xi32>
    %jit3A = arith.constant 0 : i32
    %broadcast_in_dim3A = vector.broadcast %jit3A : i32 to vector<16xi32>
    %select_n3A = arith.select %eq3A_12, %get3A_17, %broadcast_in_dim3A : vector<16xi1>, vector<16xi32>
    %add3A_18 = arith.addi %and3A_10, %select_n3A : vector<16xi32>
    %eq3A_19 = arith.constant 1 : i32
    %eq3A_20 = vector.broadcast %eq3A_19 : i32 to vector<16xi32>
    %eq3A_21 = arith.cmpi eq, %shift_right_arithmetic3A_8, %eq3A_20 : vector<16xi32>
    %get3A_22 = arith.constant 1 : i32
    %get3A_23 = arith.index_cast %get3A_22 : i32 to index
    %get3A_24 = arith.constant 0 : index
    %get3A_25 = tpu.vector_load %arg13[%get3A_23, %get3A_24] {strides = array<i32>} : memref<8x16xi32, #tpu.memory_space<vmem>>, vector<1x16xi32>,
    %get3A_26 = vector.shape_cast %get3A_25 : vector<1x16xi32> to vector<16xi32>
    %jit3A_27 = arith.constant 0 : i32
    %broadcast_in_dim3A_28 = vector.broadcast %jit3A_27 : i32 to vector<16xi32>
    %select_n3A_29 = arith.select %eq3A_21, %get3A_26, %broadcast_in_dim3A_28 : vector<16xi1>, vector<16xi32>
    %add3A_30 = arith.addi %add3A_18, %select_n3A_29 : vector<16xi32>
    %eq3A_31 = arith.constant 2 : i32
    %eq3A_32 = vector.broadcast %eq3A_31 : i32 to vector<16xi32>
    %eq3A_33 = arith.cmpi eq, %shift_right_arithmetic3A_8, %eq3A_32 : vector<16xi32>
    %get3A_34 = arith.constant 2 : i32
    %get3A_35 = arith.index_cast %get3A_34 : i32 to index
    %get3A_36 = arith.constant 0 : index
    %get3A_37 = tpu.vector_load %arg13[%get3A_35, %get3A_36] {strides = array<i32>} : memref<8x16xi32, #tpu.memory_space<vmem>>, vector<1x16xi32>,
    %get3A_38 = vector.shape_cast %get3A_37 : vector<1x16xi32> to vector<16xi32>
    %jit3A_39 = arith.constant 0 : i32
    %broadcast_in_dim3A_40 = vector.broadcast %jit3A_39 : i32 to vector<16xi32>
    %select_n3A_41 = arith.select %eq3A_33, %get3A_38, %broadcast_in_dim3A_40 : vector<16xi1>, vector<16xi32>
    %add3A_42 = arith.addi %add3A_30, %select_n3A_41 : vector<16xi32>
    %eq3A_43 = arith.constant 3 : i32
    %eq3A_44 = vector.broadcast %eq3A_43 : i32 to vector<16xi32>
    %eq3A_45 = arith.cmpi eq, %shift_right_arithmetic3A_8, %eq3A_44 : vector<16xi32>
    %get3A_46 = arith.constant 3 : i32
    %get3A_47 = arith.index_cast %get3A_46 : i32 to index
    %get3A_48 = arith.constant 0 : index
    %get3A_49 = tpu.vector_load %arg13[%get3A_47, %get3A_48] {strides = array<i32>} : memref<8x16xi32, #tpu.memory_space<vmem>>, vector<1x16xi32>,
    %get3A_50 = vector.shape_cast %get3A_49 : vector<1x16xi32> to vector<16xi32>
    %jit3A_51 = arith.constant 0 : i32
    %broadcast_in_dim3A_52 = vector.broadcast %jit3A_51 : i32 to vector<16xi32>
    %select_n3A_53 = arith.select %eq3A_45, %get3A_50, %broadcast_in_dim3A_52 : vector<16xi1>, vector<16xi32>
    %add3A_54 = arith.addi %add3A_42, %select_n3A_53 : vector<16xi32>
    %eq3A_55 = arith.constant 4 : i32
    %eq3A_56 = vector.broadcast %eq3A_55 : i32 to vector<16xi32>
    %eq3A_57 = arith.cmpi eq, %shift_right_arithmetic3A_8, %eq3A_56 : vector<16xi32>
    %get3A_58 = arith.constant 4 : i32
    %get3A_59 = arith.index_cast %get3A_58 : i32 to index
    %get3A_60 = arith.constant 0 : index
    %get3A_61 = tpu.vector_load %arg13[%get3A_59, %get3A_60] {strides = array<i32>} : memref<8x16xi32, #tpu.memory_space<vmem>>, vector<1x16xi32>,
    %get3A_62 = vector.shape_cast %get3A_61 : vector<1x16xi32> to vector<16xi32>
    %jit3A_63 = arith.constant 0 : i32
    %broadcast_in_dim3A_64 = vector.broadcast %jit3A_63 : i32 to vector<16xi32>
    %select_n3A_65 = arith.select %eq3A_57, %get3A_62, %broadcast_in_dim3A_64 : vector<16xi1>, vector<16xi32>
    %add3A_66 = arith.addi %add3A_54, %select_n3A_65 : vector<16xi32>
    %eq3A_67 = arith.constant 5 : i32
    %eq3A_68 = vector.broadcast %eq3A_67 : i32 to vector<16xi32>
    %eq3A_69 = arith.cmpi eq, %shift_right_arithmetic3A_8, %eq3A_68 : vector<16xi32>
    %get3A_70 = arith.constant 5 : i32
    %get3A_71 = arith.index_cast %get3A_70 : i32 to index
    %get3A_72 = arith.constant 0 : index
    %get3A_73 = tpu.vector_load %arg13[%get3A_71, %get3A_72] {strides = array<i32>} : memref<8x16xi32, #tpu.memory_space<vmem>>, vector<1x16xi32>,
    %get3A_74 = vector.shape_cast %get3A_73 : vector<1x16xi32> to vector<16xi32>
    %jit3A_75 = arith.constant 0 : i32
    %broadcast_in_dim3A_76 = vector.broadcast %jit3A_75 : i32 to vector<16xi32>
    %select_n3A_77 = arith.select %eq3A_69, %get3A_74, %broadcast_in_dim3A_76 : vector<16xi1>, vector<16xi32>
    %add3A_78 = arith.addi %add3A_66, %select_n3A_77 : vector<16xi32>
    %eq3A_79 = arith.constant 6 : i32
    %eq3A_80 = vector.broadcast %eq3A_79 : i32 to vector<16xi32>
    %eq3A_81 = arith.cmpi eq, %shift_right_arithmetic3A_8, %eq3A_80 : vector<16xi32>
    %get3A_82 = arith.constant 6 : i32
    %get3A_83 = arith.index_cast %get3A_82 : i32 to index
    %get3A_84 = arith.constant 0 : index
    %get3A_85 = tpu.vector_load %arg13[%get3A_83, %get3A_84] {strides = array<i32>} : memref<8x16xi32, #tpu.memory_space<vmem>>, vector<1x16xi32>,
    %get3A_86 = vector.shape_cast %get3A_85 : vector<1x16xi32> to vector<16xi32>
    %jit3A_87 = arith.constant 0 : i32
    %broadcast_in_dim3A_88 = vector.broadcast %jit3A_87 : i32 to vector<16xi32>
    %select_n3A_89 = arith.select %eq3A_81, %get3A_86, %broadcast_in_dim3A_88 : vector<16xi1>, vector<16xi32>
    %add3A_90 = arith.addi %add3A_78, %select_n3A_89 : vector<16xi32>
    %eq3A_91 = arith.constant 7 : i32
    %eq3A_92 = vector.broadcast %eq3A_91 : i32 to vector<16xi32>
    %eq3A_93 = arith.cmpi eq, %shift_right_arithmetic3A_8, %eq3A_92 : vector<16xi32>
    %get3A_94 = arith.constant 7 : i32
    %get3A_95 = arith.index_cast %get3A_94 : i32 to index
    %get3A_96 = arith.constant 0 : index
    %get3A_97 = tpu.vector_load %arg13[%get3A_95, %get3A_96] {strides = array<i32>} : memref<8x16xi32, #tpu.memory_space<vmem>>, vector<1x16xi32>,
    %get3A_98 = vector.shape_cast %get3A_97 : vector<1x16xi32> to vector<16xi32>
    %jit3A_99 = arith.constant 0 : i32
    %broadcast_in_dim3A_100 = vector.broadcast %jit3A_99 : i32 to vector<16xi32>
    %select_n3A_101 = arith.select %eq3A_93, %get3A_98, %broadcast_in_dim3A_100 : vector<16xi1>, vector<16xi32>
    %add3A_102 = arith.addi %add3A_90, %select_n3A_101 : vector<16xi32>
    %swap3A = arith.constant 0 : index
    %swap3A_103 = tpu.vector_load %arg8[%swap3A] {strides = array<i32>} : memref<64xi32, #tpu.memory_space<vmem>>, vector<16xi32>,
    %swap3A_104 = vector.shape_cast %swap3A_103 : vector<16xi32> to vector<16xi32>
    %swap3A_105 = vector.shape_cast %add3A_102 : vector<16xi32> to vector<16xi32>
    tpu.vector_store %arg8[%swap3A], %swap3A_105 {strides = array<i32>} : memref<64xi32, #tpu.memory_space<vmem>>, vector<16xi32>,
    %get3A_106 = arith.constant 16 : index
    %get3A_107 = tpu.vector_load %arg12[%get3A_106] {strides = array<i32>} : memref<64xi32, #tpu.memory_space<vmem>>, vector<16xi32>,
    %get3A_108 = vector.shape_cast %get3A_107 : vector<16xi32> to vector<16xi32>
    %shift_right_arithmetic3A_109 = arith.constant 13 : i32
    %shift_right_arithmetic3A_110 = vector.broadcast %shift_right_arithmetic3A_109 : i32 to vector<16xi32>
    %shift_right_arithmetic3A_111 = arith.shrsi %get3A_108, %shift_right_arithmetic3A_110 : vector<16xi32>
    %and3A_112 = arith.constant 8191 : i32
    %and3A_113 = vector.broadcast %and3A_112 : i32 to vector<16xi32>
    %and3A_114 = arith.andi %get3A_108, %and3A_113 : vector<16xi32>
    %eq3A_115 = arith.constant 0 : i32
    %eq3A_116 = vector.broadcast %eq3A_115 : i32 to vector<16xi32>
    %eq3A_117 = arith.cmpi eq, %shift_right_arithmetic3A_111, %eq3A_116 : vector<16xi32>
    %get3A_118 = arith.constant 0 : i32
    %get3A_119 = arith.index_cast %get3A_118 : i32 to index
    %get3A_120 = arith.constant 0 : index
    %get3A_121 = tpu.vector_load %arg13[%get3A_119, %get3A_120] {strides = array<i32>} : memref<8x16xi32, #tpu.memory_space<vmem>>, vector<1x16xi32>,
    %get3A_122 = vector.shape_cast %get3A_121 : vector<1x16xi32> to vector<16xi32>
    %jit3A_123 = arith.constant 0 : i32
    %broadcast_in_dim3A_124 = vector.broadcast %jit3A_123 : i32 to vector<16xi32>
    %select_n3A_125 = arith.select %eq3A_117, %get3A_122, %broadcast_in_dim3A_124 : vector<16xi1>, vector<16xi32>
    %add3A_126 = arith.addi %and3A_114, %select_n3A_125 : vector<16xi32>
    %eq3A_127 = arith.constant 1 : i32
    %eq3A_128 = vector.broadcast %eq3A_127 : i32 to vector<16xi32>
    %eq3A_129 = arith.cmpi eq, %shift_right_arithmetic3A_111, %eq3A_128 : vector<16xi32>
    %get3A_130 = arith.constant 1 : i32
    %get3A_131 = arith.index_cast %get3A_130 : i32 to index
    %get3A_132 = arith.constant 0 : index
    %get3A_133 = tpu.vector_load %arg13[%get3A_131, %get3A_132] {strides = array<i32>} : memref<8x16xi32, #tpu.memory_space<vmem>>, vector<1x16xi32>,
    %get3A_134 = vector.shape_cast %get3A_133 : vector<1x16xi32> to vector<16xi32>
    %jit3A_135 = arith.constant 0 : i32
    %broadcast_in_dim3A_136 = vector.broadcast %jit3A_135 : i32 to vector<16xi32>
    %select_n3A_137 = arith.select %eq3A_129, %get3A_134, %broadcast_in_dim3A_136 : vector<16xi1>, vector<16xi32>
    %add3A_138 = arith.addi %add3A_126, %select_n3A_137 : vector<16xi32>
    %eq3A_139 = arith.constant 2 : i32
    %eq3A_140 = vector.broadcast %eq3A_139 : i32 to vector<16xi32>
    %eq3A_141 = arith.cmpi eq, %shift_right_arithmetic3A_111, %eq3A_140 : vector<16xi32>
    %get3A_142 = arith.constant 2 : i32
    %get3A_143 = arith.index_cast %get3A_142 : i32 to index
    %get3A_144 = arith.constant 0 : index
    %get3A_145 = tpu.vector_load %arg13[%get3A_143, %get3A_144] {strides = array<i32>} : memref<8x16xi32, #tpu.memory_space<vmem>>, vector<1x16xi32>,
    %get3A_146 = vector.shape_cast %get3A_145 : vector<1x16xi32> to vector<16xi32>
    %jit3A_147 = arith.constant 0 : i32
    %broadcast_in_dim3A_148 = vector.broadcast %jit3A_147 : i32 to vector<16xi32>
    %select_n3A_149 = arith.select %eq3A_141, %get3A_146, %broadcast_in_dim3A_148 : vector<16xi1>, vector<16xi32>
    %add3A_150 = arith.addi %add3A_138, %select_n3A_149 : vector<16xi32>
    %eq3A_151 = arith.constant 3 : i32
    %eq3A_152 = vector.broadcast %eq3A_151 : i32 to vector<16xi32>
    %eq3A_153 = arith.cmpi eq, %shift_right_arithmetic3A_111, %eq3A_152 : vector<16xi32>
    %get3A_154 = arith.constant 3 : i32
    %get3A_155 = arith.index_cast %get3A_154 : i32 to index
    %get3A_156 = arith.constant 0 : index
    %get3A_157 = tpu.vector_load %arg13[%get3A_155, %get3A_156] {strides = array<i32>} : memref<8x16xi32, #tpu.memory_space<vmem>>, vector<1x16xi32>,
    %get3A_158 = vector.shape_cast %get3A_157 : vector<1x16xi32> to vector<16xi32>
    %jit3A_159 = arith.constant 0 : i32
    %broadcast_in_dim3A_160 = vector.broadcast %jit3A_159 : i32 to vector<16xi32>
    %select_n3A_161 = arith.select %eq3A_153, %get3A_158, %broadcast_in_dim3A_160 : vector<16xi1>, vector<16xi32>
    %add3A_162 = arith.addi %add3A_150, %select_n3A_161 : vector<16xi32>
    %eq3A_163 = arith.constant 4 : i32
    %eq3A_164 = vector.broadcast %eq3A_163 : i32 to vector<16xi32>
    %eq3A_165 = arith.cmpi eq, %shift_right_arithmetic3A_111, %eq3A_164 : vector<16xi32>
    %get3A_166 = arith.constant 4 : i32
    %get3A_167 = arith.index_cast %get3A_166 : i32 to index
    %get3A_168 = arith.constant 0 : index
    %get3A_169 = tpu.vector_load %arg13[%get3A_167, %get3A_168] {strides = array<i32>} : memref<8x16xi32, #tpu.memory_space<vmem>>, vector<1x16xi32>,
    %get3A_170 = vector.shape_cast %get3A_169 : vector<1x16xi32> to vector<16xi32>
    %jit3A_171 = arith.constant 0 : i32
    %broadcast_in_dim3A_172 = vector.broadcast %jit3A_171 : i32 to vector<16xi32>
    %select_n3A_173 = arith.select %eq3A_165, %get3A_170, %broadcast_in_dim3A_172 : vector<16xi1>, vector<16xi32>
    %add3A_174 = arith.addi %add3A_162, %select_n3A_173 : vector<16xi32>
    %eq3A_175 = arith.constant 5 : i32
    %eq3A_176 = vector.broadcast %eq3A_175 : i32 to vector<16xi32>
    %eq3A_177 = arith.cmpi eq, %shift_right_arithmetic3A_111, %eq3A_176 : vector<16xi32>
    %get3A_178 = arith.constant 5 : i32
    %get3A_179 = arith.index_cast %get3A_178 : i32 to index
    %get3A_180 = arith.constant 0 : index
    %get3A_181 = tpu.vector_load %arg13[%get3A_179, %get3A_180] {strides = array<i32>} : memref<8x16xi32, #tpu.memory_space<vmem>>, vector<1x16xi32>,
    %get3A_182 = vector.shape_cast %get3A_181 : vector<1x16xi32> to vector<16xi32>
    %jit3A_183 = arith.constant 0 : i32
    %broadcast_in_dim3A_184 = vector.broadcast %jit3A_183 : i32 to vector<16xi32>
    %select_n3A_185 = arith.select %eq3A_177, %get3A_182, %broadcast_in_dim3A_184 : vector<16xi1>, vector<16xi32>
    %add3A_186 = arith.addi %add3A_174, %select_n3A_185 : vector<16xi32>
    %eq3A_187 = arith.constant 6 : i32
    %eq3A_188 = vector.broadcast %eq3A_187 : i32 to vector<16xi32>
    %eq3A_189 = arith.cmpi eq, %shift_right_arithmetic3A_111, %eq3A_188 : vector<16xi32>
    %get3A_190 = arith.constant 6 : i32
    %get3A_191 = arith.index_cast %get3A_190 : i32 to index
    %get3A_192 = arith.constant 0 : index
    %get3A_193 = tpu.vector_load %arg13[%get3A_191, %get3A_192] {strides = array<i32>} : memref<8x16xi32, #tpu.memory_space<vmem>>, vector<1x16xi32>,
    %get3A_194 = vector.shape_cast %get3A_193 : vector<1x16xi32> to vector<16xi32>
    %jit3A_195 = arith.constant 0 : i32
    %broadcast_in_dim3A_196 = vector.broadcast %jit3A_195 : i32 to vector<16xi32>
    %select_n3A_197 = arith.select %eq3A_189, %get3A_194, %broadcast_in_dim3A_196 : vector<16xi1>, vector<16xi32>
    %add3A_198 = arith.addi %add3A_186, %select_n3A_197 : vector<16xi32>
    %eq3A_199 = arith.constant 7 : i32
    %eq3A_200 = vector.broadcast %eq3A_199 : i32 to vector<16xi32>
    %eq3A_201 = arith.cmpi eq, %shift_right_arithmetic3A_111, %eq3A_200 : vector<16xi32>
    %get3A_202 = arith.constant 7 : i32
    %get3A_203 = arith.index_cast %get3A_202 : i32 to index
    %get3A_204 = arith.constant 0 : index
    %get3A_205 = tpu.vector_load %arg13[%get3A_203, %get3A_204] {strides = array<i32>} : memref<8x16xi32, #tpu.memory_space<vmem>>, vector<1x16xi32>,
    %get3A_206 = vector.shape_cast %get3A_205 : vector<1x16xi32> to vector<16xi32>
    %jit3A_207 = arith.constant 0 : i32
    %broadcast_in_dim3A_208 = vector.broadcast %jit3A_207 : i32 to vector<16xi32>
    %select_n3A_209 = arith.select %eq3A_201, %get3A_206, %broadcast_in_dim3A_208 : vector<16xi1>, vector<16xi32>
    %add3A_210 = arith.addi %add3A_198, %select_n3A_209 : vector<16xi32>
    %swap3A_211 = arith.constant 16 : index
    %swap3A_212 = tpu.vector_load %arg8[%swap3A_211] {strides = array<i32>} : memref<64xi32, #tpu.memory_space<vmem>>, vector<16xi32>,
    %swap3A_213 = vector.shape_cast %swap3A_212 : vector<16xi32> to vector<16xi32>
    %swap3A_214 = vector.shape_cast %add3A_210 : vector<16xi32> to vector<16xi32>
    tpu.vector_store %arg8[%swap3A_211], %swap3A_214 {strides = array<i32>} : memref<64xi32, #tpu.memory_space<vmem>>, vector<16xi32>,
    %get3A_215 = arith.constant 32 : index
    %get3A_216 = tpu.vector_load %arg12[%get3A_215] {strides = array<i32>} : memref<64xi32, #tpu.memory_space<vmem>>, vector<16xi32>,
    %get3A_217 = vector.shape_cast %get3A_216 : vector<16xi32> to vector<16xi32>
    %shift_right_arithmetic3A_218 = arith.constant 13 : i32
    %shift_right_arithmetic3A_219 = vector.broadcast %shift_right_arithmetic3A_218 : i32 to vector<16xi32>
    %shift_right_arithmetic3A_220 = arith.shrsi %get3A_217, %shift_right_arithmetic3A_219 : vector<16xi32>
    %and3A_221 = arith.constant 8191 : i32
    %and3A_222 = vector.broadcast %and3A_221 : i32 to vector<16xi32>
    %and3A_223 = arith.andi %get3A_217, %and3A_222 : vector<16xi32>
    %eq3A_224 = arith.constant 0 : i32
    %eq3A_225 = vector.broadcast %eq3A_224 : i32 to vector<16xi32>
    %eq3A_226 = arith.cmpi eq, %shift_right_arithmetic3A_220, %eq3A_225 : vector<16xi32>
    %get3A_227 = arith.constant 0 : i32
    %get3A_228 = arith.index_cast %get3A_227 : i32 to index
    %get3A_229 = arith.constant 0 : index
    %get3A_230 = tpu.vector_load %arg13[%get3A_228, %get3A_229] {strides = array<i32>} : memref<8x16xi32, #tpu.memory_space<vmem>>, vector<1x16xi32>,
    %get3A_231 = vector.shape_cast %get3A_230 : vector<1x16xi32> to vector<16xi32>
    %jit3A_232 = arith.constant 0 : i32
    %broadcast_in_dim3A_233 = vector.broadcast %jit3A_232 : i32 to vector<16xi32>
    %select_n3A_234 = arith.select %eq3A_226, %get3A_231, %broadcast_in_dim3A_233 : vector<16xi1>, vector<16xi32>
    %add3A_235 = arith.addi %and3A_223, %select_n3A_234 : vector<16xi32>
    %eq3A_236 = arith.constant 1 : i32
    %eq3A_237 = vector.broadcast %eq3A_236 : i32 to vector<16xi32>
    %eq3A_238 = arith.cmpi eq, %shift_right_arithmetic3A_220, %eq3A_237 : vector<16xi32>
    %get3A_239 = arith.constant 1 : i32
    %get3A_240 = arith.index_cast %get3A_239 : i32 to index
    %get3A_241 = arith.constant 0 : index
    %get3A_242 = tpu.vector_load %arg13[%get3A_240, %get3A_241] {strides = array<i32>} : memref<8x16xi32, #tpu.memory_space<vmem>>, vector<1x16xi32>,
    %get3A_243 = vector.shape_cast %get3A_242 : vector<1x16xi32> to vector<16xi32>
    %jit3A_244 = arith.constant 0 : i32
    %broadcast_in_dim3A_245 = vector.broadcast %jit3A_244 : i32 to vector<16xi32>
    %select_n3A_246 = arith.select %eq3A_238, %get3A_243, %broadcast_in_dim3A_245 : vector<16xi1>, vector<16xi32>
    %add3A_247 = arith.addi %add3A_235, %select_n3A_246 : vector<16xi32>
    %eq3A_248 = arith.constant 2 : i32
    %eq3A_249 = vector.broadcast %eq3A_248 : i32 to vector<16xi32>
    %eq3A_250 = arith.cmpi eq, %shift_right_arithmetic3A_220, %eq3A_249 : vector<16xi32>
    %get3A_251 = arith.constant 2 : i32
    %get3A_252 = arith.index_cast %get3A_251 : i32 to index
    %get3A_253 = arith.constant 0 : index
    %get3A_254 = tpu.vector_load %arg13[%get3A_252, %get3A_253] {strides = array<i32>} : memref<8x16xi32, #tpu.memory_space<vmem>>, vector<1x16xi32>,
    %get3A_255 = vector.shape_cast %get3A_254 : vector<1x16xi32> to vector<16xi32>
    %jit3A_256 = arith.constant 0 : i32
    %broadcast_in_dim3A_257 = vector.broadcast %jit3A_256 : i32 to vector<16xi32>
    %select_n3A_258 = arith.select %eq3A_250, %get3A_255, %broadcast_in_dim3A_257 : vector<16xi1>, vector<16xi32>
    %add3A_259 = arith.addi %add3A_247, %select_n3A_258 : vector<16xi32>
    %eq3A_260 = arith.constant 3 : i32
    %eq3A_261 = vector.broadcast %eq3A_260 : i32 to vector<16xi32>
    %eq3A_262 = arith.cmpi eq, %shift_right_arithmetic3A_220, %eq3A_261 : vector<16xi32>
    %get3A_263 = arith.constant 3 : i32
    %get3A_264 = arith.index_cast %get3A_263 : i32 to index
    %get3A_265 = arith.constant 0 : index
    %get3A_266 = tpu.vector_load %arg13[%get3A_264, %get3A_265] {strides = array<i32>} : memref<8x16xi32, #tpu.memory_space<vmem>>, vector<1x16xi32>,
    %get3A_267 = vector.shape_cast %get3A_266 : vector<1x16xi32> to vector<16xi32>
    %jit3A_268 = arith.constant 0 : i32
    %broadcast_in_dim3A_269 = vector.broadcast %jit3A_268 : i32 to vector<16xi32>
    %select_n3A_270 = arith.select %eq3A_262, %get3A_267, %broadcast_in_dim3A_269 : vector<16xi1>, vector<16xi32>
    %add3A_271 = arith.addi %add3A_259, %select_n3A_270 : vector<16xi32>
    %eq3A_272 = arith.constant 4 : i32
    %eq3A_273 = vector.broadcast %eq3A_272 : i32 to vector<16xi32>
    %eq3A_274 = arith.cmpi eq, %shift_right_arithmetic3A_220, %eq3A_273 : vector<16xi32>
    %get3A_275 = arith.constant 4 : i32
    %get3A_276 = arith.index_cast %get3A_275 : i32 to index
    %get3A_277 = arith.constant 0 : index
    %get3A_278 = tpu.vector_load %arg13[%get3A_276, %get3A_277] {strides = array<i32>} : memref<8x16xi32, #tpu.memory_space<vmem>>, vector<1x16xi32>,
    %get3A_279 = vector.shape_cast %get3A_278 : vector<1x16xi32> to vector<16xi32>
    %jit3A_280 = arith.constant 0 : i32
    %broadcast_in_dim3A_281 = vector.broadcast %jit3A_280 : i32 to vector<16xi32>
    %select_n3A_282 = arith.select %eq3A_274, %get3A_279, %broadcast_in_dim3A_281 : vector<16xi1>, vector<16xi32>
    %add3A_283 = arith.addi %add3A_271, %select_n3A_282 : vector<16xi32>
    %eq3A_284 = arith.constant 5 : i32
    %eq3A_285 = vector.broadcast %eq3A_284 : i32 to vector<16xi32>
    %eq3A_286 = arith.cmpi eq, %shift_right_arithmetic3A_220, %eq3A_285 : vector<16xi32>
    %get3A_287 = arith.constant 5 : i32
    %get3A_288 = arith.index_cast %get3A_287 : i32 to index
    %get3A_289 = arith.constant 0 : index
    %get3A_290 = tpu.vector_load %arg13[%get3A_288, %get3A_289] {strides = array<i32>} : memref<8x16xi32, #tpu.memory_space<vmem>>, vector<1x16xi32>,
    %get3A_291 = vector.shape_cast %get3A_290 : vector<1x16xi32> to vector<16xi32>
    %jit3A_292 = arith.constant 0 : i32
    %broadcast_in_dim3A_293 = vector.broadcast %jit3A_292 : i32 to vector<16xi32>
    %select_n3A_294 = arith.select %eq3A_286, %get3A_291, %broadcast_in_dim3A_293 : vector<16xi1>, vector<16xi32>
    %add3A_295 = arith.addi %add3A_283, %select_n3A_294 : vector<16xi32>
    %eq3A_296 = arith.constant 6 : i32
    %eq3A_297 = vector.broadcast %eq3A_296 : i32 to vector<16xi32>
    %eq3A_298 = arith.cmpi eq, %shift_right_arithmetic3A_220, %eq3A_297 : vector<16xi32>
    %get3A_299 = arith.constant 6 : i32
    %get3A_300 = arith.index_cast %get3A_299 : i32 to index
    %get3A_301 = arith.constant 0 : index
    %get3A_302 = tpu.vector_load %arg13[%get3A_300, %get3A_301] {strides = array<i32>} : memref<8x16xi32, #tpu.memory_space<vmem>>, vector<1x16xi32>,
    %get3A_303 = vector.shape_cast %get3A_302 : vector<1x16xi32> to vector<16xi32>
    %jit3A_304 = arith.constant 0 : i32
    %broadcast_in_dim3A_305 = vector.broadcast %jit3A_304 : i32 to vector<16xi32>
    %select_n3A_306 = arith.select %eq3A_298, %get3A_303, %broadcast_in_dim3A_305 : vector<16xi1>, vector<16xi32>
    %add3A_307 = arith.addi %add3A_295, %select_n3A_306 : vector<16xi32>
    %eq3A_308 = arith.constant 7 : i32
    %eq3A_309 = vector.broadcast %eq3A_308 : i32 to vector<16xi32>
    %eq3A_310 = arith.cmpi eq, %shift_right_arithmetic3A_220, %eq3A_309 : vector<16xi32>
    %get3A_311 = arith.constant 7 : i32
    %get3A_312 = arith.index_cast %get3A_311 : i32 to index
    %get3A_313 = arith.constant 0 : index
    %get3A_314 = tpu.vector_load %arg13[%get3A_312, %get3A_313] {strides = array<i32>} : memref<8x16xi32, #tpu.memory_space<vmem>>, vector<1x16xi32>,
    %get3A_315 = vector.shape_cast %get3A_314 : vector<1x16xi32> to vector<16xi32>
    %jit3A_316 = arith.constant 0 : i32
    %broadcast_in_dim3A_317 = vector.broadcast %jit3A_316 : i32 to vector<16xi32>
    %select_n3A_318 = arith.select %eq3A_310, %get3A_315, %broadcast_in_dim3A_317 : vector<16xi1>, vector<16xi32>
    %add3A_319 = arith.addi %add3A_307, %select_n3A_318 : vector<16xi32>
    %swap3A_320 = arith.constant 32 : index
    %swap3A_321 = tpu.vector_load %arg8[%swap3A_320] {strides = array<i32>} : memref<64xi32, #tpu.memory_space<vmem>>, vector<16xi32>,
    %swap3A_322 = vector.shape_cast %swap3A_321 : vector<16xi32> to vector<16xi32>
    %swap3A_323 = vector.shape_cast %add3A_319 : vector<16xi32> to vector<16xi32>
    tpu.vector_store %arg8[%swap3A_320], %swap3A_323 {strides = array<i32>} : memref<64xi32, #tpu.memory_space<vmem>>, vector<16xi32>,
    %get3A_324 = arith.constant 48 : index
    %get3A_325 = tpu.vector_load %arg12[%get3A_324] {strides = array<i32>} : memref<64xi32, #tpu.memory_space<vmem>>, vector<16xi32>,
    %get3A_326 = vector.shape_cast %get3A_325 : vector<16xi32> to vector<16xi32>
    %shift_right_arithmetic3A_327 = arith.constant 13 : i32
    %shift_right_arithmetic3A_328 = vector.broadcast %shift_right_arithmetic3A_327 : i32 to vector<16xi32>
    %shift_right_arithmetic3A_329 = arith.shrsi %get3A_326, %shift_right_arithmetic3A_328 : vector<16xi32>
    %and3A_330 = arith.constant 8191 : i32
    %and3A_331 = vector.broadcast %and3A_330 : i32 to vector<16xi32>
    %and3A_332 = arith.andi %get3A_326, %and3A_331 : vector<16xi32>
    %eq3A_333 = arith.constant 0 : i32
    %eq3A_334 = vector.broadcast %eq3A_333 : i32 to vector<16xi32>
    %eq3A_335 = arith.cmpi eq, %shift_right_arithmetic3A_329, %eq3A_334 : vector<16xi32>
    %get3A_336 = arith.constant 0 : i32
    %get3A_337 = arith.index_cast %get3A_336 : i32 to index
    %get3A_338 = arith.constant 0 : index
    %get3A_339 = tpu.vector_load %arg13[%get3A_337, %get3A_338] {strides = array<i32>} : memref<8x16xi32, #tpu.memory_space<vmem>>, vector<1x16xi32>,
    %get3A_340 = vector.shape_cast %get3A_339 : vector<1x16xi32> to vector<16xi32>
    %jit3A_341 = arith.constant 0 : i32
    %broadcast_in_dim3A_342 = vector.broadcast %jit3A_341 : i32 to vector<16xi32>
    %select_n3A_343 = arith.select %eq3A_335, %get3A_340, %broadcast_in_dim3A_342 : vector<16xi1>, vector<16xi32>
    %add3A_344 = arith.addi %and3A_332, %select_n3A_343 : vector<16xi32>
    %eq3A_345 = arith.constant 1 : i32
    %eq3A_346 = vector.broadcast %eq3A_345 : i32 to vector<16xi32>
    %eq3A_347 = arith.cmpi eq, %shift_right_arithmetic3A_329, %eq3A_346 : vector<16xi32>
    %get3A_348 = arith.constant 1 : i32
    %get3A_349 = arith.index_cast %get3A_348 : i32 to index
    %get3A_350 = arith.constant 0 : index
    %get3A_351 = tpu.vector_load %arg13[%get3A_349, %get3A_350] {strides = array<i32>} : memref<8x16xi32, #tpu.memory_space<vmem>>, vector<1x16xi32>,
    %get3A_352 = vector.shape_cast %get3A_351 : vector<1x16xi32> to vector<16xi32>
    %jit3A_353 = arith.constant 0 : i32
    %broadcast_in_dim3A_354 = vector.broadcast %jit3A_353 : i32 to vector<16xi32>
    %select_n3A_355 = arith.select %eq3A_347, %get3A_352, %broadcast_in_dim3A_354 : vector<16xi1>, vector<16xi32>
    %add3A_356 = arith.addi %add3A_344, %select_n3A_355 : vector<16xi32>
    %eq3A_357 = arith.constant 2 : i32
    %eq3A_358 = vector.broadcast %eq3A_357 : i32 to vector<16xi32>
    %eq3A_359 = arith.cmpi eq, %shift_right_arithmetic3A_329, %eq3A_358 : vector<16xi32>
    %get3A_360 = arith.constant 2 : i32
    %get3A_361 = arith.index_cast %get3A_360 : i32 to index
    %get3A_362 = arith.constant 0 : index
    %get3A_363 = tpu.vector_load %arg13[%get3A_361, %get3A_362] {strides = array<i32>} : memref<8x16xi32, #tpu.memory_space<vmem>>, vector<1x16xi32>,
    %get3A_364 = vector.shape_cast %get3A_363 : vector<1x16xi32> to vector<16xi32>
    %jit3A_365 = arith.constant 0 : i32
    %broadcast_in_dim3A_366 = vector.broadcast %jit3A_365 : i32 to vector<16xi32>
    %select_n3A_367 = arith.select %eq3A_359, %get3A_364, %broadcast_in_dim3A_366 : vector<16xi1>, vector<16xi32>
    %add3A_368 = arith.addi %add3A_356, %select_n3A_367 : vector<16xi32>
    %eq3A_369 = arith.constant 3 : i32
    %eq3A_370 = vector.broadcast %eq3A_369 : i32 to vector<16xi32>
    %eq3A_371 = arith.cmpi eq, %shift_right_arithmetic3A_329, %eq3A_370 : vector<16xi32>
    %get3A_372 = arith.constant 3 : i32
    %get3A_373 = arith.index_cast %get3A_372 : i32 to index
    %get3A_374 = arith.constant 0 : index
    %get3A_375 = tpu.vector_load %arg13[%get3A_373, %get3A_374] {strides = array<i32>} : memref<8x16xi32, #tpu.memory_space<vmem>>, vector<1x16xi32>,
    %get3A_376 = vector.shape_cast %get3A_375 : vector<1x16xi32> to vector<16xi32>
    %jit3A_377 = arith.constant 0 : i32
    %broadcast_in_dim3A_378 = vector.broadcast %jit3A_377 : i32 to vector<16xi32>
    %select_n3A_379 = arith.select %eq3A_371, %get3A_376, %broadcast_in_dim3A_378 : vector<16xi1>, vector<16xi32>
    %add3A_380 = arith.addi %add3A_368, %select_n3A_379 : vector<16xi32>
    %eq3A_381 = arith.constant 4 : i32
    %eq3A_382 = vector.broadcast %eq3A_381 : i32 to vector<16xi32>
    %eq3A_383 = arith.cmpi eq, %shift_right_arithmetic3A_329, %eq3A_382 : vector<16xi32>
    %get3A_384 = arith.constant 4 : i32
    %get3A_385 = arith.index_cast %get3A_384 : i32 to index
    %get3A_386 = arith.constant 0 : index
    %get3A_387 = tpu.vector_load %arg13[%get3A_385, %get3A_386] {strides = array<i32>} : memref<8x16xi32, #tpu.memory_space<vmem>>, vector<1x16xi32>,
    %get3A_388 = vector.shape_cast %get3A_387 : vector<1x16xi32> to vector<16xi32>
    %jit3A_389 = arith.constant 0 : i32
    %broadcast_in_dim3A_390 = vector.broadcast %jit3A_389 : i32 to vector<16xi32>
    %select_n3A_391 = arith.select %eq3A_383, %get3A_388, %broadcast_in_dim3A_390 : vector<16xi1>, vector<16xi32>
    %add3A_392 = arith.addi %add3A_380, %select_n3A_391 : vector<16xi32>
    %eq3A_393 = arith.constant 5 : i32
    %eq3A_394 = vector.broadcast %eq3A_393 : i32 to vector<16xi32>
    %eq3A_395 = arith.cmpi eq, %shift_right_arithmetic3A_329, %eq3A_394 : vector<16xi32>
    %get3A_396 = arith.constant 5 : i32
    %get3A_397 = arith.index_cast %get3A_396 : i32 to index
    %get3A_398 = arith.constant 0 : index
    %get3A_399 = tpu.vector_load %arg13[%get3A_397, %get3A_398] {strides = array<i32>} : memref<8x16xi32, #tpu.memory_space<vmem>>, vector<1x16xi32>,
    %get3A_400 = vector.shape_cast %get3A_399 : vector<1x16xi32> to vector<16xi32>
    %jit3A_401 = arith.constant 0 : i32
    %broadcast_in_dim3A_402 = vector.broadcast %jit3A_401 : i32 to vector<16xi32>
    %select_n3A_403 = arith.select %eq3A_395, %get3A_400, %broadcast_in_dim3A_402 : vector<16xi1>, vector<16xi32>
    %add3A_404 = arith.addi %add3A_392, %select_n3A_403 : vector<16xi32>
    %eq3A_405 = arith.constant 6 : i32
    %eq3A_406 = vector.broadcast %eq3A_405 : i32 to vector<16xi32>
    %eq3A_407 = arith.cmpi eq, %shift_right_arithmetic3A_329, %eq3A_406 : vector<16xi32>
    %get3A_408 = arith.constant 6 : i32
    %get3A_409 = arith.index_cast %get3A_408 : i32 to index
    %get3A_410 = arith.constant 0 : index
    %get3A_411 = tpu.vector_load %arg13[%get3A_409, %get3A_410] {strides = array<i32>} : memref<8x16xi32, #tpu.memory_space<vmem>>, vector<1x16xi32>,
    %get3A_412 = vector.shape_cast %get3A_411 : vector<1x16xi32> to vector<16xi32>
    %jit3A_413 = arith.constant 0 : i32
    %broadcast_in_dim3A_414 = vector.broadcast %jit3A_413 : i32 to vector<16xi32>
    %select_n3A_415 = arith.select %eq3A_407, %get3A_412, %broadcast_in_dim3A_414 : vector<16xi1>, vector<16xi32>
    %add3A_416 = arith.addi %add3A_404, %select_n3A_415 : vector<16xi32>
    %eq3A_417 = arith.constant 7 : i32
    %eq3A_418 = vector.broadcast %eq3A_417 : i32 to vector<16xi32>
    %eq3A_419 = arith.cmpi eq, %shift_right_arithmetic3A_329, %eq3A_418 : vector<16xi32>
    %get3A_420 = arith.constant 7 : i32
    %get3A_421 = arith.index_cast %get3A_420 : i32 to index
    %get3A_422 = arith.constant 0 : index
    %get3A_423 = tpu.vector_load %arg13[%get3A_421, %get3A_422] {strides = array<i32>} : memref<8x16xi32, #tpu.memory_space<vmem>>, vector<1x16xi32>,
    %get3A_424 = vector.shape_cast %get3A_423 : vector<1x16xi32> to vector<16xi32>
    %jit3A_425 = arith.constant 0 : i32
    %broadcast_in_dim3A_426 = vector.broadcast %jit3A_425 : i32 to vector<16xi32>
    %select_n3A_427 = arith.select %eq3A_419, %get3A_424, %broadcast_in_dim3A_426 : vector<16xi1>, vector<16xi32>
    %add3A_428 = arith.addi %add3A_416, %select_n3A_427 : vector<16xi32>
    %swap3A_429 = arith.constant 48 : index
    %swap3A_430 = tpu.vector_load %arg8[%swap3A_429] {strides = array<i32>} : memref<64xi32, #tpu.memory_space<vmem>>, vector<16xi32>,
    %swap3A_431 = vector.shape_cast %swap3A_430 : vector<16xi32> to vector<16xi32>
    %swap3A_432 = vector.shape_cast %add3A_428 : vector<16xi32> to vector<16xi32>
    tpu.vector_store %arg8[%swap3A_429], %swap3A_432 {strides = array<i32>} : memref<64xi32, #tpu.memory_space<vmem>>, vector<16xi32>,
    %dma_start3A = arith.constant 0 : i32
    %dma_start3A_433 = arith.constant 0 : i32
    %dma_start3A_434 = tpu.memref_slice %arg2[%dma_start3A, %dma_start3A_433] : memref<10240x768xf32, #tpu.memory_space<hbm>> -> memref<10240x768xf32, #tpu.memory_space<hbm>>
    tpu.enqueue_indirect_dma source(%dma_start3A_434 : memref<10240x768xf32, #tpu.memory_space<hbm>>) target(%arg10 : memref<64x768xf32, #tpu.memory_space<vmem>>) offsets(%arg8 : memref<64xi32, #tpu.memory_space<vmem>>) semaphore(%arg14 : memref<!tpu.dma_semaphore, #tpu.memory_space<semaphore_mem>>)
    "tpu.region"() ({
      %run_scoped3A = tpu.sem_alloc : memref<!tpu.dma_semaphore, #tpu.memory_space<semaphore_mem>>
      %dma_start3A_1768 = tpu.memref_slice %arg4[%multiple_of3A] : memref<4096xi32, #tpu.memory_space<hbm>> -> memref<64xi32, #tpu.memory_space<hbm>>
      %dma_start3A_1769 = tpu.memref_slice %arg4[%multiple_of3A] : memref<4096xi32, #tpu.memory_space<hbm>> -> memref<64xi32, #tpu.memory_space<hbm>>
      tpu.enqueue_dma source(%dma_start3A_1769 : memref<64xi32, #tpu.memory_space<hbm>>) target(%arg12 : memref<64xi32, #tpu.memory_space<vmem>>) target_semaphore(%run_scoped3A : memref<!tpu.dma_semaphore, #tpu.memory_space<semaphore_mem>>)
      %dma_wait3A_1770 = tpu.memref_slice %arg4[%multiple_of3A] : memref<4096xi32, #tpu.memory_space<hbm>> -> memref<64xi32, #tpu.memory_space<hbm>>
      %dma_wait3A_1771 = tpu.memref_slice %arg4[%multiple_of3A] : memref<4096xi32, #tpu.memory_space<hbm>> -> memref<64xi32, #tpu.memory_space<hbm>>
      tpu.wait_dma2 semaphore(%run_scoped3A : memref<!tpu.dma_semaphore, #tpu.memory_space<semaphore_mem>>) src(%dma_wait3A_1771 : memref<64xi32, #tpu.memory_space<hbm>>) dst(%arg12 : memref<64xi32, #tpu.memory_space<vmem>>)
      tpu.yield
    }) : () -> ()
    %get3A_435 = arith.constant 0 : index
    %get3A_436 = tpu.vector_load %arg12[%get3A_435] {strides = array<i32>} : memref<64xi32, #tpu.memory_space<vmem>>, vector<16xi32>,
    %get3A_437 = vector.shape_cast %get3A_436 : vector<16xi32> to vector<16xi32>
    %shift_right_arithmetic3A_438 = arith.constant 13 : i32
    %shift_right_arithmetic3A_439 = vector.broadcast %shift_right_arithmetic3A_438 : i32 to vector<16xi32>
    %shift_right_arithmetic3A_440 = arith.shrsi %get3A_437, %shift_right_arithmetic3A_439 : vector<16xi32>
    %and3A_441 = arith.constant 8191 : i32
    %and3A_442 = vector.broadcast %and3A_441 : i32 to vector<16xi32>
    %and3A_443 = arith.andi %get3A_437, %and3A_442 : vector<16xi32>
    %eq3A_444 = arith.constant 0 : i32
    %eq3A_445 = vector.broadcast %eq3A_444 : i32 to vector<16xi32>
    %eq3A_446 = arith.cmpi eq, %shift_right_arithmetic3A_440, %eq3A_445 : vector<16xi32>
    %get3A_447 = arith.constant 0 : i32
    %get3A_448 = arith.index_cast %get3A_447 : i32 to index
    %get3A_449 = arith.constant 0 : index
    %get3A_450 = tpu.vector_load %arg13[%get3A_448, %get3A_449] {strides = array<i32>} : memref<8x16xi32, #tpu.memory_space<vmem>>, vector<1x16xi32>,
    %get3A_451 = vector.shape_cast %get3A_450 : vector<1x16xi32> to vector<16xi32>
    %jit3A_452 = arith.constant 0 : i32
    %broadcast_in_dim3A_453 = vector.broadcast %jit3A_452 : i32 to vector<16xi32>
    %select_n3A_454 = arith.select %eq3A_446, %get3A_451, %broadcast_in_dim3A_453 : vector<16xi1>, vector<16xi32>
    %add3A_455 = arith.addi %and3A_443, %select_n3A_454 : vector<16xi32>
    %eq3A_456 = arith.constant 1 : i32
    %eq3A_457 = vector.broadcast %eq3A_456 : i32 to vector<16xi32>
    %eq3A_458 = arith.cmpi eq, %shift_right_arithmetic3A_440, %eq3A_457 : vector<16xi32>
    %get3A_459 = arith.constant 1 : i32
    %get3A_460 = arith.index_cast %get3A_459 : i32 to index
    %get3A_461 = arith.constant 0 : index
    %get3A_462 = tpu.vector_load %arg13[%get3A_460, %get3A_461] {strides = array<i32>} : memref<8x16xi32, #tpu.memory_space<vmem>>, vector<1x16xi32>,
    %get3A_463 = vector.shape_cast %get3A_462 : vector<1x16xi32> to vector<16xi32>
    %jit3A_464 = arith.constant 0 : i32
    %broadcast_in_dim3A_465 = vector.broadcast %jit3A_464 : i32 to vector<16xi32>
    %select_n3A_466 = arith.select %eq3A_458, %get3A_463, %broadcast_in_dim3A_465 : vector<16xi1>, vector<16xi32>
    %add3A_467 = arith.addi %add3A_455, %select_n3A_466 : vector<16xi32>
    %eq3A_468 = arith.constant 2 : i32
    %eq3A_469 = vector.broadcast %eq3A_468 : i32 to vector<16xi32>
    %eq3A_470 = arith.cmpi eq, %shift_right_arithmetic3A_440, %eq3A_469 : vector<16xi32>
    %get3A_471 = arith.constant 2 : i32
    %get3A_472 = arith.index_cast %get3A_471 : i32 to index
    %get3A_473 = arith.constant 0 : index
    %get3A_474 = tpu.vector_load %arg13[%get3A_472, %get3A_473] {strides = array<i32>} : memref<8x16xi32, #tpu.memory_space<vmem>>, vector<1x16xi32>,
    %get3A_475 = vector.shape_cast %get3A_474 : vector<1x16xi32> to vector<16xi32>
    %jit3A_476 = arith.constant 0 : i32
    %broadcast_in_dim3A_477 = vector.broadcast %jit3A_476 : i32 to vector<16xi32>
    %select_n3A_478 = arith.select %eq3A_470, %get3A_475, %broadcast_in_dim3A_477 : vector<16xi1>, vector<16xi32>
    %add3A_479 = arith.addi %add3A_467, %select_n3A_478 : vector<16xi32>
    %eq3A_480 = arith.constant 3 : i32
    %eq3A_481 = vector.broadcast %eq3A_480 : i32 to vector<16xi32>
    %eq3A_482 = arith.cmpi eq, %shift_right_arithmetic3A_440, %eq3A_481 : vector<16xi32>
    %get3A_483 = arith.constant 3 : i32
    %get3A_484 = arith.index_cast %get3A_483 : i32 to index
    %get3A_485 = arith.constant 0 : index
    %get3A_486 = tpu.vector_load %arg13[%get3A_484, %get3A_485] {strides = array<i32>} : memref<8x16xi32, #tpu.memory_space<vmem>>, vector<1x16xi32>,
    %get3A_487 = vector.shape_cast %get3A_486 : vector<1x16xi32> to vector<16xi32>
    %jit3A_488 = arith.constant 0 : i32
    %broadcast_in_dim3A_489 = vector.broadcast %jit3A_488 : i32 to vector<16xi32>
    %select_n3A_490 = arith.select %eq3A_482, %get3A_487, %broadcast_in_dim3A_489 : vector<16xi1>, vector<16xi32>
    %add3A_491 = arith.addi %add3A_479, %select_n3A_490 : vector<16xi32>
    %eq3A_492 = arith.constant 4 : i32
    %eq3A_493 = vector.broadcast %eq3A_492 : i32 to vector<16xi32>
    %eq3A_494 = arith.cmpi eq, %shift_right_arithmetic3A_440, %eq3A_493 : vector<16xi32>
    %get3A_495 = arith.constant 4 : i32
    %get3A_496 = arith.index_cast %get3A_495 : i32 to index
    %get3A_497 = arith.constant 0 : index
    %get3A_498 = tpu.vector_load %arg13[%get3A_496, %get3A_497] {strides = array<i32>} : memref<8x16xi32, #tpu.memory_space<vmem>>, vector<1x16xi32>,
    %get3A_499 = vector.shape_cast %get3A_498 : vector<1x16xi32> to vector<16xi32>
    %jit3A_500 = arith.constant 0 : i32
    %broadcast_in_dim3A_501 = vector.broadcast %jit3A_500 : i32 to vector<16xi32>
    %select_n3A_502 = arith.select %eq3A_494, %get3A_499, %broadcast_in_dim3A_501 : vector<16xi1>, vector<16xi32>
    %add3A_503 = arith.addi %add3A_491, %select_n3A_502 : vector<16xi32>
    %eq3A_504 = arith.constant 5 : i32
    %eq3A_505 = vector.broadcast %eq3A_504 : i32 to vector<16xi32>
    %eq3A_506 = arith.cmpi eq, %shift_right_arithmetic3A_440, %eq3A_505 : vector<16xi32>
    %get3A_507 = arith.constant 5 : i32
    %get3A_508 = arith.index_cast %get3A_507 : i32 to index
    %get3A_509 = arith.constant 0 : index
    %get3A_510 = tpu.vector_load %arg13[%get3A_508, %get3A_509] {strides = array<i32>} : memref<8x16xi32, #tpu.memory_space<vmem>>, vector<1x16xi32>,
    %get3A_511 = vector.shape_cast %get3A_510 : vector<1x16xi32> to vector<16xi32>
    %jit3A_512 = arith.constant 0 : i32
    %broadcast_in_dim3A_513 = vector.broadcast %jit3A_512 : i32 to vector<16xi32>
    %select_n3A_514 = arith.select %eq3A_506, %get3A_511, %broadcast_in_dim3A_513 : vector<16xi1>, vector<16xi32>
    %add3A_515 = arith.addi %add3A_503, %select_n3A_514 : vector<16xi32>
    %eq3A_516 = arith.constant 6 : i32
    %eq3A_517 = vector.broadcast %eq3A_516 : i32 to vector<16xi32>
    %eq3A_518 = arith.cmpi eq, %shift_right_arithmetic3A_440, %eq3A_517 : vector<16xi32>
    %get3A_519 = arith.constant 6 : i32
    %get3A_520 = arith.index_cast %get3A_519 : i32 to index
    %get3A_521 = arith.constant 0 : index
    %get3A_522 = tpu.vector_load %arg13[%get3A_520, %get3A_521] {strides = array<i32>} : memref<8x16xi32, #tpu.memory_space<vmem>>, vector<1x16xi32>,
    %get3A_523 = vector.shape_cast %get3A_522 : vector<1x16xi32> to vector<16xi32>
    %jit3A_524 = arith.constant 0 : i32
    %broadcast_in_dim3A_525 = vector.broadcast %jit3A_524 : i32 to vector<16xi32>
    %select_n3A_526 = arith.select %eq3A_518, %get3A_523, %broadcast_in_dim3A_525 : vector<16xi1>, vector<16xi32>
    %add3A_527 = arith.addi %add3A_515, %select_n3A_526 : vector<16xi32>
    %eq3A_528 = arith.constant 7 : i32
    %eq3A_529 = vector.broadcast %eq3A_528 : i32 to vector<16xi32>
    %eq3A_530 = arith.cmpi eq, %shift_right_arithmetic3A_440, %eq3A_529 : vector<16xi32>
    %get3A_531 = arith.constant 7 : i32
    %get3A_532 = arith.index_cast %get3A_531 : i32 to index
    %get3A_533 = arith.constant 0 : index
    %get3A_534 = tpu.vector_load %arg13[%get3A_532, %get3A_533] {strides = array<i32>} : memref<8x16xi32, #tpu.memory_space<vmem>>, vector<1x16xi32>,
    %get3A_535 = vector.shape_cast %get3A_534 : vector<1x16xi32> to vector<16xi32>
    %jit3A_536 = arith.constant 0 : i32
    %broadcast_in_dim3A_537 = vector.broadcast %jit3A_536 : i32 to vector<16xi32>
    %select_n3A_538 = arith.select %eq3A_530, %get3A_535, %broadcast_in_dim3A_537 : vector<16xi1>, vector<16xi32>
    %add3A_539 = arith.addi %add3A_527, %select_n3A_538 : vector<16xi32>
    %swap3A_540 = arith.constant 0 : index
    %swap3A_541 = tpu.vector_load %arg9[%swap3A_540] {strides = array<i32>} : memref<64xi32, #tpu.memory_space<vmem>>, vector<16xi32>,
    %swap3A_542 = vector.shape_cast %swap3A_541 : vector<16xi32> to vector<16xi32>
    %swap3A_543 = vector.shape_cast %add3A_539 : vector<16xi32> to vector<16xi32>
    tpu.vector_store %arg9[%swap3A_540], %swap3A_543 {strides = array<i32>} : memref<64xi32, #tpu.memory_space<vmem>>, vector<16xi32>,
    %get3A_544 = arith.constant 16 : index
    %get3A_545 = tpu.vector_load %arg12[%get3A_544] {strides = array<i32>} : memref<64xi32, #tpu.memory_space<vmem>>, vector<16xi32>,
    %get3A_546 = vector.shape_cast %get3A_545 : vector<16xi32> to vector<16xi32>
    %shift_right_arithmetic3A_547 = arith.constant 13 : i32
    %shift_right_arithmetic3A_548 = vector.broadcast %shift_right_arithmetic3A_547 : i32 to vector<16xi32>
    %shift_right_arithmetic3A_549 = arith.shrsi %get3A_546, %shift_right_arithmetic3A_548 : vector<16xi32>
    %and3A_550 = arith.constant 8191 : i32
    %and3A_551 = vector.broadcast %and3A_550 : i32 to vector<16xi32>
    %and3A_552 = arith.andi %get3A_546, %and3A_551 : vector<16xi32>
    %eq3A_553 = arith.constant 0 : i32
    %eq3A_554 = vector.broadcast %eq3A_553 : i32 to vector<16xi32>
    %eq3A_555 = arith.cmpi eq, %shift_right_arithmetic3A_549, %eq3A_554 : vector<16xi32>
    %get3A_556 = arith.constant 0 : i32
    %get3A_557 = arith.index_cast %get3A_556 : i32 to index
    %get3A_558 = arith.constant 0 : index
    %get3A_559 = tpu.vector_load %arg13[%get3A_557, %get3A_558] {strides = array<i32>} : memref<8x16xi32, #tpu.memory_space<vmem>>, vector<1x16xi32>,
    %get3A_560 = vector.shape_cast %get3A_559 : vector<1x16xi32> to vector<16xi32>
    %jit3A_561 = arith.constant 0 : i32
    %broadcast_in_dim3A_562 = vector.broadcast %jit3A_561 : i32 to vector<16xi32>
    %select_n3A_563 = arith.select %eq3A_555, %get3A_560, %broadcast_in_dim3A_562 : vector<16xi1>, vector<16xi32>
    %add3A_564 = arith.addi %and3A_552, %select_n3A_563 : vector<16xi32>
    %eq3A_565 = arith.constant 1 : i32
    %eq3A_566 = vector.broadcast %eq3A_565 : i32 to vector<16xi32>
    %eq3A_567 = arith.cmpi eq, %shift_right_arithmetic3A_549, %eq3A_566 : vector<16xi32>
    %get3A_568 = arith.constant 1 : i32
    %get3A_569 = arith.index_cast %get3A_568 : i32 to index
    %get3A_570 = arith.constant 0 : index
    %get3A_571 = tpu.vector_load %arg13[%get3A_569, %get3A_570] {strides = array<i32>} : memref<8x16xi32, #tpu.memory_space<vmem>>, vector<1x16xi32>,
    %get3A_572 = vector.shape_cast %get3A_571 : vector<1x16xi32> to vector<16xi32>
    %jit3A_573 = arith.constant 0 : i32
    %broadcast_in_dim3A_574 = vector.broadcast %jit3A_573 : i32 to vector<16xi32>
    %select_n3A_575 = arith.select %eq3A_567, %get3A_572, %broadcast_in_dim3A_574 : vector<16xi1>, vector<16xi32>
    %add3A_576 = arith.addi %add3A_564, %select_n3A_575 : vector<16xi32>
    %eq3A_577 = arith.constant 2 : i32
    %eq3A_578 = vector.broadcast %eq3A_577 : i32 to vector<16xi32>
    %eq3A_579 = arith.cmpi eq, %shift_right_arithmetic3A_549, %eq3A_578 : vector<16xi32>
    %get3A_580 = arith.constant 2 : i32
    %get3A_581 = arith.index_cast %get3A_580 : i32 to index
    %get3A_582 = arith.constant 0 : index
    %get3A_583 = tpu.vector_load %arg13[%get3A_581, %get3A_582] {strides = array<i32>} : memref<8x16xi32, #tpu.memory_space<vmem>>, vector<1x16xi32>,
    %get3A_584 = vector.shape_cast %get3A_583 : vector<1x16xi32> to vector<16xi32>
    %jit3A_585 = arith.constant 0 : i32
    %broadcast_in_dim3A_586 = vector.broadcast %jit3A_585 : i32 to vector<16xi32>
    %select_n3A_587 = arith.select %eq3A_579, %get3A_584, %broadcast_in_dim3A_586 : vector<16xi1>, vector<16xi32>
    %add3A_588 = arith.addi %add3A_576, %select_n3A_587 : vector<16xi32>
    %eq3A_589 = arith.constant 3 : i32
    %eq3A_590 = vector.broadcast %eq3A_589 : i32 to vector<16xi32>
    %eq3A_591 = arith.cmpi eq, %shift_right_arithmetic3A_549, %eq3A_590 : vector<16xi32>
    %get3A_592 = arith.constant 3 : i32
    %get3A_593 = arith.index_cast %get3A_592 : i32 to index
    %get3A_594 = arith.constant 0 : index
    %get3A_595 = tpu.vector_load %arg13[%get3A_593, %get3A_594] {strides = array<i32>} : memref<8x16xi32, #tpu.memory_space<vmem>>, vector<1x16xi32>,
    %get3A_596 = vector.shape_cast %get3A_595 : vector<1x16xi32> to vector<16xi32>
    %jit3A_597 = arith.constant 0 : i32
    %broadcast_in_dim3A_598 = vector.broadcast %jit3A_597 : i32 to vector<16xi32>
    %select_n3A_599 = arith.select %eq3A_591, %get3A_596, %broadcast_in_dim3A_598 : vector<16xi1>, vector<16xi32>
    %add3A_600 = arith.addi %add3A_588, %select_n3A_599 : vector<16xi32>
    %eq3A_601 = arith.constant 4 : i32
    %eq3A_602 = vector.broadcast %eq3A_601 : i32 to vector<16xi32>
    %eq3A_603 = arith.cmpi eq, %shift_right_arithmetic3A_549, %eq3A_602 : vector<16xi32>
    %get3A_604 = arith.constant 4 : i32
    %get3A_605 = arith.index_cast %get3A_604 : i32 to index
    %get3A_606 = arith.constant 0 : index
    %get3A_607 = tpu.vector_load %arg13[%get3A_605, %get3A_606] {strides = array<i32>} : memref<8x16xi32, #tpu.memory_space<vmem>>, vector<1x16xi32>,
    %get3A_608 = vector.shape_cast %get3A_607 : vector<1x16xi32> to vector<16xi32>
    %jit3A_609 = arith.constant 0 : i32
    %broadcast_in_dim3A_610 = vector.broadcast %jit3A_609 : i32 to vector<16xi32>
    %select_n3A_611 = arith.select %eq3A_603, %get3A_608, %broadcast_in_dim3A_610 : vector<16xi1>, vector<16xi32>
    %add3A_612 = arith.addi %add3A_600, %select_n3A_611 : vector<16xi32>
    %eq3A_613 = arith.constant 5 : i32
    %eq3A_614 = vector.broadcast %eq3A_613 : i32 to vector<16xi32>
    %eq3A_615 = arith.cmpi eq, %shift_right_arithmetic3A_549, %eq3A_614 : vector<16xi32>
    %get3A_616 = arith.constant 5 : i32
    %get3A_617 = arith.index_cast %get3A_616 : i32 to index
    %get3A_618 = arith.constant 0 : index
    %get3A_619 = tpu.vector_load %arg13[%get3A_617, %get3A_618] {strides = array<i32>} : memref<8x16xi32, #tpu.memory_space<vmem>>, vector<1x16xi32>,
    %get3A_620 = vector.shape_cast %get3A_619 : vector<1x16xi32> to vector<16xi32>
    %jit3A_621 = arith.constant 0 : i32
    %broadcast_in_dim3A_622 = vector.broadcast %jit3A_621 : i32 to vector<16xi32>
    %select_n3A_623 = arith.select %eq3A_615, %get3A_620, %broadcast_in_dim3A_622 : vector<16xi1>, vector<16xi32>
    %add3A_624 = arith.addi %add3A_612, %select_n3A_623 : vector<16xi32>
    %eq3A_625 = arith.constant 6 : i32
    %eq3A_626 = vector.broadcast %eq3A_625 : i32 to vector<16xi32>
    %eq3A_627 = arith.cmpi eq, %shift_right_arithmetic3A_549, %eq3A_626 : vector<16xi32>
    %get3A_628 = arith.constant 6 : i32
    %get3A_629 = arith.index_cast %get3A_628 : i32 to index
    %get3A_630 = arith.constant 0 : index
    %get3A_631 = tpu.vector_load %arg13[%get3A_629, %get3A_630] {strides = array<i32>} : memref<8x16xi32, #tpu.memory_space<vmem>>, vector<1x16xi32>,
    %get3A_632 = vector.shape_cast %get3A_631 : vector<1x16xi32> to vector<16xi32>
    %jit3A_633 = arith.constant 0 : i32
    %broadcast_in_dim3A_634 = vector.broadcast %jit3A_633 : i32 to vector<16xi32>
    %select_n3A_635 = arith.select %eq3A_627, %get3A_632, %broadcast_in_dim3A_634 : vector<16xi1>, vector<16xi32>
    %add3A_636 = arith.addi %add3A_624, %select_n3A_635 : vector<16xi32>
    %eq3A_637 = arith.constant 7 : i32
    %eq3A_638 = vector.broadcast %eq3A_637 : i32 to vector<16xi32>
    %eq3A_639 = arith.cmpi eq, %shift_right_arithmetic3A_549, %eq3A_638 : vector<16xi32>
    %get3A_640 = arith.constant 7 : i32
    %get3A_641 = arith.index_cast %get3A_640 : i32 to index
    %get3A_642 = arith.constant 0 : index
    %get3A_643 = tpu.vector_load %arg13[%get3A_641, %get3A_642] {strides = array<i32>} : memref<8x16xi32, #tpu.memory_space<vmem>>, vector<1x16xi32>,
    %get3A_644 = vector.shape_cast %get3A_643 : vector<1x16xi32> to vector<16xi32>
    %jit3A_645 = arith.constant 0 : i32
    %broadcast_in_dim3A_646 = vector.broadcast %jit3A_645 : i32 to vector<16xi32>
    %select_n3A_647 = arith.select %eq3A_639, %get3A_644, %broadcast_in_dim3A_646 : vector<16xi1>, vector<16xi32>
    %add3A_648 = arith.addi %add3A_636, %select_n3A_647 : vector<16xi32>
    %swap3A_649 = arith.constant 16 : index
    %swap3A_650 = tpu.vector_load %arg9[%swap3A_649] {strides = array<i32>} : memref<64xi32, #tpu.memory_space<vmem>>, vector<16xi32>,
    %swap3A_651 = vector.shape_cast %swap3A_650 : vector<16xi32> to vector<16xi32>
    %swap3A_652 = vector.shape_cast %add3A_648 : vector<16xi32> to vector<16xi32>
    tpu.vector_store %arg9[%swap3A_649], %swap3A_652 {strides = array<i32>} : memref<64xi32, #tpu.memory_space<vmem>>, vector<16xi32>,
    %get3A_653 = arith.constant 32 : index
    %get3A_654 = tpu.vector_load %arg12[%get3A_653] {strides = array<i32>} : memref<64xi32, #tpu.memory_space<vmem>>, vector<16xi32>,
    %get3A_655 = vector.shape_cast %get3A_654 : vector<16xi32> to vector<16xi32>
    %shift_right_arithmetic3A_656 = arith.constant 13 : i32
    %shift_right_arithmetic3A_657 = vector.broadcast %shift_right_arithmetic3A_656 : i32 to vector<16xi32>
    %shift_right_arithmetic3A_658 = arith.shrsi %get3A_655, %shift_right_arithmetic3A_657 : vector<16xi32>
    %and3A_659 = arith.constant 8191 : i32
    %and3A_660 = vector.broadcast %and3A_659 : i32 to vector<16xi32>
    %and3A_661 = arith.andi %get3A_655, %and3A_660 : vector<16xi32>
    %eq3A_662 = arith.constant 0 : i32
    %eq3A_663 = vector.broadcast %eq3A_662 : i32 to vector<16xi32>
    %eq3A_664 = arith.cmpi eq, %shift_right_arithmetic3A_658, %eq3A_663 : vector<16xi32>
    %get3A_665 = arith.constant 0 : i32
    %get3A_666 = arith.index_cast %get3A_665 : i32 to index
    %get3A_667 = arith.constant 0 : index
    %get3A_668 = tpu.vector_load %arg13[%get3A_666, %get3A_667] {strides = array<i32>} : memref<8x16xi32, #tpu.memory_space<vmem>>, vector<1x16xi32>,
    %get3A_669 = vector.shape_cast %get3A_668 : vector<1x16xi32> to vector<16xi32>
    %jit3A_670 = arith.constant 0 : i32
    %broadcast_in_dim3A_671 = vector.broadcast %jit3A_670 : i32 to vector<16xi32>
    %select_n3A_672 = arith.select %eq3A_664, %get3A_669, %broadcast_in_dim3A_671 : vector<16xi1>, vector<16xi32>
    %add3A_673 = arith.addi %and3A_661, %select_n3A_672 : vector<16xi32>
    %eq3A_674 = arith.constant 1 : i32
    %eq3A_675 = vector.broadcast %eq3A_674 : i32 to vector<16xi32>
    %eq3A_676 = arith.cmpi eq, %shift_right_arithmetic3A_658, %eq3A_675 : vector<16xi32>
    %get3A_677 = arith.constant 1 : i32
    %get3A_678 = arith.index_cast %get3A_677 : i32 to index
    %get3A_679 = arith.constant 0 : index
    %get3A_680 = tpu.vector_load %arg13[%get3A_678, %get3A_679] {strides = array<i32>} : memref<8x16xi32, #tpu.memory_space<vmem>>, vector<1x16xi32>,
    %get3A_681 = vector.shape_cast %get3A_680 : vector<1x16xi32> to vector<16xi32>
    %jit3A_682 = arith.constant 0 : i32
    %broadcast_in_dim3A_683 = vector.broadcast %jit3A_682 : i32 to vector<16xi32>
    %select_n3A_684 = arith.select %eq3A_676, %get3A_681, %broadcast_in_dim3A_683 : vector<16xi1>, vector<16xi32>
    %add3A_685 = arith.addi %add3A_673, %select_n3A_684 : vector<16xi32>
    %eq3A_686 = arith.constant 2 : i32
    %eq3A_687 = vector.broadcast %eq3A_686 : i32 to vector<16xi32>
    %eq3A_688 = arith.cmpi eq, %shift_right_arithmetic3A_658, %eq3A_687 : vector<16xi32>
    %get3A_689 = arith.constant 2 : i32
    %get3A_690 = arith.index_cast %get3A_689 : i32 to index
    %get3A_691 = arith.constant 0 : index
    %get3A_692 = tpu.vector_load %arg13[%get3A_690, %get3A_691] {strides = array<i32>} : memref<8x16xi32, #tpu.memory_space<vmem>>, vector<1x16xi32>,
    %get3A_693 = vector.shape_cast %get3A_692 : vector<1x16xi32> to vector<16xi32>
    %jit3A_694 = arith.constant 0 : i32
    %broadcast_in_dim3A_695 = vector.broadcast %jit3A_694 : i32 to vector<16xi32>
    %select_n3A_696 = arith.select %eq3A_688, %get3A_693, %broadcast_in_dim3A_695 : vector<16xi1>, vector<16xi32>
    %add3A_697 = arith.addi %add3A_685, %select_n3A_696 : vector<16xi32>
    %eq3A_698 = arith.constant 3 : i32
    %eq3A_699 = vector.broadcast %eq3A_698 : i32 to vector<16xi32>
    %eq3A_700 = arith.cmpi eq, %shift_right_arithmetic3A_658, %eq3A_699 : vector<16xi32>
    %get3A_701 = arith.constant 3 : i32
    %get3A_702 = arith.index_cast %get3A_701 : i32 to index
    %get3A_703 = arith.constant 0 : index
    %get3A_704 = tpu.vector_load %arg13[%get3A_702, %get3A_703] {strides = array<i32>} : memref<8x16xi32, #tpu.memory_space<vmem>>, vector<1x16xi32>,
    %get3A_705 = vector.shape_cast %get3A_704 : vector<1x16xi32> to vector<16xi32>
    %jit3A_706 = arith.constant 0 : i32
    %broadcast_in_dim3A_707 = vector.broadcast %jit3A_706 : i32 to vector<16xi32>
    %select_n3A_708 = arith.select %eq3A_700, %get3A_705, %broadcast_in_dim3A_707 : vector<16xi1>, vector<16xi32>
    %add3A_709 = arith.addi %add3A_697, %select_n3A_708 : vector<16xi32>
    %eq3A_710 = arith.constant 4 : i32
    %eq3A_711 = vector.broadcast %eq3A_710 : i32 to vector<16xi32>
    %eq3A_712 = arith.cmpi eq, %shift_right_arithmetic3A_658, %eq3A_711 : vector<16xi32>
    %get3A_713 = arith.constant 4 : i32
    %get3A_714 = arith.index_cast %get3A_713 : i32 to index
    %get3A_715 = arith.constant 0 : index
    %get3A_716 = tpu.vector_load %arg13[%get3A_714, %get3A_715] {strides = array<i32>} : memref<8x16xi32, #tpu.memory_space<vmem>>, vector<1x16xi32>,
    %get3A_717 = vector.shape_cast %get3A_716 : vector<1x16xi32> to vector<16xi32>
    %jit3A_718 = arith.constant 0 : i32
    %broadcast_in_dim3A_719 = vector.broadcast %jit3A_718 : i32 to vector<16xi32>
    %select_n3A_720 = arith.select %eq3A_712, %get3A_717, %broadcast_in_dim3A_719 : vector<16xi1>, vector<16xi32>
    %add3A_721 = arith.addi %add3A_709, %select_n3A_720 : vector<16xi32>
    %eq3A_722 = arith.constant 5 : i32
    %eq3A_723 = vector.broadcast %eq3A_722 : i32 to vector<16xi32>
    %eq3A_724 = arith.cmpi eq, %shift_right_arithmetic3A_658, %eq3A_723 : vector<16xi32>
    %get3A_725 = arith.constant 5 : i32
    %get3A_726 = arith.index_cast %get3A_725 : i32 to index
    %get3A_727 = arith.constant 0 : index
    %get3A_728 = tpu.vector_load %arg13[%get3A_726, %get3A_727] {strides = array<i32>} : memref<8x16xi32, #tpu.memory_space<vmem>>, vector<1x16xi32>,
    %get3A_729 = vector.shape_cast %get3A_728 : vector<1x16xi32> to vector<16xi32>
    %jit3A_730 = arith.constant 0 : i32
    %broadcast_in_dim3A_731 = vector.broadcast %jit3A_730 : i32 to vector<16xi32>
    %select_n3A_732 = arith.select %eq3A_724, %get3A_729, %broadcast_in_dim3A_731 : vector<16xi1>, vector<16xi32>
    %add3A_733 = arith.addi %add3A_721, %select_n3A_732 : vector<16xi32>
    %eq3A_734 = arith.constant 6 : i32
    %eq3A_735 = vector.broadcast %eq3A_734 : i32 to vector<16xi32>
    %eq3A_736 = arith.cmpi eq, %shift_right_arithmetic3A_658, %eq3A_735 : vector<16xi32>
    %get3A_737 = arith.constant 6 : i32
    %get3A_738 = arith.index_cast %get3A_737 : i32 to index
    %get3A_739 = arith.constant 0 : index
    %get3A_740 = tpu.vector_load %arg13[%get3A_738, %get3A_739] {strides = array<i32>} : memref<8x16xi32, #tpu.memory_space<vmem>>, vector<1x16xi32>,
    %get3A_741 = vector.shape_cast %get3A_740 : vector<1x16xi32> to vector<16xi32>
    %jit3A_742 = arith.constant 0 : i32
    %broadcast_in_dim3A_743 = vector.broadcast %jit3A_742 : i32 to vector<16xi32>
    %select_n3A_744 = arith.select %eq3A_736, %get3A_741, %broadcast_in_dim3A_743 : vector<16xi1>, vector<16xi32>
    %add3A_745 = arith.addi %add3A_733, %select_n3A_744 : vector<16xi32>
    %eq3A_746 = arith.constant 7 : i32
    %eq3A_747 = vector.broadcast %eq3A_746 : i32 to vector<16xi32>
    %eq3A_748 = arith.cmpi eq, %shift_right_arithmetic3A_658, %eq3A_747 : vector<16xi32>
    %get3A_749 = arith.constant 7 : i32
    %get3A_750 = arith.index_cast %get3A_749 : i32 to index
    %get3A_751 = arith.constant 0 : index
    %get3A_752 = tpu.vector_load %arg13[%get3A_750, %get3A_751] {strides = array<i32>} : memref<8x16xi32, #tpu.memory_space<vmem>>, vector<1x16xi32>,
    %get3A_753 = vector.shape_cast %get3A_752 : vector<1x16xi32> to vector<16xi32>
    %jit3A_754 = arith.constant 0 : i32
    %broadcast_in_dim3A_755 = vector.broadcast %jit3A_754 : i32 to vector<16xi32>
    %select_n3A_756 = arith.select %eq3A_748, %get3A_753, %broadcast_in_dim3A_755 : vector<16xi1>, vector<16xi32>
    %add3A_757 = arith.addi %add3A_745, %select_n3A_756 : vector<16xi32>
    %swap3A_758 = arith.constant 32 : index
    %swap3A_759 = tpu.vector_load %arg9[%swap3A_758] {strides = array<i32>} : memref<64xi32, #tpu.memory_space<vmem>>, vector<16xi32>,
    %swap3A_760 = vector.shape_cast %swap3A_759 : vector<16xi32> to vector<16xi32>
    %swap3A_761 = vector.shape_cast %add3A_757 : vector<16xi32> to vector<16xi32>
    tpu.vector_store %arg9[%swap3A_758], %swap3A_761 {strides = array<i32>} : memref<64xi32, #tpu.memory_space<vmem>>, vector<16xi32>,
    %get3A_762 = arith.constant 48 : index
    %get3A_763 = tpu.vector_load %arg12[%get3A_762] {strides = array<i32>} : memref<64xi32, #tpu.memory_space<vmem>>, vector<16xi32>,
    %get3A_764 = vector.shape_cast %get3A_763 : vector<16xi32> to vector<16xi32>
    %shift_right_arithmetic3A_765 = arith.constant 13 : i32
    %shift_right_arithmetic3A_766 = vector.broadcast %shift_right_arithmetic3A_765 : i32 to vector<16xi32>
    %shift_right_arithmetic3A_767 = arith.shrsi %get3A_764, %shift_right_arithmetic3A_766 : vector<16xi32>
    %and3A_768 = arith.constant 8191 : i32
    %and3A_769 = vector.broadcast %and3A_768 : i32 to vector<16xi32>
    %and3A_770 = arith.andi %get3A_764, %and3A_769 : vector<16xi32>
    %eq3A_771 = arith.constant 0 : i32
    %eq3A_772 = vector.broadcast %eq3A_771 : i32 to vector<16xi32>
    %eq3A_773 = arith.cmpi eq, %shift_right_arithmetic3A_767, %eq3A_772 : vector<16xi32>
    %get3A_774 = arith.constant 0 : i32
    %get3A_775 = arith.index_cast %get3A_774 : i32 to index
    %get3A_776 = arith.constant 0 : index
    %get3A_777 = tpu.vector_load %arg13[%get3A_775, %get3A_776] {strides = array<i32>} : memref<8x16xi32, #tpu.memory_space<vmem>>, vector<1x16xi32>,
    %get3A_778 = vector.shape_cast %get3A_777 : vector<1x16xi32> to vector<16xi32>
    %jit3A_779 = arith.constant 0 : i32
    %broadcast_in_dim3A_780 = vector.broadcast %jit3A_779 : i32 to vector<16xi32>
    %select_n3A_781 = arith.select %eq3A_773, %get3A_778, %broadcast_in_dim3A_780 : vector<16xi1>, vector<16xi32>
    %add3A_782 = arith.addi %and3A_770, %select_n3A_781 : vector<16xi32>
    %eq3A_783 = arith.constant 1 : i32
    %eq3A_784 = vector.broadcast %eq3A_783 : i32 to vector<16xi32>
    %eq3A_785 = arith.cmpi eq, %shift_right_arithmetic3A_767, %eq3A_784 : vector<16xi32>
    %get3A_786 = arith.constant 1 : i32
    %get3A_787 = arith.index_cast %get3A_786 : i32 to index
    %get3A_788 = arith.constant 0 : index
    %get3A_789 = tpu.vector_load %arg13[%get3A_787, %get3A_788] {strides = array<i32>} : memref<8x16xi32, #tpu.memory_space<vmem>>, vector<1x16xi32>,
    %get3A_790 = vector.shape_cast %get3A_789 : vector<1x16xi32> to vector<16xi32>
    %jit3A_791 = arith.constant 0 : i32
    %broadcast_in_dim3A_792 = vector.broadcast %jit3A_791 : i32 to vector<16xi32>
    %select_n3A_793 = arith.select %eq3A_785, %get3A_790, %broadcast_in_dim3A_792 : vector<16xi1>, vector<16xi32>
    %add3A_794 = arith.addi %add3A_782, %select_n3A_793 : vector<16xi32>
    %eq3A_795 = arith.constant 2 : i32
    %eq3A_796 = vector.broadcast %eq3A_795 : i32 to vector<16xi32>
    %eq3A_797 = arith.cmpi eq, %shift_right_arithmetic3A_767, %eq3A_796 : vector<16xi32>
    %get3A_798 = arith.constant 2 : i32
    %get3A_799 = arith.index_cast %get3A_798 : i32 to index
    %get3A_800 = arith.constant 0 : index
    %get3A_801 = tpu.vector_load %arg13[%get3A_799, %get3A_800] {strides = array<i32>} : memref<8x16xi32, #tpu.memory_space<vmem>>, vector<1x16xi32>,
    %get3A_802 = vector.shape_cast %get3A_801 : vector<1x16xi32> to vector<16xi32>
    %jit3A_803 = arith.constant 0 : i32
    %broadcast_in_dim3A_804 = vector.broadcast %jit3A_803 : i32 to vector<16xi32>
    %select_n3A_805 = arith.select %eq3A_797, %get3A_802, %broadcast_in_dim3A_804 : vector<16xi1>, vector<16xi32>
    %add3A_806 = arith.addi %add3A_794, %select_n3A_805 : vector<16xi32>
    %eq3A_807 = arith.constant 3 : i32
    %eq3A_808 = vector.broadcast %eq3A_807 : i32 to vector<16xi32>
    %eq3A_809 = arith.cmpi eq, %shift_right_arithmetic3A_767, %eq3A_808 : vector<16xi32>
    %get3A_810 = arith.constant 3 : i32
    %get3A_811 = arith.index_cast %get3A_810 : i32 to index
    %get3A_812 = arith.constant 0 : index
    %get3A_813 = tpu.vector_load %arg13[%get3A_811, %get3A_812] {strides = array<i32>} : memref<8x16xi32, #tpu.memory_space<vmem>>, vector<1x16xi32>,
    %get3A_814 = vector.shape_cast %get3A_813 : vector<1x16xi32> to vector<16xi32>
    %jit3A_815 = arith.constant 0 : i32
    %broadcast_in_dim3A_816 = vector.broadcast %jit3A_815 : i32 to vector<16xi32>
    %select_n3A_817 = arith.select %eq3A_809, %get3A_814, %broadcast_in_dim3A_816 : vector<16xi1>, vector<16xi32>
    %add3A_818 = arith.addi %add3A_806, %select_n3A_817 : vector<16xi32>
    %eq3A_819 = arith.constant 4 : i32
    %eq3A_820 = vector.broadcast %eq3A_819 : i32 to vector<16xi32>
    %eq3A_821 = arith.cmpi eq, %shift_right_arithmetic3A_767, %eq3A_820 : vector<16xi32>
    %get3A_822 = arith.constant 4 : i32
    %get3A_823 = arith.index_cast %get3A_822 : i32 to index
    %get3A_824 = arith.constant 0 : index
    %get3A_825 = tpu.vector_load %arg13[%get3A_823, %get3A_824] {strides = array<i32>} : memref<8x16xi32, #tpu.memory_space<vmem>>, vector<1x16xi32>,
    %get3A_826 = vector.shape_cast %get3A_825 : vector<1x16xi32> to vector<16xi32>
    %jit3A_827 = arith.constant 0 : i32
    %broadcast_in_dim3A_828 = vector.broadcast %jit3A_827 : i32 to vector<16xi32>
    %select_n3A_829 = arith.select %eq3A_821, %get3A_826, %broadcast_in_dim3A_828 : vector<16xi1>, vector<16xi32>
    %add3A_830 = arith.addi %add3A_818, %select_n3A_829 : vector<16xi32>
    %eq3A_831 = arith.constant 5 : i32
    %eq3A_832 = vector.broadcast %eq3A_831 : i32 to vector<16xi32>
    %eq3A_833 = arith.cmpi eq, %shift_right_arithmetic3A_767, %eq3A_832 : vector<16xi32>
    %get3A_834 = arith.constant 5 : i32
    %get3A_835 = arith.index_cast %get3A_834 : i32 to index
    %get3A_836 = arith.constant 0 : index
    %get3A_837 = tpu.vector_load %arg13[%get3A_835, %get3A_836] {strides = array<i32>} : memref<8x16xi32, #tpu.memory_space<vmem>>, vector<1x16xi32>,
    %get3A_838 = vector.shape_cast %get3A_837 : vector<1x16xi32> to vector<16xi32>
    %jit3A_839 = arith.constant 0 : i32
    %broadcast_in_dim3A_840 = vector.broadcast %jit3A_839 : i32 to vector<16xi32>
    %select_n3A_841 = arith.select %eq3A_833, %get3A_838, %broadcast_in_dim3A_840 : vector<16xi1>, vector<16xi32>
    %add3A_842 = arith.addi %add3A_830, %select_n3A_841 : vector<16xi32>
    %eq3A_843 = arith.constant 6 : i32
    %eq3A_844 = vector.broadcast %eq3A_843 : i32 to vector<16xi32>
    %eq3A_845 = arith.cmpi eq, %shift_right_arithmetic3A_767, %eq3A_844 : vector<16xi32>
    %get3A_846 = arith.constant 6 : i32
    %get3A_847 = arith.index_cast %get3A_846 : i32 to index
    %get3A_848 = arith.constant 0 : index
    %get3A_849 = tpu.vector_load %arg13[%get3A_847, %get3A_848] {strides = array<i32>} : memref<8x16xi32, #tpu.memory_space<vmem>>, vector<1x16xi32>,
    %get3A_850 = vector.shape_cast %get3A_849 : vector<1x16xi32> to vector<16xi32>
    %jit3A_851 = arith.constant 0 : i32
    %broadcast_in_dim3A_852 = vector.broadcast %jit3A_851 : i32 to vector<16xi32>
    %select_n3A_853 = arith.select %eq3A_845, %get3A_850, %broadcast_in_dim3A_852 : vector<16xi1>, vector<16xi32>
    %add3A_854 = arith.addi %add3A_842, %select_n3A_853 : vector<16xi32>
    %eq3A_855 = arith.constant 7 : i32
    %eq3A_856 = vector.broadcast %eq3A_855 : i32 to vector<16xi32>
    %eq3A_857 = arith.cmpi eq, %shift_right_arithmetic3A_767, %eq3A_856 : vector<16xi32>
    %get3A_858 = arith.constant 7 : i32
    %get3A_859 = arith.index_cast %get3A_858 : i32 to index
    %get3A_860 = arith.constant 0 : index
    %get3A_861 = tpu.vector_load %arg13[%get3A_859, %get3A_860] {strides = array<i32>} : memref<8x16xi32, #tpu.memory_space<vmem>>, vector<1x16xi32>,
    %get3A_862 = vector.shape_cast %get3A_861 : vector<1x16xi32> to vector<16xi32>
    %jit3A_863 = arith.constant 0 : i32
    %broadcast_in_dim3A_864 = vector.broadcast %jit3A_863 : i32 to vector<16xi32>
    %select_n3A_865 = arith.select %eq3A_857, %get3A_862, %broadcast_in_dim3A_864 : vector<16xi1>, vector<16xi32>
    %add3A_866 = arith.addi %add3A_854, %select_n3A_865 : vector<16xi32>
    %swap3A_867 = arith.constant 48 : index
    %swap3A_868 = tpu.vector_load %arg9[%swap3A_867] {strides = array<i32>} : memref<64xi32, #tpu.memory_space<vmem>>, vector<16xi32>,
    %swap3A_869 = vector.shape_cast %swap3A_868 : vector<16xi32> to vector<16xi32>
    %swap3A_870 = vector.shape_cast %add3A_866 : vector<16xi32> to vector<16xi32>
    tpu.vector_store %arg9[%swap3A_867], %swap3A_870 {strides = array<i32>} : memref<64xi32, #tpu.memory_space<vmem>>, vector<16xi32>,
    %dma_start3A_871 = arith.constant 0 : i32
    %dma_start3A_872 = arith.constant 0 : i32
    %dma_start3A_873 = tpu.memref_slice %arg2[%dma_start3A_871, %dma_start3A_872] : memref<10240x768xf32, #tpu.memory_space<hbm>> -> memref<10240x768xf32, #tpu.memory_space<hbm>>
    tpu.enqueue_indirect_dma source(%dma_start3A_873 : memref<10240x768xf32, #tpu.memory_space<hbm>>) target(%arg11 : memref<64x768xf32, #tpu.memory_space<vmem>>) offsets(%arg9 : memref<64xi32, #tpu.memory_space<vmem>>) semaphore(%arg14 : memref<!tpu.dma_semaphore, #tpu.memory_space<semaphore_mem>>)
    %dma_wait3A = arith.constant 0 : i32
    %dma_wait3A_874 = arith.constant 0 : i32
    %dma_wait3A_875 = tpu.memref_slice %arg2[%dma_wait3A, %dma_wait3A_874] : memref<10240x768xf32, #tpu.memory_space<hbm>> -> memref<10240x768xf32, #tpu.memory_space<hbm>>
    tpu.wait_indirect_dma semaphore(%arg14 : memref<!tpu.dma_semaphore, #tpu.memory_space<semaphore_mem>>) src(%dma_wait3A_875 : memref<10240x768xf32, #tpu.memory_space<hbm>>) dst(%arg10 : memref<64x768xf32, #tpu.memory_space<vmem>>)
    "tpu.region"() ({
      %run_scoped3A = tpu.sem_alloc : memref<!tpu.dma_semaphore, #tpu.memory_space<semaphore_mem>>
      %dma_start3A_1768 = arith.constant 0 : i32
      %dma_start3A_1769 = tpu.memref_slice %arg6[%multiple_of3A, %dma_start3A_1768] : memref<4096x768xf32, #tpu.memory_space<hbm>> -> memref<64x768xf32, #tpu.memory_space<hbm>>
      %dma_start3A_1770 = arith.constant 0 : i32
      %dma_start3A_1771 = tpu.memref_slice %arg6[%multiple_of3A, %dma_start3A_1770] : memref<4096x768xf32, #tpu.memory_space<hbm>> -> memref<64x768xf32, #tpu.memory_space<hbm>>
      tpu.enqueue_dma source(%arg10 : memref<64x768xf32, #tpu.memory_space<vmem>>) target(%dma_start3A_1771 : memref<64x768xf32, #tpu.memory_space<hbm>>) target_semaphore(%run_scoped3A : memref<!tpu.dma_semaphore, #tpu.memory_space<semaphore_mem>>)
      %dma_wait3A_1772 = arith.constant 0 : i32
      %dma_wait3A_1773 = tpu.memref_slice %arg6[%multiple_of3A, %dma_wait3A_1772] : memref<4096x768xf32, #tpu.memory_space<hbm>> -> memref<64x768xf32, #tpu.memory_space<hbm>>
      %dma_wait3A_1774 = arith.constant 0 : i32
      %dma_wait3A_1775 = tpu.memref_slice %arg6[%multiple_of3A, %dma_wait3A_1774] : memref<4096x768xf32, #tpu.memory_space<hbm>> -> memref<64x768xf32, #tpu.memory_space<hbm>>
      tpu.wait_dma2 semaphore(%run_scoped3A : memref<!tpu.dma_semaphore, #tpu.memory_space<semaphore_mem>>) src(%arg10 : memref<64x768xf32, #tpu.memory_space<vmem>>) dst(%dma_wait3A_1775 : memref<64x768xf32, #tpu.memory_space<hbm>>)
      tpu.yield
    }) : () -> ()
    %dma_wait3A_876 = arith.constant 0 : i32
    %dma_wait3A_877 = arith.constant 0 : i32
    %dma_wait3A_878 = tpu.memref_slice %arg2[%dma_wait3A_876, %dma_wait3A_877] : memref<10240x768xf32, #tpu.memory_space<hbm>> -> memref<10240x768xf32, #tpu.memory_space<hbm>>
    tpu.wait_indirect_dma semaphore(%arg14 : memref<!tpu.dma_semaphore, #tpu.memory_space<semaphore_mem>>) src(%dma_wait3A_878 : memref<10240x768xf32, #tpu.memory_space<hbm>>) dst(%arg11 : memref<64x768xf32, #tpu.memory_space<vmem>>)
    "tpu.region"() ({
      %run_scoped3A = tpu.sem_alloc : memref<!tpu.dma_semaphore, #tpu.memory_space<semaphore_mem>>
      %dma_start3A_1768 = arith.constant 0 : i32
      %dma_start3A_1769 = tpu.memref_slice %arg7[%multiple_of3A, %dma_start3A_1768] : memref<4096x768xf32, #tpu.memory_space<hbm>> -> memref<64x768xf32, #tpu.memory_space<hbm>>
      %dma_start3A_1770 = arith.constant 0 : i32
      %dma_start3A_1771 = tpu.memref_slice %arg7[%multiple_of3A, %dma_start3A_1770] : memref<4096x768xf32, #tpu.memory_space<hbm>> -> memref<64x768xf32, #tpu.memory_space<hbm>>
      tpu.enqueue_dma source(%arg11 : memref<64x768xf32, #tpu.memory_space<vmem>>) target(%dma_start3A_1771 : memref<64x768xf32, #tpu.memory_space<hbm>>) target_semaphore(%run_scoped3A : memref<!tpu.dma_semaphore, #tpu.memory_space<semaphore_mem>>)
      %dma_wait3A_1772 = arith.constant 0 : i32
      %dma_wait3A_1773 = tpu.memref_slice %arg7[%multiple_of3A, %dma_wait3A_1772] : memref<4096x768xf32, #tpu.memory_space<hbm>> -> memref<64x768xf32, #tpu.memory_space<hbm>>
      %dma_wait3A_1774 = arith.constant 0 : i32
      %dma_wait3A_1775 = tpu.memref_slice %arg7[%multiple_of3A, %dma_wait3A_1774] : memref<4096x768xf32, #tpu.memory_space<hbm>> -> memref<64x768xf32, #tpu.memory_space<hbm>>
      tpu.wait_dma2 semaphore(%run_scoped3A : memref<!tpu.dma_semaphore, #tpu.memory_space<semaphore_mem>>) src(%arg11 : memref<64x768xf32, #tpu.memory_space<vmem>>) dst(%dma_wait3A_1775 : memref<64x768xf32, #tpu.memory_space<hbm>>)
      tpu.yield
    }) : () -> ()
    %mul3A_879 = arith.constant 128 : i32
    %mul3A_880 = arith.muli %add3A, %mul3A_879 : i32
    %add3A_881 = arith.constant 64 : i32
    %add3A_882 = arith.addi %mul3A_880, %add3A_881 : i32
    %multiple_of3A_883 = tpu.assume_multiple %add3A_882, 64 : i32
    "tpu.region"() ({
      %run_scoped3A = tpu.sem_alloc : memref<!tpu.dma_semaphore, #tpu.memory_space<semaphore_mem>>
      %dma_start3A_1768 = tpu.memref_slice %arg3[%multiple_of3A_883] : memref<4096xi32, #tpu.memory_space<hbm>> -> memref<64xi32, #tpu.memory_space<hbm>>
      %dma_start3A_1769 = tpu.memref_slice %arg3[%multiple_of3A_883] : memref<4096xi32, #tpu.memory_space<hbm>> -> memref<64xi32, #tpu.memory_space<hbm>>
      tpu.enqueue_dma source(%dma_start3A_1769 : memref<64xi32, #tpu.memory_space<hbm>>) target(%arg12 : memref<64xi32, #tpu.memory_space<vmem>>) target_semaphore(%run_scoped3A : memref<!tpu.dma_semaphore, #tpu.memory_space<semaphore_mem>>)
      %dma_wait3A_1770 = tpu.memref_slice %arg3[%multiple_of3A_883] : memref<4096xi32, #tpu.memory_space<hbm>> -> memref<64xi32, #tpu.memory_space<hbm>>
      %dma_wait3A_1771 = tpu.memref_slice %arg3[%multiple_of3A_883] : memref<4096xi32, #tpu.memory_space<hbm>> -> memref<64xi32, #tpu.memory_space<hbm>>
      tpu.wait_dma2 semaphore(%run_scoped3A : memref<!tpu.dma_semaphore, #tpu.memory_space<semaphore_mem>>) src(%dma_wait3A_1771 : memref<64xi32, #tpu.memory_space<hbm>>) dst(%arg12 : memref<64xi32, #tpu.memory_space<vmem>>)
      tpu.yield
    }) : () -> ()
    %get3A_884 = arith.constant 0 : index
    %get3A_885 = tpu.vector_load %arg12[%get3A_884] {strides = array<i32>} : memref<64xi32, #tpu.memory_space<vmem>>, vector<16xi32>,
    %get3A_886 = vector.shape_cast %get3A_885 : vector<16xi32> to vector<16xi32>
    %shift_right_arithmetic3A_887 = arith.constant 13 : i32
    %shift_right_arithmetic3A_888 = vector.broadcast %shift_right_arithmetic3A_887 : i32 to vector<16xi32>
    %shift_right_arithmetic3A_889 = arith.shrsi %get3A_886, %shift_right_arithmetic3A_888 : vector<16xi32>
    %and3A_890 = arith.constant 8191 : i32
    %and3A_891 = vector.broadcast %and3A_890 : i32 to vector<16xi32>
    %and3A_892 = arith.andi %get3A_886, %and3A_891 : vector<16xi32>
    %eq3A_893 = arith.constant 0 : i32
    %eq3A_894 = vector.broadcast %eq3A_893 : i32 to vector<16xi32>
    %eq3A_895 = arith.cmpi eq, %shift_right_arithmetic3A_889, %eq3A_894 : vector<16xi32>
    %get3A_896 = arith.constant 0 : i32
    %get3A_897 = arith.index_cast %get3A_896 : i32 to index
    %get3A_898 = arith.constant 0 : index
    %get3A_899 = tpu.vector_load %arg13[%get3A_897, %get3A_898] {strides = array<i32>} : memref<8x16xi32, #tpu.memory_space<vmem>>, vector<1x16xi32>,
    %get3A_900 = vector.shape_cast %get3A_899 : vector<1x16xi32> to vector<16xi32>
    %jit3A_901 = arith.constant 0 : i32
    %broadcast_in_dim3A_902 = vector.broadcast %jit3A_901 : i32 to vector<16xi32>
    %select_n3A_903 = arith.select %eq3A_895, %get3A_900, %broadcast_in_dim3A_902 : vector<16xi1>, vector<16xi32>
    %add3A_904 = arith.addi %and3A_892, %select_n3A_903 : vector<16xi32>
    %eq3A_905 = arith.constant 1 : i32
    %eq3A_906 = vector.broadcast %eq3A_905 : i32 to vector<16xi32>
    %eq3A_907 = arith.cmpi eq, %shift_right_arithmetic3A_889, %eq3A_906 : vector<16xi32>
    %get3A_908 = arith.constant 1 : i32
    %get3A_909 = arith.index_cast %get3A_908 : i32 to index
    %get3A_910 = arith.constant 0 : index
    %get3A_911 = tpu.vector_load %arg13[%get3A_909, %get3A_910] {strides = array<i32>} : memref<8x16xi32, #tpu.memory_space<vmem>>, vector<1x16xi32>,
    %get3A_912 = vector.shape_cast %get3A_911 : vector<1x16xi32> to vector<16xi32>
    %jit3A_913 = arith.constant 0 : i32
    %broadcast_in_dim3A_914 = vector.broadcast %jit3A_913 : i32 to vector<16xi32>
    %select_n3A_915 = arith.select %eq3A_907, %get3A_912, %broadcast_in_dim3A_914 : vector<16xi1>, vector<16xi32>
    %add3A_916 = arith.addi %add3A_904, %select_n3A_915 : vector<16xi32>
    %eq3A_917 = arith.constant 2 : i32
    %eq3A_918 = vector.broadcast %eq3A_917 : i32 to vector<16xi32>
    %eq3A_919 = arith.cmpi eq, %shift_right_arithmetic3A_889, %eq3A_918 : vector<16xi32>
    %get3A_920 = arith.constant 2 : i32
    %get3A_921 = arith.index_cast %get3A_920 : i32 to index
    %get3A_922 = arith.constant 0 : index
    %get3A_923 = tpu.vector_load %arg13[%get3A_921, %get3A_922] {strides = array<i32>} : memref<8x16xi32, #tpu.memory_space<vmem>>, vector<1x16xi32>,
    %get3A_924 = vector.shape_cast %get3A_923 : vector<1x16xi32> to vector<16xi32>
    %jit3A_925 = arith.constant 0 : i32
    %broadcast_in_dim3A_926 = vector.broadcast %jit3A_925 : i32 to vector<16xi32>
    %select_n3A_927 = arith.select %eq3A_919, %get3A_924, %broadcast_in_dim3A_926 : vector<16xi1>, vector<16xi32>
    %add3A_928 = arith.addi %add3A_916, %select_n3A_927 : vector<16xi32>
    %eq3A_929 = arith.constant 3 : i32
    %eq3A_930 = vector.broadcast %eq3A_929 : i32 to vector<16xi32>
    %eq3A_931 = arith.cmpi eq, %shift_right_arithmetic3A_889, %eq3A_930 : vector<16xi32>
    %get3A_932 = arith.constant 3 : i32
    %get3A_933 = arith.index_cast %get3A_932 : i32 to index
    %get3A_934 = arith.constant 0 : index
    %get3A_935 = tpu.vector_load %arg13[%get3A_933, %get3A_934] {strides = array<i32>} : memref<8x16xi32, #tpu.memory_space<vmem>>, vector<1x16xi32>,
    %get3A_936 = vector.shape_cast %get3A_935 : vector<1x16xi32> to vector<16xi32>
    %jit3A_937 = arith.constant 0 : i32
    %broadcast_in_dim3A_938 = vector.broadcast %jit3A_937 : i32 to vector<16xi32>
    %select_n3A_939 = arith.select %eq3A_931, %get3A_936, %broadcast_in_dim3A_938 : vector<16xi1>, vector<16xi32>
    %add3A_940 = arith.addi %add3A_928, %select_n3A_939 : vector<16xi32>
    %eq3A_941 = arith.constant 4 : i32
    %eq3A_942 = vector.broadcast %eq3A_941 : i32 to vector<16xi32>
    %eq3A_943 = arith.cmpi eq, %shift_right_arithmetic3A_889, %eq3A_942 : vector<16xi32>
    %get3A_944 = arith.constant 4 : i32
    %get3A_945 = arith.index_cast %get3A_944 : i32 to index
    %get3A_946 = arith.constant 0 : index
    %get3A_947 = tpu.vector_load %arg13[%get3A_945, %get3A_946] {strides = array<i32>} : memref<8x16xi32, #tpu.memory_space<vmem>>, vector<1x16xi32>,
    %get3A_948 = vector.shape_cast %get3A_947 : vector<1x16xi32> to vector<16xi32>
    %jit3A_949 = arith.constant 0 : i32
    %broadcast_in_dim3A_950 = vector.broadcast %jit3A_949 : i32 to vector<16xi32>
    %select_n3A_951 = arith.select %eq3A_943, %get3A_948, %broadcast_in_dim3A_950 : vector<16xi1>, vector<16xi32>
    %add3A_952 = arith.addi %add3A_940, %select_n3A_951 : vector<16xi32>
    %eq3A_953 = arith.constant 5 : i32
    %eq3A_954 = vector.broadcast %eq3A_953 : i32 to vector<16xi32>
    %eq3A_955 = arith.cmpi eq, %shift_right_arithmetic3A_889, %eq3A_954 : vector<16xi32>
    %get3A_956 = arith.constant 5 : i32
    %get3A_957 = arith.index_cast %get3A_956 : i32 to index
    %get3A_958 = arith.constant 0 : index
    %get3A_959 = tpu.vector_load %arg13[%get3A_957, %get3A_958] {strides = array<i32>} : memref<8x16xi32, #tpu.memory_space<vmem>>, vector<1x16xi32>,
    %get3A_960 = vector.shape_cast %get3A_959 : vector<1x16xi32> to vector<16xi32>
    %jit3A_961 = arith.constant 0 : i32
    %broadcast_in_dim3A_962 = vector.broadcast %jit3A_961 : i32 to vector<16xi32>
    %select_n3A_963 = arith.select %eq3A_955, %get3A_960, %broadcast_in_dim3A_962 : vector<16xi1>, vector<16xi32>
    %add3A_964 = arith.addi %add3A_952, %select_n3A_963 : vector<16xi32>
    %eq3A_965 = arith.constant 6 : i32
    %eq3A_966 = vector.broadcast %eq3A_965 : i32 to vector<16xi32>
    %eq3A_967 = arith.cmpi eq, %shift_right_arithmetic3A_889, %eq3A_966 : vector<16xi32>
    %get3A_968 = arith.constant 6 : i32
    %get3A_969 = arith.index_cast %get3A_968 : i32 to index
    %get3A_970 = arith.constant 0 : index
    %get3A_971 = tpu.vector_load %arg13[%get3A_969, %get3A_970] {strides = array<i32>} : memref<8x16xi32, #tpu.memory_space<vmem>>, vector<1x16xi32>,
    %get3A_972 = vector.shape_cast %get3A_971 : vector<1x16xi32> to vector<16xi32>
    %jit3A_973 = arith.constant 0 : i32
    %broadcast_in_dim3A_974 = vector.broadcast %jit3A_973 : i32 to vector<16xi32>
    %select_n3A_975 = arith.select %eq3A_967, %get3A_972, %broadcast_in_dim3A_974 : vector<16xi1>, vector<16xi32>
    %add3A_976 = arith.addi %add3A_964, %select_n3A_975 : vector<16xi32>
    %eq3A_977 = arith.constant 7 : i32
    %eq3A_978 = vector.broadcast %eq3A_977 : i32 to vector<16xi32>
    %eq3A_979 = arith.cmpi eq, %shift_right_arithmetic3A_889, %eq3A_978 : vector<16xi32>
    %get3A_980 = arith.constant 7 : i32
    %get3A_981 = arith.index_cast %get3A_980 : i32 to index
    %get3A_982 = arith.constant 0 : index
    %get3A_983 = tpu.vector_load %arg13[%get3A_981, %get3A_982] {strides = array<i32>} : memref<8x16xi32, #tpu.memory_space<vmem>>, vector<1x16xi32>,
    %get3A_984 = vector.shape_cast %get3A_983 : vector<1x16xi32> to vector<16xi32>
    %jit3A_985 = arith.constant 0 : i32
    %broadcast_in_dim3A_986 = vector.broadcast %jit3A_985 : i32 to vector<16xi32>
    %select_n3A_987 = arith.select %eq3A_979, %get3A_984, %broadcast_in_dim3A_986 : vector<16xi1>, vector<16xi32>
    %add3A_988 = arith.addi %add3A_976, %select_n3A_987 : vector<16xi32>
    %swap3A_989 = arith.constant 0 : index
    %swap3A_990 = tpu.vector_load %arg8[%swap3A_989] {strides = array<i32>} : memref<64xi32, #tpu.memory_space<vmem>>, vector<16xi32>,
    %swap3A_991 = vector.shape_cast %swap3A_990 : vector<16xi32> to vector<16xi32>
    %swap3A_992 = vector.shape_cast %add3A_988 : vector<16xi32> to vector<16xi32>
    tpu.vector_store %arg8[%swap3A_989], %swap3A_992 {strides = array<i32>} : memref<64xi32, #tpu.memory_space<vmem>>, vector<16xi32>,
    %get3A_993 = arith.constant 16 : index
    %get3A_994 = tpu.vector_load %arg12[%get3A_993] {strides = array<i32>} : memref<64xi32, #tpu.memory_space<vmem>>, vector<16xi32>,
    %get3A_995 = vector.shape_cast %get3A_994 : vector<16xi32> to vector<16xi32>
    %shift_right_arithmetic3A_996 = arith.constant 13 : i32
    %shift_right_arithmetic3A_997 = vector.broadcast %shift_right_arithmetic3A_996 : i32 to vector<16xi32>
    %shift_right_arithmetic3A_998 = arith.shrsi %get3A_995, %shift_right_arithmetic3A_997 : vector<16xi32>
    %and3A_999 = arith.constant 8191 : i32
    %and3A_1000 = vector.broadcast %and3A_999 : i32 to vector<16xi32>
    %and3A_1001 = arith.andi %get3A_995, %and3A_1000 : vector<16xi32>
    %eq3A_1002 = arith.constant 0 : i32
    %eq3A_1003 = vector.broadcast %eq3A_1002 : i32 to vector<16xi32>
    %eq3A_1004 = arith.cmpi eq, %shift_right_arithmetic3A_998, %eq3A_1003 : vector<16xi32>
    %get3A_1005 = arith.constant 0 : i32
    %get3A_1006 = arith.index_cast %get3A_1005 : i32 to index
    %get3A_1007 = arith.constant 0 : index
    %get3A_1008 = tpu.vector_load %arg13[%get3A_1006, %get3A_1007] {strides = array<i32>} : memref<8x16xi32, #tpu.memory_space<vmem>>, vector<1x16xi32>,
    %get3A_1009 = vector.shape_cast %get3A_1008 : vector<1x16xi32> to vector<16xi32>
    %jit3A_1010 = arith.constant 0 : i32
    %broadcast_in_dim3A_1011 = vector.broadcast %jit3A_1010 : i32 to vector<16xi32>
    %select_n3A_1012 = arith.select %eq3A_1004, %get3A_1009, %broadcast_in_dim3A_1011 : vector<16xi1>, vector<16xi32>
    %add3A_1013 = arith.addi %and3A_1001, %select_n3A_1012 : vector<16xi32>
    %eq3A_1014 = arith.constant 1 : i32
    %eq3A_1015 = vector.broadcast %eq3A_1014 : i32 to vector<16xi32>
    %eq3A_1016 = arith.cmpi eq, %shift_right_arithmetic3A_998, %eq3A_1015 : vector<16xi32>
    %get3A_1017 = arith.constant 1 : i32
    %get3A_1018 = arith.index_cast %get3A_1017 : i32 to index
    %get3A_1019 = arith.constant 0 : index
    %get3A_1020 = tpu.vector_load %arg13[%get3A_1018, %get3A_1019] {strides = array<i32>} : memref<8x16xi32, #tpu.memory_space<vmem>>, vector<1x16xi32>,
    %get3A_1021 = vector.shape_cast %get3A_1020 : vector<1x16xi32> to vector<16xi32>
    %jit3A_1022 = arith.constant 0 : i32
    %broadcast_in_dim3A_1023 = vector.broadcast %jit3A_1022 : i32 to vector<16xi32>
    %select_n3A_1024 = arith.select %eq3A_1016, %get3A_1021, %broadcast_in_dim3A_1023 : vector<16xi1>, vector<16xi32>
    %add3A_1025 = arith.addi %add3A_1013, %select_n3A_1024 : vector<16xi32>
    %eq3A_1026 = arith.constant 2 : i32
    %eq3A_1027 = vector.broadcast %eq3A_1026 : i32 to vector<16xi32>
    %eq3A_1028 = arith.cmpi eq, %shift_right_arithmetic3A_998, %eq3A_1027 : vector<16xi32>
    %get3A_1029 = arith.constant 2 : i32
    %get3A_1030 = arith.index_cast %get3A_1029 : i32 to index
    %get3A_1031 = arith.constant 0 : index
    %get3A_1032 = tpu.vector_load %arg13[%get3A_1030, %get3A_1031] {strides = array<i32>} : memref<8x16xi32, #tpu.memory_space<vmem>>, vector<1x16xi32>,
    %get3A_1033 = vector.shape_cast %get3A_1032 : vector<1x16xi32> to vector<16xi32>
    %jit3A_1034 = arith.constant 0 : i32
    %broadcast_in_dim3A_1035 = vector.broadcast %jit3A_1034 : i32 to vector<16xi32>
    %select_n3A_1036 = arith.select %eq3A_1028, %get3A_1033, %broadcast_in_dim3A_1035 : vector<16xi1>, vector<16xi32>
    %add3A_1037 = arith.addi %add3A_1025, %select_n3A_1036 : vector<16xi32>
    %eq3A_1038 = arith.constant 3 : i32
    %eq3A_1039 = vector.broadcast %eq3A_1038 : i32 to vector<16xi32>
    %eq3A_1040 = arith.cmpi eq, %shift_right_arithmetic3A_998, %eq3A_1039 : vector<16xi32>
    %get3A_1041 = arith.constant 3 : i32
    %get3A_1042 = arith.index_cast %get3A_1041 : i32 to index
    %get3A_1043 = arith.constant 0 : index
    %get3A_1044 = tpu.vector_load %arg13[%get3A_1042, %get3A_1043] {strides = array<i32>} : memref<8x16xi32, #tpu.memory_space<vmem>>, vector<1x16xi32>,
    %get3A_1045 = vector.shape_cast %get3A_1044 : vector<1x16xi32> to vector<16xi32>
    %jit3A_1046 = arith.constant 0 : i32
    %broadcast_in_dim3A_1047 = vector.broadcast %jit3A_1046 : i32 to vector<16xi32>
    %select_n3A_1048 = arith.select %eq3A_1040, %get3A_1045, %broadcast_in_dim3A_1047 : vector<16xi1>, vector<16xi32>
    %add3A_1049 = arith.addi %add3A_1037, %select_n3A_1048 : vector<16xi32>
    %eq3A_1050 = arith.constant 4 : i32
    %eq3A_1051 = vector.broadcast %eq3A_1050 : i32 to vector<16xi32>
    %eq3A_1052 = arith.cmpi eq, %shift_right_arithmetic3A_998, %eq3A_1051 : vector<16xi32>
    %get3A_1053 = arith.constant 4 : i32
    %get3A_1054 = arith.index_cast %get3A_1053 : i32 to index
    %get3A_1055 = arith.constant 0 : index
    %get3A_1056 = tpu.vector_load %arg13[%get3A_1054, %get3A_1055] {strides = array<i32>} : memref<8x16xi32, #tpu.memory_space<vmem>>, vector<1x16xi32>,
    %get3A_1057 = vector.shape_cast %get3A_1056 : vector<1x16xi32> to vector<16xi32>
    %jit3A_1058 = arith.constant 0 : i32
    %broadcast_in_dim3A_1059 = vector.broadcast %jit3A_1058 : i32 to vector<16xi32>
    %select_n3A_1060 = arith.select %eq3A_1052, %get3A_1057, %broadcast_in_dim3A_1059 : vector<16xi1>, vector<16xi32>
    %add3A_1061 = arith.addi %add3A_1049, %select_n3A_1060 : vector<16xi32>
    %eq3A_1062 = arith.constant 5 : i32
    %eq3A_1063 = vector.broadcast %eq3A_1062 : i32 to vector<16xi32>
    %eq3A_1064 = arith.cmpi eq, %shift_right_arithmetic3A_998, %eq3A_1063 : vector<16xi32>
    %get3A_1065 = arith.constant 5 : i32
    %get3A_1066 = arith.index_cast %get3A_1065 : i32 to index
    %get3A_1067 = arith.constant 0 : index
    %get3A_1068 = tpu.vector_load %arg13[%get3A_1066, %get3A_1067] {strides = array<i32>} : memref<8x16xi32, #tpu.memory_space<vmem>>, vector<1x16xi32>,
    %get3A_1069 = vector.shape_cast %get3A_1068 : vector<1x16xi32> to vector<16xi32>
    %jit3A_1070 = arith.constant 0 : i32
    %broadcast_in_dim3A_1071 = vector.broadcast %jit3A_1070 : i32 to vector<16xi32>
    %select_n3A_1072 = arith.select %eq3A_1064, %get3A_1069, %broadcast_in_dim3A_1071 : vector<16xi1>, vector<16xi32>
    %add3A_1073 = arith.addi %add3A_1061, %select_n3A_1072 : vector<16xi32>
    %eq3A_1074 = arith.constant 6 : i32
    %eq3A_1075 = vector.broadcast %eq3A_1074 : i32 to vector<16xi32>
    %eq3A_1076 = arith.cmpi eq, %shift_right_arithmetic3A_998, %eq3A_1075 : vector<16xi32>
    %get3A_1077 = arith.constant 6 : i32
    %get3A_1078 = arith.index_cast %get3A_1077 : i32 to index
    %get3A_1079 = arith.constant 0 : index
    %get3A_1080 = tpu.vector_load %arg13[%get3A_1078, %get3A_1079] {strides = array<i32>} : memref<8x16xi32, #tpu.memory_space<vmem>>, vector<1x16xi32>,
    %get3A_1081 = vector.shape_cast %get3A_1080 : vector<1x16xi32> to vector<16xi32>
    %jit3A_1082 = arith.constant 0 : i32
    %broadcast_in_dim3A_1083 = vector.broadcast %jit3A_1082 : i32 to vector<16xi32>
    %select_n3A_1084 = arith.select %eq3A_1076, %get3A_1081, %broadcast_in_dim3A_1083 : vector<16xi1>, vector<16xi32>
    %add3A_1085 = arith.addi %add3A_1073, %select_n3A_1084 : vector<16xi32>
    %eq3A_1086 = arith.constant 7 : i32
    %eq3A_1087 = vector.broadcast %eq3A_1086 : i32 to vector<16xi32>
    %eq3A_1088 = arith.cmpi eq, %shift_right_arithmetic3A_998, %eq3A_1087 : vector<16xi32>
    %get3A_1089 = arith.constant 7 : i32
    %get3A_1090 = arith.index_cast %get3A_1089 : i32 to index
    %get3A_1091 = arith.constant 0 : index
    %get3A_1092 = tpu.vector_load %arg13[%get3A_1090, %get3A_1091] {strides = array<i32>} : memref<8x16xi32, #tpu.memory_space<vmem>>, vector<1x16xi32>,
    %get3A_1093 = vector.shape_cast %get3A_1092 : vector<1x16xi32> to vector<16xi32>
    %jit3A_1094 = arith.constant 0 : i32
    %broadcast_in_dim3A_1095 = vector.broadcast %jit3A_1094 : i32 to vector<16xi32>
    %select_n3A_1096 = arith.select %eq3A_1088, %get3A_1093, %broadcast_in_dim3A_1095 : vector<16xi1>, vector<16xi32>
    %add3A_1097 = arith.addi %add3A_1085, %select_n3A_1096 : vector<16xi32>
    %swap3A_1098 = arith.constant 16 : index
    %swap3A_1099 = tpu.vector_load %arg8[%swap3A_1098] {strides = array<i32>} : memref<64xi32, #tpu.memory_space<vmem>>, vector<16xi32>,
    %swap3A_1100 = vector.shape_cast %swap3A_1099 : vector<16xi32> to vector<16xi32>
    %swap3A_1101 = vector.shape_cast %add3A_1097 : vector<16xi32> to vector<16xi32>
    tpu.vector_store %arg8[%swap3A_1098], %swap3A_1101 {strides = array<i32>} : memref<64xi32, #tpu.memory_space<vmem>>, vector<16xi32>,
    %get3A_1102 = arith.constant 32 : index
    %get3A_1103 = tpu.vector_load %arg12[%get3A_1102] {strides = array<i32>} : memref<64xi32, #tpu.memory_space<vmem>>, vector<16xi32>,
    %get3A_1104 = vector.shape_cast %get3A_1103 : vector<16xi32> to vector<16xi32>
    %shift_right_arithmetic3A_1105 = arith.constant 13 : i32
    %shift_right_arithmetic3A_1106 = vector.broadcast %shift_right_arithmetic3A_1105 : i32 to vector<16xi32>
    %shift_right_arithmetic3A_1107 = arith.shrsi %get3A_1104, %shift_right_arithmetic3A_1106 : vector<16xi32>
    %and3A_1108 = arith.constant 8191 : i32
    %and3A_1109 = vector.broadcast %and3A_1108 : i32 to vector<16xi32>
    %and3A_1110 = arith.andi %get3A_1104, %and3A_1109 : vector<16xi32>
    %eq3A_1111 = arith.constant 0 : i32
    %eq3A_1112 = vector.broadcast %eq3A_1111 : i32 to vector<16xi32>
    %eq3A_1113 = arith.cmpi eq, %shift_right_arithmetic3A_1107, %eq3A_1112 : vector<16xi32>
    %get3A_1114 = arith.constant 0 : i32
    %get3A_1115 = arith.index_cast %get3A_1114 : i32 to index
    %get3A_1116 = arith.constant 0 : index
    %get3A_1117 = tpu.vector_load %arg13[%get3A_1115, %get3A_1116] {strides = array<i32>} : memref<8x16xi32, #tpu.memory_space<vmem>>, vector<1x16xi32>,
    %get3A_1118 = vector.shape_cast %get3A_1117 : vector<1x16xi32> to vector<16xi32>
    %jit3A_1119 = arith.constant 0 : i32
    %broadcast_in_dim3A_1120 = vector.broadcast %jit3A_1119 : i32 to vector<16xi32>
    %select_n3A_1121 = arith.select %eq3A_1113, %get3A_1118, %broadcast_in_dim3A_1120 : vector<16xi1>, vector<16xi32>
    %add3A_1122 = arith.addi %and3A_1110, %select_n3A_1121 : vector<16xi32>
    %eq3A_1123 = arith.constant 1 : i32
    %eq3A_1124 = vector.broadcast %eq3A_1123 : i32 to vector<16xi32>
    %eq3A_1125 = arith.cmpi eq, %shift_right_arithmetic3A_1107, %eq3A_1124 : vector<16xi32>
    %get3A_1126 = arith.constant 1 : i32
    %get3A_1127 = arith.index_cast %get3A_1126 : i32 to index
    %get3A_1128 = arith.constant 0 : index
    %get3A_1129 = tpu.vector_load %arg13[%get3A_1127, %get3A_1128] {strides = array<i32>} : memref<8x16xi32, #tpu.memory_space<vmem>>, vector<1x16xi32>,
    %get3A_1130 = vector.shape_cast %get3A_1129 : vector<1x16xi32> to vector<16xi32>
    %jit3A_1131 = arith.constant 0 : i32
    %broadcast_in_dim3A_1132 = vector.broadcast %jit3A_1131 : i32 to vector<16xi32>
    %select_n3A_1133 = arith.select %eq3A_1125, %get3A_1130, %broadcast_in_dim3A_1132 : vector<16xi1>, vector<16xi32>
    %add3A_1134 = arith.addi %add3A_1122, %select_n3A_1133 : vector<16xi32>
    %eq3A_1135 = arith.constant 2 : i32
    %eq3A_1136 = vector.broadcast %eq3A_1135 : i32 to vector<16xi32>
    %eq3A_1137 = arith.cmpi eq, %shift_right_arithmetic3A_1107, %eq3A_1136 : vector<16xi32>
    %get3A_1138 = arith.constant 2 : i32
    %get3A_1139 = arith.index_cast %get3A_1138 : i32 to index
    %get3A_1140 = arith.constant 0 : index
    %get3A_1141 = tpu.vector_load %arg13[%get3A_1139, %get3A_1140] {strides = array<i32>} : memref<8x16xi32, #tpu.memory_space<vmem>>, vector<1x16xi32>,
    %get3A_1142 = vector.shape_cast %get3A_1141 : vector<1x16xi32> to vector<16xi32>
    %jit3A_1143 = arith.constant 0 : i32
    %broadcast_in_dim3A_1144 = vector.broadcast %jit3A_1143 : i32 to vector<16xi32>
    %select_n3A_1145 = arith.select %eq3A_1137, %get3A_1142, %broadcast_in_dim3A_1144 : vector<16xi1>, vector<16xi32>
    %add3A_1146 = arith.addi %add3A_1134, %select_n3A_1145 : vector<16xi32>
    %eq3A_1147 = arith.constant 3 : i32
    %eq3A_1148 = vector.broadcast %eq3A_1147 : i32 to vector<16xi32>
    %eq3A_1149 = arith.cmpi eq, %shift_right_arithmetic3A_1107, %eq3A_1148 : vector<16xi32>
    %get3A_1150 = arith.constant 3 : i32
    %get3A_1151 = arith.index_cast %get3A_1150 : i32 to index
    %get3A_1152 = arith.constant 0 : index
    %get3A_1153 = tpu.vector_load %arg13[%get3A_1151, %get3A_1152] {strides = array<i32>} : memref<8x16xi32, #tpu.memory_space<vmem>>, vector<1x16xi32>,
    %get3A_1154 = vector.shape_cast %get3A_1153 : vector<1x16xi32> to vector<16xi32>
    %jit3A_1155 = arith.constant 0 : i32
    %broadcast_in_dim3A_1156 = vector.broadcast %jit3A_1155 : i32 to vector<16xi32>
    %select_n3A_1157 = arith.select %eq3A_1149, %get3A_1154, %broadcast_in_dim3A_1156 : vector<16xi1>, vector<16xi32>
    %add3A_1158 = arith.addi %add3A_1146, %select_n3A_1157 : vector<16xi32>
    %eq3A_1159 = arith.constant 4 : i32
    %eq3A_1160 = vector.broadcast %eq3A_1159 : i32 to vector<16xi32>
    %eq3A_1161 = arith.cmpi eq, %shift_right_arithmetic3A_1107, %eq3A_1160 : vector<16xi32>
    %get3A_1162 = arith.constant 4 : i32
    %get3A_1163 = arith.index_cast %get3A_1162 : i32 to index
    %get3A_1164 = arith.constant 0 : index
    %get3A_1165 = tpu.vector_load %arg13[%get3A_1163, %get3A_1164] {strides = array<i32>} : memref<8x16xi32, #tpu.memory_space<vmem>>, vector<1x16xi32>,
    %get3A_1166 = vector.shape_cast %get3A_1165 : vector<1x16xi32> to vector<16xi32>
    %jit3A_1167 = arith.constant 0 : i32
    %broadcast_in_dim3A_1168 = vector.broadcast %jit3A_1167 : i32 to vector<16xi32>
    %select_n3A_1169 = arith.select %eq3A_1161, %get3A_1166, %broadcast_in_dim3A_1168 : vector<16xi1>, vector<16xi32>
    %add3A_1170 = arith.addi %add3A_1158, %select_n3A_1169 : vector<16xi32>
    %eq3A_1171 = arith.constant 5 : i32
    %eq3A_1172 = vector.broadcast %eq3A_1171 : i32 to vector<16xi32>
    %eq3A_1173 = arith.cmpi eq, %shift_right_arithmetic3A_1107, %eq3A_1172 : vector<16xi32>
    %get3A_1174 = arith.constant 5 : i32
    %get3A_1175 = arith.index_cast %get3A_1174 : i32 to index
    %get3A_1176 = arith.constant 0 : index
    %get3A_1177 = tpu.vector_load %arg13[%get3A_1175, %get3A_1176] {strides = array<i32>} : memref<8x16xi32, #tpu.memory_space<vmem>>, vector<1x16xi32>,
    %get3A_1178 = vector.shape_cast %get3A_1177 : vector<1x16xi32> to vector<16xi32>
    %jit3A_1179 = arith.constant 0 : i32
    %broadcast_in_dim3A_1180 = vector.broadcast %jit3A_1179 : i32 to vector<16xi32>
    %select_n3A_1181 = arith.select %eq3A_1173, %get3A_1178, %broadcast_in_dim3A_1180 : vector<16xi1>, vector<16xi32>
    %add3A_1182 = arith.addi %add3A_1170, %select_n3A_1181 : vector<16xi32>
    %eq3A_1183 = arith.constant 6 : i32
    %eq3A_1184 = vector.broadcast %eq3A_1183 : i32 to vector<16xi32>
    %eq3A_1185 = arith.cmpi eq, %shift_right_arithmetic3A_1107, %eq3A_1184 : vector<16xi32>
    %get3A_1186 = arith.constant 6 : i32
    %get3A_1187 = arith.index_cast %get3A_1186 : i32 to index
    %get3A_1188 = arith.constant 0 : index
    %get3A_1189 = tpu.vector_load %arg13[%get3A_1187, %get3A_1188] {strides = array<i32>} : memref<8x16xi32, #tpu.memory_space<vmem>>, vector<1x16xi32>,
    %get3A_1190 = vector.shape_cast %get3A_1189 : vector<1x16xi32> to vector<16xi32>
    %jit3A_1191 = arith.constant 0 : i32
    %broadcast_in_dim3A_1192 = vector.broadcast %jit3A_1191 : i32 to vector<16xi32>
    %select_n3A_1193 = arith.select %eq3A_1185, %get3A_1190, %broadcast_in_dim3A_1192 : vector<16xi1>, vector<16xi32>
    %add3A_1194 = arith.addi %add3A_1182, %select_n3A_1193 : vector<16xi32>
    %eq3A_1195 = arith.constant 7 : i32
    %eq3A_1196 = vector.broadcast %eq3A_1195 : i32 to vector<16xi32>
    %eq3A_1197 = arith.cmpi eq, %shift_right_arithmetic3A_1107, %eq3A_1196 : vector<16xi32>
    %get3A_1198 = arith.constant 7 : i32
    %get3A_1199 = arith.index_cast %get3A_1198 : i32 to index
    %get3A_1200 = arith.constant 0 : index
    %get3A_1201 = tpu.vector_load %arg13[%get3A_1199, %get3A_1200] {strides = array<i32>} : memref<8x16xi32, #tpu.memory_space<vmem>>, vector<1x16xi32>,
    %get3A_1202 = vector.shape_cast %get3A_1201 : vector<1x16xi32> to vector<16xi32>
    %jit3A_1203 = arith.constant 0 : i32
    %broadcast_in_dim3A_1204 = vector.broadcast %jit3A_1203 : i32 to vector<16xi32>
    %select_n3A_1205 = arith.select %eq3A_1197, %get3A_1202, %broadcast_in_dim3A_1204 : vector<16xi1>, vector<16xi32>
    %add3A_1206 = arith.addi %add3A_1194, %select_n3A_1205 : vector<16xi32>
    %swap3A_1207 = arith.constant 32 : index
    %swap3A_1208 = tpu.vector_load %arg8[%swap3A_1207] {strides = array<i32>} : memref<64xi32, #tpu.memory_space<vmem>>, vector<16xi32>,
    %swap3A_1209 = vector.shape_cast %swap3A_1208 : vector<16xi32> to vector<16xi32>
    %swap3A_1210 = vector.shape_cast %add3A_1206 : vector<16xi32> to vector<16xi32>
    tpu.vector_store %arg8[%swap3A_1207], %swap3A_1210 {strides = array<i32>} : memref<64xi32, #tpu.memory_space<vmem>>, vector<16xi32>,
    %get3A_1211 = arith.constant 48 : index
    %get3A_1212 = tpu.vector_load %arg12[%get3A_1211] {strides = array<i32>} : memref<64xi32, #tpu.memory_space<vmem>>, vector<16xi32>,
    %get3A_1213 = vector.shape_cast %get3A_1212 : vector<16xi32> to vector<16xi32>
    %shift_right_arithmetic3A_1214 = arith.constant 13 : i32
    %shift_right_arithmetic3A_1215 = vector.broadcast %shift_right_arithmetic3A_1214 : i32 to vector<16xi32>
    %shift_right_arithmetic3A_1216 = arith.shrsi %get3A_1213, %shift_right_arithmetic3A_1215 : vector<16xi32>
    %and3A_1217 = arith.constant 8191 : i32
    %and3A_1218 = vector.broadcast %and3A_1217 : i32 to vector<16xi32>
    %and3A_1219 = arith.andi %get3A_1213, %and3A_1218 : vector<16xi32>
    %eq3A_1220 = arith.constant 0 : i32
    %eq3A_1221 = vector.broadcast %eq3A_1220 : i32 to vector<16xi32>
    %eq3A_1222 = arith.cmpi eq, %shift_right_arithmetic3A_1216, %eq3A_1221 : vector<16xi32>
    %get3A_1223 = arith.constant 0 : i32
    %get3A_1224 = arith.index_cast %get3A_1223 : i32 to index
    %get3A_1225 = arith.constant 0 : index
    %get3A_1226 = tpu.vector_load %arg13[%get3A_1224, %get3A_1225] {strides = array<i32>} : memref<8x16xi32, #tpu.memory_space<vmem>>, vector<1x16xi32>,
    %get3A_1227 = vector.shape_cast %get3A_1226 : vector<1x16xi32> to vector<16xi32>
    %jit3A_1228 = arith.constant 0 : i32
    %broadcast_in_dim3A_1229 = vector.broadcast %jit3A_1228 : i32 to vector<16xi32>
    %select_n3A_1230 = arith.select %eq3A_1222, %get3A_1227, %broadcast_in_dim3A_1229 : vector<16xi1>, vector<16xi32>
    %add3A_1231 = arith.addi %and3A_1219, %select_n3A_1230 : vector<16xi32>
    %eq3A_1232 = arith.constant 1 : i32
    %eq3A_1233 = vector.broadcast %eq3A_1232 : i32 to vector<16xi32>
    %eq3A_1234 = arith.cmpi eq, %shift_right_arithmetic3A_1216, %eq3A_1233 : vector<16xi32>
    %get3A_1235 = arith.constant 1 : i32
    %get3A_1236 = arith.index_cast %get3A_1235 : i32 to index
    %get3A_1237 = arith.constant 0 : index
    %get3A_1238 = tpu.vector_load %arg13[%get3A_1236, %get3A_1237] {strides = array<i32>} : memref<8x16xi32, #tpu.memory_space<vmem>>, vector<1x16xi32>,
    %get3A_1239 = vector.shape_cast %get3A_1238 : vector<1x16xi32> to vector<16xi32>
    %jit3A_1240 = arith.constant 0 : i32
    %broadcast_in_dim3A_1241 = vector.broadcast %jit3A_1240 : i32 to vector<16xi32>
    %select_n3A_1242 = arith.select %eq3A_1234, %get3A_1239, %broadcast_in_dim3A_1241 : vector<16xi1>, vector<16xi32>
    %add3A_1243 = arith.addi %add3A_1231, %select_n3A_1242 : vector<16xi32>
    %eq3A_1244 = arith.constant 2 : i32
    %eq3A_1245 = vector.broadcast %eq3A_1244 : i32 to vector<16xi32>
    %eq3A_1246 = arith.cmpi eq, %shift_right_arithmetic3A_1216, %eq3A_1245 : vector<16xi32>
    %get3A_1247 = arith.constant 2 : i32
    %get3A_1248 = arith.index_cast %get3A_1247 : i32 to index
    %get3A_1249 = arith.constant 0 : index
    %get3A_1250 = tpu.vector_load %arg13[%get3A_1248, %get3A_1249] {strides = array<i32>} : memref<8x16xi32, #tpu.memory_space<vmem>>, vector<1x16xi32>,
    %get3A_1251 = vector.shape_cast %get3A_1250 : vector<1x16xi32> to vector<16xi32>
    %jit3A_1252 = arith.constant 0 : i32
    %broadcast_in_dim3A_1253 = vector.broadcast %jit3A_1252 : i32 to vector<16xi32>
    %select_n3A_1254 = arith.select %eq3A_1246, %get3A_1251, %broadcast_in_dim3A_1253 : vector<16xi1>, vector<16xi32>
    %add3A_1255 = arith.addi %add3A_1243, %select_n3A_1254 : vector<16xi32>
    %eq3A_1256 = arith.constant 3 : i32
    %eq3A_1257 = vector.broadcast %eq3A_1256 : i32 to vector<16xi32>
    %eq3A_1258 = arith.cmpi eq, %shift_right_arithmetic3A_1216, %eq3A_1257 : vector<16xi32>
    %get3A_1259 = arith.constant 3 : i32
    %get3A_1260 = arith.index_cast %get3A_1259 : i32 to index
    %get3A_1261 = arith.constant 0 : index
    %get3A_1262 = tpu.vector_load %arg13[%get3A_1260, %get3A_1261] {strides = array<i32>} : memref<8x16xi32, #tpu.memory_space<vmem>>, vector<1x16xi32>,
    %get3A_1263 = vector.shape_cast %get3A_1262 : vector<1x16xi32> to vector<16xi32>
    %jit3A_1264 = arith.constant 0 : i32
    %broadcast_in_dim3A_1265 = vector.broadcast %jit3A_1264 : i32 to vector<16xi32>
    %select_n3A_1266 = arith.select %eq3A_1258, %get3A_1263, %broadcast_in_dim3A_1265 : vector<16xi1>, vector<16xi32>
    %add3A_1267 = arith.addi %add3A_1255, %select_n3A_1266 : vector<16xi32>
    %eq3A_1268 = arith.constant 4 : i32
    %eq3A_1269 = vector.broadcast %eq3A_1268 : i32 to vector<16xi32>
    %eq3A_1270 = arith.cmpi eq, %shift_right_arithmetic3A_1216, %eq3A_1269 : vector<16xi32>
    %get3A_1271 = arith.constant 4 : i32
    %get3A_1272 = arith.index_cast %get3A_1271 : i32 to index
    %get3A_1273 = arith.constant 0 : index
    %get3A_1274 = tpu.vector_load %arg13[%get3A_1272, %get3A_1273] {strides = array<i32>} : memref<8x16xi32, #tpu.memory_space<vmem>>, vector<1x16xi32>,
    %get3A_1275 = vector.shape_cast %get3A_1274 : vector<1x16xi32> to vector<16xi32>
    %jit3A_1276 = arith.constant 0 : i32
    %broadcast_in_dim3A_1277 = vector.broadcast %jit3A_1276 : i32 to vector<16xi32>
    %select_n3A_1278 = arith.select %eq3A_1270, %get3A_1275, %broadcast_in_dim3A_1277 : vector<16xi1>, vector<16xi32>
    %add3A_1279 = arith.addi %add3A_1267, %select_n3A_1278 : vector<16xi32>
    %eq3A_1280 = arith.constant 5 : i32
    %eq3A_1281 = vector.broadcast %eq3A_1280 : i32 to vector<16xi32>
    %eq3A_1282 = arith.cmpi eq, %shift_right_arithmetic3A_1216, %eq3A_1281 : vector<16xi32>
    %get3A_1283 = arith.constant 5 : i32
    %get3A_1284 = arith.index_cast %get3A_1283 : i32 to index
    %get3A_1285 = arith.constant 0 : index
    %get3A_1286 = tpu.vector_load %arg13[%get3A_1284, %get3A_1285] {strides = array<i32>} : memref<8x16xi32, #tpu.memory_space<vmem>>, vector<1x16xi32>,
    %get3A_1287 = vector.shape_cast %get3A_1286 : vector<1x16xi32> to vector<16xi32>
    %jit3A_1288 = arith.constant 0 : i32
    %broadcast_in_dim3A_1289 = vector.broadcast %jit3A_1288 : i32 to vector<16xi32>
    %select_n3A_1290 = arith.select %eq3A_1282, %get3A_1287, %broadcast_in_dim3A_1289 : vector<16xi1>, vector<16xi32>
    %add3A_1291 = arith.addi %add3A_1279, %select_n3A_1290 : vector<16xi32>
    %eq3A_1292 = arith.constant 6 : i32
    %eq3A_1293 = vector.broadcast %eq3A_1292 : i32 to vector<16xi32>
    %eq3A_1294 = arith.cmpi eq, %shift_right_arithmetic3A_1216, %eq3A_1293 : vector<16xi32>
    %get3A_1295 = arith.constant 6 : i32
    %get3A_1296 = arith.index_cast %get3A_1295 : i32 to index
    %get3A_1297 = arith.constant 0 : index
    %get3A_1298 = tpu.vector_load %arg13[%get3A_1296, %get3A_1297] {strides = array<i32>} : memref<8x16xi32, #tpu.memory_space<vmem>>, vector<1x16xi32>,
    %get3A_1299 = vector.shape_cast %get3A_1298 : vector<1x16xi32> to vector<16xi32>
    %jit3A_1300 = arith.constant 0 : i32
    %broadcast_in_dim3A_1301 = vector.broadcast %jit3A_1300 : i32 to vector<16xi32>
    %select_n3A_1302 = arith.select %eq3A_1294, %get3A_1299, %broadcast_in_dim3A_1301 : vector<16xi1>, vector<16xi32>
    %add3A_1303 = arith.addi %add3A_1291, %select_n3A_1302 : vector<16xi32>
    %eq3A_1304 = arith.constant 7 : i32
    %eq3A_1305 = vector.broadcast %eq3A_1304 : i32 to vector<16xi32>
    %eq3A_1306 = arith.cmpi eq, %shift_right_arithmetic3A_1216, %eq3A_1305 : vector<16xi32>
    %get3A_1307 = arith.constant 7 : i32
    %get3A_1308 = arith.index_cast %get3A_1307 : i32 to index
    %get3A_1309 = arith.constant 0 : index
    %get3A_1310 = tpu.vector_load %arg13[%get3A_1308, %get3A_1309] {strides = array<i32>} : memref<8x16xi32, #tpu.memory_space<vmem>>, vector<1x16xi32>,
    %get3A_1311 = vector.shape_cast %get3A_1310 : vector<1x16xi32> to vector<16xi32>
    %jit3A_1312 = arith.constant 0 : i32
    %broadcast_in_dim3A_1313 = vector.broadcast %jit3A_1312 : i32 to vector<16xi32>
    %select_n3A_1314 = arith.select %eq3A_1306, %get3A_1311, %broadcast_in_dim3A_1313 : vector<16xi1>, vector<16xi32>
    %add3A_1315 = arith.addi %add3A_1303, %select_n3A_1314 : vector<16xi32>
    %swap3A_1316 = arith.constant 48 : index
    %swap3A_1317 = tpu.vector_load %arg8[%swap3A_1316] {strides = array<i32>} : memref<64xi32, #tpu.memory_space<vmem>>, vector<16xi32>,
    %swap3A_1318 = vector.shape_cast %swap3A_1317 : vector<16xi32> to vector<16xi32>
    %swap3A_1319 = vector.shape_cast %add3A_1315 : vector<16xi32> to vector<16xi32>
    tpu.vector_store %arg8[%swap3A_1316], %swap3A_1319 {strides = array<i32>} : memref<64xi32, #tpu.memory_space<vmem>>, vector<16xi32>,
    %dma_start3A_1320 = arith.constant 0 : i32
    %dma_start3A_1321 = arith.constant 0 : i32
    %dma_start3A_1322 = tpu.memref_slice %arg2[%dma_start3A_1320, %dma_start3A_1321] : memref<10240x768xf32, #tpu.memory_space<hbm>> -> memref<10240x768xf32, #tpu.memory_space<hbm>>
    tpu.enqueue_indirect_dma source(%dma_start3A_1322 : memref<10240x768xf32, #tpu.memory_space<hbm>>) target(%arg10 : memref<64x768xf32, #tpu.memory_space<vmem>>) offsets(%arg8 : memref<64xi32, #tpu.memory_space<vmem>>) semaphore(%arg14 : memref<!tpu.dma_semaphore, #tpu.memory_space<semaphore_mem>>)
    "tpu.region"() ({
      %run_scoped3A = tpu.sem_alloc : memref<!tpu.dma_semaphore, #tpu.memory_space<semaphore_mem>>
      %dma_start3A_1768 = tpu.memref_slice %arg4[%multiple_of3A_883] : memref<4096xi32, #tpu.memory_space<hbm>> -> memref<64xi32, #tpu.memory_space<hbm>>
      %dma_start3A_1769 = tpu.memref_slice %arg4[%multiple_of3A_883] : memref<4096xi32, #tpu.memory_space<hbm>> -> memref<64xi32, #tpu.memory_space<hbm>>
      tpu.enqueue_dma source(%dma_start3A_1769 : memref<64xi32, #tpu.memory_space<hbm>>) target(%arg12 : memref<64xi32, #tpu.memory_space<vmem>>) target_semaphore(%run_scoped3A : memref<!tpu.dma_semaphore, #tpu.memory_space<semaphore_mem>>)
      %dma_wait3A_1770 = tpu.memref_slice %arg4[%multiple_of3A_883] : memref<4096xi32, #tpu.memory_space<hbm>> -> memref<64xi32, #tpu.memory_space<hbm>>
      %dma_wait3A_1771 = tpu.memref_slice %arg4[%multiple_of3A_883] : memref<4096xi32, #tpu.memory_space<hbm>> -> memref<64xi32, #tpu.memory_space<hbm>>
      tpu.wait_dma2 semaphore(%run_scoped3A : memref<!tpu.dma_semaphore, #tpu.memory_space<semaphore_mem>>) src(%dma_wait3A_1771 : memref<64xi32, #tpu.memory_space<hbm>>) dst(%arg12 : memref<64xi32, #tpu.memory_space<vmem>>)
      tpu.yield
    }) : () -> ()
    %get3A_1323 = arith.constant 0 : index
    %get3A_1324 = tpu.vector_load %arg12[%get3A_1323] {strides = array<i32>} : memref<64xi32, #tpu.memory_space<vmem>>, vector<16xi32>,
    %get3A_1325 = vector.shape_cast %get3A_1324 : vector<16xi32> to vector<16xi32>
    %shift_right_arithmetic3A_1326 = arith.constant 13 : i32
    %shift_right_arithmetic3A_1327 = vector.broadcast %shift_right_arithmetic3A_1326 : i32 to vector<16xi32>
    %shift_right_arithmetic3A_1328 = arith.shrsi %get3A_1325, %shift_right_arithmetic3A_1327 : vector<16xi32>
    %and3A_1329 = arith.constant 8191 : i32
    %and3A_1330 = vector.broadcast %and3A_1329 : i32 to vector<16xi32>
    %and3A_1331 = arith.andi %get3A_1325, %and3A_1330 : vector<16xi32>
    %eq3A_1332 = arith.constant 0 : i32
    %eq3A_1333 = vector.broadcast %eq3A_1332 : i32 to vector<16xi32>
    %eq3A_1334 = arith.cmpi eq, %shift_right_arithmetic3A_1328, %eq3A_1333 : vector<16xi32>
    %get3A_1335 = arith.constant 0 : i32
    %get3A_1336 = arith.index_cast %get3A_1335 : i32 to index
    %get3A_1337 = arith.constant 0 : index
    %get3A_1338 = tpu.vector_load %arg13[%get3A_1336, %get3A_1337] {strides = array<i32>} : memref<8x16xi32, #tpu.memory_space<vmem>>, vector<1x16xi32>,
    %get3A_1339 = vector.shape_cast %get3A_1338 : vector<1x16xi32> to vector<16xi32>
    %jit3A_1340 = arith.constant 0 : i32
    %broadcast_in_dim3A_1341 = vector.broadcast %jit3A_1340 : i32 to vector<16xi32>
    %select_n3A_1342 = arith.select %eq3A_1334, %get3A_1339, %broadcast_in_dim3A_1341 : vector<16xi1>, vector<16xi32>
    %add3A_1343 = arith.addi %and3A_1331, %select_n3A_1342 : vector<16xi32>
    %eq3A_1344 = arith.constant 1 : i32
    %eq3A_1345 = vector.broadcast %eq3A_1344 : i32 to vector<16xi32>
    %eq3A_1346 = arith.cmpi eq, %shift_right_arithmetic3A_1328, %eq3A_1345 : vector<16xi32>
    %get3A_1347 = arith.constant 1 : i32
    %get3A_1348 = arith.index_cast %get3A_1347 : i32 to index
    %get3A_1349 = arith.constant 0 : index
    %get3A_1350 = tpu.vector_load %arg13[%get3A_1348, %get3A_1349] {strides = array<i32>} : memref<8x16xi32, #tpu.memory_space<vmem>>, vector<1x16xi32>,
    %get3A_1351 = vector.shape_cast %get3A_1350 : vector<1x16xi32> to vector<16xi32>
    %jit3A_1352 = arith.constant 0 : i32
    %broadcast_in_dim3A_1353 = vector.broadcast %jit3A_1352 : i32 to vector<16xi32>
    %select_n3A_1354 = arith.select %eq3A_1346, %get3A_1351, %broadcast_in_dim3A_1353 : vector<16xi1>, vector<16xi32>
    %add3A_1355 = arith.addi %add3A_1343, %select_n3A_1354 : vector<16xi32>
    %eq3A_1356 = arith.constant 2 : i32
    %eq3A_1357 = vector.broadcast %eq3A_1356 : i32 to vector<16xi32>
    %eq3A_1358 = arith.cmpi eq, %shift_right_arithmetic3A_1328, %eq3A_1357 : vector<16xi32>
    %get3A_1359 = arith.constant 2 : i32
    %get3A_1360 = arith.index_cast %get3A_1359 : i32 to index
    %get3A_1361 = arith.constant 0 : index
    %get3A_1362 = tpu.vector_load %arg13[%get3A_1360, %get3A_1361] {strides = array<i32>} : memref<8x16xi32, #tpu.memory_space<vmem>>, vector<1x16xi32>,
    %get3A_1363 = vector.shape_cast %get3A_1362 : vector<1x16xi32> to vector<16xi32>
    %jit3A_1364 = arith.constant 0 : i32
    %broadcast_in_dim3A_1365 = vector.broadcast %jit3A_1364 : i32 to vector<16xi32>
    %select_n3A_1366 = arith.select %eq3A_1358, %get3A_1363, %broadcast_in_dim3A_1365 : vector<16xi1>, vector<16xi32>
    %add3A_1367 = arith.addi %add3A_1355, %select_n3A_1366 : vector<16xi32>
    %eq3A_1368 = arith.constant 3 : i32
    %eq3A_1369 = vector.broadcast %eq3A_1368 : i32 to vector<16xi32>
    %eq3A_1370 = arith.cmpi eq, %shift_right_arithmetic3A_1328, %eq3A_1369 : vector<16xi32>
    %get3A_1371 = arith.constant 3 : i32
    %get3A_1372 = arith.index_cast %get3A_1371 : i32 to index
    %get3A_1373 = arith.constant 0 : index
    %get3A_1374 = tpu.vector_load %arg13[%get3A_1372, %get3A_1373] {strides = array<i32>} : memref<8x16xi32, #tpu.memory_space<vmem>>, vector<1x16xi32>,
    %get3A_1375 = vector.shape_cast %get3A_1374 : vector<1x16xi32> to vector<16xi32>
    %jit3A_1376 = arith.constant 0 : i32
    %broadcast_in_dim3A_1377 = vector.broadcast %jit3A_1376 : i32 to vector<16xi32>
    %select_n3A_1378 = arith.select %eq3A_1370, %get3A_1375, %broadcast_in_dim3A_1377 : vector<16xi1>, vector<16xi32>
    %add3A_1379 = arith.addi %add3A_1367, %select_n3A_1378 : vector<16xi32>
    %eq3A_1380 = arith.constant 4 : i32
    %eq3A_1381 = vector.broadcast %eq3A_1380 : i32 to vector<16xi32>
    %eq3A_1382 = arith.cmpi eq, %shift_right_arithmetic3A_1328, %eq3A_1381 : vector<16xi32>
    %get3A_1383 = arith.constant 4 : i32
    %get3A_1384 = arith.index_cast %get3A_1383 : i32 to index
    %get3A_1385 = arith.constant 0 : index
    %get3A_1386 = tpu.vector_load %arg13[%get3A_1384, %get3A_1385] {strides = array<i32>} : memref<8x16xi32, #tpu.memory_space<vmem>>, vector<1x16xi32>,
    %get3A_1387 = vector.shape_cast %get3A_1386 : vector<1x16xi32> to vector<16xi32>
    %jit3A_1388 = arith.constant 0 : i32
    %broadcast_in_dim3A_1389 = vector.broadcast %jit3A_1388 : i32 to vector<16xi32>
    %select_n3A_1390 = arith.select %eq3A_1382, %get3A_1387, %broadcast_in_dim3A_1389 : vector<16xi1>, vector<16xi32>
    %add3A_1391 = arith.addi %add3A_1379, %select_n3A_1390 : vector<16xi32>
    %eq3A_1392 = arith.constant 5 : i32
    %eq3A_1393 = vector.broadcast %eq3A_1392 : i32 to vector<16xi32>
    %eq3A_1394 = arith.cmpi eq, %shift_right_arithmetic3A_1328, %eq3A_1393 : vector<16xi32>
    %get3A_1395 = arith.constant 5 : i32
    %get3A_1396 = arith.index_cast %get3A_1395 : i32 to index
    %get3A_1397 = arith.constant 0 : index
    %get3A_1398 = tpu.vector_load %arg13[%get3A_1396, %get3A_1397] {strides = array<i32>} : memref<8x16xi32, #tpu.memory_space<vmem>>, vector<1x16xi32>,
    %get3A_1399 = vector.shape_cast %get3A_1398 : vector<1x16xi32> to vector<16xi32>
    %jit3A_1400 = arith.constant 0 : i32
    %broadcast_in_dim3A_1401 = vector.broadcast %jit3A_1400 : i32 to vector<16xi32>
    %select_n3A_1402 = arith.select %eq3A_1394, %get3A_1399, %broadcast_in_dim3A_1401 : vector<16xi1>, vector<16xi32>
    %add3A_1403 = arith.addi %add3A_1391, %select_n3A_1402 : vector<16xi32>
    %eq3A_1404 = arith.constant 6 : i32
    %eq3A_1405 = vector.broadcast %eq3A_1404 : i32 to vector<16xi32>
    %eq3A_1406 = arith.cmpi eq, %shift_right_arithmetic3A_1328, %eq3A_1405 : vector<16xi32>
    %get3A_1407 = arith.constant 6 : i32
    %get3A_1408 = arith.index_cast %get3A_1407 : i32 to index
    %get3A_1409 = arith.constant 0 : index
    %get3A_1410 = tpu.vector_load %arg13[%get3A_1408, %get3A_1409] {strides = array<i32>} : memref<8x16xi32, #tpu.memory_space<vmem>>, vector<1x16xi32>,
    %get3A_1411 = vector.shape_cast %get3A_1410 : vector<1x16xi32> to vector<16xi32>
    %jit3A_1412 = arith.constant 0 : i32
    %broadcast_in_dim3A_1413 = vector.broadcast %jit3A_1412 : i32 to vector<16xi32>
    %select_n3A_1414 = arith.select %eq3A_1406, %get3A_1411, %broadcast_in_dim3A_1413 : vector<16xi1>, vector<16xi32>
    %add3A_1415 = arith.addi %add3A_1403, %select_n3A_1414 : vector<16xi32>
    %eq3A_1416 = arith.constant 7 : i32
    %eq3A_1417 = vector.broadcast %eq3A_1416 : i32 to vector<16xi32>
    %eq3A_1418 = arith.cmpi eq, %shift_right_arithmetic3A_1328, %eq3A_1417 : vector<16xi32>
    %get3A_1419 = arith.constant 7 : i32
    %get3A_1420 = arith.index_cast %get3A_1419 : i32 to index
    %get3A_1421 = arith.constant 0 : index
    %get3A_1422 = tpu.vector_load %arg13[%get3A_1420, %get3A_1421] {strides = array<i32>} : memref<8x16xi32, #tpu.memory_space<vmem>>, vector<1x16xi32>,
    %get3A_1423 = vector.shape_cast %get3A_1422 : vector<1x16xi32> to vector<16xi32>
    %jit3A_1424 = arith.constant 0 : i32
    %broadcast_in_dim3A_1425 = vector.broadcast %jit3A_1424 : i32 to vector<16xi32>
    %select_n3A_1426 = arith.select %eq3A_1418, %get3A_1423, %broadcast_in_dim3A_1425 : vector<16xi1>, vector<16xi32>
    %add3A_1427 = arith.addi %add3A_1415, %select_n3A_1426 : vector<16xi32>
    %swap3A_1428 = arith.constant 0 : index
    %swap3A_1429 = tpu.vector_load %arg9[%swap3A_1428] {strides = array<i32>} : memref<64xi32, #tpu.memory_space<vmem>>, vector<16xi32>,
    %swap3A_1430 = vector.shape_cast %swap3A_1429 : vector<16xi32> to vector<16xi32>
    %swap3A_1431 = vector.shape_cast %add3A_1427 : vector<16xi32> to vector<16xi32>
    tpu.vector_store %arg9[%swap3A_1428], %swap3A_1431 {strides = array<i32>} : memref<64xi32, #tpu.memory_space<vmem>>, vector<16xi32>,
    %get3A_1432 = arith.constant 16 : index
    %get3A_1433 = tpu.vector_load %arg12[%get3A_1432] {strides = array<i32>} : memref<64xi32, #tpu.memory_space<vmem>>, vector<16xi32>,
    %get3A_1434 = vector.shape_cast %get3A_1433 : vector<16xi32> to vector<16xi32>
    %shift_right_arithmetic3A_1435 = arith.constant 13 : i32
    %shift_right_arithmetic3A_1436 = vector.broadcast %shift_right_arithmetic3A_1435 : i32 to vector<16xi32>
    %shift_right_arithmetic3A_1437 = arith.shrsi %get3A_1434, %shift_right_arithmetic3A_1436 : vector<16xi32>
    %and3A_1438 = arith.constant 8191 : i32
    %and3A_1439 = vector.broadcast %and3A_1438 : i32 to vector<16xi32>
    %and3A_1440 = arith.andi %get3A_1434, %and3A_1439 : vector<16xi32>
    %eq3A_1441 = arith.constant 0 : i32
    %eq3A_1442 = vector.broadcast %eq3A_1441 : i32 to vector<16xi32>
    %eq3A_1443 = arith.cmpi eq, %shift_right_arithmetic3A_1437, %eq3A_1442 : vector<16xi32>
    %get3A_1444 = arith.constant 0 : i32
    %get3A_1445 = arith.index_cast %get3A_1444 : i32 to index
    %get3A_1446 = arith.constant 0 : index
    %get3A_1447 = tpu.vector_load %arg13[%get3A_1445, %get3A_1446] {strides = array<i32>} : memref<8x16xi32, #tpu.memory_space<vmem>>, vector<1x16xi32>,
    %get3A_1448 = vector.shape_cast %get3A_1447 : vector<1x16xi32> to vector<16xi32>
    %jit3A_1449 = arith.constant 0 : i32
    %broadcast_in_dim3A_1450 = vector.broadcast %jit3A_1449 : i32 to vector<16xi32>
    %select_n3A_1451 = arith.select %eq3A_1443, %get3A_1448, %broadcast_in_dim3A_1450 : vector<16xi1>, vector<16xi32>
    %add3A_1452 = arith.addi %and3A_1440, %select_n3A_1451 : vector<16xi32>
    %eq3A_1453 = arith.constant 1 : i32
    %eq3A_1454 = vector.broadcast %eq3A_1453 : i32 to vector<16xi32>
    %eq3A_1455 = arith.cmpi eq, %shift_right_arithmetic3A_1437, %eq3A_1454 : vector<16xi32>
    %get3A_1456 = arith.constant 1 : i32
    %get3A_1457 = arith.index_cast %get3A_1456 : i32 to index
    %get3A_1458 = arith.constant 0 : index
    %get3A_1459 = tpu.vector_load %arg13[%get3A_1457, %get3A_1458] {strides = array<i32>} : memref<8x16xi32, #tpu.memory_space<vmem>>, vector<1x16xi32>,
    %get3A_1460 = vector.shape_cast %get3A_1459 : vector<1x16xi32> to vector<16xi32>
    %jit3A_1461 = arith.constant 0 : i32
    %broadcast_in_dim3A_1462 = vector.broadcast %jit3A_1461 : i32 to vector<16xi32>
    %select_n3A_1463 = arith.select %eq3A_1455, %get3A_1460, %broadcast_in_dim3A_1462 : vector<16xi1>, vector<16xi32>
    %add3A_1464 = arith.addi %add3A_1452, %select_n3A_1463 : vector<16xi32>
    %eq3A_1465 = arith.constant 2 : i32
    %eq3A_1466 = vector.broadcast %eq3A_1465 : i32 to vector<16xi32>
    %eq3A_1467 = arith.cmpi eq, %shift_right_arithmetic3A_1437, %eq3A_1466 : vector<16xi32>
    %get3A_1468 = arith.constant 2 : i32
    %get3A_1469 = arith.index_cast %get3A_1468 : i32 to index
    %get3A_1470 = arith.constant 0 : index
    %get3A_1471 = tpu.vector_load %arg13[%get3A_1469, %get3A_1470] {strides = array<i32>} : memref<8x16xi32, #tpu.memory_space<vmem>>, vector<1x16xi32>,
    %get3A_1472 = vector.shape_cast %get3A_1471 : vector<1x16xi32> to vector<16xi32>
    %jit3A_1473 = arith.constant 0 : i32
    %broadcast_in_dim3A_1474 = vector.broadcast %jit3A_1473 : i32 to vector<16xi32>
    %select_n3A_1475 = arith.select %eq3A_1467, %get3A_1472, %broadcast_in_dim3A_1474 : vector<16xi1>, vector<16xi32>
    %add3A_1476 = arith.addi %add3A_1464, %select_n3A_1475 : vector<16xi32>
    %eq3A_1477 = arith.constant 3 : i32
    %eq3A_1478 = vector.broadcast %eq3A_1477 : i32 to vector<16xi32>
    %eq3A_1479 = arith.cmpi eq, %shift_right_arithmetic3A_1437, %eq3A_1478 : vector<16xi32>
    %get3A_1480 = arith.constant 3 : i32
    %get3A_1481 = arith.index_cast %get3A_1480 : i32 to index
    %get3A_1482 = arith.constant 0 : index
    %get3A_1483 = tpu.vector_load %arg13[%get3A_1481, %get3A_1482] {strides = array<i32>} : memref<8x16xi32, #tpu.memory_space<vmem>>, vector<1x16xi32>,
    %get3A_1484 = vector.shape_cast %get3A_1483 : vector<1x16xi32> to vector<16xi32>
    %jit3A_1485 = arith.constant 0 : i32
    %broadcast_in_dim3A_1486 = vector.broadcast %jit3A_1485 : i32 to vector<16xi32>
    %select_n3A_1487 = arith.select %eq3A_1479, %get3A_1484, %broadcast_in_dim3A_1486 : vector<16xi1>, vector<16xi32>
    %add3A_1488 = arith.addi %add3A_1476, %select_n3A_1487 : vector<16xi32>
    %eq3A_1489 = arith.constant 4 : i32
    %eq3A_1490 = vector.broadcast %eq3A_1489 : i32 to vector<16xi32>
    %eq3A_1491 = arith.cmpi eq, %shift_right_arithmetic3A_1437, %eq3A_1490 : vector<16xi32>
    %get3A_1492 = arith.constant 4 : i32
    %get3A_1493 = arith.index_cast %get3A_1492 : i32 to index
    %get3A_1494 = arith.constant 0 : index
    %get3A_1495 = tpu.vector_load %arg13[%get3A_1493, %get3A_1494] {strides = array<i32>} : memref<8x16xi32, #tpu.memory_space<vmem>>, vector<1x16xi32>,
    %get3A_1496 = vector.shape_cast %get3A_1495 : vector<1x16xi32> to vector<16xi32>
    %jit3A_1497 = arith.constant 0 : i32
    %broadcast_in_dim3A_1498 = vector.broadcast %jit3A_1497 : i32 to vector<16xi32>
    %select_n3A_1499 = arith.select %eq3A_1491, %get3A_1496, %broadcast_in_dim3A_1498 : vector<16xi1>, vector<16xi32>
    %add3A_1500 = arith.addi %add3A_1488, %select_n3A_1499 : vector<16xi32>
    %eq3A_1501 = arith.constant 5 : i32
    %eq3A_1502 = vector.broadcast %eq3A_1501 : i32 to vector<16xi32>
    %eq3A_1503 = arith.cmpi eq, %shift_right_arithmetic3A_1437, %eq3A_1502 : vector<16xi32>
    %get3A_1504 = arith.constant 5 : i32
    %get3A_1505 = arith.index_cast %get3A_1504 : i32 to index
    %get3A_1506 = arith.constant 0 : index
    %get3A_1507 = tpu.vector_load %arg13[%get3A_1505, %get3A_1506] {strides = array<i32>} : memref<8x16xi32, #tpu.memory_space<vmem>>, vector<1x16xi32>,
    %get3A_1508 = vector.shape_cast %get3A_1507 : vector<1x16xi32> to vector<16xi32>
    %jit3A_1509 = arith.constant 0 : i32
    %broadcast_in_dim3A_1510 = vector.broadcast %jit3A_1509 : i32 to vector<16xi32>
    %select_n3A_1511 = arith.select %eq3A_1503, %get3A_1508, %broadcast_in_dim3A_1510 : vector<16xi1>, vector<16xi32>
    %add3A_1512 = arith.addi %add3A_1500, %select_n3A_1511 : vector<16xi32>
    %eq3A_1513 = arith.constant 6 : i32
    %eq3A_1514 = vector.broadcast %eq3A_1513 : i32 to vector<16xi32>
    %eq3A_1515 = arith.cmpi eq, %shift_right_arithmetic3A_1437, %eq3A_1514 : vector<16xi32>
    %get3A_1516 = arith.constant 6 : i32
    %get3A_1517 = arith.index_cast %get3A_1516 : i32 to index
    %get3A_1518 = arith.constant 0 : index
    %get3A_1519 = tpu.vector_load %arg13[%get3A_1517, %get3A_1518] {strides = array<i32>} : memref<8x16xi32, #tpu.memory_space<vmem>>, vector<1x16xi32>,
    %get3A_1520 = vector.shape_cast %get3A_1519 : vector<1x16xi32> to vector<16xi32>
    %jit3A_1521 = arith.constant 0 : i32
    %broadcast_in_dim3A_1522 = vector.broadcast %jit3A_1521 : i32 to vector<16xi32>
    %select_n3A_1523 = arith.select %eq3A_1515, %get3A_1520, %broadcast_in_dim3A_1522 : vector<16xi1>, vector<16xi32>
    %add3A_1524 = arith.addi %add3A_1512, %select_n3A_1523 : vector<16xi32>
    %eq3A_1525 = arith.constant 7 : i32
    %eq3A_1526 = vector.broadcast %eq3A_1525 : i32 to vector<16xi32>
    %eq3A_1527 = arith.cmpi eq, %shift_right_arithmetic3A_1437, %eq3A_1526 : vector<16xi32>
    %get3A_1528 = arith.constant 7 : i32
    %get3A_1529 = arith.index_cast %get3A_1528 : i32 to index
    %get3A_1530 = arith.constant 0 : index
    %get3A_1531 = tpu.vector_load %arg13[%get3A_1529, %get3A_1530] {strides = array<i32>} : memref<8x16xi32, #tpu.memory_space<vmem>>, vector<1x16xi32>,
    %get3A_1532 = vector.shape_cast %get3A_1531 : vector<1x16xi32> to vector<16xi32>
    %jit3A_1533 = arith.constant 0 : i32
    %broadcast_in_dim3A_1534 = vector.broadcast %jit3A_1533 : i32 to vector<16xi32>
    %select_n3A_1535 = arith.select %eq3A_1527, %get3A_1532, %broadcast_in_dim3A_1534 : vector<16xi1>, vector<16xi32>
    %add3A_1536 = arith.addi %add3A_1524, %select_n3A_1535 : vector<16xi32>
    %swap3A_1537 = arith.constant 16 : index
    %swap3A_1538 = tpu.vector_load %arg9[%swap3A_1537] {strides = array<i32>} : memref<64xi32, #tpu.memory_space<vmem>>, vector<16xi32>,
    %swap3A_1539 = vector.shape_cast %swap3A_1538 : vector<16xi32> to vector<16xi32>
    %swap3A_1540 = vector.shape_cast %add3A_1536 : vector<16xi32> to vector<16xi32>
    tpu.vector_store %arg9[%swap3A_1537], %swap3A_1540 {strides = array<i32>} : memref<64xi32, #tpu.memory_space<vmem>>, vector<16xi32>,
    %get3A_1541 = arith.constant 32 : index
    %get3A_1542 = tpu.vector_load %arg12[%get3A_1541] {strides = array<i32>} : memref<64xi32, #tpu.memory_space<vmem>>, vector<16xi32>,
    %get3A_1543 = vector.shape_cast %get3A_1542 : vector<16xi32> to vector<16xi32>
    %shift_right_arithmetic3A_1544 = arith.constant 13 : i32
    %shift_right_arithmetic3A_1545 = vector.broadcast %shift_right_arithmetic3A_1544 : i32 to vector<16xi32>
    %shift_right_arithmetic3A_1546 = arith.shrsi %get3A_1543, %shift_right_arithmetic3A_1545 : vector<16xi32>
    %and3A_1547 = arith.constant 8191 : i32
    %and3A_1548 = vector.broadcast %and3A_1547 : i32 to vector<16xi32>
    %and3A_1549 = arith.andi %get3A_1543, %and3A_1548 : vector<16xi32>
    %eq3A_1550 = arith.constant 0 : i32
    %eq3A_1551 = vector.broadcast %eq3A_1550 : i32 to vector<16xi32>
    %eq3A_1552 = arith.cmpi eq, %shift_right_arithmetic3A_1546, %eq3A_1551 : vector<16xi32>
    %get3A_1553 = arith.constant 0 : i32
    %get3A_1554 = arith.index_cast %get3A_1553 : i32 to index
    %get3A_1555 = arith.constant 0 : index
    %get3A_1556 = tpu.vector_load %arg13[%get3A_1554, %get3A_1555] {strides = array<i32>} : memref<8x16xi32, #tpu.memory_space<vmem>>, vector<1x16xi32>,
    %get3A_1557 = vector.shape_cast %get3A_1556 : vector<1x16xi32> to vector<16xi32>
    %jit3A_1558 = arith.constant 0 : i32
    %broadcast_in_dim3A_1559 = vector.broadcast %jit3A_1558 : i32 to vector<16xi32>
    %select_n3A_1560 = arith.select %eq3A_1552, %get3A_1557, %broadcast_in_dim3A_1559 : vector<16xi1>, vector<16xi32>
    %add3A_1561 = arith.addi %and3A_1549, %select_n3A_1560 : vector<16xi32>
    %eq3A_1562 = arith.constant 1 : i32
    %eq3A_1563 = vector.broadcast %eq3A_1562 : i32 to vector<16xi32>
    %eq3A_1564 = arith.cmpi eq, %shift_right_arithmetic3A_1546, %eq3A_1563 : vector<16xi32>
    %get3A_1565 = arith.constant 1 : i32
    %get3A_1566 = arith.index_cast %get3A_1565 : i32 to index
    %get3A_1567 = arith.constant 0 : index
    %get3A_1568 = tpu.vector_load %arg13[%get3A_1566, %get3A_1567] {strides = array<i32>} : memref<8x16xi32, #tpu.memory_space<vmem>>, vector<1x16xi32>,
    %get3A_1569 = vector.shape_cast %get3A_1568 : vector<1x16xi32> to vector<16xi32>
    %jit3A_1570 = arith.constant 0 : i32
    %broadcast_in_dim3A_1571 = vector.broadcast %jit3A_1570 : i32 to vector<16xi32>
    %select_n3A_1572 = arith.select %eq3A_1564, %get3A_1569, %broadcast_in_dim3A_1571 : vector<16xi1>, vector<16xi32>
    %add3A_1573 = arith.addi %add3A_1561, %select_n3A_1572 : vector<16xi32>
    %eq3A_1574 = arith.constant 2 : i32
    %eq3A_1575 = vector.broadcast %eq3A_1574 : i32 to vector<16xi32>
    %eq3A_1576 = arith.cmpi eq, %shift_right_arithmetic3A_1546, %eq3A_1575 : vector<16xi32>
    %get3A_1577 = arith.constant 2 : i32
    %get3A_1578 = arith.index_cast %get3A_1577 : i32 to index
    %get3A_1579 = arith.constant 0 : index
    %get3A_1580 = tpu.vector_load %arg13[%get3A_1578, %get3A_1579] {strides = array<i32>} : memref<8x16xi32, #tpu.memory_space<vmem>>, vector<1x16xi32>,
    %get3A_1581 = vector.shape_cast %get3A_1580 : vector<1x16xi32> to vector<16xi32>
    %jit3A_1582 = arith.constant 0 : i32
    %broadcast_in_dim3A_1583 = vector.broadcast %jit3A_1582 : i32 to vector<16xi32>
    %select_n3A_1584 = arith.select %eq3A_1576, %get3A_1581, %broadcast_in_dim3A_1583 : vector<16xi1>, vector<16xi32>
    %add3A_1585 = arith.addi %add3A_1573, %select_n3A_1584 : vector<16xi32>
    %eq3A_1586 = arith.constant 3 : i32
    %eq3A_1587 = vector.broadcast %eq3A_1586 : i32 to vector<16xi32>
    %eq3A_1588 = arith.cmpi eq, %shift_right_arithmetic3A_1546, %eq3A_1587 : vector<16xi32>
    %get3A_1589 = arith.constant 3 : i32
    %get3A_1590 = arith.index_cast %get3A_1589 : i32 to index
    %get3A_1591 = arith.constant 0 : index
    %get3A_1592 = tpu.vector_load %arg13[%get3A_1590, %get3A_1591] {strides = array<i32>} : memref<8x16xi32, #tpu.memory_space<vmem>>, vector<1x16xi32>,
    %get3A_1593 = vector.shape_cast %get3A_1592 : vector<1x16xi32> to vector<16xi32>
    %jit3A_1594 = arith.constant 0 : i32
    %broadcast_in_dim3A_1595 = vector.broadcast %jit3A_1594 : i32 to vector<16xi32>
    %select_n3A_1596 = arith.select %eq3A_1588, %get3A_1593, %broadcast_in_dim3A_1595 : vector<16xi1>, vector<16xi32>
    %add3A_1597 = arith.addi %add3A_1585, %select_n3A_1596 : vector<16xi32>
    %eq3A_1598 = arith.constant 4 : i32
    %eq3A_1599 = vector.broadcast %eq3A_1598 : i32 to vector<16xi32>
    %eq3A_1600 = arith.cmpi eq, %shift_right_arithmetic3A_1546, %eq3A_1599 : vector<16xi32>
    %get3A_1601 = arith.constant 4 : i32
    %get3A_1602 = arith.index_cast %get3A_1601 : i32 to index
    %get3A_1603 = arith.constant 0 : index
    %get3A_1604 = tpu.vector_load %arg13[%get3A_1602, %get3A_1603] {strides = array<i32>} : memref<8x16xi32, #tpu.memory_space<vmem>>, vector<1x16xi32>,
    %get3A_1605 = vector.shape_cast %get3A_1604 : vector<1x16xi32> to vector<16xi32>
    %jit3A_1606 = arith.constant 0 : i32
    %broadcast_in_dim3A_1607 = vector.broadcast %jit3A_1606 : i32 to vector<16xi32>
    %select_n3A_1608 = arith.select %eq3A_1600, %get3A_1605, %broadcast_in_dim3A_1607 : vector<16xi1>, vector<16xi32>
    %add3A_1609 = arith.addi %add3A_1597, %select_n3A_1608 : vector<16xi32>
    %eq3A_1610 = arith.constant 5 : i32
    %eq3A_1611 = vector.broadcast %eq3A_1610 : i32 to vector<16xi32>
    %eq3A_1612 = arith.cmpi eq, %shift_right_arithmetic3A_1546, %eq3A_1611 : vector<16xi32>
    %get3A_1613 = arith.constant 5 : i32
    %get3A_1614 = arith.index_cast %get3A_1613 : i32 to index
    %get3A_1615 = arith.constant 0 : index
    %get3A_1616 = tpu.vector_load %arg13[%get3A_1614, %get3A_1615] {strides = array<i32>} : memref<8x16xi32, #tpu.memory_space<vmem>>, vector<1x16xi32>,
    %get3A_1617 = vector.shape_cast %get3A_1616 : vector<1x16xi32> to vector<16xi32>
    %jit3A_1618 = arith.constant 0 : i32
    %broadcast_in_dim3A_1619 = vector.broadcast %jit3A_1618 : i32 to vector<16xi32>
    %select_n3A_1620 = arith.select %eq3A_1612, %get3A_1617, %broadcast_in_dim3A_1619 : vector<16xi1>, vector<16xi32>
    %add3A_1621 = arith.addi %add3A_1609, %select_n3A_1620 : vector<16xi32>
    %eq3A_1622 = arith.constant 6 : i32
    %eq3A_1623 = vector.broadcast %eq3A_1622 : i32 to vector<16xi32>
    %eq3A_1624 = arith.cmpi eq, %shift_right_arithmetic3A_1546, %eq3A_1623 : vector<16xi32>
    %get3A_1625 = arith.constant 6 : i32
    %get3A_1626 = arith.index_cast %get3A_1625 : i32 to index
    %get3A_1627 = arith.constant 0 : index
    %get3A_1628 = tpu.vector_load %arg13[%get3A_1626, %get3A_1627] {strides = array<i32>} : memref<8x16xi32, #tpu.memory_space<vmem>>, vector<1x16xi32>,
    %get3A_1629 = vector.shape_cast %get3A_1628 : vector<1x16xi32> to vector<16xi32>
    %jit3A_1630 = arith.constant 0 : i32
    %broadcast_in_dim3A_1631 = vector.broadcast %jit3A_1630 : i32 to vector<16xi32>
    %select_n3A_1632 = arith.select %eq3A_1624, %get3A_1629, %broadcast_in_dim3A_1631 : vector<16xi1>, vector<16xi32>
    %add3A_1633 = arith.addi %add3A_1621, %select_n3A_1632 : vector<16xi32>
    %eq3A_1634 = arith.constant 7 : i32
    %eq3A_1635 = vector.broadcast %eq3A_1634 : i32 to vector<16xi32>
    %eq3A_1636 = arith.cmpi eq, %shift_right_arithmetic3A_1546, %eq3A_1635 : vector<16xi32>
    %get3A_1637 = arith.constant 7 : i32
    %get3A_1638 = arith.index_cast %get3A_1637 : i32 to index
    %get3A_1639 = arith.constant 0 : index
    %get3A_1640 = tpu.vector_load %arg13[%get3A_1638, %get3A_1639] {strides = array<i32>} : memref<8x16xi32, #tpu.memory_space<vmem>>, vector<1x16xi32>,
    %get3A_1641 = vector.shape_cast %get3A_1640 : vector<1x16xi32> to vector<16xi32>
    %jit3A_1642 = arith.constant 0 : i32
    %broadcast_in_dim3A_1643 = vector.broadcast %jit3A_1642 : i32 to vector<16xi32>
    %select_n3A_1644 = arith.select %eq3A_1636, %get3A_1641, %broadcast_in_dim3A_1643 : vector<16xi1>, vector<16xi32>
    %add3A_1645 = arith.addi %add3A_1633, %select_n3A_1644 : vector<16xi32>
    %swap3A_1646 = arith.constant 32 : index
    %swap3A_1647 = tpu.vector_load %arg9[%swap3A_1646] {strides = array<i32>} : memref<64xi32, #tpu.memory_space<vmem>>, vector<16xi32>,
    %swap3A_1648 = vector.shape_cast %swap3A_1647 : vector<16xi32> to vector<16xi32>
    %swap3A_1649 = vector.shape_cast %add3A_1645 : vector<16xi32> to vector<16xi32>
    tpu.vector_store %arg9[%swap3A_1646], %swap3A_1649 {strides = array<i32>} : memref<64xi32, #tpu.memory_space<vmem>>, vector<16xi32>,
    %get3A_1650 = arith.constant 48 : index
    %get3A_1651 = tpu.vector_load %arg12[%get3A_1650] {strides = array<i32>} : memref<64xi32, #tpu.memory_space<vmem>>, vector<16xi32>,
    %get3A_1652 = vector.shape_cast %get3A_1651 : vector<16xi32> to vector<16xi32>
    %shift_right_arithmetic3A_1653 = arith.constant 13 : i32
    %shift_right_arithmetic3A_1654 = vector.broadcast %shift_right_arithmetic3A_1653 : i32 to vector<16xi32>
    %shift_right_arithmetic3A_1655 = arith.shrsi %get3A_1652, %shift_right_arithmetic3A_1654 : vector<16xi32>
    %and3A_1656 = arith.constant 8191 : i32
    %and3A_1657 = vector.broadcast %and3A_1656 : i32 to vector<16xi32>
    %and3A_1658 = arith.andi %get3A_1652, %and3A_1657 : vector<16xi32>
    %eq3A_1659 = arith.constant 0 : i32
    %eq3A_1660 = vector.broadcast %eq3A_1659 : i32 to vector<16xi32>
    %eq3A_1661 = arith.cmpi eq, %shift_right_arithmetic3A_1655, %eq3A_1660 : vector<16xi32>
    %get3A_1662 = arith.constant 0 : i32
    %get3A_1663 = arith.index_cast %get3A_1662 : i32 to index
    %get3A_1664 = arith.constant 0 : index
    %get3A_1665 = tpu.vector_load %arg13[%get3A_1663, %get3A_1664] {strides = array<i32>} : memref<8x16xi32, #tpu.memory_space<vmem>>, vector<1x16xi32>,
    %get3A_1666 = vector.shape_cast %get3A_1665 : vector<1x16xi32> to vector<16xi32>
    %jit3A_1667 = arith.constant 0 : i32
    %broadcast_in_dim3A_1668 = vector.broadcast %jit3A_1667 : i32 to vector<16xi32>
    %select_n3A_1669 = arith.select %eq3A_1661, %get3A_1666, %broadcast_in_dim3A_1668 : vector<16xi1>, vector<16xi32>
    %add3A_1670 = arith.addi %and3A_1658, %select_n3A_1669 : vector<16xi32>
    %eq3A_1671 = arith.constant 1 : i32
    %eq3A_1672 = vector.broadcast %eq3A_1671 : i32 to vector<16xi32>
    %eq3A_1673 = arith.cmpi eq, %shift_right_arithmetic3A_1655, %eq3A_1672 : vector<16xi32>
    %get3A_1674 = arith.constant 1 : i32
    %get3A_1675 = arith.index_cast %get3A_1674 : i32 to index
    %get3A_1676 = arith.constant 0 : index
    %get3A_1677 = tpu.vector_load %arg13[%get3A_1675, %get3A_1676] {strides = array<i32>} : memref<8x16xi32, #tpu.memory_space<vmem>>, vector<1x16xi32>,
    %get3A_1678 = vector.shape_cast %get3A_1677 : vector<1x16xi32> to vector<16xi32>
    %jit3A_1679 = arith.constant 0 : i32
    %broadcast_in_dim3A_1680 = vector.broadcast %jit3A_1679 : i32 to vector<16xi32>
    %select_n3A_1681 = arith.select %eq3A_1673, %get3A_1678, %broadcast_in_dim3A_1680 : vector<16xi1>, vector<16xi32>
    %add3A_1682 = arith.addi %add3A_1670, %select_n3A_1681 : vector<16xi32>
    %eq3A_1683 = arith.constant 2 : i32
    %eq3A_1684 = vector.broadcast %eq3A_1683 : i32 to vector<16xi32>
    %eq3A_1685 = arith.cmpi eq, %shift_right_arithmetic3A_1655, %eq3A_1684 : vector<16xi32>
    %get3A_1686 = arith.constant 2 : i32
    %get3A_1687 = arith.index_cast %get3A_1686 : i32 to index
    %get3A_1688 = arith.constant 0 : index
    %get3A_1689 = tpu.vector_load %arg13[%get3A_1687, %get3A_1688] {strides = array<i32>} : memref<8x16xi32, #tpu.memory_space<vmem>>, vector<1x16xi32>,
    %get3A_1690 = vector.shape_cast %get3A_1689 : vector<1x16xi32> to vector<16xi32>
    %jit3A_1691 = arith.constant 0 : i32
    %broadcast_in_dim3A_1692 = vector.broadcast %jit3A_1691 : i32 to vector<16xi32>
    %select_n3A_1693 = arith.select %eq3A_1685, %get3A_1690, %broadcast_in_dim3A_1692 : vector<16xi1>, vector<16xi32>
    %add3A_1694 = arith.addi %add3A_1682, %select_n3A_1693 : vector<16xi32>
    %eq3A_1695 = arith.constant 3 : i32
    %eq3A_1696 = vector.broadcast %eq3A_1695 : i32 to vector<16xi32>
    %eq3A_1697 = arith.cmpi eq, %shift_right_arithmetic3A_1655, %eq3A_1696 : vector<16xi32>
    %get3A_1698 = arith.constant 3 : i32
    %get3A_1699 = arith.index_cast %get3A_1698 : i32 to index
    %get3A_1700 = arith.constant 0 : index
    %get3A_1701 = tpu.vector_load %arg13[%get3A_1699, %get3A_1700] {strides = array<i32>} : memref<8x16xi32, #tpu.memory_space<vmem>>, vector<1x16xi32>,
    %get3A_1702 = vector.shape_cast %get3A_1701 : vector<1x16xi32> to vector<16xi32>
    %jit3A_1703 = arith.constant 0 : i32
    %broadcast_in_dim3A_1704 = vector.broadcast %jit3A_1703 : i32 to vector<16xi32>
    %select_n3A_1705 = arith.select %eq3A_1697, %get3A_1702, %broadcast_in_dim3A_1704 : vector<16xi1>, vector<16xi32>
    %add3A_1706 = arith.addi %add3A_1694, %select_n3A_1705 : vector<16xi32>
    %eq3A_1707 = arith.constant 4 : i32
    %eq3A_1708 = vector.broadcast %eq3A_1707 : i32 to vector<16xi32>
    %eq3A_1709 = arith.cmpi eq, %shift_right_arithmetic3A_1655, %eq3A_1708 : vector<16xi32>
    %get3A_1710 = arith.constant 4 : i32
    %get3A_1711 = arith.index_cast %get3A_1710 : i32 to index
    %get3A_1712 = arith.constant 0 : index
    %get3A_1713 = tpu.vector_load %arg13[%get3A_1711, %get3A_1712] {strides = array<i32>} : memref<8x16xi32, #tpu.memory_space<vmem>>, vector<1x16xi32>,
    %get3A_1714 = vector.shape_cast %get3A_1713 : vector<1x16xi32> to vector<16xi32>
    %jit3A_1715 = arith.constant 0 : i32
    %broadcast_in_dim3A_1716 = vector.broadcast %jit3A_1715 : i32 to vector<16xi32>
    %select_n3A_1717 = arith.select %eq3A_1709, %get3A_1714, %broadcast_in_dim3A_1716 : vector<16xi1>, vector<16xi32>
    %add3A_1718 = arith.addi %add3A_1706, %select_n3A_1717 : vector<16xi32>
    %eq3A_1719 = arith.constant 5 : i32
    %eq3A_1720 = vector.broadcast %eq3A_1719 : i32 to vector<16xi32>
    %eq3A_1721 = arith.cmpi eq, %shift_right_arithmetic3A_1655, %eq3A_1720 : vector<16xi32>
    %get3A_1722 = arith.constant 5 : i32
    %get3A_1723 = arith.index_cast %get3A_1722 : i32 to index
    %get3A_1724 = arith.constant 0 : index
    %get3A_1725 = tpu.vector_load %arg13[%get3A_1723, %get3A_1724] {strides = array<i32>} : memref<8x16xi32, #tpu.memory_space<vmem>>, vector<1x16xi32>,
    %get3A_1726 = vector.shape_cast %get3A_1725 : vector<1x16xi32> to vector<16xi32>
    %jit3A_1727 = arith.constant 0 : i32
    %broadcast_in_dim3A_1728 = vector.broadcast %jit3A_1727 : i32 to vector<16xi32>
    %select_n3A_1729 = arith.select %eq3A_1721, %get3A_1726, %broadcast_in_dim3A_1728 : vector<16xi1>, vector<16xi32>
    %add3A_1730 = arith.addi %add3A_1718, %select_n3A_1729 : vector<16xi32>
    %eq3A_1731 = arith.constant 6 : i32
    %eq3A_1732 = vector.broadcast %eq3A_1731 : i32 to vector<16xi32>
    %eq3A_1733 = arith.cmpi eq, %shift_right_arithmetic3A_1655, %eq3A_1732 : vector<16xi32>
    %get3A_1734 = arith.constant 6 : i32
    %get3A_1735 = arith.index_cast %get3A_1734 : i32 to index
    %get3A_1736 = arith.constant 0 : index
    %get3A_1737 = tpu.vector_load %arg13[%get3A_1735, %get3A_1736] {strides = array<i32>} : memref<8x16xi32, #tpu.memory_space<vmem>>, vector<1x16xi32>,
    %get3A_1738 = vector.shape_cast %get3A_1737 : vector<1x16xi32> to vector<16xi32>
    %jit3A_1739 = arith.constant 0 : i32
    %broadcast_in_dim3A_1740 = vector.broadcast %jit3A_1739 : i32 to vector<16xi32>
    %select_n3A_1741 = arith.select %eq3A_1733, %get3A_1738, %broadcast_in_dim3A_1740 : vector<16xi1>, vector<16xi32>
    %add3A_1742 = arith.addi %add3A_1730, %select_n3A_1741 : vector<16xi32>
    %eq3A_1743 = arith.constant 7 : i32
    %eq3A_1744 = vector.broadcast %eq3A_1743 : i32 to vector<16xi32>
    %eq3A_1745 = arith.cmpi eq, %shift_right_arithmetic3A_1655, %eq3A_1744 : vector<16xi32>
    %get3A_1746 = arith.constant 7 : i32
    %get3A_1747 = arith.index_cast %get3A_1746 : i32 to index
    %get3A_1748 = arith.constant 0 : index
    %get3A_1749 = tpu.vector_load %arg13[%get3A_1747, %get3A_1748] {strides = array<i32>} : memref<8x16xi32, #tpu.memory_space<vmem>>, vector<1x16xi32>,
    %get3A_1750 = vector.shape_cast %get3A_1749 : vector<1x16xi32> to vector<16xi32>
    %jit3A_1751 = arith.constant 0 : i32
    %broadcast_in_dim3A_1752 = vector.broadcast %jit3A_1751 : i32 to vector<16xi32>
    %select_n3A_1753 = arith.select %eq3A_1745, %get3A_1750, %broadcast_in_dim3A_1752 : vector<16xi1>, vector<16xi32>
    %add3A_1754 = arith.addi %add3A_1742, %select_n3A_1753 : vector<16xi32>
    %swap3A_1755 = arith.constant 48 : index
    %swap3A_1756 = tpu.vector_load %arg9[%swap3A_1755] {strides = array<i32>} : memref<64xi32, #tpu.memory_space<vmem>>, vector<16xi32>,
    %swap3A_1757 = vector.shape_cast %swap3A_1756 : vector<16xi32> to vector<16xi32>
    %swap3A_1758 = vector.shape_cast %add3A_1754 : vector<16xi32> to vector<16xi32>
    tpu.vector_store %arg9[%swap3A_1755], %swap3A_1758 {strides = array<i32>} : memref<64xi32, #tpu.memory_space<vmem>>, vector<16xi32>,
    %dma_start3A_1759 = arith.constant 0 : i32
    %dma_start3A_1760 = arith.constant 0 : i32
    %dma_start3A_1761 = tpu.memref_slice %arg2[%dma_start3A_1759, %dma_start3A_1760] : memref<10240x768xf32, #tpu.memory_space<hbm>> -> memref<10240x768xf32, #tpu.memory_space<hbm>>
    tpu.enqueue_indirect_dma source(%dma_start3A_1761 : memref<10240x768xf32, #tpu.memory_space<hbm>>) target(%arg11 : memref<64x768xf32, #tpu.memory_space<vmem>>) offsets(%arg9 : memref<64xi32, #tpu.memory_space<vmem>>) semaphore(%arg14 : memref<!tpu.dma_semaphore, #tpu.memory_space<semaphore_mem>>)
    %dma_wait3A_1762 = arith.constant 0 : i32
    %dma_wait3A_1763 = arith.constant 0 : i32
    %dma_wait3A_1764 = tpu.memref_slice %arg2[%dma_wait3A_1762, %dma_wait3A_1763] : memref<10240x768xf32, #tpu.memory_space<hbm>> -> memref<10240x768xf32, #tpu.memory_space<hbm>>
    tpu.wait_indirect_dma semaphore(%arg14 : memref<!tpu.dma_semaphore, #tpu.memory_space<semaphore_mem>>) src(%dma_wait3A_1764 : memref<10240x768xf32, #tpu.memory_space<hbm>>) dst(%arg10 : memref<64x768xf32, #tpu.memory_space<vmem>>)
    "tpu.region"() ({
      %run_scoped3A = tpu.sem_alloc : memref<!tpu.dma_semaphore, #tpu.memory_space<semaphore_mem>>
      %dma_start3A_1768 = arith.constant 0 : i32
      %dma_start3A_1769 = tpu.memref_slice %arg6[%multiple_of3A_883, %dma_start3A_1768] : memref<4096x768xf32, #tpu.memory_space<hbm>> -> memref<64x768xf32, #tpu.memory_space<hbm>>
      %dma_start3A_1770 = arith.constant 0 : i32
      %dma_start3A_1771 = tpu.memref_slice %arg6[%multiple_of3A_883, %dma_start3A_1770] : memref<4096x768xf32, #tpu.memory_space<hbm>> -> memref<64x768xf32, #tpu.memory_space<hbm>>
      tpu.enqueue_dma source(%arg10 : memref<64x768xf32, #tpu.memory_space<vmem>>) target(%dma_start3A_1771 : memref<64x768xf32, #tpu.memory_space<hbm>>) target_semaphore(%run_scoped3A : memref<!tpu.dma_semaphore, #tpu.memory_space<semaphore_mem>>)
      %dma_wait3A_1772 = arith.constant 0 : i32
      %dma_wait3A_1773 = tpu.memref_slice %arg6[%multiple_of3A_883, %dma_wait3A_1772] : memref<4096x768xf32, #tpu.memory_space<hbm>> -> memref<64x768xf32, #tpu.memory_space<hbm>>
      %dma_wait3A_1774 = arith.constant 0 : i32
      %dma_wait3A_1775 = tpu.memref_slice %arg6[%multiple_of3A_883, %dma_wait3A_1774] : memref<4096x768xf32, #tpu.memory_space<hbm>> -> memref<64x768xf32, #tpu.memory_space<hbm>>
      tpu.wait_dma2 semaphore(%run_scoped3A : memref<!tpu.dma_semaphore, #tpu.memory_space<semaphore_mem>>) src(%arg10 : memref<64x768xf32, #tpu.memory_space<vmem>>) dst(%dma_wait3A_1775 : memref<64x768xf32, #tpu.memory_space<hbm>>)
      tpu.yield
    }) : () -> ()
    %dma_wait3A_1765 = arith.constant 0 : i32
    %dma_wait3A_1766 = arith.constant 0 : i32
    %dma_wait3A_1767 = tpu.memref_slice %arg2[%dma_wait3A_1765, %dma_wait3A_1766] : memref<10240x768xf32, #tpu.memory_space<hbm>> -> memref<10240x768xf32, #tpu.memory_space<hbm>>
    tpu.wait_indirect_dma semaphore(%arg14 : memref<!tpu.dma_semaphore, #tpu.memory_space<semaphore_mem>>) src(%dma_wait3A_1767 : memref<10240x768xf32, #tpu.memory_space<hbm>>) dst(%arg11 : memref<64x768xf32, #tpu.memory_space<vmem>>)
    "tpu.region"() ({
      %run_scoped3A = tpu.sem_alloc : memref<!tpu.dma_semaphore, #tpu.memory_space<semaphore_mem>>
      %dma_start3A_1768 = arith.constant 0 : i32
      %dma_start3A_1769 = tpu.memref_slice %arg7[%multiple_of3A_883, %dma_start3A_1768] : memref<4096x768xf32, #tpu.memory_space<hbm>> -> memref<64x768xf32, #tpu.memory_space<hbm>>
      %dma_start3A_1770 = arith.constant 0 : i32
      %dma_start3A_1771 = tpu.memref_slice %arg7[%multiple_of3A_883, %dma_start3A_1770] : memref<4096x768xf32, #tpu.memory_space<hbm>> -> memref<64x768xf32, #tpu.memory_space<hbm>>
      tpu.enqueue_dma source(%arg11 : memref<64x768xf32, #tpu.memory_space<vmem>>) target(%dma_start3A_1771 : memref<64x768xf32, #tpu.memory_space<hbm>>) target_semaphore(%run_scoped3A : memref<!tpu.dma_semaphore, #tpu.memory_space<semaphore_mem>>)
      %dma_wait3A_1772 = arith.constant 0 : i32
      %dma_wait3A_1773 = tpu.memref_slice %arg7[%multiple_of3A_883, %dma_wait3A_1772] : memref<4096x768xf32, #tpu.memory_space<hbm>> -> memref<64x768xf32, #tpu.memory_space<hbm>>
      %dma_wait3A_1774 = arith.constant 0 : i32
      %dma_wait3A_1775 = tpu.memref_slice %arg7[%multiple_of3A_883, %dma_wait3A_1774] : memref<4096x768xf32, #tpu.memory_space<hbm>> -> memref<64x768xf32, #tpu.memory_space<hbm>>
      tpu.wait_dma2 semaphore(%run_scoped3A : memref<!tpu.dma_semaphore, #tpu.memory_space<semaphore_mem>>) src(%arg11 : memref<64x768xf32, #tpu.memory_space<vmem>>) dst(%dma_wait3A_1775 : memref<64x768xf32, #tpu.memory_space<hbm>>)
      tpu.yield
    }) : () -> ()
    return
  }
}

#map = affine_map<(d0, d1) -> (0, 0)>
#map1 = affine_map<(d0, d1) -> (0)>
module attributes {stable_mosaic.version = 14 : i64} {
  func.func @_dispatch_body(%arg0: i32, %arg1: i32, %arg2: memref<4096x768xf32, #tpu.memory_space<hbm>>, %arg3: memref<4096xi32, #tpu.memory_space<hbm>>, %arg4: memref<4096xi32, #tpu.memory_space<hbm>>, %arg5: memref<8x16xi32, #tpu.memory_space<hbm>>, %arg6: memref<10240x768xf32, #tpu.memory_space<hbm>>, %arg7: memref<128x768xf32, #tpu.memory_space<vmem>>, %arg8: memref<128xi32, #tpu.memory_space<vmem>>, %arg9: memref<128xi32, #tpu.memory_space<vmem>>, %arg10: memref<128xi32, #tpu.memory_space<vmem>>, %arg11: memref<8x16xi32, #tpu.memory_space<vmem>>, %arg12: memref<!tpu.dma_semaphore, #tpu.memory_space<semaphore_mem>>) attributes {dimension_semantics = [#tpu.dimension_semantics<core_parallel>, #tpu.dimension_semantics<subcore_parallel>], iteration_bounds = array<i64: 2, 16>, scalar_prefetch = 0 : i64, scratch_operands = 6 : i64, tpu.core_type = #tpu.core_type<sc_vector_subcore>, window_params = [{transform_indices = #map}, {transform_indices = #map1}, {transform_indices = #map1}, {transform_indices = #map}, {transform_indices = #map}]} {
    %mul3A = arith.constant 2 : i32
    %mul3A_0 = arith.muli %arg1, %mul3A : i32
    %add3A = arith.addi %mul3A_0, %arg0 : i32
    "tpu.region"() ({
      %run_scoped3A = tpu.sem_alloc : memref<!tpu.dma_semaphore, #tpu.memory_space<semaphore_mem>>
      tpu.enqueue_dma source(%arg5 : memref<8x16xi32, #tpu.memory_space<hbm>>) target(%arg11 : memref<8x16xi32, #tpu.memory_space<vmem>>) target_semaphore(%run_scoped3A : memref<!tpu.dma_semaphore, #tpu.memory_space<semaphore_mem>>)
      tpu.wait_dma2 semaphore(%run_scoped3A : memref<!tpu.dma_semaphore, #tpu.memory_space<semaphore_mem>>) src(%arg5 : memref<8x16xi32, #tpu.memory_space<hbm>>) dst(%arg11 : memref<8x16xi32, #tpu.memory_space<vmem>>)
      tpu.yield
    }) : () -> ()
    %mul3A_1 = arith.constant 128 : i32
    %mul3A_2 = arith.muli %add3A, %mul3A_1 : i32
    %add3A_3 = arith.constant 0 : i32
    %add3A_4 = arith.addi %mul3A_2, %add3A_3 : i32
    %multiple_of3A = tpu.assume_multiple %add3A_4, 128 : i32
    "tpu.region"() ({
      %run_scoped3A = tpu.sem_alloc : memref<!tpu.dma_semaphore, #tpu.memory_space<semaphore_mem>>
      %dma_start3A_1751 = arith.constant 0 : i32
      %dma_start3A_1752 = tpu.memref_slice %arg2[%multiple_of3A, %dma_start3A_1751] : memref<4096x768xf32, #tpu.memory_space<hbm>> -> memref<128x768xf32, #tpu.memory_space<hbm>>
      %dma_start3A_1753 = arith.constant 0 : i32
      %dma_start3A_1754 = tpu.memref_slice %arg2[%multiple_of3A, %dma_start3A_1753] : memref<4096x768xf32, #tpu.memory_space<hbm>> -> memref<128x768xf32, #tpu.memory_space<hbm>>
      tpu.enqueue_dma source(%dma_start3A_1754 : memref<128x768xf32, #tpu.memory_space<hbm>>) target(%arg7 : memref<128x768xf32, #tpu.memory_space<vmem>>) target_semaphore(%run_scoped3A : memref<!tpu.dma_semaphore, #tpu.memory_space<semaphore_mem>>)
      %dma_wait3A_1755 = arith.constant 0 : i32
      %dma_wait3A_1756 = tpu.memref_slice %arg2[%multiple_of3A, %dma_wait3A_1755] : memref<4096x768xf32, #tpu.memory_space<hbm>> -> memref<128x768xf32, #tpu.memory_space<hbm>>
      %dma_wait3A_1757 = arith.constant 0 : i32
      %dma_wait3A_1758 = tpu.memref_slice %arg2[%multiple_of3A, %dma_wait3A_1757] : memref<4096x768xf32, #tpu.memory_space<hbm>> -> memref<128x768xf32, #tpu.memory_space<hbm>>
      tpu.wait_dma2 semaphore(%run_scoped3A : memref<!tpu.dma_semaphore, #tpu.memory_space<semaphore_mem>>) src(%dma_wait3A_1758 : memref<128x768xf32, #tpu.memory_space<hbm>>) dst(%arg7 : memref<128x768xf32, #tpu.memory_space<vmem>>)
      tpu.yield
    }) : () -> ()
    "tpu.region"() ({
      %run_scoped3A = tpu.sem_alloc : memref<!tpu.dma_semaphore, #tpu.memory_space<semaphore_mem>>
      %dma_start3A_1751 = tpu.memref_slice %arg3[%multiple_of3A] : memref<4096xi32, #tpu.memory_space<hbm>> -> memref<128xi32, #tpu.memory_space<hbm>>
      %dma_start3A_1752 = tpu.memref_slice %arg3[%multiple_of3A] : memref<4096xi32, #tpu.memory_space<hbm>> -> memref<128xi32, #tpu.memory_space<hbm>>
      tpu.enqueue_dma source(%dma_start3A_1752 : memref<128xi32, #tpu.memory_space<hbm>>) target(%arg10 : memref<128xi32, #tpu.memory_space<vmem>>) target_semaphore(%run_scoped3A : memref<!tpu.dma_semaphore, #tpu.memory_space<semaphore_mem>>)
      %dma_wait3A_1753 = tpu.memref_slice %arg3[%multiple_of3A] : memref<4096xi32, #tpu.memory_space<hbm>> -> memref<128xi32, #tpu.memory_space<hbm>>
      %dma_wait3A_1754 = tpu.memref_slice %arg3[%multiple_of3A] : memref<4096xi32, #tpu.memory_space<hbm>> -> memref<128xi32, #tpu.memory_space<hbm>>
      tpu.wait_dma2 semaphore(%run_scoped3A : memref<!tpu.dma_semaphore, #tpu.memory_space<semaphore_mem>>) src(%dma_wait3A_1754 : memref<128xi32, #tpu.memory_space<hbm>>) dst(%arg10 : memref<128xi32, #tpu.memory_space<vmem>>)
      tpu.yield
    }) : () -> ()
    %get3A = arith.constant 0 : index
    %get3A_5 = tpu.vector_load %arg10[%get3A] {strides = array<i32>} : memref<128xi32, #tpu.memory_space<vmem>>, vector<16xi32>,
    %get3A_6 = vector.shape_cast %get3A_5 : vector<16xi32> to vector<16xi32>
    %shift_right_arithmetic3A = arith.constant 13 : i32
    %shift_right_arithmetic3A_7 = vector.broadcast %shift_right_arithmetic3A : i32 to vector<16xi32>
    %shift_right_arithmetic3A_8 = arith.shrsi %get3A_6, %shift_right_arithmetic3A_7 : vector<16xi32>
    %and3A = arith.constant 8191 : i32
    %and3A_9 = vector.broadcast %and3A : i32 to vector<16xi32>
    %and3A_10 = arith.andi %get3A_6, %and3A_9 : vector<16xi32>
    %eq3A = arith.constant 0 : i32
    %eq3A_11 = vector.broadcast %eq3A : i32 to vector<16xi32>
    %eq3A_12 = arith.cmpi eq, %shift_right_arithmetic3A_8, %eq3A_11 : vector<16xi32>
    %get3A_13 = arith.constant 0 : i32
    %get3A_14 = arith.index_cast %get3A_13 : i32 to index
    %get3A_15 = arith.constant 0 : index
    %get3A_16 = tpu.vector_load %arg11[%get3A_14, %get3A_15] {strides = array<i32>} : memref<8x16xi32, #tpu.memory_space<vmem>>, vector<1x16xi32>,
    %get3A_17 = vector.shape_cast %get3A_16 : vector<1x16xi32> to vector<16xi32>
    %jit3A = arith.constant 0 : i32
    %broadcast_in_dim3A = vector.broadcast %jit3A : i32 to vector<16xi32>
    %select_n3A = arith.select %eq3A_12, %get3A_17, %broadcast_in_dim3A : vector<16xi1>, vector<16xi32>
    %add3A_18 = arith.addi %and3A_10, %select_n3A : vector<16xi32>
    %eq3A_19 = arith.constant 1 : i32
    %eq3A_20 = vector.broadcast %eq3A_19 : i32 to vector<16xi32>
    %eq3A_21 = arith.cmpi eq, %shift_right_arithmetic3A_8, %eq3A_20 : vector<16xi32>
    %get3A_22 = arith.constant 1 : i32
    %get3A_23 = arith.index_cast %get3A_22 : i32 to index
    %get3A_24 = arith.constant 0 : index
    %get3A_25 = tpu.vector_load %arg11[%get3A_23, %get3A_24] {strides = array<i32>} : memref<8x16xi32, #tpu.memory_space<vmem>>, vector<1x16xi32>,
    %get3A_26 = vector.shape_cast %get3A_25 : vector<1x16xi32> to vector<16xi32>
    %jit3A_27 = arith.constant 0 : i32
    %broadcast_in_dim3A_28 = vector.broadcast %jit3A_27 : i32 to vector<16xi32>
    %select_n3A_29 = arith.select %eq3A_21, %get3A_26, %broadcast_in_dim3A_28 : vector<16xi1>, vector<16xi32>
    %add3A_30 = arith.addi %add3A_18, %select_n3A_29 : vector<16xi32>
    %eq3A_31 = arith.constant 2 : i32
    %eq3A_32 = vector.broadcast %eq3A_31 : i32 to vector<16xi32>
    %eq3A_33 = arith.cmpi eq, %shift_right_arithmetic3A_8, %eq3A_32 : vector<16xi32>
    %get3A_34 = arith.constant 2 : i32
    %get3A_35 = arith.index_cast %get3A_34 : i32 to index
    %get3A_36 = arith.constant 0 : index
    %get3A_37 = tpu.vector_load %arg11[%get3A_35, %get3A_36] {strides = array<i32>} : memref<8x16xi32, #tpu.memory_space<vmem>>, vector<1x16xi32>,
    %get3A_38 = vector.shape_cast %get3A_37 : vector<1x16xi32> to vector<16xi32>
    %jit3A_39 = arith.constant 0 : i32
    %broadcast_in_dim3A_40 = vector.broadcast %jit3A_39 : i32 to vector<16xi32>
    %select_n3A_41 = arith.select %eq3A_33, %get3A_38, %broadcast_in_dim3A_40 : vector<16xi1>, vector<16xi32>
    %add3A_42 = arith.addi %add3A_30, %select_n3A_41 : vector<16xi32>
    %eq3A_43 = arith.constant 3 : i32
    %eq3A_44 = vector.broadcast %eq3A_43 : i32 to vector<16xi32>
    %eq3A_45 = arith.cmpi eq, %shift_right_arithmetic3A_8, %eq3A_44 : vector<16xi32>
    %get3A_46 = arith.constant 3 : i32
    %get3A_47 = arith.index_cast %get3A_46 : i32 to index
    %get3A_48 = arith.constant 0 : index
    %get3A_49 = tpu.vector_load %arg11[%get3A_47, %get3A_48] {strides = array<i32>} : memref<8x16xi32, #tpu.memory_space<vmem>>, vector<1x16xi32>,
    %get3A_50 = vector.shape_cast %get3A_49 : vector<1x16xi32> to vector<16xi32>
    %jit3A_51 = arith.constant 0 : i32
    %broadcast_in_dim3A_52 = vector.broadcast %jit3A_51 : i32 to vector<16xi32>
    %select_n3A_53 = arith.select %eq3A_45, %get3A_50, %broadcast_in_dim3A_52 : vector<16xi1>, vector<16xi32>
    %add3A_54 = arith.addi %add3A_42, %select_n3A_53 : vector<16xi32>
    %eq3A_55 = arith.constant 4 : i32
    %eq3A_56 = vector.broadcast %eq3A_55 : i32 to vector<16xi32>
    %eq3A_57 = arith.cmpi eq, %shift_right_arithmetic3A_8, %eq3A_56 : vector<16xi32>
    %get3A_58 = arith.constant 4 : i32
    %get3A_59 = arith.index_cast %get3A_58 : i32 to index
    %get3A_60 = arith.constant 0 : index
    %get3A_61 = tpu.vector_load %arg11[%get3A_59, %get3A_60] {strides = array<i32>} : memref<8x16xi32, #tpu.memory_space<vmem>>, vector<1x16xi32>,
    %get3A_62 = vector.shape_cast %get3A_61 : vector<1x16xi32> to vector<16xi32>
    %jit3A_63 = arith.constant 0 : i32
    %broadcast_in_dim3A_64 = vector.broadcast %jit3A_63 : i32 to vector<16xi32>
    %select_n3A_65 = arith.select %eq3A_57, %get3A_62, %broadcast_in_dim3A_64 : vector<16xi1>, vector<16xi32>
    %add3A_66 = arith.addi %add3A_54, %select_n3A_65 : vector<16xi32>
    %eq3A_67 = arith.constant 5 : i32
    %eq3A_68 = vector.broadcast %eq3A_67 : i32 to vector<16xi32>
    %eq3A_69 = arith.cmpi eq, %shift_right_arithmetic3A_8, %eq3A_68 : vector<16xi32>
    %get3A_70 = arith.constant 5 : i32
    %get3A_71 = arith.index_cast %get3A_70 : i32 to index
    %get3A_72 = arith.constant 0 : index
    %get3A_73 = tpu.vector_load %arg11[%get3A_71, %get3A_72] {strides = array<i32>} : memref<8x16xi32, #tpu.memory_space<vmem>>, vector<1x16xi32>,
    %get3A_74 = vector.shape_cast %get3A_73 : vector<1x16xi32> to vector<16xi32>
    %jit3A_75 = arith.constant 0 : i32
    %broadcast_in_dim3A_76 = vector.broadcast %jit3A_75 : i32 to vector<16xi32>
    %select_n3A_77 = arith.select %eq3A_69, %get3A_74, %broadcast_in_dim3A_76 : vector<16xi1>, vector<16xi32>
    %add3A_78 = arith.addi %add3A_66, %select_n3A_77 : vector<16xi32>
    %eq3A_79 = arith.constant 6 : i32
    %eq3A_80 = vector.broadcast %eq3A_79 : i32 to vector<16xi32>
    %eq3A_81 = arith.cmpi eq, %shift_right_arithmetic3A_8, %eq3A_80 : vector<16xi32>
    %get3A_82 = arith.constant 6 : i32
    %get3A_83 = arith.index_cast %get3A_82 : i32 to index
    %get3A_84 = arith.constant 0 : index
    %get3A_85 = tpu.vector_load %arg11[%get3A_83, %get3A_84] {strides = array<i32>} : memref<8x16xi32, #tpu.memory_space<vmem>>, vector<1x16xi32>,
    %get3A_86 = vector.shape_cast %get3A_85 : vector<1x16xi32> to vector<16xi32>
    %jit3A_87 = arith.constant 0 : i32
    %broadcast_in_dim3A_88 = vector.broadcast %jit3A_87 : i32 to vector<16xi32>
    %select_n3A_89 = arith.select %eq3A_81, %get3A_86, %broadcast_in_dim3A_88 : vector<16xi1>, vector<16xi32>
    %add3A_90 = arith.addi %add3A_78, %select_n3A_89 : vector<16xi32>
    %eq3A_91 = arith.constant 7 : i32
    %eq3A_92 = vector.broadcast %eq3A_91 : i32 to vector<16xi32>
    %eq3A_93 = arith.cmpi eq, %shift_right_arithmetic3A_8, %eq3A_92 : vector<16xi32>
    %get3A_94 = arith.constant 7 : i32
    %get3A_95 = arith.index_cast %get3A_94 : i32 to index
    %get3A_96 = arith.constant 0 : index
    %get3A_97 = tpu.vector_load %arg11[%get3A_95, %get3A_96] {strides = array<i32>} : memref<8x16xi32, #tpu.memory_space<vmem>>, vector<1x16xi32>,
    %get3A_98 = vector.shape_cast %get3A_97 : vector<1x16xi32> to vector<16xi32>
    %jit3A_99 = arith.constant 0 : i32
    %broadcast_in_dim3A_100 = vector.broadcast %jit3A_99 : i32 to vector<16xi32>
    %select_n3A_101 = arith.select %eq3A_93, %get3A_98, %broadcast_in_dim3A_100 : vector<16xi1>, vector<16xi32>
    %add3A_102 = arith.addi %add3A_90, %select_n3A_101 : vector<16xi32>
    %swap3A = arith.constant 0 : index
    %swap3A_103 = tpu.vector_load %arg8[%swap3A] {strides = array<i32>} : memref<128xi32, #tpu.memory_space<vmem>>, vector<16xi32>,
    %swap3A_104 = vector.shape_cast %swap3A_103 : vector<16xi32> to vector<16xi32>
    %swap3A_105 = vector.shape_cast %add3A_102 : vector<16xi32> to vector<16xi32>
    tpu.vector_store %arg8[%swap3A], %swap3A_105 {strides = array<i32>} : memref<128xi32, #tpu.memory_space<vmem>>, vector<16xi32>,
    %get3A_106 = arith.constant 16 : index
    %get3A_107 = tpu.vector_load %arg10[%get3A_106] {strides = array<i32>} : memref<128xi32, #tpu.memory_space<vmem>>, vector<16xi32>,
    %get3A_108 = vector.shape_cast %get3A_107 : vector<16xi32> to vector<16xi32>
    %shift_right_arithmetic3A_109 = arith.constant 13 : i32
    %shift_right_arithmetic3A_110 = vector.broadcast %shift_right_arithmetic3A_109 : i32 to vector<16xi32>
    %shift_right_arithmetic3A_111 = arith.shrsi %get3A_108, %shift_right_arithmetic3A_110 : vector<16xi32>
    %and3A_112 = arith.constant 8191 : i32
    %and3A_113 = vector.broadcast %and3A_112 : i32 to vector<16xi32>
    %and3A_114 = arith.andi %get3A_108, %and3A_113 : vector<16xi32>
    %eq3A_115 = arith.constant 0 : i32
    %eq3A_116 = vector.broadcast %eq3A_115 : i32 to vector<16xi32>
    %eq3A_117 = arith.cmpi eq, %shift_right_arithmetic3A_111, %eq3A_116 : vector<16xi32>
    %get3A_118 = arith.constant 0 : i32
    %get3A_119 = arith.index_cast %get3A_118 : i32 to index
    %get3A_120 = arith.constant 0 : index
    %get3A_121 = tpu.vector_load %arg11[%get3A_119, %get3A_120] {strides = array<i32>} : memref<8x16xi32, #tpu.memory_space<vmem>>, vector<1x16xi32>,
    %get3A_122 = vector.shape_cast %get3A_121 : vector<1x16xi32> to vector<16xi32>
    %jit3A_123 = arith.constant 0 : i32
    %broadcast_in_dim3A_124 = vector.broadcast %jit3A_123 : i32 to vector<16xi32>
    %select_n3A_125 = arith.select %eq3A_117, %get3A_122, %broadcast_in_dim3A_124 : vector<16xi1>, vector<16xi32>
    %add3A_126 = arith.addi %and3A_114, %select_n3A_125 : vector<16xi32>
    %eq3A_127 = arith.constant 1 : i32
    %eq3A_128 = vector.broadcast %eq3A_127 : i32 to vector<16xi32>
    %eq3A_129 = arith.cmpi eq, %shift_right_arithmetic3A_111, %eq3A_128 : vector<16xi32>
    %get3A_130 = arith.constant 1 : i32
    %get3A_131 = arith.index_cast %get3A_130 : i32 to index
    %get3A_132 = arith.constant 0 : index
    %get3A_133 = tpu.vector_load %arg11[%get3A_131, %get3A_132] {strides = array<i32>} : memref<8x16xi32, #tpu.memory_space<vmem>>, vector<1x16xi32>,
    %get3A_134 = vector.shape_cast %get3A_133 : vector<1x16xi32> to vector<16xi32>
    %jit3A_135 = arith.constant 0 : i32
    %broadcast_in_dim3A_136 = vector.broadcast %jit3A_135 : i32 to vector<16xi32>
    %select_n3A_137 = arith.select %eq3A_129, %get3A_134, %broadcast_in_dim3A_136 : vector<16xi1>, vector<16xi32>
    %add3A_138 = arith.addi %add3A_126, %select_n3A_137 : vector<16xi32>
    %eq3A_139 = arith.constant 2 : i32
    %eq3A_140 = vector.broadcast %eq3A_139 : i32 to vector<16xi32>
    %eq3A_141 = arith.cmpi eq, %shift_right_arithmetic3A_111, %eq3A_140 : vector<16xi32>
    %get3A_142 = arith.constant 2 : i32
    %get3A_143 = arith.index_cast %get3A_142 : i32 to index
    %get3A_144 = arith.constant 0 : index
    %get3A_145 = tpu.vector_load %arg11[%get3A_143, %get3A_144] {strides = array<i32>} : memref<8x16xi32, #tpu.memory_space<vmem>>, vector<1x16xi32>,
    %get3A_146 = vector.shape_cast %get3A_145 : vector<1x16xi32> to vector<16xi32>
    %jit3A_147 = arith.constant 0 : i32
    %broadcast_in_dim3A_148 = vector.broadcast %jit3A_147 : i32 to vector<16xi32>
    %select_n3A_149 = arith.select %eq3A_141, %get3A_146, %broadcast_in_dim3A_148 : vector<16xi1>, vector<16xi32>
    %add3A_150 = arith.addi %add3A_138, %select_n3A_149 : vector<16xi32>
    %eq3A_151 = arith.constant 3 : i32
    %eq3A_152 = vector.broadcast %eq3A_151 : i32 to vector<16xi32>
    %eq3A_153 = arith.cmpi eq, %shift_right_arithmetic3A_111, %eq3A_152 : vector<16xi32>
    %get3A_154 = arith.constant 3 : i32
    %get3A_155 = arith.index_cast %get3A_154 : i32 to index
    %get3A_156 = arith.constant 0 : index
    %get3A_157 = tpu.vector_load %arg11[%get3A_155, %get3A_156] {strides = array<i32>} : memref<8x16xi32, #tpu.memory_space<vmem>>, vector<1x16xi32>,
    %get3A_158 = vector.shape_cast %get3A_157 : vector<1x16xi32> to vector<16xi32>
    %jit3A_159 = arith.constant 0 : i32
    %broadcast_in_dim3A_160 = vector.broadcast %jit3A_159 : i32 to vector<16xi32>
    %select_n3A_161 = arith.select %eq3A_153, %get3A_158, %broadcast_in_dim3A_160 : vector<16xi1>, vector<16xi32>
    %add3A_162 = arith.addi %add3A_150, %select_n3A_161 : vector<16xi32>
    %eq3A_163 = arith.constant 4 : i32
    %eq3A_164 = vector.broadcast %eq3A_163 : i32 to vector<16xi32>
    %eq3A_165 = arith.cmpi eq, %shift_right_arithmetic3A_111, %eq3A_164 : vector<16xi32>
    %get3A_166 = arith.constant 4 : i32
    %get3A_167 = arith.index_cast %get3A_166 : i32 to index
    %get3A_168 = arith.constant 0 : index
    %get3A_169 = tpu.vector_load %arg11[%get3A_167, %get3A_168] {strides = array<i32>} : memref<8x16xi32, #tpu.memory_space<vmem>>, vector<1x16xi32>,
    %get3A_170 = vector.shape_cast %get3A_169 : vector<1x16xi32> to vector<16xi32>
    %jit3A_171 = arith.constant 0 : i32
    %broadcast_in_dim3A_172 = vector.broadcast %jit3A_171 : i32 to vector<16xi32>
    %select_n3A_173 = arith.select %eq3A_165, %get3A_170, %broadcast_in_dim3A_172 : vector<16xi1>, vector<16xi32>
    %add3A_174 = arith.addi %add3A_162, %select_n3A_173 : vector<16xi32>
    %eq3A_175 = arith.constant 5 : i32
    %eq3A_176 = vector.broadcast %eq3A_175 : i32 to vector<16xi32>
    %eq3A_177 = arith.cmpi eq, %shift_right_arithmetic3A_111, %eq3A_176 : vector<16xi32>
    %get3A_178 = arith.constant 5 : i32
    %get3A_179 = arith.index_cast %get3A_178 : i32 to index
    %get3A_180 = arith.constant 0 : index
    %get3A_181 = tpu.vector_load %arg11[%get3A_179, %get3A_180] {strides = array<i32>} : memref<8x16xi32, #tpu.memory_space<vmem>>, vector<1x16xi32>,
    %get3A_182 = vector.shape_cast %get3A_181 : vector<1x16xi32> to vector<16xi32>
    %jit3A_183 = arith.constant 0 : i32
    %broadcast_in_dim3A_184 = vector.broadcast %jit3A_183 : i32 to vector<16xi32>
    %select_n3A_185 = arith.select %eq3A_177, %get3A_182, %broadcast_in_dim3A_184 : vector<16xi1>, vector<16xi32>
    %add3A_186 = arith.addi %add3A_174, %select_n3A_185 : vector<16xi32>
    %eq3A_187 = arith.constant 6 : i32
    %eq3A_188 = vector.broadcast %eq3A_187 : i32 to vector<16xi32>
    %eq3A_189 = arith.cmpi eq, %shift_right_arithmetic3A_111, %eq3A_188 : vector<16xi32>
    %get3A_190 = arith.constant 6 : i32
    %get3A_191 = arith.index_cast %get3A_190 : i32 to index
    %get3A_192 = arith.constant 0 : index
    %get3A_193 = tpu.vector_load %arg11[%get3A_191, %get3A_192] {strides = array<i32>} : memref<8x16xi32, #tpu.memory_space<vmem>>, vector<1x16xi32>,
    %get3A_194 = vector.shape_cast %get3A_193 : vector<1x16xi32> to vector<16xi32>
    %jit3A_195 = arith.constant 0 : i32
    %broadcast_in_dim3A_196 = vector.broadcast %jit3A_195 : i32 to vector<16xi32>
    %select_n3A_197 = arith.select %eq3A_189, %get3A_194, %broadcast_in_dim3A_196 : vector<16xi1>, vector<16xi32>
    %add3A_198 = arith.addi %add3A_186, %select_n3A_197 : vector<16xi32>
    %eq3A_199 = arith.constant 7 : i32
    %eq3A_200 = vector.broadcast %eq3A_199 : i32 to vector<16xi32>
    %eq3A_201 = arith.cmpi eq, %shift_right_arithmetic3A_111, %eq3A_200 : vector<16xi32>
    %get3A_202 = arith.constant 7 : i32
    %get3A_203 = arith.index_cast %get3A_202 : i32 to index
    %get3A_204 = arith.constant 0 : index
    %get3A_205 = tpu.vector_load %arg11[%get3A_203, %get3A_204] {strides = array<i32>} : memref<8x16xi32, #tpu.memory_space<vmem>>, vector<1x16xi32>,
    %get3A_206 = vector.shape_cast %get3A_205 : vector<1x16xi32> to vector<16xi32>
    %jit3A_207 = arith.constant 0 : i32
    %broadcast_in_dim3A_208 = vector.broadcast %jit3A_207 : i32 to vector<16xi32>
    %select_n3A_209 = arith.select %eq3A_201, %get3A_206, %broadcast_in_dim3A_208 : vector<16xi1>, vector<16xi32>
    %add3A_210 = arith.addi %add3A_198, %select_n3A_209 : vector<16xi32>
    %swap3A_211 = arith.constant 16 : index
    %swap3A_212 = tpu.vector_load %arg8[%swap3A_211] {strides = array<i32>} : memref<128xi32, #tpu.memory_space<vmem>>, vector<16xi32>,
    %swap3A_213 = vector.shape_cast %swap3A_212 : vector<16xi32> to vector<16xi32>
    %swap3A_214 = vector.shape_cast %add3A_210 : vector<16xi32> to vector<16xi32>
    tpu.vector_store %arg8[%swap3A_211], %swap3A_214 {strides = array<i32>} : memref<128xi32, #tpu.memory_space<vmem>>, vector<16xi32>,
    %get3A_215 = arith.constant 32 : index
    %get3A_216 = tpu.vector_load %arg10[%get3A_215] {strides = array<i32>} : memref<128xi32, #tpu.memory_space<vmem>>, vector<16xi32>,
    %get3A_217 = vector.shape_cast %get3A_216 : vector<16xi32> to vector<16xi32>
    %shift_right_arithmetic3A_218 = arith.constant 13 : i32
    %shift_right_arithmetic3A_219 = vector.broadcast %shift_right_arithmetic3A_218 : i32 to vector<16xi32>
    %shift_right_arithmetic3A_220 = arith.shrsi %get3A_217, %shift_right_arithmetic3A_219 : vector<16xi32>
    %and3A_221 = arith.constant 8191 : i32
    %and3A_222 = vector.broadcast %and3A_221 : i32 to vector<16xi32>
    %and3A_223 = arith.andi %get3A_217, %and3A_222 : vector<16xi32>
    %eq3A_224 = arith.constant 0 : i32
    %eq3A_225 = vector.broadcast %eq3A_224 : i32 to vector<16xi32>
    %eq3A_226 = arith.cmpi eq, %shift_right_arithmetic3A_220, %eq3A_225 : vector<16xi32>
    %get3A_227 = arith.constant 0 : i32
    %get3A_228 = arith.index_cast %get3A_227 : i32 to index
    %get3A_229 = arith.constant 0 : index
    %get3A_230 = tpu.vector_load %arg11[%get3A_228, %get3A_229] {strides = array<i32>} : memref<8x16xi32, #tpu.memory_space<vmem>>, vector<1x16xi32>,
    %get3A_231 = vector.shape_cast %get3A_230 : vector<1x16xi32> to vector<16xi32>
    %jit3A_232 = arith.constant 0 : i32
    %broadcast_in_dim3A_233 = vector.broadcast %jit3A_232 : i32 to vector<16xi32>
    %select_n3A_234 = arith.select %eq3A_226, %get3A_231, %broadcast_in_dim3A_233 : vector<16xi1>, vector<16xi32>
    %add3A_235 = arith.addi %and3A_223, %select_n3A_234 : vector<16xi32>
    %eq3A_236 = arith.constant 1 : i32
    %eq3A_237 = vector.broadcast %eq3A_236 : i32 to vector<16xi32>
    %eq3A_238 = arith.cmpi eq, %shift_right_arithmetic3A_220, %eq3A_237 : vector<16xi32>
    %get3A_239 = arith.constant 1 : i32
    %get3A_240 = arith.index_cast %get3A_239 : i32 to index
    %get3A_241 = arith.constant 0 : index
    %get3A_242 = tpu.vector_load %arg11[%get3A_240, %get3A_241] {strides = array<i32>} : memref<8x16xi32, #tpu.memory_space<vmem>>, vector<1x16xi32>,
    %get3A_243 = vector.shape_cast %get3A_242 : vector<1x16xi32> to vector<16xi32>
    %jit3A_244 = arith.constant 0 : i32
    %broadcast_in_dim3A_245 = vector.broadcast %jit3A_244 : i32 to vector<16xi32>
    %select_n3A_246 = arith.select %eq3A_238, %get3A_243, %broadcast_in_dim3A_245 : vector<16xi1>, vector<16xi32>
    %add3A_247 = arith.addi %add3A_235, %select_n3A_246 : vector<16xi32>
    %eq3A_248 = arith.constant 2 : i32
    %eq3A_249 = vector.broadcast %eq3A_248 : i32 to vector<16xi32>
    %eq3A_250 = arith.cmpi eq, %shift_right_arithmetic3A_220, %eq3A_249 : vector<16xi32>
    %get3A_251 = arith.constant 2 : i32
    %get3A_252 = arith.index_cast %get3A_251 : i32 to index
    %get3A_253 = arith.constant 0 : index
    %get3A_254 = tpu.vector_load %arg11[%get3A_252, %get3A_253] {strides = array<i32>} : memref<8x16xi32, #tpu.memory_space<vmem>>, vector<1x16xi32>,
    %get3A_255 = vector.shape_cast %get3A_254 : vector<1x16xi32> to vector<16xi32>
    %jit3A_256 = arith.constant 0 : i32
    %broadcast_in_dim3A_257 = vector.broadcast %jit3A_256 : i32 to vector<16xi32>
    %select_n3A_258 = arith.select %eq3A_250, %get3A_255, %broadcast_in_dim3A_257 : vector<16xi1>, vector<16xi32>
    %add3A_259 = arith.addi %add3A_247, %select_n3A_258 : vector<16xi32>
    %eq3A_260 = arith.constant 3 : i32
    %eq3A_261 = vector.broadcast %eq3A_260 : i32 to vector<16xi32>
    %eq3A_262 = arith.cmpi eq, %shift_right_arithmetic3A_220, %eq3A_261 : vector<16xi32>
    %get3A_263 = arith.constant 3 : i32
    %get3A_264 = arith.index_cast %get3A_263 : i32 to index
    %get3A_265 = arith.constant 0 : index
    %get3A_266 = tpu.vector_load %arg11[%get3A_264, %get3A_265] {strides = array<i32>} : memref<8x16xi32, #tpu.memory_space<vmem>>, vector<1x16xi32>,
    %get3A_267 = vector.shape_cast %get3A_266 : vector<1x16xi32> to vector<16xi32>
    %jit3A_268 = arith.constant 0 : i32
    %broadcast_in_dim3A_269 = vector.broadcast %jit3A_268 : i32 to vector<16xi32>
    %select_n3A_270 = arith.select %eq3A_262, %get3A_267, %broadcast_in_dim3A_269 : vector<16xi1>, vector<16xi32>
    %add3A_271 = arith.addi %add3A_259, %select_n3A_270 : vector<16xi32>
    %eq3A_272 = arith.constant 4 : i32
    %eq3A_273 = vector.broadcast %eq3A_272 : i32 to vector<16xi32>
    %eq3A_274 = arith.cmpi eq, %shift_right_arithmetic3A_220, %eq3A_273 : vector<16xi32>
    %get3A_275 = arith.constant 4 : i32
    %get3A_276 = arith.index_cast %get3A_275 : i32 to index
    %get3A_277 = arith.constant 0 : index
    %get3A_278 = tpu.vector_load %arg11[%get3A_276, %get3A_277] {strides = array<i32>} : memref<8x16xi32, #tpu.memory_space<vmem>>, vector<1x16xi32>,
    %get3A_279 = vector.shape_cast %get3A_278 : vector<1x16xi32> to vector<16xi32>
    %jit3A_280 = arith.constant 0 : i32
    %broadcast_in_dim3A_281 = vector.broadcast %jit3A_280 : i32 to vector<16xi32>
    %select_n3A_282 = arith.select %eq3A_274, %get3A_279, %broadcast_in_dim3A_281 : vector<16xi1>, vector<16xi32>
    %add3A_283 = arith.addi %add3A_271, %select_n3A_282 : vector<16xi32>
    %eq3A_284 = arith.constant 5 : i32
    %eq3A_285 = vector.broadcast %eq3A_284 : i32 to vector<16xi32>
    %eq3A_286 = arith.cmpi eq, %shift_right_arithmetic3A_220, %eq3A_285 : vector<16xi32>
    %get3A_287 = arith.constant 5 : i32
    %get3A_288 = arith.index_cast %get3A_287 : i32 to index
    %get3A_289 = arith.constant 0 : index
    %get3A_290 = tpu.vector_load %arg11[%get3A_288, %get3A_289] {strides = array<i32>} : memref<8x16xi32, #tpu.memory_space<vmem>>, vector<1x16xi32>,
    %get3A_291 = vector.shape_cast %get3A_290 : vector<1x16xi32> to vector<16xi32>
    %jit3A_292 = arith.constant 0 : i32
    %broadcast_in_dim3A_293 = vector.broadcast %jit3A_292 : i32 to vector<16xi32>
    %select_n3A_294 = arith.select %eq3A_286, %get3A_291, %broadcast_in_dim3A_293 : vector<16xi1>, vector<16xi32>
    %add3A_295 = arith.addi %add3A_283, %select_n3A_294 : vector<16xi32>
    %eq3A_296 = arith.constant 6 : i32
    %eq3A_297 = vector.broadcast %eq3A_296 : i32 to vector<16xi32>
    %eq3A_298 = arith.cmpi eq, %shift_right_arithmetic3A_220, %eq3A_297 : vector<16xi32>
    %get3A_299 = arith.constant 6 : i32
    %get3A_300 = arith.index_cast %get3A_299 : i32 to index
    %get3A_301 = arith.constant 0 : index
    %get3A_302 = tpu.vector_load %arg11[%get3A_300, %get3A_301] {strides = array<i32>} : memref<8x16xi32, #tpu.memory_space<vmem>>, vector<1x16xi32>,
    %get3A_303 = vector.shape_cast %get3A_302 : vector<1x16xi32> to vector<16xi32>
    %jit3A_304 = arith.constant 0 : i32
    %broadcast_in_dim3A_305 = vector.broadcast %jit3A_304 : i32 to vector<16xi32>
    %select_n3A_306 = arith.select %eq3A_298, %get3A_303, %broadcast_in_dim3A_305 : vector<16xi1>, vector<16xi32>
    %add3A_307 = arith.addi %add3A_295, %select_n3A_306 : vector<16xi32>
    %eq3A_308 = arith.constant 7 : i32
    %eq3A_309 = vector.broadcast %eq3A_308 : i32 to vector<16xi32>
    %eq3A_310 = arith.cmpi eq, %shift_right_arithmetic3A_220, %eq3A_309 : vector<16xi32>
    %get3A_311 = arith.constant 7 : i32
    %get3A_312 = arith.index_cast %get3A_311 : i32 to index
    %get3A_313 = arith.constant 0 : index
    %get3A_314 = tpu.vector_load %arg11[%get3A_312, %get3A_313] {strides = array<i32>} : memref<8x16xi32, #tpu.memory_space<vmem>>, vector<1x16xi32>,
    %get3A_315 = vector.shape_cast %get3A_314 : vector<1x16xi32> to vector<16xi32>
    %jit3A_316 = arith.constant 0 : i32
    %broadcast_in_dim3A_317 = vector.broadcast %jit3A_316 : i32 to vector<16xi32>
    %select_n3A_318 = arith.select %eq3A_310, %get3A_315, %broadcast_in_dim3A_317 : vector<16xi1>, vector<16xi32>
    %add3A_319 = arith.addi %add3A_307, %select_n3A_318 : vector<16xi32>
    %swap3A_320 = arith.constant 32 : index
    %swap3A_321 = tpu.vector_load %arg8[%swap3A_320] {strides = array<i32>} : memref<128xi32, #tpu.memory_space<vmem>>, vector<16xi32>,
    %swap3A_322 = vector.shape_cast %swap3A_321 : vector<16xi32> to vector<16xi32>
    %swap3A_323 = vector.shape_cast %add3A_319 : vector<16xi32> to vector<16xi32>
    tpu.vector_store %arg8[%swap3A_320], %swap3A_323 {strides = array<i32>} : memref<128xi32, #tpu.memory_space<vmem>>, vector<16xi32>,
    %get3A_324 = arith.constant 48 : index
    %get3A_325 = tpu.vector_load %arg10[%get3A_324] {strides = array<i32>} : memref<128xi32, #tpu.memory_space<vmem>>, vector<16xi32>,
    %get3A_326 = vector.shape_cast %get3A_325 : vector<16xi32> to vector<16xi32>
    %shift_right_arithmetic3A_327 = arith.constant 13 : i32
    %shift_right_arithmetic3A_328 = vector.broadcast %shift_right_arithmetic3A_327 : i32 to vector<16xi32>
    %shift_right_arithmetic3A_329 = arith.shrsi %get3A_326, %shift_right_arithmetic3A_328 : vector<16xi32>
    %and3A_330 = arith.constant 8191 : i32
    %and3A_331 = vector.broadcast %and3A_330 : i32 to vector<16xi32>
    %and3A_332 = arith.andi %get3A_326, %and3A_331 : vector<16xi32>
    %eq3A_333 = arith.constant 0 : i32
    %eq3A_334 = vector.broadcast %eq3A_333 : i32 to vector<16xi32>
    %eq3A_335 = arith.cmpi eq, %shift_right_arithmetic3A_329, %eq3A_334 : vector<16xi32>
    %get3A_336 = arith.constant 0 : i32
    %get3A_337 = arith.index_cast %get3A_336 : i32 to index
    %get3A_338 = arith.constant 0 : index
    %get3A_339 = tpu.vector_load %arg11[%get3A_337, %get3A_338] {strides = array<i32>} : memref<8x16xi32, #tpu.memory_space<vmem>>, vector<1x16xi32>,
    %get3A_340 = vector.shape_cast %get3A_339 : vector<1x16xi32> to vector<16xi32>
    %jit3A_341 = arith.constant 0 : i32
    %broadcast_in_dim3A_342 = vector.broadcast %jit3A_341 : i32 to vector<16xi32>
    %select_n3A_343 = arith.select %eq3A_335, %get3A_340, %broadcast_in_dim3A_342 : vector<16xi1>, vector<16xi32>
    %add3A_344 = arith.addi %and3A_332, %select_n3A_343 : vector<16xi32>
    %eq3A_345 = arith.constant 1 : i32
    %eq3A_346 = vector.broadcast %eq3A_345 : i32 to vector<16xi32>
    %eq3A_347 = arith.cmpi eq, %shift_right_arithmetic3A_329, %eq3A_346 : vector<16xi32>
    %get3A_348 = arith.constant 1 : i32
    %get3A_349 = arith.index_cast %get3A_348 : i32 to index
    %get3A_350 = arith.constant 0 : index
    %get3A_351 = tpu.vector_load %arg11[%get3A_349, %get3A_350] {strides = array<i32>} : memref<8x16xi32, #tpu.memory_space<vmem>>, vector<1x16xi32>,
    %get3A_352 = vector.shape_cast %get3A_351 : vector<1x16xi32> to vector<16xi32>
    %jit3A_353 = arith.constant 0 : i32
    %broadcast_in_dim3A_354 = vector.broadcast %jit3A_353 : i32 to vector<16xi32>
    %select_n3A_355 = arith.select %eq3A_347, %get3A_352, %broadcast_in_dim3A_354 : vector<16xi1>, vector<16xi32>
    %add3A_356 = arith.addi %add3A_344, %select_n3A_355 : vector<16xi32>
    %eq3A_357 = arith.constant 2 : i32
    %eq3A_358 = vector.broadcast %eq3A_357 : i32 to vector<16xi32>
    %eq3A_359 = arith.cmpi eq, %shift_right_arithmetic3A_329, %eq3A_358 : vector<16xi32>
    %get3A_360 = arith.constant 2 : i32
    %get3A_361 = arith.index_cast %get3A_360 : i32 to index
    %get3A_362 = arith.constant 0 : index
    %get3A_363 = tpu.vector_load %arg11[%get3A_361, %get3A_362] {strides = array<i32>} : memref<8x16xi32, #tpu.memory_space<vmem>>, vector<1x16xi32>,
    %get3A_364 = vector.shape_cast %get3A_363 : vector<1x16xi32> to vector<16xi32>
    %jit3A_365 = arith.constant 0 : i32
    %broadcast_in_dim3A_366 = vector.broadcast %jit3A_365 : i32 to vector<16xi32>
    %select_n3A_367 = arith.select %eq3A_359, %get3A_364, %broadcast_in_dim3A_366 : vector<16xi1>, vector<16xi32>
    %add3A_368 = arith.addi %add3A_356, %select_n3A_367 : vector<16xi32>
    %eq3A_369 = arith.constant 3 : i32
    %eq3A_370 = vector.broadcast %eq3A_369 : i32 to vector<16xi32>
    %eq3A_371 = arith.cmpi eq, %shift_right_arithmetic3A_329, %eq3A_370 : vector<16xi32>
    %get3A_372 = arith.constant 3 : i32
    %get3A_373 = arith.index_cast %get3A_372 : i32 to index
    %get3A_374 = arith.constant 0 : index
    %get3A_375 = tpu.vector_load %arg11[%get3A_373, %get3A_374] {strides = array<i32>} : memref<8x16xi32, #tpu.memory_space<vmem>>, vector<1x16xi32>,
    %get3A_376 = vector.shape_cast %get3A_375 : vector<1x16xi32> to vector<16xi32>
    %jit3A_377 = arith.constant 0 : i32
    %broadcast_in_dim3A_378 = vector.broadcast %jit3A_377 : i32 to vector<16xi32>
    %select_n3A_379 = arith.select %eq3A_371, %get3A_376, %broadcast_in_dim3A_378 : vector<16xi1>, vector<16xi32>
    %add3A_380 = arith.addi %add3A_368, %select_n3A_379 : vector<16xi32>
    %eq3A_381 = arith.constant 4 : i32
    %eq3A_382 = vector.broadcast %eq3A_381 : i32 to vector<16xi32>
    %eq3A_383 = arith.cmpi eq, %shift_right_arithmetic3A_329, %eq3A_382 : vector<16xi32>
    %get3A_384 = arith.constant 4 : i32
    %get3A_385 = arith.index_cast %get3A_384 : i32 to index
    %get3A_386 = arith.constant 0 : index
    %get3A_387 = tpu.vector_load %arg11[%get3A_385, %get3A_386] {strides = array<i32>} : memref<8x16xi32, #tpu.memory_space<vmem>>, vector<1x16xi32>,
    %get3A_388 = vector.shape_cast %get3A_387 : vector<1x16xi32> to vector<16xi32>
    %jit3A_389 = arith.constant 0 : i32
    %broadcast_in_dim3A_390 = vector.broadcast %jit3A_389 : i32 to vector<16xi32>
    %select_n3A_391 = arith.select %eq3A_383, %get3A_388, %broadcast_in_dim3A_390 : vector<16xi1>, vector<16xi32>
    %add3A_392 = arith.addi %add3A_380, %select_n3A_391 : vector<16xi32>
    %eq3A_393 = arith.constant 5 : i32
    %eq3A_394 = vector.broadcast %eq3A_393 : i32 to vector<16xi32>
    %eq3A_395 = arith.cmpi eq, %shift_right_arithmetic3A_329, %eq3A_394 : vector<16xi32>
    %get3A_396 = arith.constant 5 : i32
    %get3A_397 = arith.index_cast %get3A_396 : i32 to index
    %get3A_398 = arith.constant 0 : index
    %get3A_399 = tpu.vector_load %arg11[%get3A_397, %get3A_398] {strides = array<i32>} : memref<8x16xi32, #tpu.memory_space<vmem>>, vector<1x16xi32>,
    %get3A_400 = vector.shape_cast %get3A_399 : vector<1x16xi32> to vector<16xi32>
    %jit3A_401 = arith.constant 0 : i32
    %broadcast_in_dim3A_402 = vector.broadcast %jit3A_401 : i32 to vector<16xi32>
    %select_n3A_403 = arith.select %eq3A_395, %get3A_400, %broadcast_in_dim3A_402 : vector<16xi1>, vector<16xi32>
    %add3A_404 = arith.addi %add3A_392, %select_n3A_403 : vector<16xi32>
    %eq3A_405 = arith.constant 6 : i32
    %eq3A_406 = vector.broadcast %eq3A_405 : i32 to vector<16xi32>
    %eq3A_407 = arith.cmpi eq, %shift_right_arithmetic3A_329, %eq3A_406 : vector<16xi32>
    %get3A_408 = arith.constant 6 : i32
    %get3A_409 = arith.index_cast %get3A_408 : i32 to index
    %get3A_410 = arith.constant 0 : index
    %get3A_411 = tpu.vector_load %arg11[%get3A_409, %get3A_410] {strides = array<i32>} : memref<8x16xi32, #tpu.memory_space<vmem>>, vector<1x16xi32>,
    %get3A_412 = vector.shape_cast %get3A_411 : vector<1x16xi32> to vector<16xi32>
    %jit3A_413 = arith.constant 0 : i32
    %broadcast_in_dim3A_414 = vector.broadcast %jit3A_413 : i32 to vector<16xi32>
    %select_n3A_415 = arith.select %eq3A_407, %get3A_412, %broadcast_in_dim3A_414 : vector<16xi1>, vector<16xi32>
    %add3A_416 = arith.addi %add3A_404, %select_n3A_415 : vector<16xi32>
    %eq3A_417 = arith.constant 7 : i32
    %eq3A_418 = vector.broadcast %eq3A_417 : i32 to vector<16xi32>
    %eq3A_419 = arith.cmpi eq, %shift_right_arithmetic3A_329, %eq3A_418 : vector<16xi32>
    %get3A_420 = arith.constant 7 : i32
    %get3A_421 = arith.index_cast %get3A_420 : i32 to index
    %get3A_422 = arith.constant 0 : index
    %get3A_423 = tpu.vector_load %arg11[%get3A_421, %get3A_422] {strides = array<i32>} : memref<8x16xi32, #tpu.memory_space<vmem>>, vector<1x16xi32>,
    %get3A_424 = vector.shape_cast %get3A_423 : vector<1x16xi32> to vector<16xi32>
    %jit3A_425 = arith.constant 0 : i32
    %broadcast_in_dim3A_426 = vector.broadcast %jit3A_425 : i32 to vector<16xi32>
    %select_n3A_427 = arith.select %eq3A_419, %get3A_424, %broadcast_in_dim3A_426 : vector<16xi1>, vector<16xi32>
    %add3A_428 = arith.addi %add3A_416, %select_n3A_427 : vector<16xi32>
    %swap3A_429 = arith.constant 48 : index
    %swap3A_430 = tpu.vector_load %arg8[%swap3A_429] {strides = array<i32>} : memref<128xi32, #tpu.memory_space<vmem>>, vector<16xi32>,
    %swap3A_431 = vector.shape_cast %swap3A_430 : vector<16xi32> to vector<16xi32>
    %swap3A_432 = vector.shape_cast %add3A_428 : vector<16xi32> to vector<16xi32>
    tpu.vector_store %arg8[%swap3A_429], %swap3A_432 {strides = array<i32>} : memref<128xi32, #tpu.memory_space<vmem>>, vector<16xi32>,
    %get3A_433 = arith.constant 64 : index
    %get3A_434 = tpu.vector_load %arg10[%get3A_433] {strides = array<i32>} : memref<128xi32, #tpu.memory_space<vmem>>, vector<16xi32>,
    %get3A_435 = vector.shape_cast %get3A_434 : vector<16xi32> to vector<16xi32>
    %shift_right_arithmetic3A_436 = arith.constant 13 : i32
    %shift_right_arithmetic3A_437 = vector.broadcast %shift_right_arithmetic3A_436 : i32 to vector<16xi32>
    %shift_right_arithmetic3A_438 = arith.shrsi %get3A_435, %shift_right_arithmetic3A_437 : vector<16xi32>
    %and3A_439 = arith.constant 8191 : i32
    %and3A_440 = vector.broadcast %and3A_439 : i32 to vector<16xi32>
    %and3A_441 = arith.andi %get3A_435, %and3A_440 : vector<16xi32>
    %eq3A_442 = arith.constant 0 : i32
    %eq3A_443 = vector.broadcast %eq3A_442 : i32 to vector<16xi32>
    %eq3A_444 = arith.cmpi eq, %shift_right_arithmetic3A_438, %eq3A_443 : vector<16xi32>
    %get3A_445 = arith.constant 0 : i32
    %get3A_446 = arith.index_cast %get3A_445 : i32 to index
    %get3A_447 = arith.constant 0 : index
    %get3A_448 = tpu.vector_load %arg11[%get3A_446, %get3A_447] {strides = array<i32>} : memref<8x16xi32, #tpu.memory_space<vmem>>, vector<1x16xi32>,
    %get3A_449 = vector.shape_cast %get3A_448 : vector<1x16xi32> to vector<16xi32>
    %jit3A_450 = arith.constant 0 : i32
    %broadcast_in_dim3A_451 = vector.broadcast %jit3A_450 : i32 to vector<16xi32>
    %select_n3A_452 = arith.select %eq3A_444, %get3A_449, %broadcast_in_dim3A_451 : vector<16xi1>, vector<16xi32>
    %add3A_453 = arith.addi %and3A_441, %select_n3A_452 : vector<16xi32>
    %eq3A_454 = arith.constant 1 : i32
    %eq3A_455 = vector.broadcast %eq3A_454 : i32 to vector<16xi32>
    %eq3A_456 = arith.cmpi eq, %shift_right_arithmetic3A_438, %eq3A_455 : vector<16xi32>
    %get3A_457 = arith.constant 1 : i32
    %get3A_458 = arith.index_cast %get3A_457 : i32 to index
    %get3A_459 = arith.constant 0 : index
    %get3A_460 = tpu.vector_load %arg11[%get3A_458, %get3A_459] {strides = array<i32>} : memref<8x16xi32, #tpu.memory_space<vmem>>, vector<1x16xi32>,
    %get3A_461 = vector.shape_cast %get3A_460 : vector<1x16xi32> to vector<16xi32>
    %jit3A_462 = arith.constant 0 : i32
    %broadcast_in_dim3A_463 = vector.broadcast %jit3A_462 : i32 to vector<16xi32>
    %select_n3A_464 = arith.select %eq3A_456, %get3A_461, %broadcast_in_dim3A_463 : vector<16xi1>, vector<16xi32>
    %add3A_465 = arith.addi %add3A_453, %select_n3A_464 : vector<16xi32>
    %eq3A_466 = arith.constant 2 : i32
    %eq3A_467 = vector.broadcast %eq3A_466 : i32 to vector<16xi32>
    %eq3A_468 = arith.cmpi eq, %shift_right_arithmetic3A_438, %eq3A_467 : vector<16xi32>
    %get3A_469 = arith.constant 2 : i32
    %get3A_470 = arith.index_cast %get3A_469 : i32 to index
    %get3A_471 = arith.constant 0 : index
    %get3A_472 = tpu.vector_load %arg11[%get3A_470, %get3A_471] {strides = array<i32>} : memref<8x16xi32, #tpu.memory_space<vmem>>, vector<1x16xi32>,
    %get3A_473 = vector.shape_cast %get3A_472 : vector<1x16xi32> to vector<16xi32>
    %jit3A_474 = arith.constant 0 : i32
    %broadcast_in_dim3A_475 = vector.broadcast %jit3A_474 : i32 to vector<16xi32>
    %select_n3A_476 = arith.select %eq3A_468, %get3A_473, %broadcast_in_dim3A_475 : vector<16xi1>, vector<16xi32>
    %add3A_477 = arith.addi %add3A_465, %select_n3A_476 : vector<16xi32>
    %eq3A_478 = arith.constant 3 : i32
    %eq3A_479 = vector.broadcast %eq3A_478 : i32 to vector<16xi32>
    %eq3A_480 = arith.cmpi eq, %shift_right_arithmetic3A_438, %eq3A_479 : vector<16xi32>
    %get3A_481 = arith.constant 3 : i32
    %get3A_482 = arith.index_cast %get3A_481 : i32 to index
    %get3A_483 = arith.constant 0 : index
    %get3A_484 = tpu.vector_load %arg11[%get3A_482, %get3A_483] {strides = array<i32>} : memref<8x16xi32, #tpu.memory_space<vmem>>, vector<1x16xi32>,
    %get3A_485 = vector.shape_cast %get3A_484 : vector<1x16xi32> to vector<16xi32>
    %jit3A_486 = arith.constant 0 : i32
    %broadcast_in_dim3A_487 = vector.broadcast %jit3A_486 : i32 to vector<16xi32>
    %select_n3A_488 = arith.select %eq3A_480, %get3A_485, %broadcast_in_dim3A_487 : vector<16xi1>, vector<16xi32>
    %add3A_489 = arith.addi %add3A_477, %select_n3A_488 : vector<16xi32>
    %eq3A_490 = arith.constant 4 : i32
    %eq3A_491 = vector.broadcast %eq3A_490 : i32 to vector<16xi32>
    %eq3A_492 = arith.cmpi eq, %shift_right_arithmetic3A_438, %eq3A_491 : vector<16xi32>
    %get3A_493 = arith.constant 4 : i32
    %get3A_494 = arith.index_cast %get3A_493 : i32 to index
    %get3A_495 = arith.constant 0 : index
    %get3A_496 = tpu.vector_load %arg11[%get3A_494, %get3A_495] {strides = array<i32>} : memref<8x16xi32, #tpu.memory_space<vmem>>, vector<1x16xi32>,
    %get3A_497 = vector.shape_cast %get3A_496 : vector<1x16xi32> to vector<16xi32>
    %jit3A_498 = arith.constant 0 : i32
    %broadcast_in_dim3A_499 = vector.broadcast %jit3A_498 : i32 to vector<16xi32>
    %select_n3A_500 = arith.select %eq3A_492, %get3A_497, %broadcast_in_dim3A_499 : vector<16xi1>, vector<16xi32>
    %add3A_501 = arith.addi %add3A_489, %select_n3A_500 : vector<16xi32>
    %eq3A_502 = arith.constant 5 : i32
    %eq3A_503 = vector.broadcast %eq3A_502 : i32 to vector<16xi32>
    %eq3A_504 = arith.cmpi eq, %shift_right_arithmetic3A_438, %eq3A_503 : vector<16xi32>
    %get3A_505 = arith.constant 5 : i32
    %get3A_506 = arith.index_cast %get3A_505 : i32 to index
    %get3A_507 = arith.constant 0 : index
    %get3A_508 = tpu.vector_load %arg11[%get3A_506, %get3A_507] {strides = array<i32>} : memref<8x16xi32, #tpu.memory_space<vmem>>, vector<1x16xi32>,
    %get3A_509 = vector.shape_cast %get3A_508 : vector<1x16xi32> to vector<16xi32>
    %jit3A_510 = arith.constant 0 : i32
    %broadcast_in_dim3A_511 = vector.broadcast %jit3A_510 : i32 to vector<16xi32>
    %select_n3A_512 = arith.select %eq3A_504, %get3A_509, %broadcast_in_dim3A_511 : vector<16xi1>, vector<16xi32>
    %add3A_513 = arith.addi %add3A_501, %select_n3A_512 : vector<16xi32>
    %eq3A_514 = arith.constant 6 : i32
    %eq3A_515 = vector.broadcast %eq3A_514 : i32 to vector<16xi32>
    %eq3A_516 = arith.cmpi eq, %shift_right_arithmetic3A_438, %eq3A_515 : vector<16xi32>
    %get3A_517 = arith.constant 6 : i32
    %get3A_518 = arith.index_cast %get3A_517 : i32 to index
    %get3A_519 = arith.constant 0 : index
    %get3A_520 = tpu.vector_load %arg11[%get3A_518, %get3A_519] {strides = array<i32>} : memref<8x16xi32, #tpu.memory_space<vmem>>, vector<1x16xi32>,
    %get3A_521 = vector.shape_cast %get3A_520 : vector<1x16xi32> to vector<16xi32>
    %jit3A_522 = arith.constant 0 : i32
    %broadcast_in_dim3A_523 = vector.broadcast %jit3A_522 : i32 to vector<16xi32>
    %select_n3A_524 = arith.select %eq3A_516, %get3A_521, %broadcast_in_dim3A_523 : vector<16xi1>, vector<16xi32>
    %add3A_525 = arith.addi %add3A_513, %select_n3A_524 : vector<16xi32>
    %eq3A_526 = arith.constant 7 : i32
    %eq3A_527 = vector.broadcast %eq3A_526 : i32 to vector<16xi32>
    %eq3A_528 = arith.cmpi eq, %shift_right_arithmetic3A_438, %eq3A_527 : vector<16xi32>
    %get3A_529 = arith.constant 7 : i32
    %get3A_530 = arith.index_cast %get3A_529 : i32 to index
    %get3A_531 = arith.constant 0 : index
    %get3A_532 = tpu.vector_load %arg11[%get3A_530, %get3A_531] {strides = array<i32>} : memref<8x16xi32, #tpu.memory_space<vmem>>, vector<1x16xi32>,
    %get3A_533 = vector.shape_cast %get3A_532 : vector<1x16xi32> to vector<16xi32>
    %jit3A_534 = arith.constant 0 : i32
    %broadcast_in_dim3A_535 = vector.broadcast %jit3A_534 : i32 to vector<16xi32>
    %select_n3A_536 = arith.select %eq3A_528, %get3A_533, %broadcast_in_dim3A_535 : vector<16xi1>, vector<16xi32>
    %add3A_537 = arith.addi %add3A_525, %select_n3A_536 : vector<16xi32>
    %swap3A_538 = arith.constant 64 : index
    %swap3A_539 = tpu.vector_load %arg8[%swap3A_538] {strides = array<i32>} : memref<128xi32, #tpu.memory_space<vmem>>, vector<16xi32>,
    %swap3A_540 = vector.shape_cast %swap3A_539 : vector<16xi32> to vector<16xi32>
    %swap3A_541 = vector.shape_cast %add3A_537 : vector<16xi32> to vector<16xi32>
    tpu.vector_store %arg8[%swap3A_538], %swap3A_541 {strides = array<i32>} : memref<128xi32, #tpu.memory_space<vmem>>, vector<16xi32>,
    %get3A_542 = arith.constant 80 : index
    %get3A_543 = tpu.vector_load %arg10[%get3A_542] {strides = array<i32>} : memref<128xi32, #tpu.memory_space<vmem>>, vector<16xi32>,
    %get3A_544 = vector.shape_cast %get3A_543 : vector<16xi32> to vector<16xi32>
    %shift_right_arithmetic3A_545 = arith.constant 13 : i32
    %shift_right_arithmetic3A_546 = vector.broadcast %shift_right_arithmetic3A_545 : i32 to vector<16xi32>
    %shift_right_arithmetic3A_547 = arith.shrsi %get3A_544, %shift_right_arithmetic3A_546 : vector<16xi32>
    %and3A_548 = arith.constant 8191 : i32
    %and3A_549 = vector.broadcast %and3A_548 : i32 to vector<16xi32>
    %and3A_550 = arith.andi %get3A_544, %and3A_549 : vector<16xi32>
    %eq3A_551 = arith.constant 0 : i32
    %eq3A_552 = vector.broadcast %eq3A_551 : i32 to vector<16xi32>
    %eq3A_553 = arith.cmpi eq, %shift_right_arithmetic3A_547, %eq3A_552 : vector<16xi32>
    %get3A_554 = arith.constant 0 : i32
    %get3A_555 = arith.index_cast %get3A_554 : i32 to index
    %get3A_556 = arith.constant 0 : index
    %get3A_557 = tpu.vector_load %arg11[%get3A_555, %get3A_556] {strides = array<i32>} : memref<8x16xi32, #tpu.memory_space<vmem>>, vector<1x16xi32>,
    %get3A_558 = vector.shape_cast %get3A_557 : vector<1x16xi32> to vector<16xi32>
    %jit3A_559 = arith.constant 0 : i32
    %broadcast_in_dim3A_560 = vector.broadcast %jit3A_559 : i32 to vector<16xi32>
    %select_n3A_561 = arith.select %eq3A_553, %get3A_558, %broadcast_in_dim3A_560 : vector<16xi1>, vector<16xi32>
    %add3A_562 = arith.addi %and3A_550, %select_n3A_561 : vector<16xi32>
    %eq3A_563 = arith.constant 1 : i32
    %eq3A_564 = vector.broadcast %eq3A_563 : i32 to vector<16xi32>
    %eq3A_565 = arith.cmpi eq, %shift_right_arithmetic3A_547, %eq3A_564 : vector<16xi32>
    %get3A_566 = arith.constant 1 : i32
    %get3A_567 = arith.index_cast %get3A_566 : i32 to index
    %get3A_568 = arith.constant 0 : index
    %get3A_569 = tpu.vector_load %arg11[%get3A_567, %get3A_568] {strides = array<i32>} : memref<8x16xi32, #tpu.memory_space<vmem>>, vector<1x16xi32>,
    %get3A_570 = vector.shape_cast %get3A_569 : vector<1x16xi32> to vector<16xi32>
    %jit3A_571 = arith.constant 0 : i32
    %broadcast_in_dim3A_572 = vector.broadcast %jit3A_571 : i32 to vector<16xi32>
    %select_n3A_573 = arith.select %eq3A_565, %get3A_570, %broadcast_in_dim3A_572 : vector<16xi1>, vector<16xi32>
    %add3A_574 = arith.addi %add3A_562, %select_n3A_573 : vector<16xi32>
    %eq3A_575 = arith.constant 2 : i32
    %eq3A_576 = vector.broadcast %eq3A_575 : i32 to vector<16xi32>
    %eq3A_577 = arith.cmpi eq, %shift_right_arithmetic3A_547, %eq3A_576 : vector<16xi32>
    %get3A_578 = arith.constant 2 : i32
    %get3A_579 = arith.index_cast %get3A_578 : i32 to index
    %get3A_580 = arith.constant 0 : index
    %get3A_581 = tpu.vector_load %arg11[%get3A_579, %get3A_580] {strides = array<i32>} : memref<8x16xi32, #tpu.memory_space<vmem>>, vector<1x16xi32>,
    %get3A_582 = vector.shape_cast %get3A_581 : vector<1x16xi32> to vector<16xi32>
    %jit3A_583 = arith.constant 0 : i32
    %broadcast_in_dim3A_584 = vector.broadcast %jit3A_583 : i32 to vector<16xi32>
    %select_n3A_585 = arith.select %eq3A_577, %get3A_582, %broadcast_in_dim3A_584 : vector<16xi1>, vector<16xi32>
    %add3A_586 = arith.addi %add3A_574, %select_n3A_585 : vector<16xi32>
    %eq3A_587 = arith.constant 3 : i32
    %eq3A_588 = vector.broadcast %eq3A_587 : i32 to vector<16xi32>
    %eq3A_589 = arith.cmpi eq, %shift_right_arithmetic3A_547, %eq3A_588 : vector<16xi32>
    %get3A_590 = arith.constant 3 : i32
    %get3A_591 = arith.index_cast %get3A_590 : i32 to index
    %get3A_592 = arith.constant 0 : index
    %get3A_593 = tpu.vector_load %arg11[%get3A_591, %get3A_592] {strides = array<i32>} : memref<8x16xi32, #tpu.memory_space<vmem>>, vector<1x16xi32>,
    %get3A_594 = vector.shape_cast %get3A_593 : vector<1x16xi32> to vector<16xi32>
    %jit3A_595 = arith.constant 0 : i32
    %broadcast_in_dim3A_596 = vector.broadcast %jit3A_595 : i32 to vector<16xi32>
    %select_n3A_597 = arith.select %eq3A_589, %get3A_594, %broadcast_in_dim3A_596 : vector<16xi1>, vector<16xi32>
    %add3A_598 = arith.addi %add3A_586, %select_n3A_597 : vector<16xi32>
    %eq3A_599 = arith.constant 4 : i32
    %eq3A_600 = vector.broadcast %eq3A_599 : i32 to vector<16xi32>
    %eq3A_601 = arith.cmpi eq, %shift_right_arithmetic3A_547, %eq3A_600 : vector<16xi32>
    %get3A_602 = arith.constant 4 : i32
    %get3A_603 = arith.index_cast %get3A_602 : i32 to index
    %get3A_604 = arith.constant 0 : index
    %get3A_605 = tpu.vector_load %arg11[%get3A_603, %get3A_604] {strides = array<i32>} : memref<8x16xi32, #tpu.memory_space<vmem>>, vector<1x16xi32>,
    %get3A_606 = vector.shape_cast %get3A_605 : vector<1x16xi32> to vector<16xi32>
    %jit3A_607 = arith.constant 0 : i32
    %broadcast_in_dim3A_608 = vector.broadcast %jit3A_607 : i32 to vector<16xi32>
    %select_n3A_609 = arith.select %eq3A_601, %get3A_606, %broadcast_in_dim3A_608 : vector<16xi1>, vector<16xi32>
    %add3A_610 = arith.addi %add3A_598, %select_n3A_609 : vector<16xi32>
    %eq3A_611 = arith.constant 5 : i32
    %eq3A_612 = vector.broadcast %eq3A_611 : i32 to vector<16xi32>
    %eq3A_613 = arith.cmpi eq, %shift_right_arithmetic3A_547, %eq3A_612 : vector<16xi32>
    %get3A_614 = arith.constant 5 : i32
    %get3A_615 = arith.index_cast %get3A_614 : i32 to index
    %get3A_616 = arith.constant 0 : index
    %get3A_617 = tpu.vector_load %arg11[%get3A_615, %get3A_616] {strides = array<i32>} : memref<8x16xi32, #tpu.memory_space<vmem>>, vector<1x16xi32>,
    %get3A_618 = vector.shape_cast %get3A_617 : vector<1x16xi32> to vector<16xi32>
    %jit3A_619 = arith.constant 0 : i32
    %broadcast_in_dim3A_620 = vector.broadcast %jit3A_619 : i32 to vector<16xi32>
    %select_n3A_621 = arith.select %eq3A_613, %get3A_618, %broadcast_in_dim3A_620 : vector<16xi1>, vector<16xi32>
    %add3A_622 = arith.addi %add3A_610, %select_n3A_621 : vector<16xi32>
    %eq3A_623 = arith.constant 6 : i32
    %eq3A_624 = vector.broadcast %eq3A_623 : i32 to vector<16xi32>
    %eq3A_625 = arith.cmpi eq, %shift_right_arithmetic3A_547, %eq3A_624 : vector<16xi32>
    %get3A_626 = arith.constant 6 : i32
    %get3A_627 = arith.index_cast %get3A_626 : i32 to index
    %get3A_628 = arith.constant 0 : index
    %get3A_629 = tpu.vector_load %arg11[%get3A_627, %get3A_628] {strides = array<i32>} : memref<8x16xi32, #tpu.memory_space<vmem>>, vector<1x16xi32>,
    %get3A_630 = vector.shape_cast %get3A_629 : vector<1x16xi32> to vector<16xi32>
    %jit3A_631 = arith.constant 0 : i32
    %broadcast_in_dim3A_632 = vector.broadcast %jit3A_631 : i32 to vector<16xi32>
    %select_n3A_633 = arith.select %eq3A_625, %get3A_630, %broadcast_in_dim3A_632 : vector<16xi1>, vector<16xi32>
    %add3A_634 = arith.addi %add3A_622, %select_n3A_633 : vector<16xi32>
    %eq3A_635 = arith.constant 7 : i32
    %eq3A_636 = vector.broadcast %eq3A_635 : i32 to vector<16xi32>
    %eq3A_637 = arith.cmpi eq, %shift_right_arithmetic3A_547, %eq3A_636 : vector<16xi32>
    %get3A_638 = arith.constant 7 : i32
    %get3A_639 = arith.index_cast %get3A_638 : i32 to index
    %get3A_640 = arith.constant 0 : index
    %get3A_641 = tpu.vector_load %arg11[%get3A_639, %get3A_640] {strides = array<i32>} : memref<8x16xi32, #tpu.memory_space<vmem>>, vector<1x16xi32>,
    %get3A_642 = vector.shape_cast %get3A_641 : vector<1x16xi32> to vector<16xi32>
    %jit3A_643 = arith.constant 0 : i32
    %broadcast_in_dim3A_644 = vector.broadcast %jit3A_643 : i32 to vector<16xi32>
    %select_n3A_645 = arith.select %eq3A_637, %get3A_642, %broadcast_in_dim3A_644 : vector<16xi1>, vector<16xi32>
    %add3A_646 = arith.addi %add3A_634, %select_n3A_645 : vector<16xi32>
    %swap3A_647 = arith.constant 80 : index
    %swap3A_648 = tpu.vector_load %arg8[%swap3A_647] {strides = array<i32>} : memref<128xi32, #tpu.memory_space<vmem>>, vector<16xi32>,
    %swap3A_649 = vector.shape_cast %swap3A_648 : vector<16xi32> to vector<16xi32>
    %swap3A_650 = vector.shape_cast %add3A_646 : vector<16xi32> to vector<16xi32>
    tpu.vector_store %arg8[%swap3A_647], %swap3A_650 {strides = array<i32>} : memref<128xi32, #tpu.memory_space<vmem>>, vector<16xi32>,
    %get3A_651 = arith.constant 96 : index
    %get3A_652 = tpu.vector_load %arg10[%get3A_651] {strides = array<i32>} : memref<128xi32, #tpu.memory_space<vmem>>, vector<16xi32>,
    %get3A_653 = vector.shape_cast %get3A_652 : vector<16xi32> to vector<16xi32>
    %shift_right_arithmetic3A_654 = arith.constant 13 : i32
    %shift_right_arithmetic3A_655 = vector.broadcast %shift_right_arithmetic3A_654 : i32 to vector<16xi32>
    %shift_right_arithmetic3A_656 = arith.shrsi %get3A_653, %shift_right_arithmetic3A_655 : vector<16xi32>
    %and3A_657 = arith.constant 8191 : i32
    %and3A_658 = vector.broadcast %and3A_657 : i32 to vector<16xi32>
    %and3A_659 = arith.andi %get3A_653, %and3A_658 : vector<16xi32>
    %eq3A_660 = arith.constant 0 : i32
    %eq3A_661 = vector.broadcast %eq3A_660 : i32 to vector<16xi32>
    %eq3A_662 = arith.cmpi eq, %shift_right_arithmetic3A_656, %eq3A_661 : vector<16xi32>
    %get3A_663 = arith.constant 0 : i32
    %get3A_664 = arith.index_cast %get3A_663 : i32 to index
    %get3A_665 = arith.constant 0 : index
    %get3A_666 = tpu.vector_load %arg11[%get3A_664, %get3A_665] {strides = array<i32>} : memref<8x16xi32, #tpu.memory_space<vmem>>, vector<1x16xi32>,
    %get3A_667 = vector.shape_cast %get3A_666 : vector<1x16xi32> to vector<16xi32>
    %jit3A_668 = arith.constant 0 : i32
    %broadcast_in_dim3A_669 = vector.broadcast %jit3A_668 : i32 to vector<16xi32>
    %select_n3A_670 = arith.select %eq3A_662, %get3A_667, %broadcast_in_dim3A_669 : vector<16xi1>, vector<16xi32>
    %add3A_671 = arith.addi %and3A_659, %select_n3A_670 : vector<16xi32>
    %eq3A_672 = arith.constant 1 : i32
    %eq3A_673 = vector.broadcast %eq3A_672 : i32 to vector<16xi32>
    %eq3A_674 = arith.cmpi eq, %shift_right_arithmetic3A_656, %eq3A_673 : vector<16xi32>
    %get3A_675 = arith.constant 1 : i32
    %get3A_676 = arith.index_cast %get3A_675 : i32 to index
    %get3A_677 = arith.constant 0 : index
    %get3A_678 = tpu.vector_load %arg11[%get3A_676, %get3A_677] {strides = array<i32>} : memref<8x16xi32, #tpu.memory_space<vmem>>, vector<1x16xi32>,
    %get3A_679 = vector.shape_cast %get3A_678 : vector<1x16xi32> to vector<16xi32>
    %jit3A_680 = arith.constant 0 : i32
    %broadcast_in_dim3A_681 = vector.broadcast %jit3A_680 : i32 to vector<16xi32>
    %select_n3A_682 = arith.select %eq3A_674, %get3A_679, %broadcast_in_dim3A_681 : vector<16xi1>, vector<16xi32>
    %add3A_683 = arith.addi %add3A_671, %select_n3A_682 : vector<16xi32>
    %eq3A_684 = arith.constant 2 : i32
    %eq3A_685 = vector.broadcast %eq3A_684 : i32 to vector<16xi32>
    %eq3A_686 = arith.cmpi eq, %shift_right_arithmetic3A_656, %eq3A_685 : vector<16xi32>
    %get3A_687 = arith.constant 2 : i32
    %get3A_688 = arith.index_cast %get3A_687 : i32 to index
    %get3A_689 = arith.constant 0 : index
    %get3A_690 = tpu.vector_load %arg11[%get3A_688, %get3A_689] {strides = array<i32>} : memref<8x16xi32, #tpu.memory_space<vmem>>, vector<1x16xi32>,
    %get3A_691 = vector.shape_cast %get3A_690 : vector<1x16xi32> to vector<16xi32>
    %jit3A_692 = arith.constant 0 : i32
    %broadcast_in_dim3A_693 = vector.broadcast %jit3A_692 : i32 to vector<16xi32>
    %select_n3A_694 = arith.select %eq3A_686, %get3A_691, %broadcast_in_dim3A_693 : vector<16xi1>, vector<16xi32>
    %add3A_695 = arith.addi %add3A_683, %select_n3A_694 : vector<16xi32>
    %eq3A_696 = arith.constant 3 : i32
    %eq3A_697 = vector.broadcast %eq3A_696 : i32 to vector<16xi32>
    %eq3A_698 = arith.cmpi eq, %shift_right_arithmetic3A_656, %eq3A_697 : vector<16xi32>
    %get3A_699 = arith.constant 3 : i32
    %get3A_700 = arith.index_cast %get3A_699 : i32 to index
    %get3A_701 = arith.constant 0 : index
    %get3A_702 = tpu.vector_load %arg11[%get3A_700, %get3A_701] {strides = array<i32>} : memref<8x16xi32, #tpu.memory_space<vmem>>, vector<1x16xi32>,
    %get3A_703 = vector.shape_cast %get3A_702 : vector<1x16xi32> to vector<16xi32>
    %jit3A_704 = arith.constant 0 : i32
    %broadcast_in_dim3A_705 = vector.broadcast %jit3A_704 : i32 to vector<16xi32>
    %select_n3A_706 = arith.select %eq3A_698, %get3A_703, %broadcast_in_dim3A_705 : vector<16xi1>, vector<16xi32>
    %add3A_707 = arith.addi %add3A_695, %select_n3A_706 : vector<16xi32>
    %eq3A_708 = arith.constant 4 : i32
    %eq3A_709 = vector.broadcast %eq3A_708 : i32 to vector<16xi32>
    %eq3A_710 = arith.cmpi eq, %shift_right_arithmetic3A_656, %eq3A_709 : vector<16xi32>
    %get3A_711 = arith.constant 4 : i32
    %get3A_712 = arith.index_cast %get3A_711 : i32 to index
    %get3A_713 = arith.constant 0 : index
    %get3A_714 = tpu.vector_load %arg11[%get3A_712, %get3A_713] {strides = array<i32>} : memref<8x16xi32, #tpu.memory_space<vmem>>, vector<1x16xi32>,
    %get3A_715 = vector.shape_cast %get3A_714 : vector<1x16xi32> to vector<16xi32>
    %jit3A_716 = arith.constant 0 : i32
    %broadcast_in_dim3A_717 = vector.broadcast %jit3A_716 : i32 to vector<16xi32>
    %select_n3A_718 = arith.select %eq3A_710, %get3A_715, %broadcast_in_dim3A_717 : vector<16xi1>, vector<16xi32>
    %add3A_719 = arith.addi %add3A_707, %select_n3A_718 : vector<16xi32>
    %eq3A_720 = arith.constant 5 : i32
    %eq3A_721 = vector.broadcast %eq3A_720 : i32 to vector<16xi32>
    %eq3A_722 = arith.cmpi eq, %shift_right_arithmetic3A_656, %eq3A_721 : vector<16xi32>
    %get3A_723 = arith.constant 5 : i32
    %get3A_724 = arith.index_cast %get3A_723 : i32 to index
    %get3A_725 = arith.constant 0 : index
    %get3A_726 = tpu.vector_load %arg11[%get3A_724, %get3A_725] {strides = array<i32>} : memref<8x16xi32, #tpu.memory_space<vmem>>, vector<1x16xi32>,
    %get3A_727 = vector.shape_cast %get3A_726 : vector<1x16xi32> to vector<16xi32>
    %jit3A_728 = arith.constant 0 : i32
    %broadcast_in_dim3A_729 = vector.broadcast %jit3A_728 : i32 to vector<16xi32>
    %select_n3A_730 = arith.select %eq3A_722, %get3A_727, %broadcast_in_dim3A_729 : vector<16xi1>, vector<16xi32>
    %add3A_731 = arith.addi %add3A_719, %select_n3A_730 : vector<16xi32>
    %eq3A_732 = arith.constant 6 : i32
    %eq3A_733 = vector.broadcast %eq3A_732 : i32 to vector<16xi32>
    %eq3A_734 = arith.cmpi eq, %shift_right_arithmetic3A_656, %eq3A_733 : vector<16xi32>
    %get3A_735 = arith.constant 6 : i32
    %get3A_736 = arith.index_cast %get3A_735 : i32 to index
    %get3A_737 = arith.constant 0 : index
    %get3A_738 = tpu.vector_load %arg11[%get3A_736, %get3A_737] {strides = array<i32>} : memref<8x16xi32, #tpu.memory_space<vmem>>, vector<1x16xi32>,
    %get3A_739 = vector.shape_cast %get3A_738 : vector<1x16xi32> to vector<16xi32>
    %jit3A_740 = arith.constant 0 : i32
    %broadcast_in_dim3A_741 = vector.broadcast %jit3A_740 : i32 to vector<16xi32>
    %select_n3A_742 = arith.select %eq3A_734, %get3A_739, %broadcast_in_dim3A_741 : vector<16xi1>, vector<16xi32>
    %add3A_743 = arith.addi %add3A_731, %select_n3A_742 : vector<16xi32>
    %eq3A_744 = arith.constant 7 : i32
    %eq3A_745 = vector.broadcast %eq3A_744 : i32 to vector<16xi32>
    %eq3A_746 = arith.cmpi eq, %shift_right_arithmetic3A_656, %eq3A_745 : vector<16xi32>
    %get3A_747 = arith.constant 7 : i32
    %get3A_748 = arith.index_cast %get3A_747 : i32 to index
    %get3A_749 = arith.constant 0 : index
    %get3A_750 = tpu.vector_load %arg11[%get3A_748, %get3A_749] {strides = array<i32>} : memref<8x16xi32, #tpu.memory_space<vmem>>, vector<1x16xi32>,
    %get3A_751 = vector.shape_cast %get3A_750 : vector<1x16xi32> to vector<16xi32>
    %jit3A_752 = arith.constant 0 : i32
    %broadcast_in_dim3A_753 = vector.broadcast %jit3A_752 : i32 to vector<16xi32>
    %select_n3A_754 = arith.select %eq3A_746, %get3A_751, %broadcast_in_dim3A_753 : vector<16xi1>, vector<16xi32>
    %add3A_755 = arith.addi %add3A_743, %select_n3A_754 : vector<16xi32>
    %swap3A_756 = arith.constant 96 : index
    %swap3A_757 = tpu.vector_load %arg8[%swap3A_756] {strides = array<i32>} : memref<128xi32, #tpu.memory_space<vmem>>, vector<16xi32>,
    %swap3A_758 = vector.shape_cast %swap3A_757 : vector<16xi32> to vector<16xi32>
    %swap3A_759 = vector.shape_cast %add3A_755 : vector<16xi32> to vector<16xi32>
    tpu.vector_store %arg8[%swap3A_756], %swap3A_759 {strides = array<i32>} : memref<128xi32, #tpu.memory_space<vmem>>, vector<16xi32>,
    %get3A_760 = arith.constant 112 : index
    %get3A_761 = tpu.vector_load %arg10[%get3A_760] {strides = array<i32>} : memref<128xi32, #tpu.memory_space<vmem>>, vector<16xi32>,
    %get3A_762 = vector.shape_cast %get3A_761 : vector<16xi32> to vector<16xi32>
    %shift_right_arithmetic3A_763 = arith.constant 13 : i32
    %shift_right_arithmetic3A_764 = vector.broadcast %shift_right_arithmetic3A_763 : i32 to vector<16xi32>
    %shift_right_arithmetic3A_765 = arith.shrsi %get3A_762, %shift_right_arithmetic3A_764 : vector<16xi32>
    %and3A_766 = arith.constant 8191 : i32
    %and3A_767 = vector.broadcast %and3A_766 : i32 to vector<16xi32>
    %and3A_768 = arith.andi %get3A_762, %and3A_767 : vector<16xi32>
    %eq3A_769 = arith.constant 0 : i32
    %eq3A_770 = vector.broadcast %eq3A_769 : i32 to vector<16xi32>
    %eq3A_771 = arith.cmpi eq, %shift_right_arithmetic3A_765, %eq3A_770 : vector<16xi32>
    %get3A_772 = arith.constant 0 : i32
    %get3A_773 = arith.index_cast %get3A_772 : i32 to index
    %get3A_774 = arith.constant 0 : index
    %get3A_775 = tpu.vector_load %arg11[%get3A_773, %get3A_774] {strides = array<i32>} : memref<8x16xi32, #tpu.memory_space<vmem>>, vector<1x16xi32>,
    %get3A_776 = vector.shape_cast %get3A_775 : vector<1x16xi32> to vector<16xi32>
    %jit3A_777 = arith.constant 0 : i32
    %broadcast_in_dim3A_778 = vector.broadcast %jit3A_777 : i32 to vector<16xi32>
    %select_n3A_779 = arith.select %eq3A_771, %get3A_776, %broadcast_in_dim3A_778 : vector<16xi1>, vector<16xi32>
    %add3A_780 = arith.addi %and3A_768, %select_n3A_779 : vector<16xi32>
    %eq3A_781 = arith.constant 1 : i32
    %eq3A_782 = vector.broadcast %eq3A_781 : i32 to vector<16xi32>
    %eq3A_783 = arith.cmpi eq, %shift_right_arithmetic3A_765, %eq3A_782 : vector<16xi32>
    %get3A_784 = arith.constant 1 : i32
    %get3A_785 = arith.index_cast %get3A_784 : i32 to index
    %get3A_786 = arith.constant 0 : index
    %get3A_787 = tpu.vector_load %arg11[%get3A_785, %get3A_786] {strides = array<i32>} : memref<8x16xi32, #tpu.memory_space<vmem>>, vector<1x16xi32>,
    %get3A_788 = vector.shape_cast %get3A_787 : vector<1x16xi32> to vector<16xi32>
    %jit3A_789 = arith.constant 0 : i32
    %broadcast_in_dim3A_790 = vector.broadcast %jit3A_789 : i32 to vector<16xi32>
    %select_n3A_791 = arith.select %eq3A_783, %get3A_788, %broadcast_in_dim3A_790 : vector<16xi1>, vector<16xi32>
    %add3A_792 = arith.addi %add3A_780, %select_n3A_791 : vector<16xi32>
    %eq3A_793 = arith.constant 2 : i32
    %eq3A_794 = vector.broadcast %eq3A_793 : i32 to vector<16xi32>
    %eq3A_795 = arith.cmpi eq, %shift_right_arithmetic3A_765, %eq3A_794 : vector<16xi32>
    %get3A_796 = arith.constant 2 : i32
    %get3A_797 = arith.index_cast %get3A_796 : i32 to index
    %get3A_798 = arith.constant 0 : index
    %get3A_799 = tpu.vector_load %arg11[%get3A_797, %get3A_798] {strides = array<i32>} : memref<8x16xi32, #tpu.memory_space<vmem>>, vector<1x16xi32>,
    %get3A_800 = vector.shape_cast %get3A_799 : vector<1x16xi32> to vector<16xi32>
    %jit3A_801 = arith.constant 0 : i32
    %broadcast_in_dim3A_802 = vector.broadcast %jit3A_801 : i32 to vector<16xi32>
    %select_n3A_803 = arith.select %eq3A_795, %get3A_800, %broadcast_in_dim3A_802 : vector<16xi1>, vector<16xi32>
    %add3A_804 = arith.addi %add3A_792, %select_n3A_803 : vector<16xi32>
    %eq3A_805 = arith.constant 3 : i32
    %eq3A_806 = vector.broadcast %eq3A_805 : i32 to vector<16xi32>
    %eq3A_807 = arith.cmpi eq, %shift_right_arithmetic3A_765, %eq3A_806 : vector<16xi32>
    %get3A_808 = arith.constant 3 : i32
    %get3A_809 = arith.index_cast %get3A_808 : i32 to index
    %get3A_810 = arith.constant 0 : index
    %get3A_811 = tpu.vector_load %arg11[%get3A_809, %get3A_810] {strides = array<i32>} : memref<8x16xi32, #tpu.memory_space<vmem>>, vector<1x16xi32>,
    %get3A_812 = vector.shape_cast %get3A_811 : vector<1x16xi32> to vector<16xi32>
    %jit3A_813 = arith.constant 0 : i32
    %broadcast_in_dim3A_814 = vector.broadcast %jit3A_813 : i32 to vector<16xi32>
    %select_n3A_815 = arith.select %eq3A_807, %get3A_812, %broadcast_in_dim3A_814 : vector<16xi1>, vector<16xi32>
    %add3A_816 = arith.addi %add3A_804, %select_n3A_815 : vector<16xi32>
    %eq3A_817 = arith.constant 4 : i32
    %eq3A_818 = vector.broadcast %eq3A_817 : i32 to vector<16xi32>
    %eq3A_819 = arith.cmpi eq, %shift_right_arithmetic3A_765, %eq3A_818 : vector<16xi32>
    %get3A_820 = arith.constant 4 : i32
    %get3A_821 = arith.index_cast %get3A_820 : i32 to index
    %get3A_822 = arith.constant 0 : index
    %get3A_823 = tpu.vector_load %arg11[%get3A_821, %get3A_822] {strides = array<i32>} : memref<8x16xi32, #tpu.memory_space<vmem>>, vector<1x16xi32>,
    %get3A_824 = vector.shape_cast %get3A_823 : vector<1x16xi32> to vector<16xi32>
    %jit3A_825 = arith.constant 0 : i32
    %broadcast_in_dim3A_826 = vector.broadcast %jit3A_825 : i32 to vector<16xi32>
    %select_n3A_827 = arith.select %eq3A_819, %get3A_824, %broadcast_in_dim3A_826 : vector<16xi1>, vector<16xi32>
    %add3A_828 = arith.addi %add3A_816, %select_n3A_827 : vector<16xi32>
    %eq3A_829 = arith.constant 5 : i32
    %eq3A_830 = vector.broadcast %eq3A_829 : i32 to vector<16xi32>
    %eq3A_831 = arith.cmpi eq, %shift_right_arithmetic3A_765, %eq3A_830 : vector<16xi32>
    %get3A_832 = arith.constant 5 : i32
    %get3A_833 = arith.index_cast %get3A_832 : i32 to index
    %get3A_834 = arith.constant 0 : index
    %get3A_835 = tpu.vector_load %arg11[%get3A_833, %get3A_834] {strides = array<i32>} : memref<8x16xi32, #tpu.memory_space<vmem>>, vector<1x16xi32>,
    %get3A_836 = vector.shape_cast %get3A_835 : vector<1x16xi32> to vector<16xi32>
    %jit3A_837 = arith.constant 0 : i32
    %broadcast_in_dim3A_838 = vector.broadcast %jit3A_837 : i32 to vector<16xi32>
    %select_n3A_839 = arith.select %eq3A_831, %get3A_836, %broadcast_in_dim3A_838 : vector<16xi1>, vector<16xi32>
    %add3A_840 = arith.addi %add3A_828, %select_n3A_839 : vector<16xi32>
    %eq3A_841 = arith.constant 6 : i32
    %eq3A_842 = vector.broadcast %eq3A_841 : i32 to vector<16xi32>
    %eq3A_843 = arith.cmpi eq, %shift_right_arithmetic3A_765, %eq3A_842 : vector<16xi32>
    %get3A_844 = arith.constant 6 : i32
    %get3A_845 = arith.index_cast %get3A_844 : i32 to index
    %get3A_846 = arith.constant 0 : index
    %get3A_847 = tpu.vector_load %arg11[%get3A_845, %get3A_846] {strides = array<i32>} : memref<8x16xi32, #tpu.memory_space<vmem>>, vector<1x16xi32>,
    %get3A_848 = vector.shape_cast %get3A_847 : vector<1x16xi32> to vector<16xi32>
    %jit3A_849 = arith.constant 0 : i32
    %broadcast_in_dim3A_850 = vector.broadcast %jit3A_849 : i32 to vector<16xi32>
    %select_n3A_851 = arith.select %eq3A_843, %get3A_848, %broadcast_in_dim3A_850 : vector<16xi1>, vector<16xi32>
    %add3A_852 = arith.addi %add3A_840, %select_n3A_851 : vector<16xi32>
    %eq3A_853 = arith.constant 7 : i32
    %eq3A_854 = vector.broadcast %eq3A_853 : i32 to vector<16xi32>
    %eq3A_855 = arith.cmpi eq, %shift_right_arithmetic3A_765, %eq3A_854 : vector<16xi32>
    %get3A_856 = arith.constant 7 : i32
    %get3A_857 = arith.index_cast %get3A_856 : i32 to index
    %get3A_858 = arith.constant 0 : index
    %get3A_859 = tpu.vector_load %arg11[%get3A_857, %get3A_858] {strides = array<i32>} : memref<8x16xi32, #tpu.memory_space<vmem>>, vector<1x16xi32>,
    %get3A_860 = vector.shape_cast %get3A_859 : vector<1x16xi32> to vector<16xi32>
    %jit3A_861 = arith.constant 0 : i32
    %broadcast_in_dim3A_862 = vector.broadcast %jit3A_861 : i32 to vector<16xi32>
    %select_n3A_863 = arith.select %eq3A_855, %get3A_860, %broadcast_in_dim3A_862 : vector<16xi1>, vector<16xi32>
    %add3A_864 = arith.addi %add3A_852, %select_n3A_863 : vector<16xi32>
    %swap3A_865 = arith.constant 112 : index
    %swap3A_866 = tpu.vector_load %arg8[%swap3A_865] {strides = array<i32>} : memref<128xi32, #tpu.memory_space<vmem>>, vector<16xi32>,
    %swap3A_867 = vector.shape_cast %swap3A_866 : vector<16xi32> to vector<16xi32>
    %swap3A_868 = vector.shape_cast %add3A_864 : vector<16xi32> to vector<16xi32>
    tpu.vector_store %arg8[%swap3A_865], %swap3A_868 {strides = array<i32>} : memref<128xi32, #tpu.memory_space<vmem>>, vector<16xi32>,
    %dma_start3A = arith.constant 0 : i32
    %dma_start3A_869 = arith.constant 0 : i32
    %dma_start3A_870 = tpu.memref_slice %arg6[%dma_start3A, %dma_start3A_869] : memref<10240x768xf32, #tpu.memory_space<hbm>> -> memref<10240x768xf32, #tpu.memory_space<hbm>>
    tpu.enqueue_indirect_dma source(%arg7 : memref<128x768xf32, #tpu.memory_space<vmem>>) target(%dma_start3A_870 : memref<10240x768xf32, #tpu.memory_space<hbm>>) offsets(%arg8 : memref<128xi32, #tpu.memory_space<vmem>>) semaphore(%arg12 : memref<!tpu.dma_semaphore, #tpu.memory_space<semaphore_mem>>)
    "tpu.region"() ({
      %run_scoped3A = tpu.sem_alloc : memref<!tpu.dma_semaphore, #tpu.memory_space<semaphore_mem>>
      %dma_start3A_1751 = tpu.memref_slice %arg4[%multiple_of3A] : memref<4096xi32, #tpu.memory_space<hbm>> -> memref<128xi32, #tpu.memory_space<hbm>>
      %dma_start3A_1752 = tpu.memref_slice %arg4[%multiple_of3A] : memref<4096xi32, #tpu.memory_space<hbm>> -> memref<128xi32, #tpu.memory_space<hbm>>
      tpu.enqueue_dma source(%dma_start3A_1752 : memref<128xi32, #tpu.memory_space<hbm>>) target(%arg10 : memref<128xi32, #tpu.memory_space<vmem>>) target_semaphore(%run_scoped3A : memref<!tpu.dma_semaphore, #tpu.memory_space<semaphore_mem>>)
      %dma_wait3A_1753 = tpu.memref_slice %arg4[%multiple_of3A] : memref<4096xi32, #tpu.memory_space<hbm>> -> memref<128xi32, #tpu.memory_space<hbm>>
      %dma_wait3A_1754 = tpu.memref_slice %arg4[%multiple_of3A] : memref<4096xi32, #tpu.memory_space<hbm>> -> memref<128xi32, #tpu.memory_space<hbm>>
      tpu.wait_dma2 semaphore(%run_scoped3A : memref<!tpu.dma_semaphore, #tpu.memory_space<semaphore_mem>>) src(%dma_wait3A_1754 : memref<128xi32, #tpu.memory_space<hbm>>) dst(%arg10 : memref<128xi32, #tpu.memory_space<vmem>>)
      tpu.yield
    }) : () -> ()
    %get3A_871 = arith.constant 0 : index
    %get3A_872 = tpu.vector_load %arg10[%get3A_871] {strides = array<i32>} : memref<128xi32, #tpu.memory_space<vmem>>, vector<16xi32>,
    %get3A_873 = vector.shape_cast %get3A_872 : vector<16xi32> to vector<16xi32>
    %shift_right_arithmetic3A_874 = arith.constant 13 : i32
    %shift_right_arithmetic3A_875 = vector.broadcast %shift_right_arithmetic3A_874 : i32 to vector<16xi32>
    %shift_right_arithmetic3A_876 = arith.shrsi %get3A_873, %shift_right_arithmetic3A_875 : vector<16xi32>
    %and3A_877 = arith.constant 8191 : i32
    %and3A_878 = vector.broadcast %and3A_877 : i32 to vector<16xi32>
    %and3A_879 = arith.andi %get3A_873, %and3A_878 : vector<16xi32>
    %eq3A_880 = arith.constant 0 : i32
    %eq3A_881 = vector.broadcast %eq3A_880 : i32 to vector<16xi32>
    %eq3A_882 = arith.cmpi eq, %shift_right_arithmetic3A_876, %eq3A_881 : vector<16xi32>
    %get3A_883 = arith.constant 0 : i32
    %get3A_884 = arith.index_cast %get3A_883 : i32 to index
    %get3A_885 = arith.constant 0 : index
    %get3A_886 = tpu.vector_load %arg11[%get3A_884, %get3A_885] {strides = array<i32>} : memref<8x16xi32, #tpu.memory_space<vmem>>, vector<1x16xi32>,
    %get3A_887 = vector.shape_cast %get3A_886 : vector<1x16xi32> to vector<16xi32>
    %jit3A_888 = arith.constant 0 : i32
    %broadcast_in_dim3A_889 = vector.broadcast %jit3A_888 : i32 to vector<16xi32>
    %select_n3A_890 = arith.select %eq3A_882, %get3A_887, %broadcast_in_dim3A_889 : vector<16xi1>, vector<16xi32>
    %add3A_891 = arith.addi %and3A_879, %select_n3A_890 : vector<16xi32>
    %eq3A_892 = arith.constant 1 : i32
    %eq3A_893 = vector.broadcast %eq3A_892 : i32 to vector<16xi32>
    %eq3A_894 = arith.cmpi eq, %shift_right_arithmetic3A_876, %eq3A_893 : vector<16xi32>
    %get3A_895 = arith.constant 1 : i32
    %get3A_896 = arith.index_cast %get3A_895 : i32 to index
    %get3A_897 = arith.constant 0 : index
    %get3A_898 = tpu.vector_load %arg11[%get3A_896, %get3A_897] {strides = array<i32>} : memref<8x16xi32, #tpu.memory_space<vmem>>, vector<1x16xi32>,
    %get3A_899 = vector.shape_cast %get3A_898 : vector<1x16xi32> to vector<16xi32>
    %jit3A_900 = arith.constant 0 : i32
    %broadcast_in_dim3A_901 = vector.broadcast %jit3A_900 : i32 to vector<16xi32>
    %select_n3A_902 = arith.select %eq3A_894, %get3A_899, %broadcast_in_dim3A_901 : vector<16xi1>, vector<16xi32>
    %add3A_903 = arith.addi %add3A_891, %select_n3A_902 : vector<16xi32>
    %eq3A_904 = arith.constant 2 : i32
    %eq3A_905 = vector.broadcast %eq3A_904 : i32 to vector<16xi32>
    %eq3A_906 = arith.cmpi eq, %shift_right_arithmetic3A_876, %eq3A_905 : vector<16xi32>
    %get3A_907 = arith.constant 2 : i32
    %get3A_908 = arith.index_cast %get3A_907 : i32 to index
    %get3A_909 = arith.constant 0 : index
    %get3A_910 = tpu.vector_load %arg11[%get3A_908, %get3A_909] {strides = array<i32>} : memref<8x16xi32, #tpu.memory_space<vmem>>, vector<1x16xi32>,
    %get3A_911 = vector.shape_cast %get3A_910 : vector<1x16xi32> to vector<16xi32>
    %jit3A_912 = arith.constant 0 : i32
    %broadcast_in_dim3A_913 = vector.broadcast %jit3A_912 : i32 to vector<16xi32>
    %select_n3A_914 = arith.select %eq3A_906, %get3A_911, %broadcast_in_dim3A_913 : vector<16xi1>, vector<16xi32>
    %add3A_915 = arith.addi %add3A_903, %select_n3A_914 : vector<16xi32>
    %eq3A_916 = arith.constant 3 : i32
    %eq3A_917 = vector.broadcast %eq3A_916 : i32 to vector<16xi32>
    %eq3A_918 = arith.cmpi eq, %shift_right_arithmetic3A_876, %eq3A_917 : vector<16xi32>
    %get3A_919 = arith.constant 3 : i32
    %get3A_920 = arith.index_cast %get3A_919 : i32 to index
    %get3A_921 = arith.constant 0 : index
    %get3A_922 = tpu.vector_load %arg11[%get3A_920, %get3A_921] {strides = array<i32>} : memref<8x16xi32, #tpu.memory_space<vmem>>, vector<1x16xi32>,
    %get3A_923 = vector.shape_cast %get3A_922 : vector<1x16xi32> to vector<16xi32>
    %jit3A_924 = arith.constant 0 : i32
    %broadcast_in_dim3A_925 = vector.broadcast %jit3A_924 : i32 to vector<16xi32>
    %select_n3A_926 = arith.select %eq3A_918, %get3A_923, %broadcast_in_dim3A_925 : vector<16xi1>, vector<16xi32>
    %add3A_927 = arith.addi %add3A_915, %select_n3A_926 : vector<16xi32>
    %eq3A_928 = arith.constant 4 : i32
    %eq3A_929 = vector.broadcast %eq3A_928 : i32 to vector<16xi32>
    %eq3A_930 = arith.cmpi eq, %shift_right_arithmetic3A_876, %eq3A_929 : vector<16xi32>
    %get3A_931 = arith.constant 4 : i32
    %get3A_932 = arith.index_cast %get3A_931 : i32 to index
    %get3A_933 = arith.constant 0 : index
    %get3A_934 = tpu.vector_load %arg11[%get3A_932, %get3A_933] {strides = array<i32>} : memref<8x16xi32, #tpu.memory_space<vmem>>, vector<1x16xi32>,
    %get3A_935 = vector.shape_cast %get3A_934 : vector<1x16xi32> to vector<16xi32>
    %jit3A_936 = arith.constant 0 : i32
    %broadcast_in_dim3A_937 = vector.broadcast %jit3A_936 : i32 to vector<16xi32>
    %select_n3A_938 = arith.select %eq3A_930, %get3A_935, %broadcast_in_dim3A_937 : vector<16xi1>, vector<16xi32>
    %add3A_939 = arith.addi %add3A_927, %select_n3A_938 : vector<16xi32>
    %eq3A_940 = arith.constant 5 : i32
    %eq3A_941 = vector.broadcast %eq3A_940 : i32 to vector<16xi32>
    %eq3A_942 = arith.cmpi eq, %shift_right_arithmetic3A_876, %eq3A_941 : vector<16xi32>
    %get3A_943 = arith.constant 5 : i32
    %get3A_944 = arith.index_cast %get3A_943 : i32 to index
    %get3A_945 = arith.constant 0 : index
    %get3A_946 = tpu.vector_load %arg11[%get3A_944, %get3A_945] {strides = array<i32>} : memref<8x16xi32, #tpu.memory_space<vmem>>, vector<1x16xi32>,
    %get3A_947 = vector.shape_cast %get3A_946 : vector<1x16xi32> to vector<16xi32>
    %jit3A_948 = arith.constant 0 : i32
    %broadcast_in_dim3A_949 = vector.broadcast %jit3A_948 : i32 to vector<16xi32>
    %select_n3A_950 = arith.select %eq3A_942, %get3A_947, %broadcast_in_dim3A_949 : vector<16xi1>, vector<16xi32>
    %add3A_951 = arith.addi %add3A_939, %select_n3A_950 : vector<16xi32>
    %eq3A_952 = arith.constant 6 : i32
    %eq3A_953 = vector.broadcast %eq3A_952 : i32 to vector<16xi32>
    %eq3A_954 = arith.cmpi eq, %shift_right_arithmetic3A_876, %eq3A_953 : vector<16xi32>
    %get3A_955 = arith.constant 6 : i32
    %get3A_956 = arith.index_cast %get3A_955 : i32 to index
    %get3A_957 = arith.constant 0 : index
    %get3A_958 = tpu.vector_load %arg11[%get3A_956, %get3A_957] {strides = array<i32>} : memref<8x16xi32, #tpu.memory_space<vmem>>, vector<1x16xi32>,
    %get3A_959 = vector.shape_cast %get3A_958 : vector<1x16xi32> to vector<16xi32>
    %jit3A_960 = arith.constant 0 : i32
    %broadcast_in_dim3A_961 = vector.broadcast %jit3A_960 : i32 to vector<16xi32>
    %select_n3A_962 = arith.select %eq3A_954, %get3A_959, %broadcast_in_dim3A_961 : vector<16xi1>, vector<16xi32>
    %add3A_963 = arith.addi %add3A_951, %select_n3A_962 : vector<16xi32>
    %eq3A_964 = arith.constant 7 : i32
    %eq3A_965 = vector.broadcast %eq3A_964 : i32 to vector<16xi32>
    %eq3A_966 = arith.cmpi eq, %shift_right_arithmetic3A_876, %eq3A_965 : vector<16xi32>
    %get3A_967 = arith.constant 7 : i32
    %get3A_968 = arith.index_cast %get3A_967 : i32 to index
    %get3A_969 = arith.constant 0 : index
    %get3A_970 = tpu.vector_load %arg11[%get3A_968, %get3A_969] {strides = array<i32>} : memref<8x16xi32, #tpu.memory_space<vmem>>, vector<1x16xi32>,
    %get3A_971 = vector.shape_cast %get3A_970 : vector<1x16xi32> to vector<16xi32>
    %jit3A_972 = arith.constant 0 : i32
    %broadcast_in_dim3A_973 = vector.broadcast %jit3A_972 : i32 to vector<16xi32>
    %select_n3A_974 = arith.select %eq3A_966, %get3A_971, %broadcast_in_dim3A_973 : vector<16xi1>, vector<16xi32>
    %add3A_975 = arith.addi %add3A_963, %select_n3A_974 : vector<16xi32>
    %swap3A_976 = arith.constant 0 : index
    %swap3A_977 = tpu.vector_load %arg9[%swap3A_976] {strides = array<i32>} : memref<128xi32, #tpu.memory_space<vmem>>, vector<16xi32>,
    %swap3A_978 = vector.shape_cast %swap3A_977 : vector<16xi32> to vector<16xi32>
    %swap3A_979 = vector.shape_cast %add3A_975 : vector<16xi32> to vector<16xi32>
    tpu.vector_store %arg9[%swap3A_976], %swap3A_979 {strides = array<i32>} : memref<128xi32, #tpu.memory_space<vmem>>, vector<16xi32>,
    %get3A_980 = arith.constant 16 : index
    %get3A_981 = tpu.vector_load %arg10[%get3A_980] {strides = array<i32>} : memref<128xi32, #tpu.memory_space<vmem>>, vector<16xi32>,
    %get3A_982 = vector.shape_cast %get3A_981 : vector<16xi32> to vector<16xi32>
    %shift_right_arithmetic3A_983 = arith.constant 13 : i32
    %shift_right_arithmetic3A_984 = vector.broadcast %shift_right_arithmetic3A_983 : i32 to vector<16xi32>
    %shift_right_arithmetic3A_985 = arith.shrsi %get3A_982, %shift_right_arithmetic3A_984 : vector<16xi32>
    %and3A_986 = arith.constant 8191 : i32
    %and3A_987 = vector.broadcast %and3A_986 : i32 to vector<16xi32>
    %and3A_988 = arith.andi %get3A_982, %and3A_987 : vector<16xi32>
    %eq3A_989 = arith.constant 0 : i32
    %eq3A_990 = vector.broadcast %eq3A_989 : i32 to vector<16xi32>
    %eq3A_991 = arith.cmpi eq, %shift_right_arithmetic3A_985, %eq3A_990 : vector<16xi32>
    %get3A_992 = arith.constant 0 : i32
    %get3A_993 = arith.index_cast %get3A_992 : i32 to index
    %get3A_994 = arith.constant 0 : index
    %get3A_995 = tpu.vector_load %arg11[%get3A_993, %get3A_994] {strides = array<i32>} : memref<8x16xi32, #tpu.memory_space<vmem>>, vector<1x16xi32>,
    %get3A_996 = vector.shape_cast %get3A_995 : vector<1x16xi32> to vector<16xi32>
    %jit3A_997 = arith.constant 0 : i32
    %broadcast_in_dim3A_998 = vector.broadcast %jit3A_997 : i32 to vector<16xi32>
    %select_n3A_999 = arith.select %eq3A_991, %get3A_996, %broadcast_in_dim3A_998 : vector<16xi1>, vector<16xi32>
    %add3A_1000 = arith.addi %and3A_988, %select_n3A_999 : vector<16xi32>
    %eq3A_1001 = arith.constant 1 : i32
    %eq3A_1002 = vector.broadcast %eq3A_1001 : i32 to vector<16xi32>
    %eq3A_1003 = arith.cmpi eq, %shift_right_arithmetic3A_985, %eq3A_1002 : vector<16xi32>
    %get3A_1004 = arith.constant 1 : i32
    %get3A_1005 = arith.index_cast %get3A_1004 : i32 to index
    %get3A_1006 = arith.constant 0 : index
    %get3A_1007 = tpu.vector_load %arg11[%get3A_1005, %get3A_1006] {strides = array<i32>} : memref<8x16xi32, #tpu.memory_space<vmem>>, vector<1x16xi32>,
    %get3A_1008 = vector.shape_cast %get3A_1007 : vector<1x16xi32> to vector<16xi32>
    %jit3A_1009 = arith.constant 0 : i32
    %broadcast_in_dim3A_1010 = vector.broadcast %jit3A_1009 : i32 to vector<16xi32>
    %select_n3A_1011 = arith.select %eq3A_1003, %get3A_1008, %broadcast_in_dim3A_1010 : vector<16xi1>, vector<16xi32>
    %add3A_1012 = arith.addi %add3A_1000, %select_n3A_1011 : vector<16xi32>
    %eq3A_1013 = arith.constant 2 : i32
    %eq3A_1014 = vector.broadcast %eq3A_1013 : i32 to vector<16xi32>
    %eq3A_1015 = arith.cmpi eq, %shift_right_arithmetic3A_985, %eq3A_1014 : vector<16xi32>
    %get3A_1016 = arith.constant 2 : i32
    %get3A_1017 = arith.index_cast %get3A_1016 : i32 to index
    %get3A_1018 = arith.constant 0 : index
    %get3A_1019 = tpu.vector_load %arg11[%get3A_1017, %get3A_1018] {strides = array<i32>} : memref<8x16xi32, #tpu.memory_space<vmem>>, vector<1x16xi32>,
    %get3A_1020 = vector.shape_cast %get3A_1019 : vector<1x16xi32> to vector<16xi32>
    %jit3A_1021 = arith.constant 0 : i32
    %broadcast_in_dim3A_1022 = vector.broadcast %jit3A_1021 : i32 to vector<16xi32>
    %select_n3A_1023 = arith.select %eq3A_1015, %get3A_1020, %broadcast_in_dim3A_1022 : vector<16xi1>, vector<16xi32>
    %add3A_1024 = arith.addi %add3A_1012, %select_n3A_1023 : vector<16xi32>
    %eq3A_1025 = arith.constant 3 : i32
    %eq3A_1026 = vector.broadcast %eq3A_1025 : i32 to vector<16xi32>
    %eq3A_1027 = arith.cmpi eq, %shift_right_arithmetic3A_985, %eq3A_1026 : vector<16xi32>
    %get3A_1028 = arith.constant 3 : i32
    %get3A_1029 = arith.index_cast %get3A_1028 : i32 to index
    %get3A_1030 = arith.constant 0 : index
    %get3A_1031 = tpu.vector_load %arg11[%get3A_1029, %get3A_1030] {strides = array<i32>} : memref<8x16xi32, #tpu.memory_space<vmem>>, vector<1x16xi32>,
    %get3A_1032 = vector.shape_cast %get3A_1031 : vector<1x16xi32> to vector<16xi32>
    %jit3A_1033 = arith.constant 0 : i32
    %broadcast_in_dim3A_1034 = vector.broadcast %jit3A_1033 : i32 to vector<16xi32>
    %select_n3A_1035 = arith.select %eq3A_1027, %get3A_1032, %broadcast_in_dim3A_1034 : vector<16xi1>, vector<16xi32>
    %add3A_1036 = arith.addi %add3A_1024, %select_n3A_1035 : vector<16xi32>
    %eq3A_1037 = arith.constant 4 : i32
    %eq3A_1038 = vector.broadcast %eq3A_1037 : i32 to vector<16xi32>
    %eq3A_1039 = arith.cmpi eq, %shift_right_arithmetic3A_985, %eq3A_1038 : vector<16xi32>
    %get3A_1040 = arith.constant 4 : i32
    %get3A_1041 = arith.index_cast %get3A_1040 : i32 to index
    %get3A_1042 = arith.constant 0 : index
    %get3A_1043 = tpu.vector_load %arg11[%get3A_1041, %get3A_1042] {strides = array<i32>} : memref<8x16xi32, #tpu.memory_space<vmem>>, vector<1x16xi32>,
    %get3A_1044 = vector.shape_cast %get3A_1043 : vector<1x16xi32> to vector<16xi32>
    %jit3A_1045 = arith.constant 0 : i32
    %broadcast_in_dim3A_1046 = vector.broadcast %jit3A_1045 : i32 to vector<16xi32>
    %select_n3A_1047 = arith.select %eq3A_1039, %get3A_1044, %broadcast_in_dim3A_1046 : vector<16xi1>, vector<16xi32>
    %add3A_1048 = arith.addi %add3A_1036, %select_n3A_1047 : vector<16xi32>
    %eq3A_1049 = arith.constant 5 : i32
    %eq3A_1050 = vector.broadcast %eq3A_1049 : i32 to vector<16xi32>
    %eq3A_1051 = arith.cmpi eq, %shift_right_arithmetic3A_985, %eq3A_1050 : vector<16xi32>
    %get3A_1052 = arith.constant 5 : i32
    %get3A_1053 = arith.index_cast %get3A_1052 : i32 to index
    %get3A_1054 = arith.constant 0 : index
    %get3A_1055 = tpu.vector_load %arg11[%get3A_1053, %get3A_1054] {strides = array<i32>} : memref<8x16xi32, #tpu.memory_space<vmem>>, vector<1x16xi32>,
    %get3A_1056 = vector.shape_cast %get3A_1055 : vector<1x16xi32> to vector<16xi32>
    %jit3A_1057 = arith.constant 0 : i32
    %broadcast_in_dim3A_1058 = vector.broadcast %jit3A_1057 : i32 to vector<16xi32>
    %select_n3A_1059 = arith.select %eq3A_1051, %get3A_1056, %broadcast_in_dim3A_1058 : vector<16xi1>, vector<16xi32>
    %add3A_1060 = arith.addi %add3A_1048, %select_n3A_1059 : vector<16xi32>
    %eq3A_1061 = arith.constant 6 : i32
    %eq3A_1062 = vector.broadcast %eq3A_1061 : i32 to vector<16xi32>
    %eq3A_1063 = arith.cmpi eq, %shift_right_arithmetic3A_985, %eq3A_1062 : vector<16xi32>
    %get3A_1064 = arith.constant 6 : i32
    %get3A_1065 = arith.index_cast %get3A_1064 : i32 to index
    %get3A_1066 = arith.constant 0 : index
    %get3A_1067 = tpu.vector_load %arg11[%get3A_1065, %get3A_1066] {strides = array<i32>} : memref<8x16xi32, #tpu.memory_space<vmem>>, vector<1x16xi32>,
    %get3A_1068 = vector.shape_cast %get3A_1067 : vector<1x16xi32> to vector<16xi32>
    %jit3A_1069 = arith.constant 0 : i32
    %broadcast_in_dim3A_1070 = vector.broadcast %jit3A_1069 : i32 to vector<16xi32>
    %select_n3A_1071 = arith.select %eq3A_1063, %get3A_1068, %broadcast_in_dim3A_1070 : vector<16xi1>, vector<16xi32>
    %add3A_1072 = arith.addi %add3A_1060, %select_n3A_1071 : vector<16xi32>
    %eq3A_1073 = arith.constant 7 : i32
    %eq3A_1074 = vector.broadcast %eq3A_1073 : i32 to vector<16xi32>
    %eq3A_1075 = arith.cmpi eq, %shift_right_arithmetic3A_985, %eq3A_1074 : vector<16xi32>
    %get3A_1076 = arith.constant 7 : i32
    %get3A_1077 = arith.index_cast %get3A_1076 : i32 to index
    %get3A_1078 = arith.constant 0 : index
    %get3A_1079 = tpu.vector_load %arg11[%get3A_1077, %get3A_1078] {strides = array<i32>} : memref<8x16xi32, #tpu.memory_space<vmem>>, vector<1x16xi32>,
    %get3A_1080 = vector.shape_cast %get3A_1079 : vector<1x16xi32> to vector<16xi32>
    %jit3A_1081 = arith.constant 0 : i32
    %broadcast_in_dim3A_1082 = vector.broadcast %jit3A_1081 : i32 to vector<16xi32>
    %select_n3A_1083 = arith.select %eq3A_1075, %get3A_1080, %broadcast_in_dim3A_1082 : vector<16xi1>, vector<16xi32>
    %add3A_1084 = arith.addi %add3A_1072, %select_n3A_1083 : vector<16xi32>
    %swap3A_1085 = arith.constant 16 : index
    %swap3A_1086 = tpu.vector_load %arg9[%swap3A_1085] {strides = array<i32>} : memref<128xi32, #tpu.memory_space<vmem>>, vector<16xi32>,
    %swap3A_1087 = vector.shape_cast %swap3A_1086 : vector<16xi32> to vector<16xi32>
    %swap3A_1088 = vector.shape_cast %add3A_1084 : vector<16xi32> to vector<16xi32>
    tpu.vector_store %arg9[%swap3A_1085], %swap3A_1088 {strides = array<i32>} : memref<128xi32, #tpu.memory_space<vmem>>, vector<16xi32>,
    %get3A_1089 = arith.constant 32 : index
    %get3A_1090 = tpu.vector_load %arg10[%get3A_1089] {strides = array<i32>} : memref<128xi32, #tpu.memory_space<vmem>>, vector<16xi32>,
    %get3A_1091 = vector.shape_cast %get3A_1090 : vector<16xi32> to vector<16xi32>
    %shift_right_arithmetic3A_1092 = arith.constant 13 : i32
    %shift_right_arithmetic3A_1093 = vector.broadcast %shift_right_arithmetic3A_1092 : i32 to vector<16xi32>
    %shift_right_arithmetic3A_1094 = arith.shrsi %get3A_1091, %shift_right_arithmetic3A_1093 : vector<16xi32>
    %and3A_1095 = arith.constant 8191 : i32
    %and3A_1096 = vector.broadcast %and3A_1095 : i32 to vector<16xi32>
    %and3A_1097 = arith.andi %get3A_1091, %and3A_1096 : vector<16xi32>
    %eq3A_1098 = arith.constant 0 : i32
    %eq3A_1099 = vector.broadcast %eq3A_1098 : i32 to vector<16xi32>
    %eq3A_1100 = arith.cmpi eq, %shift_right_arithmetic3A_1094, %eq3A_1099 : vector<16xi32>
    %get3A_1101 = arith.constant 0 : i32
    %get3A_1102 = arith.index_cast %get3A_1101 : i32 to index
    %get3A_1103 = arith.constant 0 : index
    %get3A_1104 = tpu.vector_load %arg11[%get3A_1102, %get3A_1103] {strides = array<i32>} : memref<8x16xi32, #tpu.memory_space<vmem>>, vector<1x16xi32>,
    %get3A_1105 = vector.shape_cast %get3A_1104 : vector<1x16xi32> to vector<16xi32>
    %jit3A_1106 = arith.constant 0 : i32
    %broadcast_in_dim3A_1107 = vector.broadcast %jit3A_1106 : i32 to vector<16xi32>
    %select_n3A_1108 = arith.select %eq3A_1100, %get3A_1105, %broadcast_in_dim3A_1107 : vector<16xi1>, vector<16xi32>
    %add3A_1109 = arith.addi %and3A_1097, %select_n3A_1108 : vector<16xi32>
    %eq3A_1110 = arith.constant 1 : i32
    %eq3A_1111 = vector.broadcast %eq3A_1110 : i32 to vector<16xi32>
    %eq3A_1112 = arith.cmpi eq, %shift_right_arithmetic3A_1094, %eq3A_1111 : vector<16xi32>
    %get3A_1113 = arith.constant 1 : i32
    %get3A_1114 = arith.index_cast %get3A_1113 : i32 to index
    %get3A_1115 = arith.constant 0 : index
    %get3A_1116 = tpu.vector_load %arg11[%get3A_1114, %get3A_1115] {strides = array<i32>} : memref<8x16xi32, #tpu.memory_space<vmem>>, vector<1x16xi32>,
    %get3A_1117 = vector.shape_cast %get3A_1116 : vector<1x16xi32> to vector<16xi32>
    %jit3A_1118 = arith.constant 0 : i32
    %broadcast_in_dim3A_1119 = vector.broadcast %jit3A_1118 : i32 to vector<16xi32>
    %select_n3A_1120 = arith.select %eq3A_1112, %get3A_1117, %broadcast_in_dim3A_1119 : vector<16xi1>, vector<16xi32>
    %add3A_1121 = arith.addi %add3A_1109, %select_n3A_1120 : vector<16xi32>
    %eq3A_1122 = arith.constant 2 : i32
    %eq3A_1123 = vector.broadcast %eq3A_1122 : i32 to vector<16xi32>
    %eq3A_1124 = arith.cmpi eq, %shift_right_arithmetic3A_1094, %eq3A_1123 : vector<16xi32>
    %get3A_1125 = arith.constant 2 : i32
    %get3A_1126 = arith.index_cast %get3A_1125 : i32 to index
    %get3A_1127 = arith.constant 0 : index
    %get3A_1128 = tpu.vector_load %arg11[%get3A_1126, %get3A_1127] {strides = array<i32>} : memref<8x16xi32, #tpu.memory_space<vmem>>, vector<1x16xi32>,
    %get3A_1129 = vector.shape_cast %get3A_1128 : vector<1x16xi32> to vector<16xi32>
    %jit3A_1130 = arith.constant 0 : i32
    %broadcast_in_dim3A_1131 = vector.broadcast %jit3A_1130 : i32 to vector<16xi32>
    %select_n3A_1132 = arith.select %eq3A_1124, %get3A_1129, %broadcast_in_dim3A_1131 : vector<16xi1>, vector<16xi32>
    %add3A_1133 = arith.addi %add3A_1121, %select_n3A_1132 : vector<16xi32>
    %eq3A_1134 = arith.constant 3 : i32
    %eq3A_1135 = vector.broadcast %eq3A_1134 : i32 to vector<16xi32>
    %eq3A_1136 = arith.cmpi eq, %shift_right_arithmetic3A_1094, %eq3A_1135 : vector<16xi32>
    %get3A_1137 = arith.constant 3 : i32
    %get3A_1138 = arith.index_cast %get3A_1137 : i32 to index
    %get3A_1139 = arith.constant 0 : index
    %get3A_1140 = tpu.vector_load %arg11[%get3A_1138, %get3A_1139] {strides = array<i32>} : memref<8x16xi32, #tpu.memory_space<vmem>>, vector<1x16xi32>,
    %get3A_1141 = vector.shape_cast %get3A_1140 : vector<1x16xi32> to vector<16xi32>
    %jit3A_1142 = arith.constant 0 : i32
    %broadcast_in_dim3A_1143 = vector.broadcast %jit3A_1142 : i32 to vector<16xi32>
    %select_n3A_1144 = arith.select %eq3A_1136, %get3A_1141, %broadcast_in_dim3A_1143 : vector<16xi1>, vector<16xi32>
    %add3A_1145 = arith.addi %add3A_1133, %select_n3A_1144 : vector<16xi32>
    %eq3A_1146 = arith.constant 4 : i32
    %eq3A_1147 = vector.broadcast %eq3A_1146 : i32 to vector<16xi32>
    %eq3A_1148 = arith.cmpi eq, %shift_right_arithmetic3A_1094, %eq3A_1147 : vector<16xi32>
    %get3A_1149 = arith.constant 4 : i32
    %get3A_1150 = arith.index_cast %get3A_1149 : i32 to index
    %get3A_1151 = arith.constant 0 : index
    %get3A_1152 = tpu.vector_load %arg11[%get3A_1150, %get3A_1151] {strides = array<i32>} : memref<8x16xi32, #tpu.memory_space<vmem>>, vector<1x16xi32>,
    %get3A_1153 = vector.shape_cast %get3A_1152 : vector<1x16xi32> to vector<16xi32>
    %jit3A_1154 = arith.constant 0 : i32
    %broadcast_in_dim3A_1155 = vector.broadcast %jit3A_1154 : i32 to vector<16xi32>
    %select_n3A_1156 = arith.select %eq3A_1148, %get3A_1153, %broadcast_in_dim3A_1155 : vector<16xi1>, vector<16xi32>
    %add3A_1157 = arith.addi %add3A_1145, %select_n3A_1156 : vector<16xi32>
    %eq3A_1158 = arith.constant 5 : i32
    %eq3A_1159 = vector.broadcast %eq3A_1158 : i32 to vector<16xi32>
    %eq3A_1160 = arith.cmpi eq, %shift_right_arithmetic3A_1094, %eq3A_1159 : vector<16xi32>
    %get3A_1161 = arith.constant 5 : i32
    %get3A_1162 = arith.index_cast %get3A_1161 : i32 to index
    %get3A_1163 = arith.constant 0 : index
    %get3A_1164 = tpu.vector_load %arg11[%get3A_1162, %get3A_1163] {strides = array<i32>} : memref<8x16xi32, #tpu.memory_space<vmem>>, vector<1x16xi32>,
    %get3A_1165 = vector.shape_cast %get3A_1164 : vector<1x16xi32> to vector<16xi32>
    %jit3A_1166 = arith.constant 0 : i32
    %broadcast_in_dim3A_1167 = vector.broadcast %jit3A_1166 : i32 to vector<16xi32>
    %select_n3A_1168 = arith.select %eq3A_1160, %get3A_1165, %broadcast_in_dim3A_1167 : vector<16xi1>, vector<16xi32>
    %add3A_1169 = arith.addi %add3A_1157, %select_n3A_1168 : vector<16xi32>
    %eq3A_1170 = arith.constant 6 : i32
    %eq3A_1171 = vector.broadcast %eq3A_1170 : i32 to vector<16xi32>
    %eq3A_1172 = arith.cmpi eq, %shift_right_arithmetic3A_1094, %eq3A_1171 : vector<16xi32>
    %get3A_1173 = arith.constant 6 : i32
    %get3A_1174 = arith.index_cast %get3A_1173 : i32 to index
    %get3A_1175 = arith.constant 0 : index
    %get3A_1176 = tpu.vector_load %arg11[%get3A_1174, %get3A_1175] {strides = array<i32>} : memref<8x16xi32, #tpu.memory_space<vmem>>, vector<1x16xi32>,
    %get3A_1177 = vector.shape_cast %get3A_1176 : vector<1x16xi32> to vector<16xi32>
    %jit3A_1178 = arith.constant 0 : i32
    %broadcast_in_dim3A_1179 = vector.broadcast %jit3A_1178 : i32 to vector<16xi32>
    %select_n3A_1180 = arith.select %eq3A_1172, %get3A_1177, %broadcast_in_dim3A_1179 : vector<16xi1>, vector<16xi32>
    %add3A_1181 = arith.addi %add3A_1169, %select_n3A_1180 : vector<16xi32>
    %eq3A_1182 = arith.constant 7 : i32
    %eq3A_1183 = vector.broadcast %eq3A_1182 : i32 to vector<16xi32>
    %eq3A_1184 = arith.cmpi eq, %shift_right_arithmetic3A_1094, %eq3A_1183 : vector<16xi32>
    %get3A_1185 = arith.constant 7 : i32
    %get3A_1186 = arith.index_cast %get3A_1185 : i32 to index
    %get3A_1187 = arith.constant 0 : index
    %get3A_1188 = tpu.vector_load %arg11[%get3A_1186, %get3A_1187] {strides = array<i32>} : memref<8x16xi32, #tpu.memory_space<vmem>>, vector<1x16xi32>,
    %get3A_1189 = vector.shape_cast %get3A_1188 : vector<1x16xi32> to vector<16xi32>
    %jit3A_1190 = arith.constant 0 : i32
    %broadcast_in_dim3A_1191 = vector.broadcast %jit3A_1190 : i32 to vector<16xi32>
    %select_n3A_1192 = arith.select %eq3A_1184, %get3A_1189, %broadcast_in_dim3A_1191 : vector<16xi1>, vector<16xi32>
    %add3A_1193 = arith.addi %add3A_1181, %select_n3A_1192 : vector<16xi32>
    %swap3A_1194 = arith.constant 32 : index
    %swap3A_1195 = tpu.vector_load %arg9[%swap3A_1194] {strides = array<i32>} : memref<128xi32, #tpu.memory_space<vmem>>, vector<16xi32>,
    %swap3A_1196 = vector.shape_cast %swap3A_1195 : vector<16xi32> to vector<16xi32>
    %swap3A_1197 = vector.shape_cast %add3A_1193 : vector<16xi32> to vector<16xi32>
    tpu.vector_store %arg9[%swap3A_1194], %swap3A_1197 {strides = array<i32>} : memref<128xi32, #tpu.memory_space<vmem>>, vector<16xi32>,
    %get3A_1198 = arith.constant 48 : index
    %get3A_1199 = tpu.vector_load %arg10[%get3A_1198] {strides = array<i32>} : memref<128xi32, #tpu.memory_space<vmem>>, vector<16xi32>,
    %get3A_1200 = vector.shape_cast %get3A_1199 : vector<16xi32> to vector<16xi32>
    %shift_right_arithmetic3A_1201 = arith.constant 13 : i32
    %shift_right_arithmetic3A_1202 = vector.broadcast %shift_right_arithmetic3A_1201 : i32 to vector<16xi32>
    %shift_right_arithmetic3A_1203 = arith.shrsi %get3A_1200, %shift_right_arithmetic3A_1202 : vector<16xi32>
    %and3A_1204 = arith.constant 8191 : i32
    %and3A_1205 = vector.broadcast %and3A_1204 : i32 to vector<16xi32>
    %and3A_1206 = arith.andi %get3A_1200, %and3A_1205 : vector<16xi32>
    %eq3A_1207 = arith.constant 0 : i32
    %eq3A_1208 = vector.broadcast %eq3A_1207 : i32 to vector<16xi32>
    %eq3A_1209 = arith.cmpi eq, %shift_right_arithmetic3A_1203, %eq3A_1208 : vector<16xi32>
    %get3A_1210 = arith.constant 0 : i32
    %get3A_1211 = arith.index_cast %get3A_1210 : i32 to index
    %get3A_1212 = arith.constant 0 : index
    %get3A_1213 = tpu.vector_load %arg11[%get3A_1211, %get3A_1212] {strides = array<i32>} : memref<8x16xi32, #tpu.memory_space<vmem>>, vector<1x16xi32>,
    %get3A_1214 = vector.shape_cast %get3A_1213 : vector<1x16xi32> to vector<16xi32>
    %jit3A_1215 = arith.constant 0 : i32
    %broadcast_in_dim3A_1216 = vector.broadcast %jit3A_1215 : i32 to vector<16xi32>
    %select_n3A_1217 = arith.select %eq3A_1209, %get3A_1214, %broadcast_in_dim3A_1216 : vector<16xi1>, vector<16xi32>
    %add3A_1218 = arith.addi %and3A_1206, %select_n3A_1217 : vector<16xi32>
    %eq3A_1219 = arith.constant 1 : i32
    %eq3A_1220 = vector.broadcast %eq3A_1219 : i32 to vector<16xi32>
    %eq3A_1221 = arith.cmpi eq, %shift_right_arithmetic3A_1203, %eq3A_1220 : vector<16xi32>
    %get3A_1222 = arith.constant 1 : i32
    %get3A_1223 = arith.index_cast %get3A_1222 : i32 to index
    %get3A_1224 = arith.constant 0 : index
    %get3A_1225 = tpu.vector_load %arg11[%get3A_1223, %get3A_1224] {strides = array<i32>} : memref<8x16xi32, #tpu.memory_space<vmem>>, vector<1x16xi32>,
    %get3A_1226 = vector.shape_cast %get3A_1225 : vector<1x16xi32> to vector<16xi32>
    %jit3A_1227 = arith.constant 0 : i32
    %broadcast_in_dim3A_1228 = vector.broadcast %jit3A_1227 : i32 to vector<16xi32>
    %select_n3A_1229 = arith.select %eq3A_1221, %get3A_1226, %broadcast_in_dim3A_1228 : vector<16xi1>, vector<16xi32>
    %add3A_1230 = arith.addi %add3A_1218, %select_n3A_1229 : vector<16xi32>
    %eq3A_1231 = arith.constant 2 : i32
    %eq3A_1232 = vector.broadcast %eq3A_1231 : i32 to vector<16xi32>
    %eq3A_1233 = arith.cmpi eq, %shift_right_arithmetic3A_1203, %eq3A_1232 : vector<16xi32>
    %get3A_1234 = arith.constant 2 : i32
    %get3A_1235 = arith.index_cast %get3A_1234 : i32 to index
    %get3A_1236 = arith.constant 0 : index
    %get3A_1237 = tpu.vector_load %arg11[%get3A_1235, %get3A_1236] {strides = array<i32>} : memref<8x16xi32, #tpu.memory_space<vmem>>, vector<1x16xi32>,
    %get3A_1238 = vector.shape_cast %get3A_1237 : vector<1x16xi32> to vector<16xi32>
    %jit3A_1239 = arith.constant 0 : i32
    %broadcast_in_dim3A_1240 = vector.broadcast %jit3A_1239 : i32 to vector<16xi32>
    %select_n3A_1241 = arith.select %eq3A_1233, %get3A_1238, %broadcast_in_dim3A_1240 : vector<16xi1>, vector<16xi32>
    %add3A_1242 = arith.addi %add3A_1230, %select_n3A_1241 : vector<16xi32>
    %eq3A_1243 = arith.constant 3 : i32
    %eq3A_1244 = vector.broadcast %eq3A_1243 : i32 to vector<16xi32>
    %eq3A_1245 = arith.cmpi eq, %shift_right_arithmetic3A_1203, %eq3A_1244 : vector<16xi32>
    %get3A_1246 = arith.constant 3 : i32
    %get3A_1247 = arith.index_cast %get3A_1246 : i32 to index
    %get3A_1248 = arith.constant 0 : index
    %get3A_1249 = tpu.vector_load %arg11[%get3A_1247, %get3A_1248] {strides = array<i32>} : memref<8x16xi32, #tpu.memory_space<vmem>>, vector<1x16xi32>,
    %get3A_1250 = vector.shape_cast %get3A_1249 : vector<1x16xi32> to vector<16xi32>
    %jit3A_1251 = arith.constant 0 : i32
    %broadcast_in_dim3A_1252 = vector.broadcast %jit3A_1251 : i32 to vector<16xi32>
    %select_n3A_1253 = arith.select %eq3A_1245, %get3A_1250, %broadcast_in_dim3A_1252 : vector<16xi1>, vector<16xi32>
    %add3A_1254 = arith.addi %add3A_1242, %select_n3A_1253 : vector<16xi32>
    %eq3A_1255 = arith.constant 4 : i32
    %eq3A_1256 = vector.broadcast %eq3A_1255 : i32 to vector<16xi32>
    %eq3A_1257 = arith.cmpi eq, %shift_right_arithmetic3A_1203, %eq3A_1256 : vector<16xi32>
    %get3A_1258 = arith.constant 4 : i32
    %get3A_1259 = arith.index_cast %get3A_1258 : i32 to index
    %get3A_1260 = arith.constant 0 : index
    %get3A_1261 = tpu.vector_load %arg11[%get3A_1259, %get3A_1260] {strides = array<i32>} : memref<8x16xi32, #tpu.memory_space<vmem>>, vector<1x16xi32>,
    %get3A_1262 = vector.shape_cast %get3A_1261 : vector<1x16xi32> to vector<16xi32>
    %jit3A_1263 = arith.constant 0 : i32
    %broadcast_in_dim3A_1264 = vector.broadcast %jit3A_1263 : i32 to vector<16xi32>
    %select_n3A_1265 = arith.select %eq3A_1257, %get3A_1262, %broadcast_in_dim3A_1264 : vector<16xi1>, vector<16xi32>
    %add3A_1266 = arith.addi %add3A_1254, %select_n3A_1265 : vector<16xi32>
    %eq3A_1267 = arith.constant 5 : i32
    %eq3A_1268 = vector.broadcast %eq3A_1267 : i32 to vector<16xi32>
    %eq3A_1269 = arith.cmpi eq, %shift_right_arithmetic3A_1203, %eq3A_1268 : vector<16xi32>
    %get3A_1270 = arith.constant 5 : i32
    %get3A_1271 = arith.index_cast %get3A_1270 : i32 to index
    %get3A_1272 = arith.constant 0 : index
    %get3A_1273 = tpu.vector_load %arg11[%get3A_1271, %get3A_1272] {strides = array<i32>} : memref<8x16xi32, #tpu.memory_space<vmem>>, vector<1x16xi32>,
    %get3A_1274 = vector.shape_cast %get3A_1273 : vector<1x16xi32> to vector<16xi32>
    %jit3A_1275 = arith.constant 0 : i32
    %broadcast_in_dim3A_1276 = vector.broadcast %jit3A_1275 : i32 to vector<16xi32>
    %select_n3A_1277 = arith.select %eq3A_1269, %get3A_1274, %broadcast_in_dim3A_1276 : vector<16xi1>, vector<16xi32>
    %add3A_1278 = arith.addi %add3A_1266, %select_n3A_1277 : vector<16xi32>
    %eq3A_1279 = arith.constant 6 : i32
    %eq3A_1280 = vector.broadcast %eq3A_1279 : i32 to vector<16xi32>
    %eq3A_1281 = arith.cmpi eq, %shift_right_arithmetic3A_1203, %eq3A_1280 : vector<16xi32>
    %get3A_1282 = arith.constant 6 : i32
    %get3A_1283 = arith.index_cast %get3A_1282 : i32 to index
    %get3A_1284 = arith.constant 0 : index
    %get3A_1285 = tpu.vector_load %arg11[%get3A_1283, %get3A_1284] {strides = array<i32>} : memref<8x16xi32, #tpu.memory_space<vmem>>, vector<1x16xi32>,
    %get3A_1286 = vector.shape_cast %get3A_1285 : vector<1x16xi32> to vector<16xi32>
    %jit3A_1287 = arith.constant 0 : i32
    %broadcast_in_dim3A_1288 = vector.broadcast %jit3A_1287 : i32 to vector<16xi32>
    %select_n3A_1289 = arith.select %eq3A_1281, %get3A_1286, %broadcast_in_dim3A_1288 : vector<16xi1>, vector<16xi32>
    %add3A_1290 = arith.addi %add3A_1278, %select_n3A_1289 : vector<16xi32>
    %eq3A_1291 = arith.constant 7 : i32
    %eq3A_1292 = vector.broadcast %eq3A_1291 : i32 to vector<16xi32>
    %eq3A_1293 = arith.cmpi eq, %shift_right_arithmetic3A_1203, %eq3A_1292 : vector<16xi32>
    %get3A_1294 = arith.constant 7 : i32
    %get3A_1295 = arith.index_cast %get3A_1294 : i32 to index
    %get3A_1296 = arith.constant 0 : index
    %get3A_1297 = tpu.vector_load %arg11[%get3A_1295, %get3A_1296] {strides = array<i32>} : memref<8x16xi32, #tpu.memory_space<vmem>>, vector<1x16xi32>,
    %get3A_1298 = vector.shape_cast %get3A_1297 : vector<1x16xi32> to vector<16xi32>
    %jit3A_1299 = arith.constant 0 : i32
    %broadcast_in_dim3A_1300 = vector.broadcast %jit3A_1299 : i32 to vector<16xi32>
    %select_n3A_1301 = arith.select %eq3A_1293, %get3A_1298, %broadcast_in_dim3A_1300 : vector<16xi1>, vector<16xi32>
    %add3A_1302 = arith.addi %add3A_1290, %select_n3A_1301 : vector<16xi32>
    %swap3A_1303 = arith.constant 48 : index
    %swap3A_1304 = tpu.vector_load %arg9[%swap3A_1303] {strides = array<i32>} : memref<128xi32, #tpu.memory_space<vmem>>, vector<16xi32>,
    %swap3A_1305 = vector.shape_cast %swap3A_1304 : vector<16xi32> to vector<16xi32>
    %swap3A_1306 = vector.shape_cast %add3A_1302 : vector<16xi32> to vector<16xi32>
    tpu.vector_store %arg9[%swap3A_1303], %swap3A_1306 {strides = array<i32>} : memref<128xi32, #tpu.memory_space<vmem>>, vector<16xi32>,
    %get3A_1307 = arith.constant 64 : index
    %get3A_1308 = tpu.vector_load %arg10[%get3A_1307] {strides = array<i32>} : memref<128xi32, #tpu.memory_space<vmem>>, vector<16xi32>,
    %get3A_1309 = vector.shape_cast %get3A_1308 : vector<16xi32> to vector<16xi32>
    %shift_right_arithmetic3A_1310 = arith.constant 13 : i32
    %shift_right_arithmetic3A_1311 = vector.broadcast %shift_right_arithmetic3A_1310 : i32 to vector<16xi32>
    %shift_right_arithmetic3A_1312 = arith.shrsi %get3A_1309, %shift_right_arithmetic3A_1311 : vector<16xi32>
    %and3A_1313 = arith.constant 8191 : i32
    %and3A_1314 = vector.broadcast %and3A_1313 : i32 to vector<16xi32>
    %and3A_1315 = arith.andi %get3A_1309, %and3A_1314 : vector<16xi32>
    %eq3A_1316 = arith.constant 0 : i32
    %eq3A_1317 = vector.broadcast %eq3A_1316 : i32 to vector<16xi32>
    %eq3A_1318 = arith.cmpi eq, %shift_right_arithmetic3A_1312, %eq3A_1317 : vector<16xi32>
    %get3A_1319 = arith.constant 0 : i32
    %get3A_1320 = arith.index_cast %get3A_1319 : i32 to index
    %get3A_1321 = arith.constant 0 : index
    %get3A_1322 = tpu.vector_load %arg11[%get3A_1320, %get3A_1321] {strides = array<i32>} : memref<8x16xi32, #tpu.memory_space<vmem>>, vector<1x16xi32>,
    %get3A_1323 = vector.shape_cast %get3A_1322 : vector<1x16xi32> to vector<16xi32>
    %jit3A_1324 = arith.constant 0 : i32
    %broadcast_in_dim3A_1325 = vector.broadcast %jit3A_1324 : i32 to vector<16xi32>
    %select_n3A_1326 = arith.select %eq3A_1318, %get3A_1323, %broadcast_in_dim3A_1325 : vector<16xi1>, vector<16xi32>
    %add3A_1327 = arith.addi %and3A_1315, %select_n3A_1326 : vector<16xi32>
    %eq3A_1328 = arith.constant 1 : i32
    %eq3A_1329 = vector.broadcast %eq3A_1328 : i32 to vector<16xi32>
    %eq3A_1330 = arith.cmpi eq, %shift_right_arithmetic3A_1312, %eq3A_1329 : vector<16xi32>
    %get3A_1331 = arith.constant 1 : i32
    %get3A_1332 = arith.index_cast %get3A_1331 : i32 to index
    %get3A_1333 = arith.constant 0 : index
    %get3A_1334 = tpu.vector_load %arg11[%get3A_1332, %get3A_1333] {strides = array<i32>} : memref<8x16xi32, #tpu.memory_space<vmem>>, vector<1x16xi32>,
    %get3A_1335 = vector.shape_cast %get3A_1334 : vector<1x16xi32> to vector<16xi32>
    %jit3A_1336 = arith.constant 0 : i32
    %broadcast_in_dim3A_1337 = vector.broadcast %jit3A_1336 : i32 to vector<16xi32>
    %select_n3A_1338 = arith.select %eq3A_1330, %get3A_1335, %broadcast_in_dim3A_1337 : vector<16xi1>, vector<16xi32>
    %add3A_1339 = arith.addi %add3A_1327, %select_n3A_1338 : vector<16xi32>
    %eq3A_1340 = arith.constant 2 : i32
    %eq3A_1341 = vector.broadcast %eq3A_1340 : i32 to vector<16xi32>
    %eq3A_1342 = arith.cmpi eq, %shift_right_arithmetic3A_1312, %eq3A_1341 : vector<16xi32>
    %get3A_1343 = arith.constant 2 : i32
    %get3A_1344 = arith.index_cast %get3A_1343 : i32 to index
    %get3A_1345 = arith.constant 0 : index
    %get3A_1346 = tpu.vector_load %arg11[%get3A_1344, %get3A_1345] {strides = array<i32>} : memref<8x16xi32, #tpu.memory_space<vmem>>, vector<1x16xi32>,
    %get3A_1347 = vector.shape_cast %get3A_1346 : vector<1x16xi32> to vector<16xi32>
    %jit3A_1348 = arith.constant 0 : i32
    %broadcast_in_dim3A_1349 = vector.broadcast %jit3A_1348 : i32 to vector<16xi32>
    %select_n3A_1350 = arith.select %eq3A_1342, %get3A_1347, %broadcast_in_dim3A_1349 : vector<16xi1>, vector<16xi32>
    %add3A_1351 = arith.addi %add3A_1339, %select_n3A_1350 : vector<16xi32>
    %eq3A_1352 = arith.constant 3 : i32
    %eq3A_1353 = vector.broadcast %eq3A_1352 : i32 to vector<16xi32>
    %eq3A_1354 = arith.cmpi eq, %shift_right_arithmetic3A_1312, %eq3A_1353 : vector<16xi32>
    %get3A_1355 = arith.constant 3 : i32
    %get3A_1356 = arith.index_cast %get3A_1355 : i32 to index
    %get3A_1357 = arith.constant 0 : index
    %get3A_1358 = tpu.vector_load %arg11[%get3A_1356, %get3A_1357] {strides = array<i32>} : memref<8x16xi32, #tpu.memory_space<vmem>>, vector<1x16xi32>,
    %get3A_1359 = vector.shape_cast %get3A_1358 : vector<1x16xi32> to vector<16xi32>
    %jit3A_1360 = arith.constant 0 : i32
    %broadcast_in_dim3A_1361 = vector.broadcast %jit3A_1360 : i32 to vector<16xi32>
    %select_n3A_1362 = arith.select %eq3A_1354, %get3A_1359, %broadcast_in_dim3A_1361 : vector<16xi1>, vector<16xi32>
    %add3A_1363 = arith.addi %add3A_1351, %select_n3A_1362 : vector<16xi32>
    %eq3A_1364 = arith.constant 4 : i32
    %eq3A_1365 = vector.broadcast %eq3A_1364 : i32 to vector<16xi32>
    %eq3A_1366 = arith.cmpi eq, %shift_right_arithmetic3A_1312, %eq3A_1365 : vector<16xi32>
    %get3A_1367 = arith.constant 4 : i32
    %get3A_1368 = arith.index_cast %get3A_1367 : i32 to index
    %get3A_1369 = arith.constant 0 : index
    %get3A_1370 = tpu.vector_load %arg11[%get3A_1368, %get3A_1369] {strides = array<i32>} : memref<8x16xi32, #tpu.memory_space<vmem>>, vector<1x16xi32>,
    %get3A_1371 = vector.shape_cast %get3A_1370 : vector<1x16xi32> to vector<16xi32>
    %jit3A_1372 = arith.constant 0 : i32
    %broadcast_in_dim3A_1373 = vector.broadcast %jit3A_1372 : i32 to vector<16xi32>
    %select_n3A_1374 = arith.select %eq3A_1366, %get3A_1371, %broadcast_in_dim3A_1373 : vector<16xi1>, vector<16xi32>
    %add3A_1375 = arith.addi %add3A_1363, %select_n3A_1374 : vector<16xi32>
    %eq3A_1376 = arith.constant 5 : i32
    %eq3A_1377 = vector.broadcast %eq3A_1376 : i32 to vector<16xi32>
    %eq3A_1378 = arith.cmpi eq, %shift_right_arithmetic3A_1312, %eq3A_1377 : vector<16xi32>
    %get3A_1379 = arith.constant 5 : i32
    %get3A_1380 = arith.index_cast %get3A_1379 : i32 to index
    %get3A_1381 = arith.constant 0 : index
    %get3A_1382 = tpu.vector_load %arg11[%get3A_1380, %get3A_1381] {strides = array<i32>} : memref<8x16xi32, #tpu.memory_space<vmem>>, vector<1x16xi32>,
    %get3A_1383 = vector.shape_cast %get3A_1382 : vector<1x16xi32> to vector<16xi32>
    %jit3A_1384 = arith.constant 0 : i32
    %broadcast_in_dim3A_1385 = vector.broadcast %jit3A_1384 : i32 to vector<16xi32>
    %select_n3A_1386 = arith.select %eq3A_1378, %get3A_1383, %broadcast_in_dim3A_1385 : vector<16xi1>, vector<16xi32>
    %add3A_1387 = arith.addi %add3A_1375, %select_n3A_1386 : vector<16xi32>
    %eq3A_1388 = arith.constant 6 : i32
    %eq3A_1389 = vector.broadcast %eq3A_1388 : i32 to vector<16xi32>
    %eq3A_1390 = arith.cmpi eq, %shift_right_arithmetic3A_1312, %eq3A_1389 : vector<16xi32>
    %get3A_1391 = arith.constant 6 : i32
    %get3A_1392 = arith.index_cast %get3A_1391 : i32 to index
    %get3A_1393 = arith.constant 0 : index
    %get3A_1394 = tpu.vector_load %arg11[%get3A_1392, %get3A_1393] {strides = array<i32>} : memref<8x16xi32, #tpu.memory_space<vmem>>, vector<1x16xi32>,
    %get3A_1395 = vector.shape_cast %get3A_1394 : vector<1x16xi32> to vector<16xi32>
    %jit3A_1396 = arith.constant 0 : i32
    %broadcast_in_dim3A_1397 = vector.broadcast %jit3A_1396 : i32 to vector<16xi32>
    %select_n3A_1398 = arith.select %eq3A_1390, %get3A_1395, %broadcast_in_dim3A_1397 : vector<16xi1>, vector<16xi32>
    %add3A_1399 = arith.addi %add3A_1387, %select_n3A_1398 : vector<16xi32>
    %eq3A_1400 = arith.constant 7 : i32
    %eq3A_1401 = vector.broadcast %eq3A_1400 : i32 to vector<16xi32>
    %eq3A_1402 = arith.cmpi eq, %shift_right_arithmetic3A_1312, %eq3A_1401 : vector<16xi32>
    %get3A_1403 = arith.constant 7 : i32
    %get3A_1404 = arith.index_cast %get3A_1403 : i32 to index
    %get3A_1405 = arith.constant 0 : index
    %get3A_1406 = tpu.vector_load %arg11[%get3A_1404, %get3A_1405] {strides = array<i32>} : memref<8x16xi32, #tpu.memory_space<vmem>>, vector<1x16xi32>,
    %get3A_1407 = vector.shape_cast %get3A_1406 : vector<1x16xi32> to vector<16xi32>
    %jit3A_1408 = arith.constant 0 : i32
    %broadcast_in_dim3A_1409 = vector.broadcast %jit3A_1408 : i32 to vector<16xi32>
    %select_n3A_1410 = arith.select %eq3A_1402, %get3A_1407, %broadcast_in_dim3A_1409 : vector<16xi1>, vector<16xi32>
    %add3A_1411 = arith.addi %add3A_1399, %select_n3A_1410 : vector<16xi32>
    %swap3A_1412 = arith.constant 64 : index
    %swap3A_1413 = tpu.vector_load %arg9[%swap3A_1412] {strides = array<i32>} : memref<128xi32, #tpu.memory_space<vmem>>, vector<16xi32>,
    %swap3A_1414 = vector.shape_cast %swap3A_1413 : vector<16xi32> to vector<16xi32>
    %swap3A_1415 = vector.shape_cast %add3A_1411 : vector<16xi32> to vector<16xi32>
    tpu.vector_store %arg9[%swap3A_1412], %swap3A_1415 {strides = array<i32>} : memref<128xi32, #tpu.memory_space<vmem>>, vector<16xi32>,
    %get3A_1416 = arith.constant 80 : index
    %get3A_1417 = tpu.vector_load %arg10[%get3A_1416] {strides = array<i32>} : memref<128xi32, #tpu.memory_space<vmem>>, vector<16xi32>,
    %get3A_1418 = vector.shape_cast %get3A_1417 : vector<16xi32> to vector<16xi32>
    %shift_right_arithmetic3A_1419 = arith.constant 13 : i32
    %shift_right_arithmetic3A_1420 = vector.broadcast %shift_right_arithmetic3A_1419 : i32 to vector<16xi32>
    %shift_right_arithmetic3A_1421 = arith.shrsi %get3A_1418, %shift_right_arithmetic3A_1420 : vector<16xi32>
    %and3A_1422 = arith.constant 8191 : i32
    %and3A_1423 = vector.broadcast %and3A_1422 : i32 to vector<16xi32>
    %and3A_1424 = arith.andi %get3A_1418, %and3A_1423 : vector<16xi32>
    %eq3A_1425 = arith.constant 0 : i32
    %eq3A_1426 = vector.broadcast %eq3A_1425 : i32 to vector<16xi32>
    %eq3A_1427 = arith.cmpi eq, %shift_right_arithmetic3A_1421, %eq3A_1426 : vector<16xi32>
    %get3A_1428 = arith.constant 0 : i32
    %get3A_1429 = arith.index_cast %get3A_1428 : i32 to index
    %get3A_1430 = arith.constant 0 : index
    %get3A_1431 = tpu.vector_load %arg11[%get3A_1429, %get3A_1430] {strides = array<i32>} : memref<8x16xi32, #tpu.memory_space<vmem>>, vector<1x16xi32>,
    %get3A_1432 = vector.shape_cast %get3A_1431 : vector<1x16xi32> to vector<16xi32>
    %jit3A_1433 = arith.constant 0 : i32
    %broadcast_in_dim3A_1434 = vector.broadcast %jit3A_1433 : i32 to vector<16xi32>
    %select_n3A_1435 = arith.select %eq3A_1427, %get3A_1432, %broadcast_in_dim3A_1434 : vector<16xi1>, vector<16xi32>
    %add3A_1436 = arith.addi %and3A_1424, %select_n3A_1435 : vector<16xi32>
    %eq3A_1437 = arith.constant 1 : i32
    %eq3A_1438 = vector.broadcast %eq3A_1437 : i32 to vector<16xi32>
    %eq3A_1439 = arith.cmpi eq, %shift_right_arithmetic3A_1421, %eq3A_1438 : vector<16xi32>
    %get3A_1440 = arith.constant 1 : i32
    %get3A_1441 = arith.index_cast %get3A_1440 : i32 to index
    %get3A_1442 = arith.constant 0 : index
    %get3A_1443 = tpu.vector_load %arg11[%get3A_1441, %get3A_1442] {strides = array<i32>} : memref<8x16xi32, #tpu.memory_space<vmem>>, vector<1x16xi32>,
    %get3A_1444 = vector.shape_cast %get3A_1443 : vector<1x16xi32> to vector<16xi32>
    %jit3A_1445 = arith.constant 0 : i32
    %broadcast_in_dim3A_1446 = vector.broadcast %jit3A_1445 : i32 to vector<16xi32>
    %select_n3A_1447 = arith.select %eq3A_1439, %get3A_1444, %broadcast_in_dim3A_1446 : vector<16xi1>, vector<16xi32>
    %add3A_1448 = arith.addi %add3A_1436, %select_n3A_1447 : vector<16xi32>
    %eq3A_1449 = arith.constant 2 : i32
    %eq3A_1450 = vector.broadcast %eq3A_1449 : i32 to vector<16xi32>
    %eq3A_1451 = arith.cmpi eq, %shift_right_arithmetic3A_1421, %eq3A_1450 : vector<16xi32>
    %get3A_1452 = arith.constant 2 : i32
    %get3A_1453 = arith.index_cast %get3A_1452 : i32 to index
    %get3A_1454 = arith.constant 0 : index
    %get3A_1455 = tpu.vector_load %arg11[%get3A_1453, %get3A_1454] {strides = array<i32>} : memref<8x16xi32, #tpu.memory_space<vmem>>, vector<1x16xi32>,
    %get3A_1456 = vector.shape_cast %get3A_1455 : vector<1x16xi32> to vector<16xi32>
    %jit3A_1457 = arith.constant 0 : i32
    %broadcast_in_dim3A_1458 = vector.broadcast %jit3A_1457 : i32 to vector<16xi32>
    %select_n3A_1459 = arith.select %eq3A_1451, %get3A_1456, %broadcast_in_dim3A_1458 : vector<16xi1>, vector<16xi32>
    %add3A_1460 = arith.addi %add3A_1448, %select_n3A_1459 : vector<16xi32>
    %eq3A_1461 = arith.constant 3 : i32
    %eq3A_1462 = vector.broadcast %eq3A_1461 : i32 to vector<16xi32>
    %eq3A_1463 = arith.cmpi eq, %shift_right_arithmetic3A_1421, %eq3A_1462 : vector<16xi32>
    %get3A_1464 = arith.constant 3 : i32
    %get3A_1465 = arith.index_cast %get3A_1464 : i32 to index
    %get3A_1466 = arith.constant 0 : index
    %get3A_1467 = tpu.vector_load %arg11[%get3A_1465, %get3A_1466] {strides = array<i32>} : memref<8x16xi32, #tpu.memory_space<vmem>>, vector<1x16xi32>,
    %get3A_1468 = vector.shape_cast %get3A_1467 : vector<1x16xi32> to vector<16xi32>
    %jit3A_1469 = arith.constant 0 : i32
    %broadcast_in_dim3A_1470 = vector.broadcast %jit3A_1469 : i32 to vector<16xi32>
    %select_n3A_1471 = arith.select %eq3A_1463, %get3A_1468, %broadcast_in_dim3A_1470 : vector<16xi1>, vector<16xi32>
    %add3A_1472 = arith.addi %add3A_1460, %select_n3A_1471 : vector<16xi32>
    %eq3A_1473 = arith.constant 4 : i32
    %eq3A_1474 = vector.broadcast %eq3A_1473 : i32 to vector<16xi32>
    %eq3A_1475 = arith.cmpi eq, %shift_right_arithmetic3A_1421, %eq3A_1474 : vector<16xi32>
    %get3A_1476 = arith.constant 4 : i32
    %get3A_1477 = arith.index_cast %get3A_1476 : i32 to index
    %get3A_1478 = arith.constant 0 : index
    %get3A_1479 = tpu.vector_load %arg11[%get3A_1477, %get3A_1478] {strides = array<i32>} : memref<8x16xi32, #tpu.memory_space<vmem>>, vector<1x16xi32>,
    %get3A_1480 = vector.shape_cast %get3A_1479 : vector<1x16xi32> to vector<16xi32>
    %jit3A_1481 = arith.constant 0 : i32
    %broadcast_in_dim3A_1482 = vector.broadcast %jit3A_1481 : i32 to vector<16xi32>
    %select_n3A_1483 = arith.select %eq3A_1475, %get3A_1480, %broadcast_in_dim3A_1482 : vector<16xi1>, vector<16xi32>
    %add3A_1484 = arith.addi %add3A_1472, %select_n3A_1483 : vector<16xi32>
    %eq3A_1485 = arith.constant 5 : i32
    %eq3A_1486 = vector.broadcast %eq3A_1485 : i32 to vector<16xi32>
    %eq3A_1487 = arith.cmpi eq, %shift_right_arithmetic3A_1421, %eq3A_1486 : vector<16xi32>
    %get3A_1488 = arith.constant 5 : i32
    %get3A_1489 = arith.index_cast %get3A_1488 : i32 to index
    %get3A_1490 = arith.constant 0 : index
    %get3A_1491 = tpu.vector_load %arg11[%get3A_1489, %get3A_1490] {strides = array<i32>} : memref<8x16xi32, #tpu.memory_space<vmem>>, vector<1x16xi32>,
    %get3A_1492 = vector.shape_cast %get3A_1491 : vector<1x16xi32> to vector<16xi32>
    %jit3A_1493 = arith.constant 0 : i32
    %broadcast_in_dim3A_1494 = vector.broadcast %jit3A_1493 : i32 to vector<16xi32>
    %select_n3A_1495 = arith.select %eq3A_1487, %get3A_1492, %broadcast_in_dim3A_1494 : vector<16xi1>, vector<16xi32>
    %add3A_1496 = arith.addi %add3A_1484, %select_n3A_1495 : vector<16xi32>
    %eq3A_1497 = arith.constant 6 : i32
    %eq3A_1498 = vector.broadcast %eq3A_1497 : i32 to vector<16xi32>
    %eq3A_1499 = arith.cmpi eq, %shift_right_arithmetic3A_1421, %eq3A_1498 : vector<16xi32>
    %get3A_1500 = arith.constant 6 : i32
    %get3A_1501 = arith.index_cast %get3A_1500 : i32 to index
    %get3A_1502 = arith.constant 0 : index
    %get3A_1503 = tpu.vector_load %arg11[%get3A_1501, %get3A_1502] {strides = array<i32>} : memref<8x16xi32, #tpu.memory_space<vmem>>, vector<1x16xi32>,
    %get3A_1504 = vector.shape_cast %get3A_1503 : vector<1x16xi32> to vector<16xi32>
    %jit3A_1505 = arith.constant 0 : i32
    %broadcast_in_dim3A_1506 = vector.broadcast %jit3A_1505 : i32 to vector<16xi32>
    %select_n3A_1507 = arith.select %eq3A_1499, %get3A_1504, %broadcast_in_dim3A_1506 : vector<16xi1>, vector<16xi32>
    %add3A_1508 = arith.addi %add3A_1496, %select_n3A_1507 : vector<16xi32>
    %eq3A_1509 = arith.constant 7 : i32
    %eq3A_1510 = vector.broadcast %eq3A_1509 : i32 to vector<16xi32>
    %eq3A_1511 = arith.cmpi eq, %shift_right_arithmetic3A_1421, %eq3A_1510 : vector<16xi32>
    %get3A_1512 = arith.constant 7 : i32
    %get3A_1513 = arith.index_cast %get3A_1512 : i32 to index
    %get3A_1514 = arith.constant 0 : index
    %get3A_1515 = tpu.vector_load %arg11[%get3A_1513, %get3A_1514] {strides = array<i32>} : memref<8x16xi32, #tpu.memory_space<vmem>>, vector<1x16xi32>,
    %get3A_1516 = vector.shape_cast %get3A_1515 : vector<1x16xi32> to vector<16xi32>
    %jit3A_1517 = arith.constant 0 : i32
    %broadcast_in_dim3A_1518 = vector.broadcast %jit3A_1517 : i32 to vector<16xi32>
    %select_n3A_1519 = arith.select %eq3A_1511, %get3A_1516, %broadcast_in_dim3A_1518 : vector<16xi1>, vector<16xi32>
    %add3A_1520 = arith.addi %add3A_1508, %select_n3A_1519 : vector<16xi32>
    %swap3A_1521 = arith.constant 80 : index
    %swap3A_1522 = tpu.vector_load %arg9[%swap3A_1521] {strides = array<i32>} : memref<128xi32, #tpu.memory_space<vmem>>, vector<16xi32>,
    %swap3A_1523 = vector.shape_cast %swap3A_1522 : vector<16xi32> to vector<16xi32>
    %swap3A_1524 = vector.shape_cast %add3A_1520 : vector<16xi32> to vector<16xi32>
    tpu.vector_store %arg9[%swap3A_1521], %swap3A_1524 {strides = array<i32>} : memref<128xi32, #tpu.memory_space<vmem>>, vector<16xi32>,
    %get3A_1525 = arith.constant 96 : index
    %get3A_1526 = tpu.vector_load %arg10[%get3A_1525] {strides = array<i32>} : memref<128xi32, #tpu.memory_space<vmem>>, vector<16xi32>,
    %get3A_1527 = vector.shape_cast %get3A_1526 : vector<16xi32> to vector<16xi32>
    %shift_right_arithmetic3A_1528 = arith.constant 13 : i32
    %shift_right_arithmetic3A_1529 = vector.broadcast %shift_right_arithmetic3A_1528 : i32 to vector<16xi32>
    %shift_right_arithmetic3A_1530 = arith.shrsi %get3A_1527, %shift_right_arithmetic3A_1529 : vector<16xi32>
    %and3A_1531 = arith.constant 8191 : i32
    %and3A_1532 = vector.broadcast %and3A_1531 : i32 to vector<16xi32>
    %and3A_1533 = arith.andi %get3A_1527, %and3A_1532 : vector<16xi32>
    %eq3A_1534 = arith.constant 0 : i32
    %eq3A_1535 = vector.broadcast %eq3A_1534 : i32 to vector<16xi32>
    %eq3A_1536 = arith.cmpi eq, %shift_right_arithmetic3A_1530, %eq3A_1535 : vector<16xi32>
    %get3A_1537 = arith.constant 0 : i32
    %get3A_1538 = arith.index_cast %get3A_1537 : i32 to index
    %get3A_1539 = arith.constant 0 : index
    %get3A_1540 = tpu.vector_load %arg11[%get3A_1538, %get3A_1539] {strides = array<i32>} : memref<8x16xi32, #tpu.memory_space<vmem>>, vector<1x16xi32>,
    %get3A_1541 = vector.shape_cast %get3A_1540 : vector<1x16xi32> to vector<16xi32>
    %jit3A_1542 = arith.constant 0 : i32
    %broadcast_in_dim3A_1543 = vector.broadcast %jit3A_1542 : i32 to vector<16xi32>
    %select_n3A_1544 = arith.select %eq3A_1536, %get3A_1541, %broadcast_in_dim3A_1543 : vector<16xi1>, vector<16xi32>
    %add3A_1545 = arith.addi %and3A_1533, %select_n3A_1544 : vector<16xi32>
    %eq3A_1546 = arith.constant 1 : i32
    %eq3A_1547 = vector.broadcast %eq3A_1546 : i32 to vector<16xi32>
    %eq3A_1548 = arith.cmpi eq, %shift_right_arithmetic3A_1530, %eq3A_1547 : vector<16xi32>
    %get3A_1549 = arith.constant 1 : i32
    %get3A_1550 = arith.index_cast %get3A_1549 : i32 to index
    %get3A_1551 = arith.constant 0 : index
    %get3A_1552 = tpu.vector_load %arg11[%get3A_1550, %get3A_1551] {strides = array<i32>} : memref<8x16xi32, #tpu.memory_space<vmem>>, vector<1x16xi32>,
    %get3A_1553 = vector.shape_cast %get3A_1552 : vector<1x16xi32> to vector<16xi32>
    %jit3A_1554 = arith.constant 0 : i32
    %broadcast_in_dim3A_1555 = vector.broadcast %jit3A_1554 : i32 to vector<16xi32>
    %select_n3A_1556 = arith.select %eq3A_1548, %get3A_1553, %broadcast_in_dim3A_1555 : vector<16xi1>, vector<16xi32>
    %add3A_1557 = arith.addi %add3A_1545, %select_n3A_1556 : vector<16xi32>
    %eq3A_1558 = arith.constant 2 : i32
    %eq3A_1559 = vector.broadcast %eq3A_1558 : i32 to vector<16xi32>
    %eq3A_1560 = arith.cmpi eq, %shift_right_arithmetic3A_1530, %eq3A_1559 : vector<16xi32>
    %get3A_1561 = arith.constant 2 : i32
    %get3A_1562 = arith.index_cast %get3A_1561 : i32 to index
    %get3A_1563 = arith.constant 0 : index
    %get3A_1564 = tpu.vector_load %arg11[%get3A_1562, %get3A_1563] {strides = array<i32>} : memref<8x16xi32, #tpu.memory_space<vmem>>, vector<1x16xi32>,
    %get3A_1565 = vector.shape_cast %get3A_1564 : vector<1x16xi32> to vector<16xi32>
    %jit3A_1566 = arith.constant 0 : i32
    %broadcast_in_dim3A_1567 = vector.broadcast %jit3A_1566 : i32 to vector<16xi32>
    %select_n3A_1568 = arith.select %eq3A_1560, %get3A_1565, %broadcast_in_dim3A_1567 : vector<16xi1>, vector<16xi32>
    %add3A_1569 = arith.addi %add3A_1557, %select_n3A_1568 : vector<16xi32>
    %eq3A_1570 = arith.constant 3 : i32
    %eq3A_1571 = vector.broadcast %eq3A_1570 : i32 to vector<16xi32>
    %eq3A_1572 = arith.cmpi eq, %shift_right_arithmetic3A_1530, %eq3A_1571 : vector<16xi32>
    %get3A_1573 = arith.constant 3 : i32
    %get3A_1574 = arith.index_cast %get3A_1573 : i32 to index
    %get3A_1575 = arith.constant 0 : index
    %get3A_1576 = tpu.vector_load %arg11[%get3A_1574, %get3A_1575] {strides = array<i32>} : memref<8x16xi32, #tpu.memory_space<vmem>>, vector<1x16xi32>,
    %get3A_1577 = vector.shape_cast %get3A_1576 : vector<1x16xi32> to vector<16xi32>
    %jit3A_1578 = arith.constant 0 : i32
    %broadcast_in_dim3A_1579 = vector.broadcast %jit3A_1578 : i32 to vector<16xi32>
    %select_n3A_1580 = arith.select %eq3A_1572, %get3A_1577, %broadcast_in_dim3A_1579 : vector<16xi1>, vector<16xi32>
    %add3A_1581 = arith.addi %add3A_1569, %select_n3A_1580 : vector<16xi32>
    %eq3A_1582 = arith.constant 4 : i32
    %eq3A_1583 = vector.broadcast %eq3A_1582 : i32 to vector<16xi32>
    %eq3A_1584 = arith.cmpi eq, %shift_right_arithmetic3A_1530, %eq3A_1583 : vector<16xi32>
    %get3A_1585 = arith.constant 4 : i32
    %get3A_1586 = arith.index_cast %get3A_1585 : i32 to index
    %get3A_1587 = arith.constant 0 : index
    %get3A_1588 = tpu.vector_load %arg11[%get3A_1586, %get3A_1587] {strides = array<i32>} : memref<8x16xi32, #tpu.memory_space<vmem>>, vector<1x16xi32>,
    %get3A_1589 = vector.shape_cast %get3A_1588 : vector<1x16xi32> to vector<16xi32>
    %jit3A_1590 = arith.constant 0 : i32
    %broadcast_in_dim3A_1591 = vector.broadcast %jit3A_1590 : i32 to vector<16xi32>
    %select_n3A_1592 = arith.select %eq3A_1584, %get3A_1589, %broadcast_in_dim3A_1591 : vector<16xi1>, vector<16xi32>
    %add3A_1593 = arith.addi %add3A_1581, %select_n3A_1592 : vector<16xi32>
    %eq3A_1594 = arith.constant 5 : i32
    %eq3A_1595 = vector.broadcast %eq3A_1594 : i32 to vector<16xi32>
    %eq3A_1596 = arith.cmpi eq, %shift_right_arithmetic3A_1530, %eq3A_1595 : vector<16xi32>
    %get3A_1597 = arith.constant 5 : i32
    %get3A_1598 = arith.index_cast %get3A_1597 : i32 to index
    %get3A_1599 = arith.constant 0 : index
    %get3A_1600 = tpu.vector_load %arg11[%get3A_1598, %get3A_1599] {strides = array<i32>} : memref<8x16xi32, #tpu.memory_space<vmem>>, vector<1x16xi32>,
    %get3A_1601 = vector.shape_cast %get3A_1600 : vector<1x16xi32> to vector<16xi32>
    %jit3A_1602 = arith.constant 0 : i32
    %broadcast_in_dim3A_1603 = vector.broadcast %jit3A_1602 : i32 to vector<16xi32>
    %select_n3A_1604 = arith.select %eq3A_1596, %get3A_1601, %broadcast_in_dim3A_1603 : vector<16xi1>, vector<16xi32>
    %add3A_1605 = arith.addi %add3A_1593, %select_n3A_1604 : vector<16xi32>
    %eq3A_1606 = arith.constant 6 : i32
    %eq3A_1607 = vector.broadcast %eq3A_1606 : i32 to vector<16xi32>
    %eq3A_1608 = arith.cmpi eq, %shift_right_arithmetic3A_1530, %eq3A_1607 : vector<16xi32>
    %get3A_1609 = arith.constant 6 : i32
    %get3A_1610 = arith.index_cast %get3A_1609 : i32 to index
    %get3A_1611 = arith.constant 0 : index
    %get3A_1612 = tpu.vector_load %arg11[%get3A_1610, %get3A_1611] {strides = array<i32>} : memref<8x16xi32, #tpu.memory_space<vmem>>, vector<1x16xi32>,
    %get3A_1613 = vector.shape_cast %get3A_1612 : vector<1x16xi32> to vector<16xi32>
    %jit3A_1614 = arith.constant 0 : i32
    %broadcast_in_dim3A_1615 = vector.broadcast %jit3A_1614 : i32 to vector<16xi32>
    %select_n3A_1616 = arith.select %eq3A_1608, %get3A_1613, %broadcast_in_dim3A_1615 : vector<16xi1>, vector<16xi32>
    %add3A_1617 = arith.addi %add3A_1605, %select_n3A_1616 : vector<16xi32>
    %eq3A_1618 = arith.constant 7 : i32
    %eq3A_1619 = vector.broadcast %eq3A_1618 : i32 to vector<16xi32>
    %eq3A_1620 = arith.cmpi eq, %shift_right_arithmetic3A_1530, %eq3A_1619 : vector<16xi32>
    %get3A_1621 = arith.constant 7 : i32
    %get3A_1622 = arith.index_cast %get3A_1621 : i32 to index
    %get3A_1623 = arith.constant 0 : index
    %get3A_1624 = tpu.vector_load %arg11[%get3A_1622, %get3A_1623] {strides = array<i32>} : memref<8x16xi32, #tpu.memory_space<vmem>>, vector<1x16xi32>,
    %get3A_1625 = vector.shape_cast %get3A_1624 : vector<1x16xi32> to vector<16xi32>
    %jit3A_1626 = arith.constant 0 : i32
    %broadcast_in_dim3A_1627 = vector.broadcast %jit3A_1626 : i32 to vector<16xi32>
    %select_n3A_1628 = arith.select %eq3A_1620, %get3A_1625, %broadcast_in_dim3A_1627 : vector<16xi1>, vector<16xi32>
    %add3A_1629 = arith.addi %add3A_1617, %select_n3A_1628 : vector<16xi32>
    %swap3A_1630 = arith.constant 96 : index
    %swap3A_1631 = tpu.vector_load %arg9[%swap3A_1630] {strides = array<i32>} : memref<128xi32, #tpu.memory_space<vmem>>, vector<16xi32>,
    %swap3A_1632 = vector.shape_cast %swap3A_1631 : vector<16xi32> to vector<16xi32>
    %swap3A_1633 = vector.shape_cast %add3A_1629 : vector<16xi32> to vector<16xi32>
    tpu.vector_store %arg9[%swap3A_1630], %swap3A_1633 {strides = array<i32>} : memref<128xi32, #tpu.memory_space<vmem>>, vector<16xi32>,
    %get3A_1634 = arith.constant 112 : index
    %get3A_1635 = tpu.vector_load %arg10[%get3A_1634] {strides = array<i32>} : memref<128xi32, #tpu.memory_space<vmem>>, vector<16xi32>,
    %get3A_1636 = vector.shape_cast %get3A_1635 : vector<16xi32> to vector<16xi32>
    %shift_right_arithmetic3A_1637 = arith.constant 13 : i32
    %shift_right_arithmetic3A_1638 = vector.broadcast %shift_right_arithmetic3A_1637 : i32 to vector<16xi32>
    %shift_right_arithmetic3A_1639 = arith.shrsi %get3A_1636, %shift_right_arithmetic3A_1638 : vector<16xi32>
    %and3A_1640 = arith.constant 8191 : i32
    %and3A_1641 = vector.broadcast %and3A_1640 : i32 to vector<16xi32>
    %and3A_1642 = arith.andi %get3A_1636, %and3A_1641 : vector<16xi32>
    %eq3A_1643 = arith.constant 0 : i32
    %eq3A_1644 = vector.broadcast %eq3A_1643 : i32 to vector<16xi32>
    %eq3A_1645 = arith.cmpi eq, %shift_right_arithmetic3A_1639, %eq3A_1644 : vector<16xi32>
    %get3A_1646 = arith.constant 0 : i32
    %get3A_1647 = arith.index_cast %get3A_1646 : i32 to index
    %get3A_1648 = arith.constant 0 : index
    %get3A_1649 = tpu.vector_load %arg11[%get3A_1647, %get3A_1648] {strides = array<i32>} : memref<8x16xi32, #tpu.memory_space<vmem>>, vector<1x16xi32>,
    %get3A_1650 = vector.shape_cast %get3A_1649 : vector<1x16xi32> to vector<16xi32>
    %jit3A_1651 = arith.constant 0 : i32
    %broadcast_in_dim3A_1652 = vector.broadcast %jit3A_1651 : i32 to vector<16xi32>
    %select_n3A_1653 = arith.select %eq3A_1645, %get3A_1650, %broadcast_in_dim3A_1652 : vector<16xi1>, vector<16xi32>
    %add3A_1654 = arith.addi %and3A_1642, %select_n3A_1653 : vector<16xi32>
    %eq3A_1655 = arith.constant 1 : i32
    %eq3A_1656 = vector.broadcast %eq3A_1655 : i32 to vector<16xi32>
    %eq3A_1657 = arith.cmpi eq, %shift_right_arithmetic3A_1639, %eq3A_1656 : vector<16xi32>
    %get3A_1658 = arith.constant 1 : i32
    %get3A_1659 = arith.index_cast %get3A_1658 : i32 to index
    %get3A_1660 = arith.constant 0 : index
    %get3A_1661 = tpu.vector_load %arg11[%get3A_1659, %get3A_1660] {strides = array<i32>} : memref<8x16xi32, #tpu.memory_space<vmem>>, vector<1x16xi32>,
    %get3A_1662 = vector.shape_cast %get3A_1661 : vector<1x16xi32> to vector<16xi32>
    %jit3A_1663 = arith.constant 0 : i32
    %broadcast_in_dim3A_1664 = vector.broadcast %jit3A_1663 : i32 to vector<16xi32>
    %select_n3A_1665 = arith.select %eq3A_1657, %get3A_1662, %broadcast_in_dim3A_1664 : vector<16xi1>, vector<16xi32>
    %add3A_1666 = arith.addi %add3A_1654, %select_n3A_1665 : vector<16xi32>
    %eq3A_1667 = arith.constant 2 : i32
    %eq3A_1668 = vector.broadcast %eq3A_1667 : i32 to vector<16xi32>
    %eq3A_1669 = arith.cmpi eq, %shift_right_arithmetic3A_1639, %eq3A_1668 : vector<16xi32>
    %get3A_1670 = arith.constant 2 : i32
    %get3A_1671 = arith.index_cast %get3A_1670 : i32 to index
    %get3A_1672 = arith.constant 0 : index
    %get3A_1673 = tpu.vector_load %arg11[%get3A_1671, %get3A_1672] {strides = array<i32>} : memref<8x16xi32, #tpu.memory_space<vmem>>, vector<1x16xi32>,
    %get3A_1674 = vector.shape_cast %get3A_1673 : vector<1x16xi32> to vector<16xi32>
    %jit3A_1675 = arith.constant 0 : i32
    %broadcast_in_dim3A_1676 = vector.broadcast %jit3A_1675 : i32 to vector<16xi32>
    %select_n3A_1677 = arith.select %eq3A_1669, %get3A_1674, %broadcast_in_dim3A_1676 : vector<16xi1>, vector<16xi32>
    %add3A_1678 = arith.addi %add3A_1666, %select_n3A_1677 : vector<16xi32>
    %eq3A_1679 = arith.constant 3 : i32
    %eq3A_1680 = vector.broadcast %eq3A_1679 : i32 to vector<16xi32>
    %eq3A_1681 = arith.cmpi eq, %shift_right_arithmetic3A_1639, %eq3A_1680 : vector<16xi32>
    %get3A_1682 = arith.constant 3 : i32
    %get3A_1683 = arith.index_cast %get3A_1682 : i32 to index
    %get3A_1684 = arith.constant 0 : index
    %get3A_1685 = tpu.vector_load %arg11[%get3A_1683, %get3A_1684] {strides = array<i32>} : memref<8x16xi32, #tpu.memory_space<vmem>>, vector<1x16xi32>,
    %get3A_1686 = vector.shape_cast %get3A_1685 : vector<1x16xi32> to vector<16xi32>
    %jit3A_1687 = arith.constant 0 : i32
    %broadcast_in_dim3A_1688 = vector.broadcast %jit3A_1687 : i32 to vector<16xi32>
    %select_n3A_1689 = arith.select %eq3A_1681, %get3A_1686, %broadcast_in_dim3A_1688 : vector<16xi1>, vector<16xi32>
    %add3A_1690 = arith.addi %add3A_1678, %select_n3A_1689 : vector<16xi32>
    %eq3A_1691 = arith.constant 4 : i32
    %eq3A_1692 = vector.broadcast %eq3A_1691 : i32 to vector<16xi32>
    %eq3A_1693 = arith.cmpi eq, %shift_right_arithmetic3A_1639, %eq3A_1692 : vector<16xi32>
    %get3A_1694 = arith.constant 4 : i32
    %get3A_1695 = arith.index_cast %get3A_1694 : i32 to index
    %get3A_1696 = arith.constant 0 : index
    %get3A_1697 = tpu.vector_load %arg11[%get3A_1695, %get3A_1696] {strides = array<i32>} : memref<8x16xi32, #tpu.memory_space<vmem>>, vector<1x16xi32>,
    %get3A_1698 = vector.shape_cast %get3A_1697 : vector<1x16xi32> to vector<16xi32>
    %jit3A_1699 = arith.constant 0 : i32
    %broadcast_in_dim3A_1700 = vector.broadcast %jit3A_1699 : i32 to vector<16xi32>
    %select_n3A_1701 = arith.select %eq3A_1693, %get3A_1698, %broadcast_in_dim3A_1700 : vector<16xi1>, vector<16xi32>
    %add3A_1702 = arith.addi %add3A_1690, %select_n3A_1701 : vector<16xi32>
    %eq3A_1703 = arith.constant 5 : i32
    %eq3A_1704 = vector.broadcast %eq3A_1703 : i32 to vector<16xi32>
    %eq3A_1705 = arith.cmpi eq, %shift_right_arithmetic3A_1639, %eq3A_1704 : vector<16xi32>
    %get3A_1706 = arith.constant 5 : i32
    %get3A_1707 = arith.index_cast %get3A_1706 : i32 to index
    %get3A_1708 = arith.constant 0 : index
    %get3A_1709 = tpu.vector_load %arg11[%get3A_1707, %get3A_1708] {strides = array<i32>} : memref<8x16xi32, #tpu.memory_space<vmem>>, vector<1x16xi32>,
    %get3A_1710 = vector.shape_cast %get3A_1709 : vector<1x16xi32> to vector<16xi32>
    %jit3A_1711 = arith.constant 0 : i32
    %broadcast_in_dim3A_1712 = vector.broadcast %jit3A_1711 : i32 to vector<16xi32>
    %select_n3A_1713 = arith.select %eq3A_1705, %get3A_1710, %broadcast_in_dim3A_1712 : vector<16xi1>, vector<16xi32>
    %add3A_1714 = arith.addi %add3A_1702, %select_n3A_1713 : vector<16xi32>
    %eq3A_1715 = arith.constant 6 : i32
    %eq3A_1716 = vector.broadcast %eq3A_1715 : i32 to vector<16xi32>
    %eq3A_1717 = arith.cmpi eq, %shift_right_arithmetic3A_1639, %eq3A_1716 : vector<16xi32>
    %get3A_1718 = arith.constant 6 : i32
    %get3A_1719 = arith.index_cast %get3A_1718 : i32 to index
    %get3A_1720 = arith.constant 0 : index
    %get3A_1721 = tpu.vector_load %arg11[%get3A_1719, %get3A_1720] {strides = array<i32>} : memref<8x16xi32, #tpu.memory_space<vmem>>, vector<1x16xi32>,
    %get3A_1722 = vector.shape_cast %get3A_1721 : vector<1x16xi32> to vector<16xi32>
    %jit3A_1723 = arith.constant 0 : i32
    %broadcast_in_dim3A_1724 = vector.broadcast %jit3A_1723 : i32 to vector<16xi32>
    %select_n3A_1725 = arith.select %eq3A_1717, %get3A_1722, %broadcast_in_dim3A_1724 : vector<16xi1>, vector<16xi32>
    %add3A_1726 = arith.addi %add3A_1714, %select_n3A_1725 : vector<16xi32>
    %eq3A_1727 = arith.constant 7 : i32
    %eq3A_1728 = vector.broadcast %eq3A_1727 : i32 to vector<16xi32>
    %eq3A_1729 = arith.cmpi eq, %shift_right_arithmetic3A_1639, %eq3A_1728 : vector<16xi32>
    %get3A_1730 = arith.constant 7 : i32
    %get3A_1731 = arith.index_cast %get3A_1730 : i32 to index
    %get3A_1732 = arith.constant 0 : index
    %get3A_1733 = tpu.vector_load %arg11[%get3A_1731, %get3A_1732] {strides = array<i32>} : memref<8x16xi32, #tpu.memory_space<vmem>>, vector<1x16xi32>,
    %get3A_1734 = vector.shape_cast %get3A_1733 : vector<1x16xi32> to vector<16xi32>
    %jit3A_1735 = arith.constant 0 : i32
    %broadcast_in_dim3A_1736 = vector.broadcast %jit3A_1735 : i32 to vector<16xi32>
    %select_n3A_1737 = arith.select %eq3A_1729, %get3A_1734, %broadcast_in_dim3A_1736 : vector<16xi1>, vector<16xi32>
    %add3A_1738 = arith.addi %add3A_1726, %select_n3A_1737 : vector<16xi32>
    %swap3A_1739 = arith.constant 112 : index
    %swap3A_1740 = tpu.vector_load %arg9[%swap3A_1739] {strides = array<i32>} : memref<128xi32, #tpu.memory_space<vmem>>, vector<16xi32>,
    %swap3A_1741 = vector.shape_cast %swap3A_1740 : vector<16xi32> to vector<16xi32>
    %swap3A_1742 = vector.shape_cast %add3A_1738 : vector<16xi32> to vector<16xi32>
    tpu.vector_store %arg9[%swap3A_1739], %swap3A_1742 {strides = array<i32>} : memref<128xi32, #tpu.memory_space<vmem>>, vector<16xi32>,
    %dma_start3A_1743 = arith.constant 0 : i32
    %dma_start3A_1744 = arith.constant 0 : i32
    %dma_start3A_1745 = tpu.memref_slice %arg6[%dma_start3A_1743, %dma_start3A_1744] : memref<10240x768xf32, #tpu.memory_space<hbm>> -> memref<10240x768xf32, #tpu.memory_space<hbm>>
    tpu.enqueue_indirect_dma source(%arg7 : memref<128x768xf32, #tpu.memory_space<vmem>>) target(%dma_start3A_1745 : memref<10240x768xf32, #tpu.memory_space<hbm>>) offsets(%arg9 : memref<128xi32, #tpu.memory_space<vmem>>) semaphore(%arg12 : memref<!tpu.dma_semaphore, #tpu.memory_space<semaphore_mem>>)
    %dma_wait3A = arith.constant 0 : i32
    %dma_wait3A_1746 = arith.constant 0 : i32
    %dma_wait3A_1747 = tpu.memref_slice %arg6[%dma_wait3A, %dma_wait3A_1746] : memref<10240x768xf32, #tpu.memory_space<hbm>> -> memref<10240x768xf32, #tpu.memory_space<hbm>>
    tpu.wait_indirect_dma semaphore(%arg12 : memref<!tpu.dma_semaphore, #tpu.memory_space<semaphore_mem>>) src(%arg7 : memref<128x768xf32, #tpu.memory_space<vmem>>) dst(%dma_wait3A_1747 : memref<10240x768xf32, #tpu.memory_space<hbm>>)
    %dma_wait3A_1748 = arith.constant 0 : i32
    %dma_wait3A_1749 = arith.constant 0 : i32
    %dma_wait3A_1750 = tpu.memref_slice %arg6[%dma_wait3A_1748, %dma_wait3A_1749] : memref<10240x768xf32, #tpu.memory_space<hbm>> -> memref<10240x768xf32, #tpu.memory_space<hbm>>
    tpu.wait_indirect_dma semaphore(%arg12 : memref<!tpu.dma_semaphore, #tpu.memory_space<semaphore_mem>>) src(%arg7 : memref<128x768xf32, #tpu.memory_space<vmem>>) dst(%dma_wait3A_1750 : memref<10240x768xf32, #tpu.memory_space<hbm>>)
    return
  }
}

module attributes {stable_mosaic.version = 14 : i64} {
  func.func @_router_kernel(%arg0: i32, %arg1: memref<512x768xf32, #tpu.memory_space<vmem>>, %arg2: memref<768x8xf32, #tpu.memory_space<vmem>>, %arg3: memref<512x1xf32, #tpu.memory_space<vmem>>, %arg4: memref<512x1xf32, #tpu.memory_space<vmem>>, %arg5: memref<512x1xi32, #tpu.memory_space<vmem>>, %arg6: memref<512x1xi32, #tpu.memory_space<vmem>>, %arg7: memref<8x16xi32, #tpu.memory_space<vmem>>, %arg8: memref<1x160xi32, #tpu.memory_space<vmem>>, %arg9: memref<1x8xf32, #tpu.memory_space<vmem>>) attributes {dimension_semantics = [#tpu.dimension_semantics<arbitrary>], iteration_bounds = array<i64: 8>, scalar_prefetch = 0 : i64, scratch_operands = 1 : i64, tpu.core_type = #tpu.core_type<tc>, window_params = [{transform_indices = @transform_0, window_bounds = array<i64: 512, 768>}, {pipeline_mode = #tpu.pipeline_mode<synchronous>, transform_indices = @transform_1, window_bounds = array<i64: 768, 8>}, {transform_indices = @transform_2, window_bounds = array<i64: 512, 1>}, {transform_indices = @transform_3, window_bounds = array<i64: 512, 1>}, {transform_indices = @transform_4, window_bounds = array<i64: 512, 1>}, {transform_indices = @transform_5, window_bounds = array<i64: 512, 1>}, {pipeline_mode = #tpu.pipeline_mode<synchronous>, transform_indices = @transform_6, window_bounds = array<i64: 8, 16>}, {pipeline_mode = #tpu.pipeline_mode<synchronous>, transform_indices = @transform_7, window_bounds = array<i64: 1, 160>}]} {
    %eq3A = arith.constant 0 : i32
    %eq3A_0 = arith.cmpi eq, %arg0, %eq3A : i32
    %convert_element_type3A = arith.extui %eq3A_0 : i1 to i32
    %cond3A = arith.constant 0 : i32
    %cond3A_1 = arith.cmpi ne, %convert_element_type3A, %cond3A : i32
    scf.if %cond3A_1 {
      %broadcast_in_dim3A_88 = arith.constant 0.000000e+00 : f32
      %broadcast_in_dim3A_89 = vector.broadcast %broadcast_in_dim3A_88 : f32 to vector<1x8xf32>
      %swap3A_90 = arith.constant 0 : index
      %swap3A_91 = arith.constant 0 : index
      %swap3A_92 = vector.load %arg9[%swap3A_90, %swap3A_91] : memref<1x8xf32, #tpu.memory_space<vmem>>, vector<1x8xf32>
      tpu.vector_store %arg9[%swap3A_90, %swap3A_91], %broadcast_in_dim3A_89 {strides = array<i32>} : memref<1x8xf32, #tpu.memory_space<vmem>>, vector<1x8xf32>,
    } else {
    }
    %get3A = arith.constant 0 : index
    %get3A_2 = arith.constant 0 : index
    %get3A_3 = vector.load %arg1[%get3A, %get3A_2] : memref<512x768xf32, #tpu.memory_space<vmem>>, vector<512x768xf32>
    %get3A_4 = arith.constant 0 : index
    %get3A_5 = arith.constant 0 : index
    %get3A_6 = vector.load %arg2[%get3A_4, %get3A_5] : memref<768x8xf32, #tpu.memory_space<vmem>>, vector<768x8xf32>
    %dot_general3A = arith.constant dense<0.000000e+00> : vector<512x8xf32>
    %dot_general3A_7 = tpu.matmul %get3A_3, %get3A_6, %dot_general3A {dimension_numbers = #tpu.dot_dimension_numbers<[1], [0], [0], [1], [0, 0, 1, 1], [], []>, transpose_lhs_hint = false} : vector<512x768xf32>, vector<768x8xf32>, vector<512x8xf32> -> vector<512x8xf32>
    %iota3A = tpu.iota {dimensions = array<i32: 1>} : vector<512x8xi32>
    %reduce_max3A = arith.constant dense<0xFF800000> : vector<512xf32>
    %reduce_max3A_8 = vector.multi_reduction <maximumf>, %dot_general3A_7, %reduce_max3A [1] : vector<512x8xf32> to vector<512xf32>
    %broadcast_in_dim3A = vector.shape_cast %reduce_max3A_8 : vector<512xf32> to vector<512x1xf32>
    %argmax3A = tpu.reduce_index %dot_general3A_7 {axis = 1 : i32, kind = #tpu.reduction_kind<arg_max>} : vector<512x8xf32> -> vector<512xi32>
    %broadcast_in_dim3A_9 = vector.shape_cast %argmax3A : vector<512xi32> to vector<512x1xi32>
    %eq3A_10 = vector.broadcast %broadcast_in_dim3A_9 : vector<512x1xi32> to vector<512x8xi32>
    %eq3A_11 = arith.cmpi eq, %iota3A, %eq3A_10 : vector<512x8xi32>
    %jit3A = arith.constant 0xFF800000 : f32
    %broadcast_in_dim3A_12 = vector.broadcast %jit3A : f32 to vector<512x8xf32>
    %select_n3A = arith.select %eq3A_11, %broadcast_in_dim3A_12, %dot_general3A_7 : vector<512x8xi1>, vector<512x8xf32>
    %reduce_max3A_13 = arith.constant dense<0xFF800000> : vector<512xf32>
    %reduce_max3A_14 = vector.multi_reduction <maximumf>, %select_n3A, %reduce_max3A_13 [1] : vector<512x8xf32> to vector<512xf32>
    %broadcast_in_dim3A_15 = vector.shape_cast %reduce_max3A_14 : vector<512xf32> to vector<512x1xf32>
    %argmax3A_16 = tpu.reduce_index %select_n3A {axis = 1 : i32, kind = #tpu.reduction_kind<arg_max>} : vector<512x8xf32> -> vector<512xi32>
    %broadcast_in_dim3A_17 = vector.shape_cast %argmax3A_16 : vector<512xi32> to vector<512x1xi32>
    %max3A = arith.maximumf %broadcast_in_dim3A, %broadcast_in_dim3A_15 : vector<512x1xf32>
    %sub3A = arith.subf %broadcast_in_dim3A, %max3A : vector<512x1xf32>
    %exp3A = math.exp %sub3A : vector<512x1xf32>
    %sub3A_18 = arith.subf %broadcast_in_dim3A_15, %max3A : vector<512x1xf32>
    %exp3A_19 = math.exp %sub3A_18 : vector<512x1xf32>
    %add3A = arith.addf %exp3A, %exp3A_19 : vector<512x1xf32>
    %div3A = arith.divf %exp3A, %add3A : vector<512x1xf32>
    %swap3A = arith.constant 0 : index
    %swap3A_20 = arith.constant 0 : index
    %swap3A_21 = vector.load %arg3[%swap3A, %swap3A_20] : memref<512x1xf32, #tpu.memory_space<vmem>>, vector<512x1xf32>
    tpu.vector_store %arg3[%swap3A, %swap3A_20], %div3A {strides = array<i32>} : memref<512x1xf32, #tpu.memory_space<vmem>>, vector<512x1xf32>,
    %div3A_22 = arith.divf %exp3A_19, %add3A : vector<512x1xf32>
    %swap3A_23 = arith.constant 0 : index
    %swap3A_24 = arith.constant 0 : index
    %swap3A_25 = vector.load %arg4[%swap3A_23, %swap3A_24] : memref<512x1xf32, #tpu.memory_space<vmem>>, vector<512x1xf32>
    tpu.vector_store %arg4[%swap3A_23, %swap3A_24], %div3A_22 {strides = array<i32>} : memref<512x1xf32, #tpu.memory_space<vmem>>, vector<512x1xf32>,
    %eq3A_26 = vector.broadcast %broadcast_in_dim3A_9 : vector<512x1xi32> to vector<512x8xi32>
    %eq3A_27 = arith.cmpi eq, %iota3A, %eq3A_26 : vector<512x8xi32>
    %eq3A_28 = vector.broadcast %broadcast_in_dim3A_17 : vector<512x1xi32> to vector<512x8xi32>
    %eq3A_29 = arith.cmpi eq, %iota3A, %eq3A_28 : vector<512x8xi32>
    %or3A = arith.ori %eq3A_27, %eq3A_29 : vector<512x8xi1>
    %convert_element_type3A_30 = arith.extui %or3A : vector<512x8xi1> to vector<512x8xi32>
    %convert_element_type3A_31 = arith.sitofp %convert_element_type3A_30 : vector<512x8xi32> to vector<512x8xf32>
    %iota3A_32 = tpu.iota {dimensions = array<i32: 0>} : vector<512x512xi32>
    %iota3A_33 = tpu.iota {dimensions = array<i32: 1>} : vector<512x512xi32>
    %lt3A = arith.cmpi slt, %iota3A_33, %iota3A_32 : vector<512x512xi32>
    %convert_element_type3A_34 = arith.extui %lt3A : vector<512x512xi1> to vector<512x512xi32>
    %convert_element_type3A_35 = arith.sitofp %convert_element_type3A_34 : vector<512x512xi32> to vector<512x512xf32>
    %dot_general3A_36 = arith.constant dense<0.000000e+00> : vector<512x8xf32>
    %dot_general3A_37 = tpu.matmul %convert_element_type3A_35, %convert_element_type3A_31, %dot_general3A_36 {dimension_numbers = #tpu.dot_dimension_numbers<[1], [0], [0], [1], [0, 0, 1, 1], [], []>, transpose_lhs_hint = false} : vector<512x512xf32>, vector<512x8xf32>, vector<512x8xf32> -> vector<512x8xf32>
    %get3A_38 = arith.constant 0 : index
    %get3A_39 = arith.constant 0 : index
    %get3A_40 = vector.load %arg9[%get3A_38, %get3A_39] : memref<1x8xf32, #tpu.memory_space<vmem>>, vector<1x8xf32>
    %add3A_41 = vector.broadcast %get3A_40 : vector<1x8xf32> to vector<512x8xf32>
    %add3A_42 = arith.addf %dot_general3A_37, %add3A_41 : vector<512x8xf32>
    %eq3A_43 = vector.broadcast %broadcast_in_dim3A_9 : vector<512x1xi32> to vector<512x8xi32>
    %eq3A_44 = arith.cmpi eq, %iota3A, %eq3A_43 : vector<512x8xi32>
    %jit3A_45 = arith.constant 0.000000e+00 : f32
    %broadcast_in_dim3A_46 = vector.broadcast %jit3A_45 : f32 to vector<512x8xf32>
    %select_n3A_47 = arith.select %eq3A_44, %add3A_42, %broadcast_in_dim3A_46 : vector<512x8xi1>, vector<512x8xf32>
    %reduce_sum3A = arith.constant dense<0.000000e+00> : vector<512xf32>
    %reduce_sum3A_48 = vector.multi_reduction <add>, %select_n3A_47, %reduce_sum3A [1] : vector<512x8xf32> to vector<512xf32>
    %broadcast_in_dim3A_49 = vector.shape_cast %reduce_sum3A_48 : vector<512xf32> to vector<512x1xf32>
    %eq3A_50 = vector.broadcast %broadcast_in_dim3A_17 : vector<512x1xi32> to vector<512x8xi32>
    %eq3A_51 = arith.cmpi eq, %iota3A, %eq3A_50 : vector<512x8xi32>
    %jit3A_52 = arith.constant 0.000000e+00 : f32
    %broadcast_in_dim3A_53 = vector.broadcast %jit3A_52 : f32 to vector<512x8xf32>
    %select_n3A_54 = arith.select %eq3A_51, %add3A_42, %broadcast_in_dim3A_53 : vector<512x8xi1>, vector<512x8xf32>
    %reduce_sum3A_55 = arith.constant dense<0.000000e+00> : vector<512xf32>
    %reduce_sum3A_56 = vector.multi_reduction <add>, %select_n3A_54, %reduce_sum3A_55 [1] : vector<512x8xf32> to vector<512xf32>
    %broadcast_in_dim3A_57 = vector.shape_cast %reduce_sum3A_56 : vector<512xf32> to vector<512x1xf32>
    %mul3A = arith.constant 8192 : i32
    %mul3A_58 = vector.broadcast %mul3A : i32 to vector<512x1xi32>
    %mul3A_59 = arith.muli %broadcast_in_dim3A_9, %mul3A_58 : vector<512x1xi32>
    %convert_element_type3A_60 = arith.fptosi %broadcast_in_dim3A_49 : vector<512x1xf32> to vector<512x1xi32>
    %add3A_61 = arith.addi %mul3A_59, %convert_element_type3A_60 : vector<512x1xi32>
    %swap3A_62 = arith.constant 0 : index
    %swap3A_63 = arith.constant 0 : index
    %swap3A_64 = vector.load %arg5[%swap3A_62, %swap3A_63] : memref<512x1xi32, #tpu.memory_space<vmem>>, vector<512x1xi32>
    tpu.vector_store %arg5[%swap3A_62, %swap3A_63], %add3A_61 {strides = array<i32>} : memref<512x1xi32, #tpu.memory_space<vmem>>, vector<512x1xi32>,
    %mul3A_65 = arith.constant 8192 : i32
    %mul3A_66 = vector.broadcast %mul3A_65 : i32 to vector<512x1xi32>
    %mul3A_67 = arith.muli %broadcast_in_dim3A_17, %mul3A_66 : vector<512x1xi32>
    %convert_element_type3A_68 = arith.fptosi %broadcast_in_dim3A_57 : vector<512x1xf32> to vector<512x1xi32>
    %add3A_69 = arith.addi %mul3A_67, %convert_element_type3A_68 : vector<512x1xi32>
    %swap3A_70 = arith.constant 0 : index
    %swap3A_71 = arith.constant 0 : index
    %swap3A_72 = vector.load %arg6[%swap3A_70, %swap3A_71] : memref<512x1xi32, #tpu.memory_space<vmem>>, vector<512x1xi32>
    tpu.vector_store %arg6[%swap3A_70, %swap3A_71], %add3A_69 {strides = array<i32>} : memref<512x1xi32, #tpu.memory_space<vmem>>, vector<512x1xi32>,
    %get3A_73 = arith.constant 0 : index
    %get3A_74 = arith.constant 0 : index
    %get3A_75 = vector.load %arg9[%get3A_73, %get3A_74] : memref<1x8xf32, #tpu.memory_space<vmem>>, vector<1x8xf32>
    %reduce_sum3A_76 = arith.constant dense<0.000000e+00> : vector<8xf32>
    %reduce_sum3A_77 = vector.multi_reduction <add>, %convert_element_type3A_31, %reduce_sum3A_76 [0] : vector<512x8xf32> to vector<8xf32>
    %broadcast_in_dim3A_78 = vector.shape_cast %reduce_sum3A_77 : vector<8xf32> to vector<1x8xf32>
    %add3A_79 = arith.addf %get3A_75, %broadcast_in_dim3A_78 : vector<1x8xf32>
    %swap3A_80 = arith.constant 0 : index
    %swap3A_81 = arith.constant 0 : index
    %swap3A_82 = vector.load %arg9[%swap3A_80, %swap3A_81] : memref<1x8xf32, #tpu.memory_space<vmem>>, vector<1x8xf32>
    tpu.vector_store %arg9[%swap3A_80, %swap3A_81], %add3A_79 {strides = array<i32>} : memref<1x8xf32, #tpu.memory_space<vmem>>, vector<1x8xf32>,
    %eq3A_83 = arith.constant 7 : i32
    %eq3A_84 = arith.cmpi eq, %arg0, %eq3A_83 : i32
    %convert_element_type3A_85 = arith.extui %eq3A_84 : i1 to i32
    %cond3A_86 = arith.constant 0 : i32
    %cond3A_87 = arith.cmpi ne, %convert_element_type3A_85, %cond3A_86 : i32
    scf.if %cond3A_87 {
      %get3A_88 = arith.constant 0 : index
      %get3A_89 = arith.constant 0 : index
      %get3A_90 = vector.load %arg9[%get3A_88, %get3A_89] : memref<1x8xf32, #tpu.memory_space<vmem>>, vector<1x8xf32>
      %convert_element_type3A_91 = arith.fptosi %get3A_90 : vector<1x8xf32> to vector<1x8xi32>
      %iota3A_92 = tpu.iota {dimensions = array<i32: 0>} : vector<8x16xi32>
      %broadcast_in_dim3A_93 = arith.constant 0 : i32
      %broadcast_in_dim3A_94 = vector.broadcast %broadcast_in_dim3A_93 : i32 to vector<8x16xi32>
      %iota3A_95 = tpu.iota {dimensions = array<i32: 1>} : vector<1x40xi32>
      %mul3A_96 = arith.constant 256 : i32
      %mul3A_97 = vector.broadcast %mul3A_96 : i32 to vector<1x40xi32>
      %mul3A_98 = arith.muli %iota3A_95, %mul3A_97 : vector<1x40xi32>
      %broadcast_in_dim3A_99 = arith.constant 0 : i32
      %broadcast_in_dim3A_100 = vector.broadcast %broadcast_in_dim3A_99 : i32 to vector<1x40xi32>
      %slice3A = vector.extract_strided_slice %convert_element_type3A_91 {offsets = [0, 0], sizes = [1, 1], strides = [1, 1]} : vector<1x8xi32> to vector<1x1xi32>
      %squeeze3A = vector.extract %slice3A[0, 0] : i32 from vector<1x1xi32>
      %eq3A_101 = arith.constant 0 : i32
      %eq3A_102 = vector.broadcast %eq3A_101 : i32 to vector<8x16xi32>
      %eq3A_103 = arith.cmpi eq, %iota3A_92, %eq3A_102 : vector<8x16xi32>
      %jit3A_104 = arith.constant 0 : i32
      %jit3A_105 = arith.constant 0 : i32
      %broadcast_in_dim3A_106 = vector.broadcast %jit3A_104 : i32 to vector<8x16xi32>
      %broadcast_in_dim3A_107 = vector.broadcast %jit3A_105 : i32 to vector<8x16xi32>
      %select_n3A_108 = arith.select %eq3A_103, %broadcast_in_dim3A_106, %broadcast_in_dim3A_107 : vector<8x16xi1>, vector<8x16xi32>
      %add3A_109 = arith.addi %broadcast_in_dim3A_94, %select_n3A_108 : vector<8x16xi32>
      %add3A_110 = arith.constant 256 : i32
      %add3A_111 = arith.addi %squeeze3A, %add3A_110 : i32
      %sub3A_112 = arith.constant 1 : i32
      %sub3A_113 = arith.subi %add3A_111, %sub3A_112 : i32
      %jit3A_114 = arith.constant 256 : i32
      %div3A_115 = arith.divsi %sub3A_113, %jit3A_114 : i32
      %sign3A = arith.constant 0 : i32
      %sign3A_116 = arith.cmpi sgt, %sub3A_113, %sign3A : i32
      %sign3A_117 = arith.extui %sign3A_116 : i1 to i32
      %sign3A_118 = arith.constant 0 : i32
      %sign3A_119 = arith.cmpi slt, %sub3A_113, %sign3A_118 : i32
      %sign3A_120 = arith.extui %sign3A_119 : i1 to i32
      %sign3A_121 = arith.subi %sign3A_117, %sign3A_120 : i32
      %sign3A_122 = arith.constant 0 : i32
      %sign3A_123 = arith.cmpi sgt, %jit3A_114, %sign3A_122 : i32
      %sign3A_124 = arith.extui %sign3A_123 : i1 to i32
      %sign3A_125 = arith.constant 0 : i32
      %sign3A_126 = arith.cmpi slt, %jit3A_114, %sign3A_125 : i32
      %sign3A_127 = arith.extui %sign3A_126 : i1 to i32
      %sign3A_128 = arith.subi %sign3A_124, %sign3A_127 : i32
      %ne3A = arith.cmpi ne, %sign3A_121, %sign3A_128 : i32
      %rem3A = arith.remsi %sub3A_113, %jit3A_114 : i32
      %ne3A_129 = arith.constant 0 : i32
      %ne3A_130 = arith.cmpi ne, %rem3A, %ne3A_129 : i32
      %and3A = arith.andi %ne3A, %ne3A_130 : i1
      %sub3A_131 = arith.constant 1 : i32
      %sub3A_132 = arith.subi %div3A_115, %sub3A_131 : i32
      %select_n3A_133 = arith.select %and3A, %sub3A_132, %div3A_115 : i32
      %mul3A_134 = arith.constant 256 : i32
      %mul3A_135 = arith.muli %select_n3A_133, %mul3A_134 : i32
      %add3A_136 = arith.constant 0 : i32
      %add3A_137 = arith.addi %add3A_136, %mul3A_135 : i32
      %ge3A = vector.broadcast %add3A_137 : i32 to vector<1x40xi32>
      %ge3A_138 = arith.cmpi sge, %mul3A_98, %ge3A : vector<1x40xi32>
      %convert_element_type3A_139 = arith.extui %ge3A_138 : vector<1x40xi1> to vector<1x40xi32>
      %add3A_140 = arith.addi %broadcast_in_dim3A_100, %convert_element_type3A_139 : vector<1x40xi32>
      %slice3A_141 = vector.extract_strided_slice %convert_element_type3A_91 {offsets = [0, 1], sizes = [1, 1], strides = [1, 1]} : vector<1x8xi32> to vector<1x1xi32>
      %squeeze3A_142 = vector.extract %slice3A_141[0, 0] : i32 from vector<1x1xi32>
      %eq3A_143 = arith.constant 1 : i32
      %eq3A_144 = vector.broadcast %eq3A_143 : i32 to vector<8x16xi32>
      %eq3A_145 = arith.cmpi eq, %iota3A_92, %eq3A_144 : vector<8x16xi32>
      %jit3A_146 = arith.constant 0 : i32
      %broadcast_in_dim3A_147 = vector.broadcast %add3A_137 : i32 to vector<8x16xi32>
      %broadcast_in_dim3A_148 = vector.broadcast %jit3A_146 : i32 to vector<8x16xi32>
      %select_n3A_149 = arith.select %eq3A_145, %broadcast_in_dim3A_147, %broadcast_in_dim3A_148 : vector<8x16xi1>, vector<8x16xi32>
      %add3A_150 = arith.addi %add3A_109, %select_n3A_149 : vector<8x16xi32>
      %add3A_151 = arith.constant 256 : i32
      %add3A_152 = arith.addi %squeeze3A_142, %add3A_151 : i32
      %sub3A_153 = arith.constant 1 : i32
      %sub3A_154 = arith.subi %add3A_152, %sub3A_153 : i32
      %jit3A_155 = arith.constant 256 : i32
      %div3A_156 = arith.divsi %sub3A_154, %jit3A_155 : i32
      %sign3A_157 = arith.constant 0 : i32
      %sign3A_158 = arith.cmpi sgt, %sub3A_154, %sign3A_157 : i32
      %sign3A_159 = arith.extui %sign3A_158 : i1 to i32
      %sign3A_160 = arith.constant 0 : i32
      %sign3A_161 = arith.cmpi slt, %sub3A_154, %sign3A_160 : i32
      %sign3A_162 = arith.extui %sign3A_161 : i1 to i32
      %sign3A_163 = arith.subi %sign3A_159, %sign3A_162 : i32
      %sign3A_164 = arith.constant 0 : i32
      %sign3A_165 = arith.cmpi sgt, %jit3A_155, %sign3A_164 : i32
      %sign3A_166 = arith.extui %sign3A_165 : i1 to i32
      %sign3A_167 = arith.constant 0 : i32
      %sign3A_168 = arith.cmpi slt, %jit3A_155, %sign3A_167 : i32
      %sign3A_169 = arith.extui %sign3A_168 : i1 to i32
      %sign3A_170 = arith.subi %sign3A_166, %sign3A_169 : i32
      %ne3A_171 = arith.cmpi ne, %sign3A_163, %sign3A_170 : i32
      %rem3A_172 = arith.remsi %sub3A_154, %jit3A_155 : i32
      %ne3A_173 = arith.constant 0 : i32
      %ne3A_174 = arith.cmpi ne, %rem3A_172, %ne3A_173 : i32
      %and3A_175 = arith.andi %ne3A_171, %ne3A_174 : i1
      %sub3A_176 = arith.constant 1 : i32
      %sub3A_177 = arith.subi %div3A_156, %sub3A_176 : i32
      %select_n3A_178 = arith.select %and3A_175, %sub3A_177, %div3A_156 : i32
      %mul3A_179 = arith.constant 256 : i32
      %mul3A_180 = arith.muli %select_n3A_178, %mul3A_179 : i32
      %add3A_181 = arith.addi %add3A_137, %mul3A_180 : i32
      %ge3A_182 = vector.broadcast %add3A_181 : i32 to vector<1x40xi32>
      %ge3A_183 = arith.cmpi sge, %mul3A_98, %ge3A_182 : vector<1x40xi32>
      %convert_element_type3A_184 = arith.extui %ge3A_183 : vector<1x40xi1> to vector<1x40xi32>
      %add3A_185 = arith.addi %add3A_140, %convert_element_type3A_184 : vector<1x40xi32>
      %slice3A_186 = vector.extract_strided_slice %convert_element_type3A_91 {offsets = [0, 2], sizes = [1, 1], strides = [1, 1]} : vector<1x8xi32> to vector<1x1xi32>
      %squeeze3A_187 = vector.extract %slice3A_186[0, 0] : i32 from vector<1x1xi32>
      %eq3A_188 = arith.constant 2 : i32
      %eq3A_189 = vector.broadcast %eq3A_188 : i32 to vector<8x16xi32>
      %eq3A_190 = arith.cmpi eq, %iota3A_92, %eq3A_189 : vector<8x16xi32>
      %jit3A_191 = arith.constant 0 : i32
      %broadcast_in_dim3A_192 = vector.broadcast %add3A_181 : i32 to vector<8x16xi32>
      %broadcast_in_dim3A_193 = vector.broadcast %jit3A_191 : i32 to vector<8x16xi32>
      %select_n3A_194 = arith.select %eq3A_190, %broadcast_in_dim3A_192, %broadcast_in_dim3A_193 : vector<8x16xi1>, vector<8x16xi32>
      %add3A_195 = arith.addi %add3A_150, %select_n3A_194 : vector<8x16xi32>
      %add3A_196 = arith.constant 256 : i32
      %add3A_197 = arith.addi %squeeze3A_187, %add3A_196 : i32
      %sub3A_198 = arith.constant 1 : i32
      %sub3A_199 = arith.subi %add3A_197, %sub3A_198 : i32
      %jit3A_200 = arith.constant 256 : i32
      %div3A_201 = arith.divsi %sub3A_199, %jit3A_200 : i32
      %sign3A_202 = arith.constant 0 : i32
      %sign3A_203 = arith.cmpi sgt, %sub3A_199, %sign3A_202 : i32
      %sign3A_204 = arith.extui %sign3A_203 : i1 to i32
      %sign3A_205 = arith.constant 0 : i32
      %sign3A_206 = arith.cmpi slt, %sub3A_199, %sign3A_205 : i32
      %sign3A_207 = arith.extui %sign3A_206 : i1 to i32
      %sign3A_208 = arith.subi %sign3A_204, %sign3A_207 : i32
      %sign3A_209 = arith.constant 0 : i32
      %sign3A_210 = arith.cmpi sgt, %jit3A_200, %sign3A_209 : i32
      %sign3A_211 = arith.extui %sign3A_210 : i1 to i32
      %sign3A_212 = arith.constant 0 : i32
      %sign3A_213 = arith.cmpi slt, %jit3A_200, %sign3A_212 : i32
      %sign3A_214 = arith.extui %sign3A_213 : i1 to i32
      %sign3A_215 = arith.subi %sign3A_211, %sign3A_214 : i32
      %ne3A_216 = arith.cmpi ne, %sign3A_208, %sign3A_215 : i32
      %rem3A_217 = arith.remsi %sub3A_199, %jit3A_200 : i32
      %ne3A_218 = arith.constant 0 : i32
      %ne3A_219 = arith.cmpi ne, %rem3A_217, %ne3A_218 : i32
      %and3A_220 = arith.andi %ne3A_216, %ne3A_219 : i1
      %sub3A_221 = arith.constant 1 : i32
      %sub3A_222 = arith.subi %div3A_201, %sub3A_221 : i32
      %select_n3A_223 = arith.select %and3A_220, %sub3A_222, %div3A_201 : i32
      %mul3A_224 = arith.constant 256 : i32
      %mul3A_225 = arith.muli %select_n3A_223, %mul3A_224 : i32
      %add3A_226 = arith.addi %add3A_181, %mul3A_225 : i32
      %ge3A_227 = vector.broadcast %add3A_226 : i32 to vector<1x40xi32>
      %ge3A_228 = arith.cmpi sge, %mul3A_98, %ge3A_227 : vector<1x40xi32>
      %convert_element_type3A_229 = arith.extui %ge3A_228 : vector<1x40xi1> to vector<1x40xi32>
      %add3A_230 = arith.addi %add3A_185, %convert_element_type3A_229 : vector<1x40xi32>
      %slice3A_231 = vector.extract_strided_slice %convert_element_type3A_91 {offsets = [0, 3], sizes = [1, 1], strides = [1, 1]} : vector<1x8xi32> to vector<1x1xi32>
      %squeeze3A_232 = vector.extract %slice3A_231[0, 0] : i32 from vector<1x1xi32>
      %eq3A_233 = arith.constant 3 : i32
      %eq3A_234 = vector.broadcast %eq3A_233 : i32 to vector<8x16xi32>
      %eq3A_235 = arith.cmpi eq, %iota3A_92, %eq3A_234 : vector<8x16xi32>
      %jit3A_236 = arith.constant 0 : i32
      %broadcast_in_dim3A_237 = vector.broadcast %add3A_226 : i32 to vector<8x16xi32>
      %broadcast_in_dim3A_238 = vector.broadcast %jit3A_236 : i32 to vector<8x16xi32>
      %select_n3A_239 = arith.select %eq3A_235, %broadcast_in_dim3A_237, %broadcast_in_dim3A_238 : vector<8x16xi1>, vector<8x16xi32>
      %add3A_240 = arith.addi %add3A_195, %select_n3A_239 : vector<8x16xi32>
      %add3A_241 = arith.constant 256 : i32
      %add3A_242 = arith.addi %squeeze3A_232, %add3A_241 : i32
      %sub3A_243 = arith.constant 1 : i32
      %sub3A_244 = arith.subi %add3A_242, %sub3A_243 : i32
      %jit3A_245 = arith.constant 256 : i32
      %div3A_246 = arith.divsi %sub3A_244, %jit3A_245 : i32
      %sign3A_247 = arith.constant 0 : i32
      %sign3A_248 = arith.cmpi sgt, %sub3A_244, %sign3A_247 : i32
      %sign3A_249 = arith.extui %sign3A_248 : i1 to i32
      %sign3A_250 = arith.constant 0 : i32
      %sign3A_251 = arith.cmpi slt, %sub3A_244, %sign3A_250 : i32
      %sign3A_252 = arith.extui %sign3A_251 : i1 to i32
      %sign3A_253 = arith.subi %sign3A_249, %sign3A_252 : i32
      %sign3A_254 = arith.constant 0 : i32
      %sign3A_255 = arith.cmpi sgt, %jit3A_245, %sign3A_254 : i32
      %sign3A_256 = arith.extui %sign3A_255 : i1 to i32
      %sign3A_257 = arith.constant 0 : i32
      %sign3A_258 = arith.cmpi slt, %jit3A_245, %sign3A_257 : i32
      %sign3A_259 = arith.extui %sign3A_258 : i1 to i32
      %sign3A_260 = arith.subi %sign3A_256, %sign3A_259 : i32
      %ne3A_261 = arith.cmpi ne, %sign3A_253, %sign3A_260 : i32
      %rem3A_262 = arith.remsi %sub3A_244, %jit3A_245 : i32
      %ne3A_263 = arith.constant 0 : i32
      %ne3A_264 = arith.cmpi ne, %rem3A_262, %ne3A_263 : i32
      %and3A_265 = arith.andi %ne3A_261, %ne3A_264 : i1
      %sub3A_266 = arith.constant 1 : i32
      %sub3A_267 = arith.subi %div3A_246, %sub3A_266 : i32
      %select_n3A_268 = arith.select %and3A_265, %sub3A_267, %div3A_246 : i32
      %mul3A_269 = arith.constant 256 : i32
      %mul3A_270 = arith.muli %select_n3A_268, %mul3A_269 : i32
      %add3A_271 = arith.addi %add3A_226, %mul3A_270 : i32
      %ge3A_272 = vector.broadcast %add3A_271 : i32 to vector<1x40xi32>
      %ge3A_273 = arith.cmpi sge, %mul3A_98, %ge3A_272 : vector<1x40xi32>
      %convert_element_type3A_274 = arith.extui %ge3A_273 : vector<1x40xi1> to vector<1x40xi32>
      %add3A_275 = arith.addi %add3A_230, %convert_element_type3A_274 : vector<1x40xi32>
      %slice3A_276 = vector.extract_strided_slice %convert_element_type3A_91 {offsets = [0, 4], sizes = [1, 1], strides = [1, 1]} : vector<1x8xi32> to vector<1x1xi32>
      %squeeze3A_277 = vector.extract %slice3A_276[0, 0] : i32 from vector<1x1xi32>
      %eq3A_278 = arith.constant 4 : i32
      %eq3A_279 = vector.broadcast %eq3A_278 : i32 to vector<8x16xi32>
      %eq3A_280 = arith.cmpi eq, %iota3A_92, %eq3A_279 : vector<8x16xi32>
      %jit3A_281 = arith.constant 0 : i32
      %broadcast_in_dim3A_282 = vector.broadcast %add3A_271 : i32 to vector<8x16xi32>
      %broadcast_in_dim3A_283 = vector.broadcast %jit3A_281 : i32 to vector<8x16xi32>
      %select_n3A_284 = arith.select %eq3A_280, %broadcast_in_dim3A_282, %broadcast_in_dim3A_283 : vector<8x16xi1>, vector<8x16xi32>
      %add3A_285 = arith.addi %add3A_240, %select_n3A_284 : vector<8x16xi32>
      %add3A_286 = arith.constant 256 : i32
      %add3A_287 = arith.addi %squeeze3A_277, %add3A_286 : i32
      %sub3A_288 = arith.constant 1 : i32
      %sub3A_289 = arith.subi %add3A_287, %sub3A_288 : i32
      %jit3A_290 = arith.constant 256 : i32
      %div3A_291 = arith.divsi %sub3A_289, %jit3A_290 : i32
      %sign3A_292 = arith.constant 0 : i32
      %sign3A_293 = arith.cmpi sgt, %sub3A_289, %sign3A_292 : i32
      %sign3A_294 = arith.extui %sign3A_293 : i1 to i32
      %sign3A_295 = arith.constant 0 : i32
      %sign3A_296 = arith.cmpi slt, %sub3A_289, %sign3A_295 : i32
      %sign3A_297 = arith.extui %sign3A_296 : i1 to i32
      %sign3A_298 = arith.subi %sign3A_294, %sign3A_297 : i32
      %sign3A_299 = arith.constant 0 : i32
      %sign3A_300 = arith.cmpi sgt, %jit3A_290, %sign3A_299 : i32
      %sign3A_301 = arith.extui %sign3A_300 : i1 to i32
      %sign3A_302 = arith.constant 0 : i32
      %sign3A_303 = arith.cmpi slt, %jit3A_290, %sign3A_302 : i32
      %sign3A_304 = arith.extui %sign3A_303 : i1 to i32
      %sign3A_305 = arith.subi %sign3A_301, %sign3A_304 : i32
      %ne3A_306 = arith.cmpi ne, %sign3A_298, %sign3A_305 : i32
      %rem3A_307 = arith.remsi %sub3A_289, %jit3A_290 : i32
      %ne3A_308 = arith.constant 0 : i32
      %ne3A_309 = arith.cmpi ne, %rem3A_307, %ne3A_308 : i32
      %and3A_310 = arith.andi %ne3A_306, %ne3A_309 : i1
      %sub3A_311 = arith.constant 1 : i32
      %sub3A_312 = arith.subi %div3A_291, %sub3A_311 : i32
      %select_n3A_313 = arith.select %and3A_310, %sub3A_312, %div3A_291 : i32
      %mul3A_314 = arith.constant 256 : i32
      %mul3A_315 = arith.muli %select_n3A_313, %mul3A_314 : i32
      %add3A_316 = arith.addi %add3A_271, %mul3A_315 : i32
      %ge3A_317 = vector.broadcast %add3A_316 : i32 to vector<1x40xi32>
      %ge3A_318 = arith.cmpi sge, %mul3A_98, %ge3A_317 : vector<1x40xi32>
      %convert_element_type3A_319 = arith.extui %ge3A_318 : vector<1x40xi1> to vector<1x40xi32>
      %add3A_320 = arith.addi %add3A_275, %convert_element_type3A_319 : vector<1x40xi32>
      %slice3A_321 = vector.extract_strided_slice %convert_element_type3A_91 {offsets = [0, 5], sizes = [1, 1], strides = [1, 1]} : vector<1x8xi32> to vector<1x1xi32>
      %squeeze3A_322 = vector.extract %slice3A_321[0, 0] : i32 from vector<1x1xi32>
      %eq3A_323 = arith.constant 5 : i32
      %eq3A_324 = vector.broadcast %eq3A_323 : i32 to vector<8x16xi32>
      %eq3A_325 = arith.cmpi eq, %iota3A_92, %eq3A_324 : vector<8x16xi32>
      %jit3A_326 = arith.constant 0 : i32
      %broadcast_in_dim3A_327 = vector.broadcast %add3A_316 : i32 to vector<8x16xi32>
      %broadcast_in_dim3A_328 = vector.broadcast %jit3A_326 : i32 to vector<8x16xi32>
      %select_n3A_329 = arith.select %eq3A_325, %broadcast_in_dim3A_327, %broadcast_in_dim3A_328 : vector<8x16xi1>, vector<8x16xi32>
      %add3A_330 = arith.addi %add3A_285, %select_n3A_329 : vector<8x16xi32>
      %add3A_331 = arith.constant 256 : i32
      %add3A_332 = arith.addi %squeeze3A_322, %add3A_331 : i32
      %sub3A_333 = arith.constant 1 : i32
      %sub3A_334 = arith.subi %add3A_332, %sub3A_333 : i32
      %jit3A_335 = arith.constant 256 : i32
      %div3A_336 = arith.divsi %sub3A_334, %jit3A_335 : i32
      %sign3A_337 = arith.constant 0 : i32
      %sign3A_338 = arith.cmpi sgt, %sub3A_334, %sign3A_337 : i32
      %sign3A_339 = arith.extui %sign3A_338 : i1 to i32
      %sign3A_340 = arith.constant 0 : i32
      %sign3A_341 = arith.cmpi slt, %sub3A_334, %sign3A_340 : i32
      %sign3A_342 = arith.extui %sign3A_341 : i1 to i32
      %sign3A_343 = arith.subi %sign3A_339, %sign3A_342 : i32
      %sign3A_344 = arith.constant 0 : i32
      %sign3A_345 = arith.cmpi sgt, %jit3A_335, %sign3A_344 : i32
      %sign3A_346 = arith.extui %sign3A_345 : i1 to i32
      %sign3A_347 = arith.constant 0 : i32
      %sign3A_348 = arith.cmpi slt, %jit3A_335, %sign3A_347 : i32
      %sign3A_349 = arith.extui %sign3A_348 : i1 to i32
      %sign3A_350 = arith.subi %sign3A_346, %sign3A_349 : i32
      %ne3A_351 = arith.cmpi ne, %sign3A_343, %sign3A_350 : i32
      %rem3A_352 = arith.remsi %sub3A_334, %jit3A_335 : i32
      %ne3A_353 = arith.constant 0 : i32
      %ne3A_354 = arith.cmpi ne, %rem3A_352, %ne3A_353 : i32
      %and3A_355 = arith.andi %ne3A_351, %ne3A_354 : i1
      %sub3A_356 = arith.constant 1 : i32
      %sub3A_357 = arith.subi %div3A_336, %sub3A_356 : i32
      %select_n3A_358 = arith.select %and3A_355, %sub3A_357, %div3A_336 : i32
      %mul3A_359 = arith.constant 256 : i32
      %mul3A_360 = arith.muli %select_n3A_358, %mul3A_359 : i32
      %add3A_361 = arith.addi %add3A_316, %mul3A_360 : i32
      %ge3A_362 = vector.broadcast %add3A_361 : i32 to vector<1x40xi32>
      %ge3A_363 = arith.cmpi sge, %mul3A_98, %ge3A_362 : vector<1x40xi32>
      %convert_element_type3A_364 = arith.extui %ge3A_363 : vector<1x40xi1> to vector<1x40xi32>
      %add3A_365 = arith.addi %add3A_320, %convert_element_type3A_364 : vector<1x40xi32>
      %slice3A_366 = vector.extract_strided_slice %convert_element_type3A_91 {offsets = [0, 6], sizes = [1, 1], strides = [1, 1]} : vector<1x8xi32> to vector<1x1xi32>
      %squeeze3A_367 = vector.extract %slice3A_366[0, 0] : i32 from vector<1x1xi32>
      %eq3A_368 = arith.constant 6 : i32
      %eq3A_369 = vector.broadcast %eq3A_368 : i32 to vector<8x16xi32>
      %eq3A_370 = arith.cmpi eq, %iota3A_92, %eq3A_369 : vector<8x16xi32>
      %jit3A_371 = arith.constant 0 : i32
      %broadcast_in_dim3A_372 = vector.broadcast %add3A_361 : i32 to vector<8x16xi32>
      %broadcast_in_dim3A_373 = vector.broadcast %jit3A_371 : i32 to vector<8x16xi32>
      %select_n3A_374 = arith.select %eq3A_370, %broadcast_in_dim3A_372, %broadcast_in_dim3A_373 : vector<8x16xi1>, vector<8x16xi32>
      %add3A_375 = arith.addi %add3A_330, %select_n3A_374 : vector<8x16xi32>
      %add3A_376 = arith.constant 256 : i32
      %add3A_377 = arith.addi %squeeze3A_367, %add3A_376 : i32
      %sub3A_378 = arith.constant 1 : i32
      %sub3A_379 = arith.subi %add3A_377, %sub3A_378 : i32
      %jit3A_380 = arith.constant 256 : i32
      %div3A_381 = arith.divsi %sub3A_379, %jit3A_380 : i32
      %sign3A_382 = arith.constant 0 : i32
      %sign3A_383 = arith.cmpi sgt, %sub3A_379, %sign3A_382 : i32
      %sign3A_384 = arith.extui %sign3A_383 : i1 to i32
      %sign3A_385 = arith.constant 0 : i32
      %sign3A_386 = arith.cmpi slt, %sub3A_379, %sign3A_385 : i32
      %sign3A_387 = arith.extui %sign3A_386 : i1 to i32
      %sign3A_388 = arith.subi %sign3A_384, %sign3A_387 : i32
      %sign3A_389 = arith.constant 0 : i32
      %sign3A_390 = arith.cmpi sgt, %jit3A_380, %sign3A_389 : i32
      %sign3A_391 = arith.extui %sign3A_390 : i1 to i32
      %sign3A_392 = arith.constant 0 : i32
      %sign3A_393 = arith.cmpi slt, %jit3A_380, %sign3A_392 : i32
      %sign3A_394 = arith.extui %sign3A_393 : i1 to i32
      %sign3A_395 = arith.subi %sign3A_391, %sign3A_394 : i32
      %ne3A_396 = arith.cmpi ne, %sign3A_388, %sign3A_395 : i32
      %rem3A_397 = arith.remsi %sub3A_379, %jit3A_380 : i32
      %ne3A_398 = arith.constant 0 : i32
      %ne3A_399 = arith.cmpi ne, %rem3A_397, %ne3A_398 : i32
      %and3A_400 = arith.andi %ne3A_396, %ne3A_399 : i1
      %sub3A_401 = arith.constant 1 : i32
      %sub3A_402 = arith.subi %div3A_381, %sub3A_401 : i32
      %select_n3A_403 = arith.select %and3A_400, %sub3A_402, %div3A_381 : i32
      %mul3A_404 = arith.constant 256 : i32
      %mul3A_405 = arith.muli %select_n3A_403, %mul3A_404 : i32
      %add3A_406 = arith.addi %add3A_361, %mul3A_405 : i32
      %ge3A_407 = vector.broadcast %add3A_406 : i32 to vector<1x40xi32>
      %ge3A_408 = arith.cmpi sge, %mul3A_98, %ge3A_407 : vector<1x40xi32>
      %convert_element_type3A_409 = arith.extui %ge3A_408 : vector<1x40xi1> to vector<1x40xi32>
      %add3A_410 = arith.addi %add3A_365, %convert_element_type3A_409 : vector<1x40xi32>
      %slice3A_411 = vector.extract_strided_slice %convert_element_type3A_91 {offsets = [0, 7], sizes = [1, 1], strides = [1, 1]} : vector<1x8xi32> to vector<1x1xi32>
      %squeeze3A_412 = vector.extract %slice3A_411[0, 0] : i32 from vector<1x1xi32>
      %eq3A_413 = arith.constant 7 : i32
      %eq3A_414 = vector.broadcast %eq3A_413 : i32 to vector<8x16xi32>
      %eq3A_415 = arith.cmpi eq, %iota3A_92, %eq3A_414 : vector<8x16xi32>
      %jit3A_416 = arith.constant 0 : i32
      %broadcast_in_dim3A_417 = vector.broadcast %add3A_406 : i32 to vector<8x16xi32>
      %broadcast_in_dim3A_418 = vector.broadcast %jit3A_416 : i32 to vector<8x16xi32>
      %select_n3A_419 = arith.select %eq3A_415, %broadcast_in_dim3A_417, %broadcast_in_dim3A_418 : vector<8x16xi1>, vector<8x16xi32>
      %add3A_420 = arith.addi %add3A_375, %select_n3A_419 : vector<8x16xi32>
      %add3A_421 = arith.constant 256 : i32
      %add3A_422 = arith.addi %squeeze3A_412, %add3A_421 : i32
      %sub3A_423 = arith.constant 1 : i32
      %sub3A_424 = arith.subi %add3A_422, %sub3A_423 : i32
      %jit3A_425 = arith.constant 256 : i32
      %div3A_426 = arith.divsi %sub3A_424, %jit3A_425 : i32
      %sign3A_427 = arith.constant 0 : i32
      %sign3A_428 = arith.cmpi sgt, %sub3A_424, %sign3A_427 : i32
      %sign3A_429 = arith.extui %sign3A_428 : i1 to i32
      %sign3A_430 = arith.constant 0 : i32
      %sign3A_431 = arith.cmpi slt, %sub3A_424, %sign3A_430 : i32
      %sign3A_432 = arith.extui %sign3A_431 : i1 to i32
      %sign3A_433 = arith.subi %sign3A_429, %sign3A_432 : i32
      %sign3A_434 = arith.constant 0 : i32
      %sign3A_435 = arith.cmpi sgt, %jit3A_425, %sign3A_434 : i32
      %sign3A_436 = arith.extui %sign3A_435 : i1 to i32
      %sign3A_437 = arith.constant 0 : i32
      %sign3A_438 = arith.cmpi slt, %jit3A_425, %sign3A_437 : i32
      %sign3A_439 = arith.extui %sign3A_438 : i1 to i32
      %sign3A_440 = arith.subi %sign3A_436, %sign3A_439 : i32
      %ne3A_441 = arith.cmpi ne, %sign3A_433, %sign3A_440 : i32
      %rem3A_442 = arith.remsi %sub3A_424, %jit3A_425 : i32
      %ne3A_443 = arith.constant 0 : i32
      %ne3A_444 = arith.cmpi ne, %rem3A_442, %ne3A_443 : i32
      %and3A_445 = arith.andi %ne3A_441, %ne3A_444 : i1
      %sub3A_446 = arith.constant 1 : i32
      %sub3A_447 = arith.subi %div3A_426, %sub3A_446 : i32
      %select_n3A_448 = arith.select %and3A_445, %sub3A_447, %div3A_426 : i32
      %mul3A_449 = arith.constant 256 : i32
      %mul3A_450 = arith.muli %select_n3A_448, %mul3A_449 : i32
      %add3A_451 = arith.addi %add3A_406, %mul3A_450 : i32
      %ge3A_452 = vector.broadcast %add3A_451 : i32 to vector<1x40xi32>
      %ge3A_453 = arith.cmpi sge, %mul3A_98, %ge3A_452 : vector<1x40xi32>
      %convert_element_type3A_454 = arith.extui %ge3A_453 : vector<1x40xi1> to vector<1x40xi32>
      %add3A_455 = arith.addi %add3A_410, %convert_element_type3A_454 : vector<1x40xi32>
      %swap3A_456 = arith.constant 0 : index
      %swap3A_457 = arith.constant 0 : index
      %swap3A_458 = vector.load %arg7[%swap3A_456, %swap3A_457] : memref<8x16xi32, #tpu.memory_space<vmem>>, vector<8x16xi32>
      tpu.vector_store %arg7[%swap3A_456, %swap3A_457], %add3A_420 {strides = array<i32>} : memref<8x16xi32, #tpu.memory_space<vmem>>, vector<8x16xi32>,
      %gt3A = arith.constant 0 : i32
      %gt3A_459 = arith.cmpi sgt, %mul3A_135, %gt3A : i32
      %jit3A_460 = arith.constant 0 : i32
      %jit3A_461 = arith.constant 0 : i32
      %select_n3A_462 = arith.select %gt3A_459, %jit3A_460, %jit3A_461 : i32
      %gt3A_463 = arith.constant 0 : i32
      %gt3A_464 = arith.cmpi sgt, %mul3A_180, %gt3A_463 : i32
      %jit3A_465 = arith.constant 1 : i32
      %select_n3A_466 = arith.select %gt3A_464, %jit3A_465, %select_n3A_462 : i32
      %gt3A_467 = arith.constant 0 : i32
      %gt3A_468 = arith.cmpi sgt, %mul3A_225, %gt3A_467 : i32
      %jit3A_469 = arith.constant 2 : i32
      %select_n3A_470 = arith.select %gt3A_468, %jit3A_469, %select_n3A_466 : i32
      %gt3A_471 = arith.constant 0 : i32
      %gt3A_472 = arith.cmpi sgt, %mul3A_270, %gt3A_471 : i32
      %jit3A_473 = arith.constant 3 : i32
      %select_n3A_474 = arith.select %gt3A_472, %jit3A_473, %select_n3A_470 : i32
      %gt3A_475 = arith.constant 0 : i32
      %gt3A_476 = arith.cmpi sgt, %mul3A_315, %gt3A_475 : i32
      %jit3A_477 = arith.constant 4 : i32
      %select_n3A_478 = arith.select %gt3A_476, %jit3A_477, %select_n3A_474 : i32
      %gt3A_479 = arith.constant 0 : i32
      %gt3A_480 = arith.cmpi sgt, %mul3A_360, %gt3A_479 : i32
      %jit3A_481 = arith.constant 5 : i32
      %select_n3A_482 = arith.select %gt3A_480, %jit3A_481, %select_n3A_478 : i32
      %gt3A_483 = arith.constant 0 : i32
      %gt3A_484 = arith.cmpi sgt, %mul3A_405, %gt3A_483 : i32
      %jit3A_485 = arith.constant 6 : i32
      %select_n3A_486 = arith.select %gt3A_484, %jit3A_485, %select_n3A_482 : i32
      %gt3A_487 = arith.constant 0 : i32
      %gt3A_488 = arith.cmpi sgt, %mul3A_450, %gt3A_487 : i32
      %jit3A_489 = arith.constant 7 : i32
      %select_n3A_490 = arith.select %gt3A_488, %jit3A_489, %select_n3A_486 : i32
      %min3A = vector.broadcast %select_n3A_490 : i32 to vector<1x40xi32>
      %min3A_491 = arith.minsi %add3A_455, %min3A : vector<1x40xi32>
      %lt3A_492 = vector.broadcast %add3A_451 : i32 to vector<1x40xi32>
      %lt3A_493 = arith.cmpi slt, %mul3A_98, %lt3A_492 : vector<1x40xi32>
      %convert_element_type3A_494 = arith.extui %lt3A_493 : vector<1x40xi1> to vector<1x40xi32>
      %jit3A_495 = arith.constant 0 : i32
      %jit3A_496 = arith.constant 2 : i32
      %eq3A_497 = arith.constant 0 : i32
      %eq3A_498 = arith.cmpi eq, %jit3A_496, %eq3A_497 : i32
      %jit3A_499 = arith.constant 1 : i32
      %select_n3A_500 = arith.select %eq3A_498, %jit3A_499, %jit3A_496 : i32
      %rem3A_501 = arith.remsi %jit3A_495, %select_n3A_500 : i32
      %ne3A_502 = arith.constant 0 : i32
      %ne3A_503 = arith.cmpi ne, %rem3A_501, %ne3A_502 : i32
      %lt3A_504 = arith.constant 0 : i32
      %lt3A_505 = arith.cmpi slt, %rem3A_501, %lt3A_504 : i32
      %lt3A_506 = arith.constant 0 : i32
      %lt3A_507 = arith.cmpi slt, %select_n3A_500, %lt3A_506 : i32
      %ne3A_508 = arith.xori %lt3A_505, %lt3A_507 : i1
      %and3A_509 = arith.andi %ne3A_508, %ne3A_503 : i1
      %add3A_510 = arith.addi %rem3A_501, %select_n3A_500 : i32
      %select_n3A_511 = arith.select %and3A_509, %add3A_510, %rem3A_501 : i32
      %gt3A_512 = arith.constant 0 : i32
      %gt3A_513 = arith.cmpi sgt, %mul3A_135, %gt3A_512 : i32
      %convert_element_type3A_514 = arith.extui %gt3A_513 : i1 to i32
      %add3A_515 = arith.constant 0 : i32
      %add3A_516 = arith.addi %add3A_515, %convert_element_type3A_514 : i32
      %jit3A_517 = arith.constant 2 : i32
      %eq3A_518 = arith.constant 0 : i32
      %eq3A_519 = arith.cmpi eq, %jit3A_517, %eq3A_518 : i32
      %jit3A_520 = arith.constant 1 : i32
      %select_n3A_521 = arith.select %eq3A_519, %jit3A_520, %jit3A_517 : i32
      %rem3A_522 = arith.remsi %add3A_516, %select_n3A_521 : i32
      %ne3A_523 = arith.constant 0 : i32
      %ne3A_524 = arith.cmpi ne, %rem3A_522, %ne3A_523 : i32
      %lt3A_525 = arith.constant 0 : i32
      %lt3A_526 = arith.cmpi slt, %rem3A_522, %lt3A_525 : i32
      %lt3A_527 = arith.constant 0 : i32
      %lt3A_528 = arith.cmpi slt, %select_n3A_521, %lt3A_527 : i32
      %ne3A_529 = arith.xori %lt3A_526, %lt3A_528 : i1
      %and3A_530 = arith.andi %ne3A_529, %ne3A_524 : i1
      %add3A_531 = arith.addi %rem3A_522, %select_n3A_521 : i32
      %select_n3A_532 = arith.select %and3A_530, %add3A_531, %rem3A_522 : i32
      %gt3A_533 = arith.constant 0 : i32
      %gt3A_534 = arith.cmpi sgt, %mul3A_180, %gt3A_533 : i32
      %convert_element_type3A_535 = arith.extui %gt3A_534 : i1 to i32
      %add3A_536 = arith.addi %add3A_516, %convert_element_type3A_535 : i32
      %jit3A_537 = arith.constant 2 : i32
      %eq3A_538 = arith.constant 0 : i32
      %eq3A_539 = arith.cmpi eq, %jit3A_537, %eq3A_538 : i32
      %jit3A_540 = arith.constant 1 : i32
      %select_n3A_541 = arith.select %eq3A_539, %jit3A_540, %jit3A_537 : i32
      %rem3A_542 = arith.remsi %add3A_536, %select_n3A_541 : i32
      %ne3A_543 = arith.constant 0 : i32
      %ne3A_544 = arith.cmpi ne, %rem3A_542, %ne3A_543 : i32
      %lt3A_545 = arith.constant 0 : i32
      %lt3A_546 = arith.cmpi slt, %rem3A_542, %lt3A_545 : i32
      %lt3A_547 = arith.constant 0 : i32
      %lt3A_548 = arith.cmpi slt, %select_n3A_541, %lt3A_547 : i32
      %ne3A_549 = arith.xori %lt3A_546, %lt3A_548 : i1
      %and3A_550 = arith.andi %ne3A_549, %ne3A_544 : i1
      %add3A_551 = arith.addi %rem3A_542, %select_n3A_541 : i32
      %select_n3A_552 = arith.select %and3A_550, %add3A_551, %rem3A_542 : i32
      %gt3A_553 = arith.constant 0 : i32
      %gt3A_554 = arith.cmpi sgt, %mul3A_225, %gt3A_553 : i32
      %convert_element_type3A_555 = arith.extui %gt3A_554 : i1 to i32
      %add3A_556 = arith.addi %add3A_536, %convert_element_type3A_555 : i32
      %jit3A_557 = arith.constant 2 : i32
      %eq3A_558 = arith.constant 0 : i32
      %eq3A_559 = arith.cmpi eq, %jit3A_557, %eq3A_558 : i32
      %jit3A_560 = arith.constant 1 : i32
      %select_n3A_561 = arith.select %eq3A_559, %jit3A_560, %jit3A_557 : i32
      %rem3A_562 = arith.remsi %add3A_556, %select_n3A_561 : i32
      %ne3A_563 = arith.constant 0 : i32
      %ne3A_564 = arith.cmpi ne, %rem3A_562, %ne3A_563 : i32
      %lt3A_565 = arith.constant 0 : i32
      %lt3A_566 = arith.cmpi slt, %rem3A_562, %lt3A_565 : i32
      %lt3A_567 = arith.constant 0 : i32
      %lt3A_568 = arith.cmpi slt, %select_n3A_561, %lt3A_567 : i32
      %ne3A_569 = arith.xori %lt3A_566, %lt3A_568 : i1
      %and3A_570 = arith.andi %ne3A_569, %ne3A_564 : i1
      %add3A_571 = arith.addi %rem3A_562, %select_n3A_561 : i32
      %select_n3A_572 = arith.select %and3A_570, %add3A_571, %rem3A_562 : i32
      %gt3A_573 = arith.constant 0 : i32
      %gt3A_574 = arith.cmpi sgt, %mul3A_270, %gt3A_573 : i32
      %convert_element_type3A_575 = arith.extui %gt3A_574 : i1 to i32
      %add3A_576 = arith.addi %add3A_556, %convert_element_type3A_575 : i32
      %jit3A_577 = arith.constant 2 : i32
      %eq3A_578 = arith.constant 0 : i32
      %eq3A_579 = arith.cmpi eq, %jit3A_577, %eq3A_578 : i32
      %jit3A_580 = arith.constant 1 : i32
      %select_n3A_581 = arith.select %eq3A_579, %jit3A_580, %jit3A_577 : i32
      %rem3A_582 = arith.remsi %add3A_576, %select_n3A_581 : i32
      %ne3A_583 = arith.constant 0 : i32
      %ne3A_584 = arith.cmpi ne, %rem3A_582, %ne3A_583 : i32
      %lt3A_585 = arith.constant 0 : i32
      %lt3A_586 = arith.cmpi slt, %rem3A_582, %lt3A_585 : i32
      %lt3A_587 = arith.constant 0 : i32
      %lt3A_588 = arith.cmpi slt, %select_n3A_581, %lt3A_587 : i32
      %ne3A_589 = arith.xori %lt3A_586, %lt3A_588 : i1
      %and3A_590 = arith.andi %ne3A_589, %ne3A_584 : i1
      %add3A_591 = arith.addi %rem3A_582, %select_n3A_581 : i32
      %select_n3A_592 = arith.select %and3A_590, %add3A_591, %rem3A_582 : i32
      %gt3A_593 = arith.constant 0 : i32
      %gt3A_594 = arith.cmpi sgt, %mul3A_315, %gt3A_593 : i32
      %convert_element_type3A_595 = arith.extui %gt3A_594 : i1 to i32
      %add3A_596 = arith.addi %add3A_576, %convert_element_type3A_595 : i32
      %jit3A_597 = arith.constant 2 : i32
      %eq3A_598 = arith.constant 0 : i32
      %eq3A_599 = arith.cmpi eq, %jit3A_597, %eq3A_598 : i32
      %jit3A_600 = arith.constant 1 : i32
      %select_n3A_601 = arith.select %eq3A_599, %jit3A_600, %jit3A_597 : i32
      %rem3A_602 = arith.remsi %add3A_596, %select_n3A_601 : i32
      %ne3A_603 = arith.constant 0 : i32
      %ne3A_604 = arith.cmpi ne, %rem3A_602, %ne3A_603 : i32
      %lt3A_605 = arith.constant 0 : i32
      %lt3A_606 = arith.cmpi slt, %rem3A_602, %lt3A_605 : i32
      %lt3A_607 = arith.constant 0 : i32
      %lt3A_608 = arith.cmpi slt, %select_n3A_601, %lt3A_607 : i32
      %ne3A_609 = arith.xori %lt3A_606, %lt3A_608 : i1
      %and3A_610 = arith.andi %ne3A_609, %ne3A_604 : i1
      %add3A_611 = arith.addi %rem3A_602, %select_n3A_601 : i32
      %select_n3A_612 = arith.select %and3A_610, %add3A_611, %rem3A_602 : i32
      %gt3A_613 = arith.constant 0 : i32
      %gt3A_614 = arith.cmpi sgt, %mul3A_360, %gt3A_613 : i32
      %convert_element_type3A_615 = arith.extui %gt3A_614 : i1 to i32
      %add3A_616 = arith.addi %add3A_596, %convert_element_type3A_615 : i32
      %jit3A_617 = arith.constant 2 : i32
      %eq3A_618 = arith.constant 0 : i32
      %eq3A_619 = arith.cmpi eq, %jit3A_617, %eq3A_618 : i32
      %jit3A_620 = arith.constant 1 : i32
      %select_n3A_621 = arith.select %eq3A_619, %jit3A_620, %jit3A_617 : i32
      %rem3A_622 = arith.remsi %add3A_616, %select_n3A_621 : i32
      %ne3A_623 = arith.constant 0 : i32
      %ne3A_624 = arith.cmpi ne, %rem3A_622, %ne3A_623 : i32
      %lt3A_625 = arith.constant 0 : i32
      %lt3A_626 = arith.cmpi slt, %rem3A_622, %lt3A_625 : i32
      %lt3A_627 = arith.constant 0 : i32
      %lt3A_628 = arith.cmpi slt, %select_n3A_621, %lt3A_627 : i32
      %ne3A_629 = arith.xori %lt3A_626, %lt3A_628 : i1
      %and3A_630 = arith.andi %ne3A_629, %ne3A_624 : i1
      %add3A_631 = arith.addi %rem3A_622, %select_n3A_621 : i32
      %select_n3A_632 = arith.select %and3A_630, %add3A_631, %rem3A_622 : i32
      %gt3A_633 = arith.constant 0 : i32
      %gt3A_634 = arith.cmpi sgt, %mul3A_405, %gt3A_633 : i32
      %convert_element_type3A_635 = arith.extui %gt3A_634 : i1 to i32
      %add3A_636 = arith.addi %add3A_616, %convert_element_type3A_635 : i32
      %jit3A_637 = arith.constant 2 : i32
      %eq3A_638 = arith.constant 0 : i32
      %eq3A_639 = arith.cmpi eq, %jit3A_637, %eq3A_638 : i32
      %jit3A_640 = arith.constant 1 : i32
      %select_n3A_641 = arith.select %eq3A_639, %jit3A_640, %jit3A_637 : i32
      %rem3A_642 = arith.remsi %add3A_636, %select_n3A_641 : i32
      %ne3A_643 = arith.constant 0 : i32
      %ne3A_644 = arith.cmpi ne, %rem3A_642, %ne3A_643 : i32
      %lt3A_645 = arith.constant 0 : i32
      %lt3A_646 = arith.cmpi slt, %rem3A_642, %lt3A_645 : i32
      %lt3A_647 = arith.constant 0 : i32
      %lt3A_648 = arith.cmpi slt, %select_n3A_641, %lt3A_647 : i32
      %ne3A_649 = arith.xori %lt3A_646, %lt3A_648 : i1
      %and3A_650 = arith.andi %ne3A_649, %ne3A_644 : i1
      %add3A_651 = arith.addi %rem3A_642, %select_n3A_641 : i32
      %select_n3A_652 = arith.select %and3A_650, %add3A_651, %rem3A_642 : i32
      %gt3A_653 = arith.constant 0 : i32
      %gt3A_654 = arith.cmpi sgt, %mul3A_450, %gt3A_653 : i32
      %jit3A_655 = arith.constant 7 : i32
      %jit3A_656 = arith.constant -1 : i32
      %select_n3A_657 = arith.select %gt3A_654, %jit3A_655, %jit3A_656 : i32
      %gt3A_658 = arith.constant 0 : i32
      %gt3A_659 = arith.cmpi sgt, %mul3A_405, %gt3A_658 : i32
      %jit3A_660 = arith.constant 6 : i32
      %select_n3A_661 = arith.select %gt3A_659, %jit3A_660, %select_n3A_657 : i32
      %gt3A_662 = arith.constant 0 : i32
      %gt3A_663 = arith.cmpi sgt, %mul3A_360, %gt3A_662 : i32
      %jit3A_664 = arith.constant 5 : i32
      %select_n3A_665 = arith.select %gt3A_663, %jit3A_664, %select_n3A_661 : i32
      %gt3A_666 = arith.constant 0 : i32
      %gt3A_667 = arith.cmpi sgt, %mul3A_315, %gt3A_666 : i32
      %jit3A_668 = arith.constant 4 : i32
      %select_n3A_669 = arith.select %gt3A_667, %jit3A_668, %select_n3A_665 : i32
      %gt3A_670 = arith.constant 0 : i32
      %gt3A_671 = arith.cmpi sgt, %mul3A_270, %gt3A_670 : i32
      %jit3A_672 = arith.constant 3 : i32
      %select_n3A_673 = arith.select %gt3A_671, %jit3A_672, %select_n3A_669 : i32
      %gt3A_674 = arith.constant 0 : i32
      %gt3A_675 = arith.cmpi sgt, %mul3A_225, %gt3A_674 : i32
      %jit3A_676 = arith.constant 2 : i32
      %select_n3A_677 = arith.select %gt3A_675, %jit3A_676, %select_n3A_673 : i32
      %gt3A_678 = arith.constant 0 : i32
      %gt3A_679 = arith.cmpi sgt, %mul3A_180, %gt3A_678 : i32
      %jit3A_680 = arith.constant 1 : i32
      %select_n3A_681 = arith.select %gt3A_679, %jit3A_680, %select_n3A_677 : i32
      %broadcast_in_dim3A_682 = arith.constant 0 : i32
      %broadcast_in_dim3A_683 = vector.broadcast %broadcast_in_dim3A_682 : i32 to vector<1x40xi32>
      %broadcast_in_dim3A_684 = arith.constant 0 : i32
      %broadcast_in_dim3A_685 = vector.broadcast %broadcast_in_dim3A_684 : i32 to vector<1x40xi32>
      %eq3A_686 = arith.constant 0 : i32
      %eq3A_687 = vector.broadcast %eq3A_686 : i32 to vector<1x40xi32>
      %eq3A_688 = arith.cmpi eq, %min3A_491, %eq3A_687 : vector<1x40xi32>
      %broadcast_in_dim3A_689 = vector.broadcast %select_n3A_511 : i32 to vector<1x40xi32>
      %select_n3A_690 = arith.select %eq3A_688, %broadcast_in_dim3A_689, %broadcast_in_dim3A_683 : vector<1x40xi1>, vector<1x40xi32>
      %eq3A_691 = arith.constant 0 : i32
      %eq3A_692 = vector.broadcast %eq3A_691 : i32 to vector<1x40xi32>
      %eq3A_693 = arith.cmpi eq, %min3A_491, %eq3A_692 : vector<1x40xi32>
      %broadcast_in_dim3A_694 = vector.broadcast %select_n3A_681 : i32 to vector<1x40xi32>
      %select_n3A_695 = arith.select %eq3A_693, %broadcast_in_dim3A_694, %broadcast_in_dim3A_685 : vector<1x40xi1>, vector<1x40xi32>
      %eq3A_696 = arith.constant 1 : i32
      %eq3A_697 = vector.broadcast %eq3A_696 : i32 to vector<1x40xi32>
      %eq3A_698 = arith.cmpi eq, %min3A_491, %eq3A_697 : vector<1x40xi32>
      %broadcast_in_dim3A_699 = vector.broadcast %select_n3A_532 : i32 to vector<1x40xi32>
      %select_n3A_700 = arith.select %eq3A_698, %broadcast_in_dim3A_699, %select_n3A_690 : vector<1x40xi1>, vector<1x40xi32>
      %eq3A_701 = arith.constant 1 : i32
      %eq3A_702 = vector.broadcast %eq3A_701 : i32 to vector<1x40xi32>
      %eq3A_703 = arith.cmpi eq, %min3A_491, %eq3A_702 : vector<1x40xi32>
      %broadcast_in_dim3A_704 = vector.broadcast %select_n3A_677 : i32 to vector<1x40xi32>
      %select_n3A_705 = arith.select %eq3A_703, %broadcast_in_dim3A_704, %select_n3A_695 : vector<1x40xi1>, vector<1x40xi32>
      %eq3A_706 = arith.constant 2 : i32
      %eq3A_707 = vector.broadcast %eq3A_706 : i32 to vector<1x40xi32>
      %eq3A_708 = arith.cmpi eq, %min3A_491, %eq3A_707 : vector<1x40xi32>
      %broadcast_in_dim3A_709 = vector.broadcast %select_n3A_552 : i32 to vector<1x40xi32>
      %select_n3A_710 = arith.select %eq3A_708, %broadcast_in_dim3A_709, %select_n3A_700 : vector<1x40xi1>, vector<1x40xi32>
      %eq3A_711 = arith.constant 2 : i32
      %eq3A_712 = vector.broadcast %eq3A_711 : i32 to vector<1x40xi32>
      %eq3A_713 = arith.cmpi eq, %min3A_491, %eq3A_712 : vector<1x40xi32>
      %broadcast_in_dim3A_714 = vector.broadcast %select_n3A_673 : i32 to vector<1x40xi32>
      %select_n3A_715 = arith.select %eq3A_713, %broadcast_in_dim3A_714, %select_n3A_705 : vector<1x40xi1>, vector<1x40xi32>
      %eq3A_716 = arith.constant 3 : i32
      %eq3A_717 = vector.broadcast %eq3A_716 : i32 to vector<1x40xi32>
      %eq3A_718 = arith.cmpi eq, %min3A_491, %eq3A_717 : vector<1x40xi32>
      %broadcast_in_dim3A_719 = vector.broadcast %select_n3A_572 : i32 to vector<1x40xi32>
      %select_n3A_720 = arith.select %eq3A_718, %broadcast_in_dim3A_719, %select_n3A_710 : vector<1x40xi1>, vector<1x40xi32>
      %eq3A_721 = arith.constant 3 : i32
      %eq3A_722 = vector.broadcast %eq3A_721 : i32 to vector<1x40xi32>
      %eq3A_723 = arith.cmpi eq, %min3A_491, %eq3A_722 : vector<1x40xi32>
      %broadcast_in_dim3A_724 = vector.broadcast %select_n3A_669 : i32 to vector<1x40xi32>
      %select_n3A_725 = arith.select %eq3A_723, %broadcast_in_dim3A_724, %select_n3A_715 : vector<1x40xi1>, vector<1x40xi32>
      %eq3A_726 = arith.constant 4 : i32
      %eq3A_727 = vector.broadcast %eq3A_726 : i32 to vector<1x40xi32>
      %eq3A_728 = arith.cmpi eq, %min3A_491, %eq3A_727 : vector<1x40xi32>
      %broadcast_in_dim3A_729 = vector.broadcast %select_n3A_592 : i32 to vector<1x40xi32>
      %select_n3A_730 = arith.select %eq3A_728, %broadcast_in_dim3A_729, %select_n3A_720 : vector<1x40xi1>, vector<1x40xi32>
      %eq3A_731 = arith.constant 4 : i32
      %eq3A_732 = vector.broadcast %eq3A_731 : i32 to vector<1x40xi32>
      %eq3A_733 = arith.cmpi eq, %min3A_491, %eq3A_732 : vector<1x40xi32>
      %broadcast_in_dim3A_734 = vector.broadcast %select_n3A_665 : i32 to vector<1x40xi32>
      %select_n3A_735 = arith.select %eq3A_733, %broadcast_in_dim3A_734, %select_n3A_725 : vector<1x40xi1>, vector<1x40xi32>
      %eq3A_736 = arith.constant 5 : i32
      %eq3A_737 = vector.broadcast %eq3A_736 : i32 to vector<1x40xi32>
      %eq3A_738 = arith.cmpi eq, %min3A_491, %eq3A_737 : vector<1x40xi32>
      %broadcast_in_dim3A_739 = vector.broadcast %select_n3A_612 : i32 to vector<1x40xi32>
      %select_n3A_740 = arith.select %eq3A_738, %broadcast_in_dim3A_739, %select_n3A_730 : vector<1x40xi1>, vector<1x40xi32>
      %eq3A_741 = arith.constant 5 : i32
      %eq3A_742 = vector.broadcast %eq3A_741 : i32 to vector<1x40xi32>
      %eq3A_743 = arith.cmpi eq, %min3A_491, %eq3A_742 : vector<1x40xi32>
      %broadcast_in_dim3A_744 = vector.broadcast %select_n3A_661 : i32 to vector<1x40xi32>
      %select_n3A_745 = arith.select %eq3A_743, %broadcast_in_dim3A_744, %select_n3A_735 : vector<1x40xi1>, vector<1x40xi32>
      %eq3A_746 = arith.constant 6 : i32
      %eq3A_747 = vector.broadcast %eq3A_746 : i32 to vector<1x40xi32>
      %eq3A_748 = arith.cmpi eq, %min3A_491, %eq3A_747 : vector<1x40xi32>
      %broadcast_in_dim3A_749 = vector.broadcast %select_n3A_632 : i32 to vector<1x40xi32>
      %select_n3A_750 = arith.select %eq3A_748, %broadcast_in_dim3A_749, %select_n3A_740 : vector<1x40xi1>, vector<1x40xi32>
      %eq3A_751 = arith.constant 6 : i32
      %eq3A_752 = vector.broadcast %eq3A_751 : i32 to vector<1x40xi32>
      %eq3A_753 = arith.cmpi eq, %min3A_491, %eq3A_752 : vector<1x40xi32>
      %broadcast_in_dim3A_754 = vector.broadcast %select_n3A_657 : i32 to vector<1x40xi32>
      %select_n3A_755 = arith.select %eq3A_753, %broadcast_in_dim3A_754, %select_n3A_745 : vector<1x40xi1>, vector<1x40xi32>
      %eq3A_756 = arith.constant 7 : i32
      %eq3A_757 = vector.broadcast %eq3A_756 : i32 to vector<1x40xi32>
      %eq3A_758 = arith.cmpi eq, %min3A_491, %eq3A_757 : vector<1x40xi32>
      %broadcast_in_dim3A_759 = vector.broadcast %select_n3A_652 : i32 to vector<1x40xi32>
      %select_n3A_760 = arith.select %eq3A_758, %broadcast_in_dim3A_759, %select_n3A_750 : vector<1x40xi1>, vector<1x40xi32>
      %eq3A_761 = arith.constant 7 : i32
      %eq3A_762 = vector.broadcast %eq3A_761 : i32 to vector<1x40xi32>
      %eq3A_763 = arith.cmpi eq, %min3A_491, %eq3A_762 : vector<1x40xi32>
      %jit3A_764 = arith.constant -1 : i32
      %broadcast_in_dim3A_765 = vector.broadcast %jit3A_764 : i32 to vector<1x40xi32>
      %select_n3A_766 = arith.select %eq3A_763, %broadcast_in_dim3A_765, %select_n3A_755 : vector<1x40xi1>, vector<1x40xi32>
      %concatenate3A = tpu.concatenate %min3A_491, %convert_element_type3A_494, %select_n3A_760, %select_n3A_766 in 1 : vector<1x40xi32>, vector<1x40xi32>, vector<1x40xi32>, vector<1x40xi32> -> vector<1x160xi32>
      %swap3A_767 = arith.constant 0 : index
      %swap3A_768 = arith.constant 0 : index
      %swap3A_769 = vector.load %arg8[%swap3A_767, %swap3A_768] : memref<1x160xi32, #tpu.memory_space<vmem>>, vector<1x160xi32>
      tpu.vector_store %arg8[%swap3A_767, %swap3A_768], %concatenate3A {strides = array<i32>} : memref<1x160xi32, #tpu.memory_space<vmem>>, vector<1x160xi32>,
    } else {
    }
    return
  }
  func.func @transform_0(%arg0: i32) -> (i32, i32) {
    %c0_i32 = arith.constant 0 : i32
    %c0_i32_0 = arith.constant 0 : i32
    return %arg0, %c0_i32 : i32, i32
  }
  func.func @transform_1(%arg0: i32) -> (i32, i32) {
    %c0_i32 = arith.constant 0 : i32
    %c0_i32_0 = arith.constant 0 : i32
    %c0_i32_1 = arith.constant 0 : i32
    return %c0_i32, %c0_i32_0 : i32, i32
  }
  func.func @transform_2(%arg0: i32) -> (i32, i32) {
    %c0_i32 = arith.constant 0 : i32
    %c0_i32_0 = arith.constant 0 : i32
    return %arg0, %c0_i32 : i32, i32
  }
  func.func @transform_3(%arg0: i32) -> (i32, i32) {
    %c0_i32 = arith.constant 0 : i32
    %c0_i32_0 = arith.constant 0 : i32
    return %arg0, %c0_i32 : i32, i32
  }
  func.func @transform_4(%arg0: i32) -> (i32, i32) {
    %c0_i32 = arith.constant 0 : i32
    %c0_i32_0 = arith.constant 0 : i32
    return %arg0, %c0_i32 : i32, i32
  }
  func.func @transform_5(%arg0: i32) -> (i32, i32) {
    %c0_i32 = arith.constant 0 : i32
    %c0_i32_0 = arith.constant 0 : i32
    return %arg0, %c0_i32 : i32, i32
  }
  func.func @transform_6(%arg0: i32) -> (i32, i32) {
    %c0_i32 = arith.constant 0 : i32
    %c0_i32_0 = arith.constant 0 : i32
    %c0_i32_1 = arith.constant 0 : i32
    return %c0_i32, %c0_i32_0 : i32, i32
  }
  func.func @transform_7(%arg0: i32) -> (i32, i32) {
    %c0_i32 = arith.constant 0 : i32
    %c0_i32_0 = arith.constant 0 : i32
    %c0_i32_1 = arith.constant 0 : i32
    return %c0_i32, %c0_i32_0 : i32, i32
  }
}

module attributes {stable_mosaic.version = 14 : i64} {
  func.func @_gemm_kernel(%arg0: i32, %arg1: memref<160xi32, #tpu.memory_space<smem>>, %arg2: memref<256x768xf32, #tpu.memory_space<vmem>>, %arg3: memref<1x1x3072xf32, #tpu.memory_space<vmem>>, %arg4: memref<1x1x768xf32, #tpu.memory_space<vmem>>, %arg5: memref<8x768x3072xf32, #tpu.memory_space<any>>, %arg6: memref<8x3072x768xf32, #tpu.memory_space<any>>, %arg7: memref<256x768xf32, #tpu.memory_space<vmem>>, %arg8: memref<2x768x3072xf32, #tpu.memory_space<vmem>>, %arg9: memref<2x3072x768xf32, #tpu.memory_space<vmem>>, %arg10: memref<2x!tpu.dma_semaphore, #tpu.memory_space<semaphore_mem>>, %arg11: memref<2x!tpu.dma_semaphore, #tpu.memory_space<semaphore_mem>>) attributes {dimension_semantics = [#tpu.dimension_semantics<arbitrary>], iteration_bounds = array<i64: 40>, scalar_prefetch = 1 : i64, scratch_operands = 4 : i64, tpu.core_type = #tpu.core_type<tc>, window_params = [{transform_indices = @transform_0, window_bounds = array<i64: 256, 768>}, {transform_indices = @transform_1, window_bounds = array<i64: 1, 1, 3072>}, {transform_indices = @transform_2, window_bounds = array<i64: 1, 1, 768>}, {}, {}, {transform_indices = @transform_5, window_bounds = array<i64: 256, 768>}]} {
    %get3A = arith.index_cast %arg0 : i32 to index
    %get3A_0 = memref.load %arg1[%get3A] : memref<160xi32, #tpu.memory_space<smem>>
    %add3A = arith.constant 40 : i32
    %add3A_1 = arith.addi %add3A, %arg0 : i32
    %get3A_2 = arith.index_cast %add3A_1 : i32 to index
    %get3A_3 = memref.load %arg1[%get3A_2] : memref<160xi32, #tpu.memory_space<smem>>
    %add3A_4 = arith.constant 80 : i32
    %add3A_5 = arith.addi %add3A_4, %arg0 : i32
    %get3A_6 = arith.index_cast %add3A_5 : i32 to index
    %get3A_7 = memref.load %arg1[%get3A_6] : memref<160xi32, #tpu.memory_space<smem>>
    %add3A_8 = arith.constant 120 : i32
    %add3A_9 = arith.addi %add3A_8, %arg0 : i32
    %get3A_10 = arith.index_cast %add3A_9 : i32 to index
    %get3A_11 = memref.load %arg1[%get3A_10] : memref<160xi32, #tpu.memory_space<smem>>
    %sub3A = arith.constant 1 : i32
    %sub3A_12 = arith.subi %arg0, %sub3A : i32
    %max3A = arith.constant 0 : i32
    %max3A_13 = arith.maxsi %sub3A_12, %max3A : i32
    %get3A_14 = arith.index_cast %max3A_13 : i32 to index
    %get3A_15 = memref.load %arg1[%get3A_14] : memref<160xi32, #tpu.memory_space<smem>>
    %eq3A = arith.constant 0 : i32
    %eq3A_16 = arith.cmpi eq, %arg0, %eq3A : i32
    %ne3A = arith.cmpi ne, %get3A_15, %get3A_0 : i32
    %or3A = arith.ori %eq3A_16, %ne3A : i1
    %eq3A_17 = arith.constant 0 : i32
    %eq3A_18 = arith.cmpi eq, %arg0, %eq3A_17 : i32
    %convert_element_type3A = arith.extui %eq3A_18 : i1 to i32
    %cond3A = arith.constant 0 : i32
    %cond3A_19 = arith.cmpi ne, %convert_element_type3A, %cond3A : i32
    scf.if %cond3A_19 {
      %dma_start3A = tpu.memref_slice %arg10[%get3A_7] : memref<2x!tpu.dma_semaphore, #tpu.memory_space<semaphore_mem>> -> memref<1x!tpu.dma_semaphore, #tpu.memory_space<semaphore_mem>>
      %dma_start3A_28 = tpu.memref_squeeze %dma_start3A : memref<1x!tpu.dma_semaphore, #tpu.memory_space<semaphore_mem>> -> memref<!tpu.dma_semaphore, #tpu.memory_space<semaphore_mem>>
      %dma_start3A_29 = arith.constant 0 : i32
      %dma_start3A_30 = arith.constant 0 : i32
      %dma_start3A_31 = tpu.memref_slice %arg8[%get3A_7, %dma_start3A_29, %dma_start3A_30] : memref<2x768x3072xf32, #tpu.memory_space<vmem>> -> memref<1x768x3072xf32, #tpu.memory_space<vmem>>
      %dma_start3A_32 = tpu.memref_squeeze %dma_start3A_31 : memref<1x768x3072xf32, #tpu.memory_space<vmem>> -> memref<768x3072xf32, #tpu.memory_space<vmem>>
      %dma_start3A_33 = arith.constant 0 : i32
      %dma_start3A_34 = arith.constant 0 : i32
      %dma_start3A_35 = tpu.memref_slice %arg5[%get3A_0, %dma_start3A_33, %dma_start3A_34] : memref<8x768x3072xf32, #tpu.memory_space<any>> -> memref<1x768x3072xf32, #tpu.memory_space<any>>
      %dma_start3A_36 = tpu.memref_squeeze %dma_start3A_35 : memref<1x768x3072xf32, #tpu.memory_space<any>> -> memref<768x3072xf32, #tpu.memory_space<any>>
      tpu.enqueue_dma source(%dma_start3A_36 : memref<768x3072xf32, #tpu.memory_space<any>>) target(%dma_start3A_32 : memref<768x3072xf32, #tpu.memory_space<vmem>>) target_semaphore(%dma_start3A_28 : memref<!tpu.dma_semaphore, #tpu.memory_space<semaphore_mem>>)
      %dma_start3A_37 = tpu.memref_slice %arg11[%get3A_7] : memref<2x!tpu.dma_semaphore, #tpu.memory_space<semaphore_mem>> -> memref<1x!tpu.dma_semaphore, #tpu.memory_space<semaphore_mem>>
      %dma_start3A_38 = tpu.memref_squeeze %dma_start3A_37 : memref<1x!tpu.dma_semaphore, #tpu.memory_space<semaphore_mem>> -> memref<!tpu.dma_semaphore, #tpu.memory_space<semaphore_mem>>
      %dma_start3A_39 = arith.constant 0 : i32
      %dma_start3A_40 = arith.constant 0 : i32
      %dma_start3A_41 = tpu.memref_slice %arg9[%get3A_7, %dma_start3A_39, %dma_start3A_40] : memref<2x3072x768xf32, #tpu.memory_space<vmem>> -> memref<1x3072x768xf32, #tpu.memory_space<vmem>>
      %dma_start3A_42 = tpu.memref_squeeze %dma_start3A_41 : memref<1x3072x768xf32, #tpu.memory_space<vmem>> -> memref<3072x768xf32, #tpu.memory_space<vmem>>
      %dma_start3A_43 = arith.constant 0 : i32
      %dma_start3A_44 = arith.constant 0 : i32
      %dma_start3A_45 = tpu.memref_slice %arg6[%get3A_0, %dma_start3A_43, %dma_start3A_44] : memref<8x3072x768xf32, #tpu.memory_space<any>> -> memref<1x3072x768xf32, #tpu.memory_space<any>>
      %dma_start3A_46 = tpu.memref_squeeze %dma_start3A_45 : memref<1x3072x768xf32, #tpu.memory_space<any>> -> memref<3072x768xf32, #tpu.memory_space<any>>
      tpu.enqueue_dma source(%dma_start3A_46 : memref<3072x768xf32, #tpu.memory_space<any>>) target(%dma_start3A_42 : memref<3072x768xf32, #tpu.memory_space<vmem>>) target_semaphore(%dma_start3A_38 : memref<!tpu.dma_semaphore, #tpu.memory_space<semaphore_mem>>)
    } else {
    }
    %convert_element_type3A_20 = arith.extui %or3A : i1 to i32
    %cond3A_21 = arith.constant 0 : i32
    %cond3A_22 = arith.cmpi ne, %convert_element_type3A_20, %cond3A_21 : i32
    scf.if %cond3A_22 {
      %ge3A = arith.constant 0 : i32
      %ge3A_28 = arith.cmpi sge, %get3A_11, %ge3A : i32
      %convert_element_type3A_29 = arith.extui %ge3A_28 : i1 to i32
      %cond3A_30 = arith.constant 0 : i32
      %cond3A_31 = arith.cmpi ne, %convert_element_type3A_29, %cond3A_30 : i32
      scf.if %cond3A_31 {
        %sub3A_51 = arith.constant 1 : i32
        %sub3A_52 = arith.subi %sub3A_51, %get3A_7 : i32
        %dma_start3A = tpu.memref_slice %arg10[%sub3A_52] : memref<2x!tpu.dma_semaphore, #tpu.memory_space<semaphore_mem>> -> memref<1x!tpu.dma_semaphore, #tpu.memory_space<semaphore_mem>>
        %dma_start3A_53 = tpu.memref_squeeze %dma_start3A : memref<1x!tpu.dma_semaphore, #tpu.memory_space<semaphore_mem>> -> memref<!tpu.dma_semaphore, #tpu.memory_space<semaphore_mem>>
        %dma_start3A_54 = arith.constant 0 : i32
        %dma_start3A_55 = arith.constant 0 : i32
        %dma_start3A_56 = tpu.memref_slice %arg8[%sub3A_52, %dma_start3A_54, %dma_start3A_55] : memref<2x768x3072xf32, #tpu.memory_space<vmem>> -> memref<1x768x3072xf32, #tpu.memory_space<vmem>>
        %dma_start3A_57 = tpu.memref_squeeze %dma_start3A_56 : memref<1x768x3072xf32, #tpu.memory_space<vmem>> -> memref<768x3072xf32, #tpu.memory_space<vmem>>
        %dma_start3A_58 = arith.constant 0 : i32
        %dma_start3A_59 = arith.constant 0 : i32
        %dma_start3A_60 = tpu.memref_slice %arg5[%get3A_11, %dma_start3A_58, %dma_start3A_59] : memref<8x768x3072xf32, #tpu.memory_space<any>> -> memref<1x768x3072xf32, #tpu.memory_space<any>>
        %dma_start3A_61 = tpu.memref_squeeze %dma_start3A_60 : memref<1x768x3072xf32, #tpu.memory_space<any>> -> memref<768x3072xf32, #tpu.memory_space<any>>
        tpu.enqueue_dma source(%dma_start3A_61 : memref<768x3072xf32, #tpu.memory_space<any>>) target(%dma_start3A_57 : memref<768x3072xf32, #tpu.memory_space<vmem>>) target_semaphore(%dma_start3A_53 : memref<!tpu.dma_semaphore, #tpu.memory_space<semaphore_mem>>)
        %dma_start3A_62 = tpu.memref_slice %arg11[%sub3A_52] : memref<2x!tpu.dma_semaphore, #tpu.memory_space<semaphore_mem>> -> memref<1x!tpu.dma_semaphore, #tpu.memory_space<semaphore_mem>>
        %dma_start3A_63 = tpu.memref_squeeze %dma_start3A_62 : memref<1x!tpu.dma_semaphore, #tpu.memory_space<semaphore_mem>> -> memref<!tpu.dma_semaphore, #tpu.memory_space<semaphore_mem>>
        %dma_start3A_64 = arith.constant 0 : i32
        %dma_start3A_65 = arith.constant 0 : i32
        %dma_start3A_66 = tpu.memref_slice %arg9[%sub3A_52, %dma_start3A_64, %dma_start3A_65] : memref<2x3072x768xf32, #tpu.memory_space<vmem>> -> memref<1x3072x768xf32, #tpu.memory_space<vmem>>
        %dma_start3A_67 = tpu.memref_squeeze %dma_start3A_66 : memref<1x3072x768xf32, #tpu.memory_space<vmem>> -> memref<3072x768xf32, #tpu.memory_space<vmem>>
        %dma_start3A_68 = arith.constant 0 : i32
        %dma_start3A_69 = arith.constant 0 : i32
        %dma_start3A_70 = tpu.memref_slice %arg6[%get3A_11, %dma_start3A_68, %dma_start3A_69] : memref<8x3072x768xf32, #tpu.memory_space<any>> -> memref<1x3072x768xf32, #tpu.memory_space<any>>
        %dma_start3A_71 = tpu.memref_squeeze %dma_start3A_70 : memref<1x3072x768xf32, #tpu.memory_space<any>> -> memref<3072x768xf32, #tpu.memory_space<any>>
        tpu.enqueue_dma source(%dma_start3A_71 : memref<3072x768xf32, #tpu.memory_space<any>>) target(%dma_start3A_67 : memref<3072x768xf32, #tpu.memory_space<vmem>>) target_semaphore(%dma_start3A_63 : memref<!tpu.dma_semaphore, #tpu.memory_space<semaphore_mem>>)
      } else {
      }
      %dma_wait3A = tpu.memref_slice %arg10[%get3A_7] : memref<2x!tpu.dma_semaphore, #tpu.memory_space<semaphore_mem>> -> memref<1x!tpu.dma_semaphore, #tpu.memory_space<semaphore_mem>>
      %dma_wait3A_32 = tpu.memref_squeeze %dma_wait3A : memref<1x!tpu.dma_semaphore, #tpu.memory_space<semaphore_mem>> -> memref<!tpu.dma_semaphore, #tpu.memory_space<semaphore_mem>>
      %dma_wait3A_33 = arith.constant 0 : i32
      %dma_wait3A_34 = arith.constant 0 : i32
      %dma_wait3A_35 = tpu.memref_slice %arg8[%get3A_7, %dma_wait3A_33, %dma_wait3A_34] : memref<2x768x3072xf32, #tpu.memory_space<vmem>> -> memref<1x768x3072xf32, #tpu.memory_space<vmem>>
      %dma_wait3A_36 = tpu.memref_squeeze %dma_wait3A_35 : memref<1x768x3072xf32, #tpu.memory_space<vmem>> -> memref<768x3072xf32, #tpu.memory_space<vmem>>
      %dma_wait3A_37 = arith.constant 0 : i32
      %dma_wait3A_38 = arith.constant 0 : i32
      %dma_wait3A_39 = tpu.memref_slice %arg5[%get3A_0, %dma_wait3A_37, %dma_wait3A_38] : memref<8x768x3072xf32, #tpu.memory_space<any>> -> memref<1x768x3072xf32, #tpu.memory_space<any>>
      %dma_wait3A_40 = tpu.memref_squeeze %dma_wait3A_39 : memref<1x768x3072xf32, #tpu.memory_space<any>> -> memref<768x3072xf32, #tpu.memory_space<any>>
      tpu.wait_dma2 semaphore(%dma_wait3A_32 : memref<!tpu.dma_semaphore, #tpu.memory_space<semaphore_mem>>) src(%dma_wait3A_40 : memref<768x3072xf32, #tpu.memory_space<any>>) dst(%dma_wait3A_36 : memref<768x3072xf32, #tpu.memory_space<vmem>>)
      %dma_wait3A_41 = tpu.memref_slice %arg11[%get3A_7] : memref<2x!tpu.dma_semaphore, #tpu.memory_space<semaphore_mem>> -> memref<1x!tpu.dma_semaphore, #tpu.memory_space<semaphore_mem>>
      %dma_wait3A_42 = tpu.memref_squeeze %dma_wait3A_41 : memref<1x!tpu.dma_semaphore, #tpu.memory_space<semaphore_mem>> -> memref<!tpu.dma_semaphore, #tpu.memory_space<semaphore_mem>>
      %dma_wait3A_43 = arith.constant 0 : i32
      %dma_wait3A_44 = arith.constant 0 : i32
      %dma_wait3A_45 = tpu.memref_slice %arg9[%get3A_7, %dma_wait3A_43, %dma_wait3A_44] : memref<2x3072x768xf32, #tpu.memory_space<vmem>> -> memref<1x3072x768xf32, #tpu.memory_space<vmem>>
      %dma_wait3A_46 = tpu.memref_squeeze %dma_wait3A_45 : memref<1x3072x768xf32, #tpu.memory_space<vmem>> -> memref<3072x768xf32, #tpu.memory_space<vmem>>
      %dma_wait3A_47 = arith.constant 0 : i32
      %dma_wait3A_48 = arith.constant 0 : i32
      %dma_wait3A_49 = tpu.memref_slice %arg6[%get3A_0, %dma_wait3A_47, %dma_wait3A_48] : memref<8x3072x768xf32, #tpu.memory_space<any>> -> memref<1x3072x768xf32, #tpu.memory_space<any>>
      %dma_wait3A_50 = tpu.memref_squeeze %dma_wait3A_49 : memref<1x3072x768xf32, #tpu.memory_space<any>> -> memref<3072x768xf32, #tpu.memory_space<any>>
      tpu.wait_dma2 semaphore(%dma_wait3A_42 : memref<!tpu.dma_semaphore, #tpu.memory_space<semaphore_mem>>) src(%dma_wait3A_50 : memref<3072x768xf32, #tpu.memory_space<any>>) dst(%dma_wait3A_46 : memref<3072x768xf32, #tpu.memory_space<vmem>>)
    } else {
    }
    %eq3A_23 = arith.constant 1 : i32
    %eq3A_24 = arith.cmpi eq, %get3A_3, %eq3A_23 : i32
    %convert_element_type3A_25 = arith.extui %eq3A_24 : i1 to i32
    %cond3A_26 = arith.constant 0 : i32
    %cond3A_27 = arith.cmpi ne, %convert_element_type3A_25, %cond3A_26 : i32
    scf.if %cond3A_27 {
      %get3A_28 = arith.constant 0 : index
      %get3A_29 = arith.constant 0 : index
      %get3A_30 = vector.load %arg2[%get3A_28, %get3A_29] : memref<256x768xf32, #tpu.memory_space<vmem>>, vector<256x768xf32>
      %get3A_31 = arith.index_cast %get3A_7 : i32 to index
      %get3A_32 = arith.constant 0 : index
      %get3A_33 = arith.constant 0 : index
      %get3A_34 = vector.load %arg8[%get3A_31, %get3A_32, %get3A_33] : memref<2x768x3072xf32, #tpu.memory_space<vmem>>, vector<1x768x3072xf32>
      %get3A_35 = vector.shape_cast %get3A_34 : vector<1x768x3072xf32> to vector<768x3072xf32>
      %dot_general3A = arith.constant dense<0.000000e+00> : vector<256x3072xf32>
      %dot_general3A_36 = tpu.matmul %get3A_30, %get3A_35, %dot_general3A {dimension_numbers = #tpu.dot_dimension_numbers<[1], [0], [0], [1], [0, 0, 1, 1], [], []>, transpose_lhs_hint = false} : vector<256x768xf32>, vector<768x3072xf32>, vector<256x3072xf32> -> vector<256x3072xf32>
      %get3A_37 = arith.constant 0 : index
      %get3A_38 = arith.constant 0 : index
      %get3A_39 = arith.constant 0 : index
      %get3A_40 = vector.load %arg3[%get3A_37, %get3A_38, %get3A_39] : memref<1x1x3072xf32, #tpu.memory_space<vmem>>, vector<1x1x3072xf32>
      %get3A_41 = vector.shape_cast %get3A_40 : vector<1x1x3072xf32> to vector<1x3072xf32>
      %add3A_42 = vector.broadcast %get3A_41 : vector<1x3072xf32> to vector<256x3072xf32>
      %add3A_43 = arith.addf %dot_general3A_36, %add3A_42 : vector<256x3072xf32>
      %mul3A = arith.constant 5.000000e-01 : f32
      %mul3A_44 = vector.broadcast %mul3A : f32 to vector<256x3072xf32>
      %mul3A_45 = arith.mulf %add3A_43, %mul3A_44 : vector<256x3072xf32>
      %mul3A_46 = arith.constant 0.707106769 : f32
      %mul3A_47 = vector.broadcast %mul3A_46 : f32 to vector<256x3072xf32>
      %mul3A_48 = arith.mulf %add3A_43, %mul3A_47 : vector<256x3072xf32>
      %erf3A = math.erf %mul3A_48 : vector<256x3072xf32>
      %add3A_49 = arith.constant 1.000000e+00 : f32
      %add3A_50 = vector.broadcast %add3A_49 : f32 to vector<256x3072xf32>
      %add3A_51 = arith.addf %add3A_50, %erf3A : vector<256x3072xf32>
      %mul3A_52 = arith.mulf %mul3A_45, %add3A_51 : vector<256x3072xf32>
      %get3A_53 = arith.index_cast %get3A_7 : i32 to index
      %get3A_54 = arith.constant 0 : index
      %get3A_55 = arith.constant 0 : index
      %get3A_56 = vector.load %arg9[%get3A_53, %get3A_54, %get3A_55] : memref<2x3072x768xf32, #tpu.memory_space<vmem>>, vector<1x3072x768xf32>
      %get3A_57 = vector.shape_cast %get3A_56 : vector<1x3072x768xf32> to vector<3072x768xf32>
      %dot_general3A_58 = arith.constant dense<0.000000e+00> : vector<256x768xf32>
      %dot_general3A_59 = tpu.matmul %mul3A_52, %get3A_57, %dot_general3A_58 {dimension_numbers = #tpu.dot_dimension_numbers<[1], [0], [0], [1], [0, 0, 1, 1], [], []>, transpose_lhs_hint = false} : vector<256x3072xf32>, vector<3072x768xf32>, vector<256x768xf32> -> vector<256x768xf32>
      %get3A_60 = arith.constant 0 : index
      %get3A_61 = arith.constant 0 : index
      %get3A_62 = arith.constant 0 : index
      %get3A_63 = vector.load %arg4[%get3A_60, %get3A_61, %get3A_62] : memref<1x1x768xf32, #tpu.memory_space<vmem>>, vector<1x1x768xf32>
      %get3A_64 = vector.shape_cast %get3A_63 : vector<1x1x768xf32> to vector<1x768xf32>
      %add3A_65 = vector.broadcast %get3A_64 : vector<1x768xf32> to vector<256x768xf32>
      %add3A_66 = arith.addf %dot_general3A_59, %add3A_65 : vector<256x768xf32>
      %swap3A = arith.constant 0 : index
      %swap3A_67 = arith.constant 0 : index
      %swap3A_68 = vector.load %arg7[%swap3A, %swap3A_67] : memref<256x768xf32, #tpu.memory_space<vmem>>, vector<256x768xf32>
      tpu.vector_store %arg7[%swap3A, %swap3A_67], %add3A_66 {strides = array<i32>} : memref<256x768xf32, #tpu.memory_space<vmem>>, vector<256x768xf32>,
    } else {
    }
    return
  }
  func.func @transform_0(%arg0: i32, %arg1: memref<160xi32, #tpu.memory_space<smem>>) -> (i32, i32) {
    %c0_i32 = arith.constant 0 : i32
    %c0_i32_0 = arith.constant 0 : i32
    return %arg0, %c0_i32 : i32, i32
  }
  func.func @transform_1(%arg0: i32, %arg1: memref<160xi32, #tpu.memory_space<smem>>) -> (i32, i32, i32) {
    %get3A = arith.index_cast %arg0 : i32 to index
    %get3A_0 = memref.load %arg1[%get3A] : memref<160xi32, #tpu.memory_space<smem>>
    %c0_i32 = arith.constant 0 : i32
    %c0_i32_1 = arith.constant 0 : i32
    %c0_i32_2 = arith.constant 0 : i32
    return %get3A_0, %c0_i32, %c0_i32_1 : i32, i32, i32
  }
  func.func @transform_2(%arg0: i32, %arg1: memref<160xi32, #tpu.memory_space<smem>>) -> (i32, i32, i32) {
    %get3A = arith.index_cast %arg0 : i32 to index
    %get3A_0 = memref.load %arg1[%get3A] : memref<160xi32, #tpu.memory_space<smem>>
    %c0_i32 = arith.constant 0 : i32
    %c0_i32_1 = arith.constant 0 : i32
    %c0_i32_2 = arith.constant 0 : i32
    return %get3A_0, %c0_i32, %c0_i32_1 : i32, i32, i32
  }
  func.func @transform_5(%arg0: i32, %arg1: memref<160xi32, #tpu.memory_space<smem>>) -> (i32, i32) {
    %c0_i32 = arith.constant 0 : i32
    %c0_i32_0 = arith.constant 0 : i32
    return %arg0, %c0_i32 : i32, i32
  }
}

module attributes {stable_mosaic.version = 14 : i64} {
  func.func @_blend_kernel(%arg0: i32, %arg1: memref<1024x768xf32, #tpu.memory_space<vmem>>, %arg2: memref<1024x768xf32, #tpu.memory_space<vmem>>, %arg3: memref<1024x1xf32, #tpu.memory_space<vmem>>, %arg4: memref<1024x1xf32, #tpu.memory_space<vmem>>, %arg5: memref<1024x768xf32, #tpu.memory_space<vmem>>) attributes {dimension_semantics = [#tpu.dimension_semantics<arbitrary>], iteration_bounds = array<i64: 4>, scalar_prefetch = 0 : i64, scratch_operands = 0 : i64, tpu.core_type = #tpu.core_type<tc>, window_params = [{transform_indices = @transform_0, window_bounds = array<i64: 1024, 768>}, {transform_indices = @transform_1, window_bounds = array<i64: 1024, 768>}, {transform_indices = @transform_2, window_bounds = array<i64: 1024, 1>}, {transform_indices = @transform_3, window_bounds = array<i64: 1024, 1>}, {transform_indices = @transform_4, window_bounds = array<i64: 1024, 768>}]} {
    %get3A = arith.constant 0 : index
    %get3A_0 = arith.constant 0 : index
    %get3A_1 = vector.load %arg3[%get3A, %get3A_0] : memref<1024x1xf32, #tpu.memory_space<vmem>>, vector<1024x1xf32>
    %get3A_2 = arith.constant 0 : index
    %get3A_3 = arith.constant 0 : index
    %get3A_4 = vector.load %arg1[%get3A_2, %get3A_3] : memref<1024x768xf32, #tpu.memory_space<vmem>>, vector<1024x768xf32>
    %mul3A = vector.broadcast %get3A_1 : vector<1024x1xf32> to vector<1024x768xf32>
    %mul3A_5 = arith.mulf %mul3A, %get3A_4 : vector<1024x768xf32>
    %get3A_6 = arith.constant 0 : index
    %get3A_7 = arith.constant 0 : index
    %get3A_8 = vector.load %arg4[%get3A_6, %get3A_7] : memref<1024x1xf32, #tpu.memory_space<vmem>>, vector<1024x1xf32>
    %get3A_9 = arith.constant 0 : index
    %get3A_10 = arith.constant 0 : index
    %get3A_11 = vector.load %arg2[%get3A_9, %get3A_10] : memref<1024x768xf32, #tpu.memory_space<vmem>>, vector<1024x768xf32>
    %mul3A_12 = vector.broadcast %get3A_8 : vector<1024x1xf32> to vector<1024x768xf32>
    %mul3A_13 = arith.mulf %mul3A_12, %get3A_11 : vector<1024x768xf32>
    %add3A = arith.addf %mul3A_5, %mul3A_13 : vector<1024x768xf32>
    %swap3A = arith.constant 0 : index
    %swap3A_14 = arith.constant 0 : index
    %swap3A_15 = vector.load %arg5[%swap3A, %swap3A_14] : memref<1024x768xf32, #tpu.memory_space<vmem>>, vector<1024x768xf32>
    tpu.vector_store %arg5[%swap3A, %swap3A_14], %add3A {strides = array<i32>} : memref<1024x768xf32, #tpu.memory_space<vmem>>, vector<1024x768xf32>,
    return
  }
  func.func @transform_0(%arg0: i32) -> (i32, i32) {
    %c0_i32 = arith.constant 0 : i32
    %c0_i32_0 = arith.constant 0 : i32
    return %arg0, %c0_i32 : i32, i32
  }
  func.func @transform_1(%arg0: i32) -> (i32, i32) {
    %c0_i32 = arith.constant 0 : i32
    %c0_i32_0 = arith.constant 0 : i32
    return %arg0, %c0_i32 : i32, i32
  }
  func.func @transform_2(%arg0: i32) -> (i32, i32) {
    %c0_i32 = arith.constant 0 : i32
    %c0_i32_0 = arith.constant 0 : i32
    return %arg0, %c0_i32 : i32, i32
  }
  func.func @transform_3(%arg0: i32) -> (i32, i32) {
    %c0_i32 = arith.constant 0 : i32
    %c0_i32_0 = arith.constant 0 : i32
    return %arg0, %c0_i32 : i32, i32
  }
  func.func @transform_4(%arg0: i32) -> (i32, i32) {
    %c0_i32 = arith.constant 0 : i32
    %c0_i32_0 = arith.constant 0 : i32
    return %arg0, %c0_i32 : i32, i32
  }
}

</mosaic_0001>

<sc_bundles>
// kernel: kernel.10.cloned.1.call-start
scs
__scs_entry_jumppad:
0x0: {  	(pc) =	sbr.rel $0x88, $3  }
0x1: {  	(tag) =	ssettag $0x0;
	lr =	simm.s32 $0x1  }
0x2: {  	[smem:$0x3F9B] =	sst lr;
	_ =	strace $0xD0000000  }
0x3: {  	_ = 	snop  }
0x4: {  	_ = 	snop  }
0x5: {  	_ = 	snop  }
0x6: {  	_ = 	snop  }
0x7: {  	_ = 	snop  }
__scs_overlays_trampoline_lowered:
0x8: {  	[smem:$0x3FAA] =	sst s0  }
0x9: {  	[smem:$0x3FAB] =	sst s1  }
0xa: {  	[smem:$0x3FAC] =	sst s2  }
0xb: {  	[smem:$0x3FAD] =	sst s3  }
0xc: {  	[smem:$0x3FAE] =	sst s4  }
0xd: {  	[smem:$0x3FAF] =	sst s5  }
0xe: {  	[smem:$0x3FB0] =	sst s6  }
0xf: {  	[smem:$0x3FB1] =	sst s7  }
0x10: {  	[smem:$0x3FB2] =	sst s8  }
0x11: {  	[smem:$0x3FB3] =	sst s9;
	s0 =	simm.s32 @!p0 $0x0  }
0x12: {  	s1 =	sld [smem:$0x3F99];
	s0 =	simm.s32 @p0 $0x1  }
0x13: {  	[smem:$0x3FB4] =	sst s0;
	s0 =	simm.s32 @!p1 $0x0  }
0x14: {  	s2 =	sld [smem:$0x3F98];
	s0 =	simm.s32 @p1 $0x1  }
0x15: {  	[smem:$0x3FB5] =	sst s0;
	s0 =	simm.s32 @!p2 $0x0  }
0x16: {  	s3 =	sld [smem:$0x3FDB];
	s0 =	simm.s32 @p2 $0x1  }
0x17: {  	s4 =	simm.s32 $0x1BF5;
	[smem:$0x3FB7] =	sst s0  }
0x18: {  	s0 =	sld [smem:$0x3F9A];
	_ =	swait.ge [sflag:s4], $0x0  }
0x19: {  	s7 =	sld [smem:$0x3F9B]  }
0x1a: {  	s8 =	sadd.s32 $0xFFFFE003, lr  }
0x1b: {  	s9 =	sadd.s32 $0xFFFFFEF7, lr;
	s5 =	simm.s32 $0xFFFFFFFF;
	p2 =	slt.u32 s8, $0xFFFFF086  }
0x1c: {  	p1 =	slt.u32 s9, $0xF7A;
	s5 =	simm.s32 @!p2 $0x0  }
0x1d: {  	s5 =	simm.s32 @p1 $0x1;
	p0 =	seq.s32 s7, s2  }
0x1e: {  	s7 =	smul.u32 @!p0 $0xF7A, s2;
	p2 =	seq.s32 @!p0 s5, $0x0  }
0x1f: {  	s9 =	smul.u32 $0xF7A, s1;
	s8 =	simm.s32 @!p0 $0x1BF5;
	p2 =	por !p2, p0  }
0x20: {  	[sflag:s8] =	ssyncset.s32 @!p0 $0xFFFFF086;
	s6 =	sadd.s32 @!p0 s3, s7;
	s7 =	simm.s32 @!p0 $0x108  }
0x21: {  	s3 =	sadd.s32 s3, s9;
	s6 =	sadd.s32 @!p0 $0x88, s6;
	s7 =	simm.s32 @p2 $0x1082  }
0x22: {  	[simem:s7], [sflag:s8] =	dma.local @!p0 [hbm:s6], $0xF7A  }
0x23: {  	s9 =	sor.u32 $0xD0000000, s2;
	s6 =	simm.s32 $0x108;
	_ =	swait.ge @!p0 [sflag:s8], $0x0  }
0x24: {  	s3 =	sadd.s32 $0x88, s3;
	s6 =	simm.s32 @!p1 $0x1082;
	[sflag:s4] =	ssyncset.s32 $0xFFFFF086  }
0x25: {  	[simem:s6], [sflag:s4] =	dma.local [hbm:s3], $0xF7A  }
0x26: {  	[smem:$0x3F9B] =	sst s1;
	(tag) =	ssettag s2;
	_ =	strace s9  }
0x27: {  	s1 =	sld [smem:$0x3FAB]  }
0x28: {  	s2 =	sld [smem:$0x3FAC]  }
0x29: {  	s4 =	sld [smem:$0x3FAE]  }
0x2a: {  	p0 =	seq.s32 s5, $0x0;
	s5 =	sld [smem:$0x3FAF]  }
0x2b: {  	s6 =	sld [smem:$0x3FB0]  }
0x2c: {  	s7 =	sld [smem:$0x3FB1]  }
0x2d: {  	s3 =	simm.s32 $0x108;
	s8 =	sld [smem:$0x3FB2]  }
0x2e: {  	s3 =	simm.s32 @!p0 $0x1082;
	s9 =	sld [smem:$0x3FB3]  }
0x2f: {  	lr =	sadd.s32 s0, s3;
	s0 =	sld [smem:$0x3FAA]  }
0x30: {  	s3 =	sld [smem:$0x3FAD]  }
0x31: {  	[smem:$0x3FB6] =	sst s10  }
0x32: {  	s10 =	sld [smem:$0x3FB4];
	_ =	sdelay $0x3  }
0x33: {  	p0 =	seq.s32 s10, $0x1;
	s10 =	sld [smem:$0x3FB6];
	_ =	sdelay $0x3  }
0x34: {  	[smem:$0x3FB6] =	sst s10  }
0x35: {  	s10 =	sld [smem:$0x3FB5];
	_ =	sdelay $0x3  }
0x36: {  	p1 =	seq.s32 s10, $0x1;
	s10 =	sld [smem:$0x3FB6];
	_ =	sdelay $0x3  }
0x37: {  	[smem:$0x3FB6] =	sst s10  }
0x38: {  	s10 =	sld [smem:$0x3FB7]  }
0x39: {  	_ = 	snop;
	(pc) =	sbr.ind lr, $3  }
0x3a: {  	_ = 	snop  }
0x3b: {  	_ = 	snop  }
0x3c: {  	p2 =	seq.s32 s10, $0x1;
	s10 =	sld [smem:$0x3FB6]  }
0x3d: {  	_ =	shalt  }
0x3e: {  	_ =	shalt  }
0x3f: {  	_ =	shalt  }
0x40: {  	_ =	shalt  }
0x41: {  	_ =	shalt  }
0x42: {  	_ =	shalt  }
0x43: {  	_ =	shalt  }
0x44: {  	_ =	shalt  }
0x45: {  	_ =	shalt  }
0x46: {  	_ =	shalt  }
0x47: {  	_ =	shalt  }
0x48: {  	_ =	shalt  }
0x49: {  	_ =	shalt  }
0x4a: {  	_ =	shalt  }
0x4b: {  	_ =	shalt  }
0x4c: {  	_ =	shalt  }
0x4d: {  	_ =	shalt  }
0x4e: {  	_ =	shalt  }
0x4f: {  	_ =	shalt  }
0x50: {  	_ =	shalt  }
0x51: {  	_ =	shalt  }
0x52: {  	_ =	shalt  }
0x53: {  	_ =	shalt  }
0x54: {  	_ =	shalt  }
0x55: {  	_ =	shalt  }
0x56: {  	_ =	shalt  }
0x57: {  	_ =	shalt  }
0x58: {  	_ =	shalt  }
0x59: {  	_ =	shalt  }
0x5a: {  	_ =	shalt  }
0x5b: {  	_ =	shalt  }
0x5c: {  	_ =	shalt  }
0x5d: {  	_ =	shalt  }
0x5e: {  	_ =	shalt  }
0x5f: {  	_ =	shalt  }
0x60: {  	_ =	shalt  }
0x61: {  	_ =	shalt  }
0x62: {  	_ =	shalt  }
0x63: {  	_ =	shalt  }
0x64: {  	_ =	shalt  }
0x65: {  	_ =	shalt  }
0x66: {  	_ =	shalt  }
0x67: {  	_ =	shalt  }
0x68: {  	_ =	shalt  }
0x69: {  	_ =	shalt  }
0x6a: {  	_ =	shalt  }
0x6b: {  	_ =	shalt  }
0x6c: {  	_ =	shalt  }
0x6d: {  	_ =	shalt  }
0x6e: {  	_ =	shalt  }
0x6f: {  	_ =	shalt  }
0x70: {  	_ =	shalt  }
0x71: {  	_ =	shalt  }
0x72: {  	_ =	shalt  }
0x73: {  	_ =	shalt  }
0x74: {  	_ =	shalt  }
0x75: {  	_ =	shalt  }
0x76: {  	_ =	shalt  }
0x77: {  	_ =	shalt  }
0x78: {  	_ =	shalt  }
0x79: {  	_ =	shalt  }
0x7a: {  	_ =	shalt  }
0x7b: {  	_ =	shalt  }
0x7c: {  	_ =	shalt  }
0x7d: {  	_ =	shalt  }
0x7e: {  	_ =	shalt  }
0x7f: {  	_ =	shalt  }
0x80: {  	_ =	shalt  }
0x81: {  	_ =	shalt  }
0x82: {  	_ =	shalt  }
0x83: {  	_ =	shalt  }
0x84: {  	_ =	shalt  }
0x85: {  	_ =	shalt  }
0x86: {  	_ =	shalt  }
0x87: {  	_ =	shalt  }
.Lfunc_end0:
.L_simem_size_0:
called_computation.1_lowered:
.L_overlay_start_0:
0x88: {  	s2 =	sld [smem:$0x3FD9]  }
0x89: {  	s3 =	sld [smem:$0x3FFE];
	_ =	sdelay $0x1  }
0x8a: {  	s1 =	srdreg.scid  }
0x8b: {  	s0 =	sand.u32 $0x1, s1  }
0x8c: {  	s17 =	sshll.u32 s0, $0xA;
	s2 =	sadd.s32 s3, s2  }
0x8d: {  	s2 =	sadd.s32 s2, s17  }
0x8e: {  	[smem:$0x3FC2] =	sst s2  }
0x8f: {  	_ = 	snop  }
0x90: {  	s2 =	sld [smem:$0x3FD0];
	(tm) =	ssettm $0x1  }
0x91: {  	s18 =	sld [smem:$0x3FFB];
	_ =	sdelay $0x3  }
0x92: {  	_ =	strace s18  }
0x93: {  	s3 =	sld [smem:$0x3FFC];
	_ =	sdelay $0x3  }
0x94: {  	_ =	strace s3  }
0x95: {  	s3 =	sld [smem:$0x3FFD];
	_ =	sdelay $0x3  }
0x96: {  	_ =	strace s3  }
0x97: {  	_ =	strace $0x8FFFFFFF  }
0x98: {  	s19 =	sld [smem:$0x3FDB];
	_ =	sdelay $0x1  }
0x99: {  	s4 =	simm.s32 $_scs_section_size  }
0x9a: {  	s5 =	simm.s32 $_size__tile_overlayer_lowered;
	s6 =	simm.s32 $_tile_overlayer_lowered  }
0x9b: {  	s22 =	simm.s32 $0x1BFF;
	s21 =	sshll.u32 s6, $0x1;
	s3 =	sadd.s32 s4, s19  }
0x9c: {  	s7 =	simm.s32 $0x0;
	s20 =	sshll.u32 s5, $0x1;
	s5 =	sadd.s32 s21, s3  }
0x9d: {  	[timem:s7], [sflag:s22] =	dma.local [hbm:s5], s20  }
0x9e: {  	_ =	swait.ge [sflag:s22], s20  }
0x9f: {  	s4 =	ssub.s32 $0x0, s20;
	[sflag:s22] =	ssyncset.done $0x0  }
0xa0: {  	[sflag:s22] =	ssyncadd.s32 s4;
	_ =	sdelay $0x1  }
0xa1: {  	s23 =	simm.s32 $0x1B8B  }
0xa2: {  	_ =	swait.ge [sflag:s23], $0x1  }
0xa3: {  	[sflag:s23] =	ssyncset.done $0x0  }
0xa4: {  	s25 =	simm.s32 $0x1B8E;
	s24 =	sld [smem:$0x3FFE];
	[sflag:s23] =	ssyncadd.s32 $0xFFFFFFFF  }
0xa5: {  	s26 =	simm.s32 $execute0_lowered;
	[smem:$0x3FD2] =	sst s25  }
0xa6: {  	s5 =	sshll.u32 s26, $0x1;
	_ =	strace $0x80000049;
	[dreg:$0x1] =	wrdreg $0xFFFFFFFF  }
0xa7: {  	s28 =	simm.s32 $_size_execute0_lowered;
	s3 =	sadd.s32 s3, s5;
	[dreg:$0x0] =	wrdreg $0x0  }
0xa8: {  	s5 =	sshll.u32 s28, $0x1;
	[dreg:$0x2] =	wrdreg s3  }
0xa9: {  	[dreg:$0x3] =	wrdreg s5  }
0xaa: {  	[dreg:$0x4] =	wrdreg $0xC0  }
0xab: {  	_ =	task [dreg:s7], $0x5FFFF  }
0xac: {  	[dreg:$0x1] =	wrdreg $0xFFFFFFFF  }
0xad: {  	[dreg:$0x0] =	wrdreg $0x60  }
0xae: {  	[dreg:$0x2] =	wrdreg s24  }
0xaf: {  	[dreg:$0x3] =	wrdreg s2  }
0xb0: {  	[dreg:$0x4] =	wrdreg $0x9  }
0xb1: {  	_ =	task.clear_ibuf [dreg:s7], $0x5FFFF;
	_ =	strace $0x90000049  }
0xb2: {  	s29 =	simm.s32 $0x9;
	_ =	strace $0x8000004B  }
0xb3: {  	_ =	swait.ge [sflag:s29], $0x1  }
0xb4: {  	[sflag:s29] =	ssyncadd.s32 $0xFFFFFFFF  }
0xb5: {  	_ =	strace $0x9000004B  }
0xb6: {  	_ =	sfence  }
0xb7: {  	s30 =	sld [smem:$0x0];
	_ =	sdelay $0x2  }
0xb8: {  	s31 =	sshll.u32 s1, $0xD;
	s1 =	sshrl.u32 s1, $0x2  }
0xb9: {  	s3 =	sand.u32 $0x4000, s31;
	s1 =	sadd.s32 s1, s30  }
0xba: {  	s0 =	sor.u32 s3, s0;
	s1 =	sshll.u32 s1, $0x11  }
0xbb: {  	s0 =	sor.u32 s1, s0  }
0xbc: {  	s0 =	sadd.s32 $0x8F2B, s0  }
0xbd: {  	[sflag:s0] =	ssyncadd.remote.s32 $0x1  }
0xbe: {  	_ =	sfence.sel $0xFFFF  }
0xbf: {  	[dreg:$0x0] =	wrdreg $0xFFFFFFFF;
	(pc) =	sbr.abs _section_cstart, $3  }
0xc0: {  	[dreg:$0x1] =	wrdreg $0xFFFFFFFF  }
0xc1: {  	_ =	task.clear_ibuf [dreg:s7], $0x2FFFF;
	_ =	strace $0x9FFFFFFF  }
0xc2: {  	(tm) =	ssettm $0x7FFFFFFF  }
0xc3: {  	_ =	shalt  }
tec
execute0_lowered:
.L_overlay_start_1:
0x0: {  	(tag) =	ssettag $0x1  }
0x1: {  	s0 =	rddreg [dreg:$0x0]  }
0x2: {  	s1 =	rddreg [dreg:$0x1];
	s2 =	simm.s32 $0x0  }
0x3: {  	s3 =	srdreg.scid;
	s6 =	stileid.u32;
	s26 =	simm.s32 $0x18180  }
0x4: {  	s12 =	simm.s32 $0x1;
	s15 =	simm.s32 $0x1100;
	s28 =	simm.s32 $0x7100  }
0x5: {  	s29 =	simm.s32 $0x7900;
	s30 =	simm.s32 $0x8100;
	s31 =	simm.s32 $0x8900  }
0x6: {  	s11 =	simm.s32 $0xA100;
	[smem:$0x7FF] =	sst s2;
	s4 =	sand.u32 $0x1, s3  }
0x7: {  	s5 =	sadd.s32 $0x21C00, s0;
	s16 =	sshll.u32 s6, $0x5;
	s7 =	sadd.s32 $0x21E00, s0  }
0x8: {  	s8 =	sadd.s32 $0x1800, s0;
	s3 =	sadd.s32 $0x112400, s0;
	s10 =	sadd.s32 $0x22000, s0  }
0x9: {  	_ =	strace $0x8000004A;
	s17 =	sshll.u32 s4, $0x4;
	[dreg:$0x3] =	wrdreg s8  }
0xa: {  	s4 =	ssub.s32 $0x2, s4;
	[dreg:$0xc] =	wrdreg s26;
	s26 =	simm.s32 $0x6900  }
0xb: {  	s8 =	simm.s32 $0xA900;
	s6 =	sor.u32 s17, s16;
	s24 =	sshrl.u32 s4, $0x1  }
0xc: {  	s16 =	simm.s32 $0x1900;
	s18 =	sadd.s32 s5, s6;
	s9 =	smul.u32 $0x300, s6  }
0xd: {  	s19 =	sadd.s32 s7, s6;
	s6 =	sor.u32 $0x8, s6;
	[dreg:$0x4] =	wrdreg s18  }
0xe: {  	s17 =	simm.s32 $0x2100;
	[dreg:$0x5] =	wrdreg s19;
	s5 =	sadd.s32 s5, s6  }
0xf: {  	s22 =	smul.u32 $0x300, s6;
	s23 =	sadd.s32 s7, s6;
	s6 =	ssub.s32 s4, s24  }
0x10: {  	s4 =	sadd.s32 $0x112500, s0;
	s7 =	simm.s32 $0x2;
	s18 =	simm.s32 $0x2900  }
0x11: {  	s19 =	simm.s32 $0x3100;
	s24 =	simm.s32 $0x5900;
	[dreg:$0x8] =	wrdreg s5  }
0x12: {  	s20 =	sadd.s32 s1, s9;
	s21 =	sadd.s32 s10, s9;
	[dreg:$0x9] =	wrdreg s23  }
0x13: {  	s5 =	sadd.s32 $0x112600, s0;
	s6 =	smax.u32 s6, $0x1;
	[dreg:$0x6] =	wrdreg s20  }
0x14: {  	s9 =	simm.s32 $0x18100;
	s23 =	simm.s32 $0x5100;
	[dreg:$0x7] =	wrdreg s21  }
0x15: {  	v2 =	vlaneseq.u32;
	s1 =	sadd.s32 s1, s22;
	s25 =	sadd.s32 s10, s22;
	s10 =	simm.s32 $0x100  }
0x16: {  	vm0 =	vmmov $0xffff;
	v1 =	vshrl.u32 v2, $0x3;
	s20 =	simm.s32 $0x3900;
	s21 =	simm.s32 $0x4100;
	[dreg:$0xa] =	wrdreg s1  }
0x17: {  	v0 =	vand.u32 $0x7, v2;
	v2 =	vor.u32 $0x8, v2;
	v1 =	vmul.u32 $0x8, v1;
	s22 =	simm.s32 $0x4900;
	[dreg:$0xb] =	wrdreg s25;
	s25 =	simm.s32 $0x6100  }
.LBB2_1:
0x18: {  	s13 =	rddreg [dreg:$0x3]  }
0x19: {  	s14 =	rddreg [dreg:$0xc]  }
0x1a: {  	[tilespmem:s14], [sflag:$0x2] =	stream.linear.gather [hbm4b:s13+s2], $0x400, $0x38;
	[tilespmem:$0x18580] =	vst v63  }
0x1b: {  	_ =	swait.ge [sflag:s7], $0x400  }
0x1c: {  	[sflag:s7] =	ssyncset.done $0x0  }
0x1d: {  	s1 =	rddreg [dreg:$0x4];
	[sflag:s7] =	ssyncadd.s32 $0xFFFFFC00  }
0x1e: {  	[tilespmem:s9], [sflag:$0x2] =	stream.linear.gather [hbm4b:s1+s2], $0x40, $0x38;
	[tilespmem:$0x18580] =	vst v63  }
0x1f: {  	_ =	swait.ge [sflag:s7], $0x40  }
0x20: {  	[sflag:s7] =	ssyncset.done $0x0  }
0x21: {  	[sflag:s7] =	ssyncadd.s32 $0xFFFFFFC0  }
0x22: {  	v3 =	vld [tilespmem:$0x18100]  }
0x23: {  	v4 =	vld [tilespmem:$0x18180]  }
0x24: {  	v5 =	vld [tilespmem:$0x18200]  }
0x25: {  	v39 =	vld [tilespmem:$0x18110]  }
0x26: {  	v53 =	vld [tilespmem:$0x18120]  }
0x27: {  	v6 =	vld [tilespmem:$0x18280]  }
0x28: {  	v7 =	vld [tilespmem:$0x18300]  }
0x29: {  	v17 =	vld [tilespmem:$0x18130];
	v8 =	vshra.s32 v3, $0xD  }
0x2a: {  	v3 =	vand.u32 $0x1FFF, v3;
	v49 =	vshra.s32 v39, $0xD;
	vm1 =	veq.s32 v8, $0x0  }
0x2b: {  	v9 =	vld [tilespmem:$0x18380];
	v61 =	vshra.s32 v53, $0xD;
	v4 =	vnsel vm1, $0x0, v4;
	vm1 =	veq.s32 v8, $0x1  }
0x2c: {  	v10 =	vld [tilespmem:$0x18400];
	v3 =	vadd.s32 v3, v4;
	v36 =	vnsel vm1, $0x0, v5;
	vm1 =	veq.s32 v8, $0x2  }
0x2d: {  	v11 =	vld [tilespmem:$0x18480];
	v3 =	vadd.s32 v36, v3;
	v38 =	vnsel vm1, $0x0, v6;
	vm1 =	veq.s32 v8, $0x3  }
0x2e: {  	v37 =	vld [tilespmem:$0x18500];
	v25 =	vshra.s32 v17, $0xD;
	v3 =	vadd.s32 v38, v3;
	v40 =	vnsel vm1, $0x0, v7  }
0x2f: {  	v41 =	vld [tilespmem:$0x18180];
	v6 =	vand.u32 $0x1FFF, v39;
	vm1 =	veq.s32 v8, $0x4;
	v3 =	vadd.s32 v40, v3  }
0x30: {  	v43 =	vld [tilespmem:$0x18200];
	v42 =	vnsel vm1, $0x0, v9;
	vm1 =	veq.s32 v8, $0x5;
	v9 =	vand.u32 $0x1FFF, v53  }
0x31: {  	v45 =	vld [tilespmem:$0x18280];
	v3 =	vadd.s32 v42, v3;
	v44 =	vnsel vm1, $0x0, v10;
	vm1 =	veq.s32 v8, $0x6  }
0x32: {  	v47 =	vld [tilespmem:$0x18300];
	v3 =	vadd.s32 v44, v3;
	v46 =	vnsel vm1, $0x0, v11;
	vm1 =	veq.s32 v8, $0x7  }
0x33: {  	v50 =	vld [tilespmem:$0x18380];
	v11 =	vand.u32 $0x1FFF, v17;
	v48 =	vnsel vm1, $0x0, v37;
	vm1 =	veq.s32 v49, $0x0  }
0x34: {  	v51 =	vld [tilespmem:$0x18400];
	v3 =	vadd.s32 v46, v3;
	v7 =	vnsel vm1, $0x0, v41;
	vm1 =	veq.s32 v49, $0x1  }
0x35: {  	v12 =	vld [tilespmem:$0x18480];
	v3 =	vadd.s32 v48, v3;
	v52 =	vnsel vm1, $0x0, v43;
	vm1 =	veq.s32 v49, $0x2  }
0x36: {  	v55 =	vld [tilespmem:$0x18500];
	v6 =	vadd.s32 v6, v7;
	v54 =	vnsel vm1, $0x0, v45;
	vm1 =	veq.s32 v49, $0x3  }
0x37: {  	v57 =	vld [tilespmem:$0x18180];
	v32 =	vshrl.u32 v3, $0x3;
	v56 =	vnsel vm1, $0x0, v47;
	vm1 =	veq.s32 v49, $0x4  }
0x38: {  	v59 =	vld [tilespmem:$0x18200];
	v6 =	vadd.s32 v52, v6;
	v58 =	vnsel vm1, $0x0, v50;
	vm1 =	veq.s32 v49, $0x5  }
0x39: {  	v60 =	vld [tilespmem:$0x18280];
	v6 =	vadd.s32 v54, v6;
	v4 =	vnsel vm1, $0x0, v51;
	vm1 =	veq.s32 v49, $0x6  }
0x3a: {  	v13 =	vld [tilespmem:$0x18300];
	v6 =	vadd.s32 v56, v6;
	v12 =	vnsel vm1, $0x0, v12;
	vm1 =	veq.s32 v49, $0x7  }
0x3b: {  	v63 =	vld [tilespmem:$0x18380];
	v6 =	vadd.s32 v58, v6;
	v62 =	vnsel vm1, $0x0, v55;
	vm1 =	veq.s32 v61, $0x0  }
0x3c: {  	v14 =	vld [tilespmem:$0x18400];
	v4 =	vadd.s32 v4, v6;
	v8 =	vnsel vm1, $0x0, v57;
	vm1 =	veq.s32 v61, $0x1  }
0x3d: {  	v18 =	vld [tilespmem:$0x18480];
	v4 =	vadd.s32 v12, v4;
	v16 =	vnsel vm1, $0x0, v59;
	vm1 =	veq.s32 v61, $0x2  }
0x3e: {  	v20 =	vld [tilespmem:$0x18180];
	v4 =	vadd.s32 v62, v4;
	v7 =	vnsel vm1, $0x0, v60;
	vm1 =	veq.s32 v61, $0x3  }
0x3f: {  	v22 =	vld [tilespmem:$0x18200];
	v8 =	vadd.s32 v9, v8;
	v19 =	vnsel vm1, $0x0, v13;
	vm1 =	veq.s32 v61, $0x4  }
0x40: {  	v8 =	vadd.s32 v16, v8;
	v21 =	vnsel vm1, $0x0, v63;
	vm1 =	veq.s32 v61, $0x5  }
0x41: {  	v26 =	vld [tilespmem:$0x18280];
	v16 =	vand.u32 $0x7, v3;
	v24 =	vnsel vm1, $0x0, v14;
	vm1 =	veq.s32 v61, $0x6  }
0x42: {  	v28 =	vld [tilespmem:$0x18300];
	v7 =	vadd.s32 v7, v8;
	v27 =	vnsel vm1, $0x0, v18;
	vm1 =	veq.s32 v25, $0x0  }
0x43: {  	v29 =	vld [tilespmem:$0x18380];
	v7 =	vadd.s32 v19, v7;
	v13 =	vnsel vm1, $0x0, v20;
	vm1 =	veq.s32 v25, $0x1  }
0x44: {  	v23 =	vadd.s32 v21, v7;
	v30 =	vadd.s32 v11, v13;
	v10 =	vnsel vm1, $0x0, v22  }
0x45: {  	v31 =	vld [tilespmem:$0x18500];
	v6 =	vadd.s32 v24, v23;
	vm1 =	veq.s32 v25, $0x2;
	v7 =	vadd.s32 v10, v30  }
0x46: {  	v33 =	vld [tilespmem:$0x18400];
	v12 =	vnsel vm1, $0x0, v26;
	vm1 =	veq.s32 v25, $0x3;
	v10 =	vmul.u32 $0x30, v32  }
0x47: {  	v15 =	vld [tilespmem:$0x18480];
	v6 =	vadd.s32 v27, v6;
	v9 =	vnsel vm1, $0x0, v28;
	vm1 =	veq.s32 v25, $0x4  }
0x48: {  	v35 =	vld [tilespmem:$0x18500];
	v7 =	vadd.s32 v12, v7;
	v34 =	vnsel vm1, $0x0, v29;
	v10 =	vor.u32 v16, v10  }
0x49: {  	vm1 =	veq.s32 v61, $0x7;
	v36 =	vadd.s32 v9, v7;
	v37 =	vperm.xlane v10, v0  }
0x4a: {  	v38 =	vnsel vm1, $0x0, v31;
	v5 =	vadd.s32 v34, v36;
	vm1 =	veq.s32 v25, $0x5  }
0x4b: {  	v39 =	vnsel vm1, $0x0, v33;
	vm1 =	veq.s32 v25, $0x6;
	v7 =	vadd.s32 v1, v37  }
0x4c: {  	[tilespmem:$0x0] =	vst v3;
	v3 =	vadd.s32 v39, v5;
	v40 =	vnsel vm1, $0x0, v15;
	vm1 =	veq.s32 v25, $0x7  }
0x4d: {  	[tilespmem:$0x10] =	vst v4;
	v41 =	vadd.s32 v38, v6;
	v3 =	vadd.s32 v40, v3;
	v42 =	vnsel vm1, $0x0, v35  }
0x4e: {  	[tilespmem:$0x20] =	vst v41;
	v3 =	vadd.s32 v42, v3  }
0x4f: {  	[tilespmem:$0x30] =	vst v3;
	v3 =	vperm.xlane v10, v2  }
0x50: {  	[tilespmem:s10], [sflag:$0x1] =	stream.indirect_vreg.gather [hbm4b:s3+s2], $0x80, v7, vm0, $0xb8;
	[tilespmem:$0x18580] =	vst v63  }
0x51: {  	s14 =	simm.s32 $0x900;
	v3 =	vadd.s32 v1, v3  }
0x52: {  	[tilespmem:s14], [sflag:$0x1] =	stream.indirect_vreg.gather [hbm4b:s4+s2], $0x80, v7, vm0, $0xb8;
	[tilespmem:$0x18580] =	vst v63  }
0x53: {  	_ = 	snop  }
0x54: {  	[tilespmem:s15], [sflag:$0x1] =	stream.indirect_vreg.gather [hbm4b:s5+s2], $0x80, v7, vm0, $0xb8;
	[tilespmem:$0x18580] =	vst v63  }
0x55: {  	_ = 	snop  }
0x56: {  	[tilespmem:s16], [sflag:$0x1] =	stream.indirect_vreg.gather [hbm4b:s3+s2], $0x80, v3, vm0, $0xb8;
	[tilespmem:$0x18580] =	vst v63  }
0x57: {  	_ = 	snop  }
0x58: {  	[tilespmem:s17], [sflag:$0x1] =	stream.indirect_vreg.gather [hbm4b:s4+s2], $0x80, v3, vm0, $0xb8;
	[tilespmem:$0x18580] =	vst v63  }
0x59: {  	_ = 	snop  }
0x5a: {  	[tilespmem:s18], [sflag:$0x1] =	stream.indirect_vreg.gather [hbm4b:s5+s2], $0x80, v3, vm0, $0xb8;
	[tilespmem:$0x18580] =	vst v63  }
0x5b: {  	v3 =	vld [tilespmem:$0x10];
	_ =	sdelay $0x4  }
0x5c: {  	v43 =	vshrl.u32 v3, $0x3  }
0x5d: {  	v4 =	vmul.u32 $0x30, v43  }
0x5e: {  	v3 =	vand.u32 $0x7, v3  }
0x5f: {  	v3 =	vor.u32 v3, v4  }
0x60: {  	v4 =	vperm.xlane v3, v0;
	_ =	sdelay $0x1  }
0x61: {  	v4 =	vadd.s32 v1, v4;
	_ =	sdelay $0x3  }
0x62: {  	v3 =	vperm.xlane v3, v2  }
0x63: {  	[tilespmem:s19], [sflag:$0x1] =	stream.indirect_vreg.gather [hbm4b:s3+s2], $0x80, v4, vm0, $0xb8;
	[tilespmem:$0x18580] =	vst v63  }
0x64: {  	v3 =	vadd.s32 v1, v3  }
0x65: {  	[tilespmem:s20], [sflag:$0x1] =	stream.indirect_vreg.gather [hbm4b:s4+s2], $0x80, v4, vm0, $0xb8;
	[tilespmem:$0x18580] =	vst v63  }
0x66: {  	_ = 	snop  }
0x67: {  	[tilespmem:s21], [sflag:$0x1] =	stream.indirect_vreg.gather [hbm4b:s5+s2], $0x80, v4, vm0, $0xb8;
	[tilespmem:$0x18580] =	vst v63  }
0x68: {  	_ = 	snop  }
0x69: {  	[tilespmem:s22], [sflag:$0x1] =	stream.indirect_vreg.gather [hbm4b:s3+s2], $0x80, v3, vm0, $0xb8;
	[tilespmem:$0x18580] =	vst v63  }
0x6a: {  	_ = 	snop  }
0x6b: {  	[tilespmem:s23], [sflag:$0x1] =	stream.indirect_vreg.gather [hbm4b:s4+s2], $0x80, v3, vm0, $0xb8;
	[tilespmem:$0x18580] =	vst v63  }
0x6c: {  	_ = 	snop  }
0x6d: {  	[tilespmem:s24], [sflag:$0x1] =	stream.indirect_vreg.gather [hbm4b:s5+s2], $0x80, v3, vm0, $0xb8;
	[tilespmem:$0x18580] =	vst v63  }
0x6e: {  	v3 =	vld [tilespmem:$0x20];
	_ =	sdelay $0x4  }
0x6f: {  	v44 =	vshrl.u32 v3, $0x3  }
0x70: {  	v4 =	vmul.u32 $0x30, v44  }
0x71: {  	v3 =	vand.u32 $0x7, v3  }
0x72: {  	v3 =	vor.u32 v3, v4  }
0x73: {  	v4 =	vperm.xlane v3, v0;
	_ =	sdelay $0x1  }
0x74: {  	v4 =	vadd.s32 v1, v4;
	_ =	sdelay $0x3  }
0x75: {  	v3 =	vperm.xlane v3, v2  }
0x76: {  	[tilespmem:s25], [sflag:$0x1] =	stream.indirect_vreg.gather [hbm4b:s3+s2], $0x80, v4, vm0, $0xb8;
	[tilespmem:$0x18580] =	vst v63  }
0x77: {  	v3 =	vadd.s32 v1, v3  }
0x78: {  	[tilespmem:s26], [sflag:$0x1] =	stream.indirect_vreg.gather [hbm4b:s4+s2], $0x80, v4, vm0, $0xb8;
	[tilespmem:$0x18580] =	vst v63  }
0x79: {  	_ = 	snop  }
0x7a: {  	[tilespmem:s28], [sflag:$0x1] =	stream.indirect_vreg.gather [hbm4b:s5+s2], $0x80, v4, vm0, $0xb8;
	[tilespmem:$0x18580] =	vst v63  }
0x7b: {  	_ = 	snop  }
0x7c: {  	[tilespmem:s29], [sflag:$0x1] =	stream.indirect_vreg.gather [hbm4b:s3+s2], $0x80, v3, vm0, $0xb8;
	[tilespmem:$0x18580] =	vst v63  }
0x7d: {  	_ = 	snop  }
0x7e: {  	[tilespmem:s30], [sflag:$0x1] =	stream.indirect_vreg.gather [hbm4b:s4+s2], $0x80, v3, vm0, $0xb8;
	[tilespmem:$0x18580] =	vst v63  }
0x7f: {  	_ = 	snop  }
0x80: {  	[tilespmem:s31], [sflag:$0x1] =	stream.indirect_vreg.gather [hbm4b:s5+s2], $0x80, v3, vm0, $0xb8;
	[tilespmem:$0x18580] =	vst v63  }
0x81: {  	v3 =	vld [tilespmem:$0x30];
	_ =	sdelay $0x4  }
0x82: {  	v45 =	vshrl.u32 v3, $0x3  }
0x83: {  	v4 =	vmul.u32 $0x30, v45  }
0x84: {  	v3 =	vand.u32 $0x7, v3  }
0x85: {  	v3 =	vor.u32 v3, v4  }
0x86: {  	v4 =	vperm.xlane v3, v0;
	_ =	sdelay $0x1  }
0x87: {  	v4 =	vadd.s32 v1, v4;
	_ =	sdelay $0x3  }
0x88: {  	s0 =	simm.s32 $0x9100;
	v3 =	vperm.xlane v3, v2  }
0x89: {  	[tilespmem:s0], [sflag:$0x1] =	stream.indirect_vreg.gather [hbm4b:s3+s2], $0x80, v4, vm0, $0xb8;
	[tilespmem:$0x18580] =	vst v63  }
0x8a: {  	s1 =	simm.s32 $0x9900;
	v3 =	vadd.s32 v1, v3  }
0x8b: {  	[tilespmem:s1], [sflag:$0x1] =	stream.indirect_vreg.gather [hbm4b:s4+s2], $0x80, v4, vm0, $0xb8;
	[tilespmem:$0x18580] =	vst v63  }
0x8c: {  	_ = 	snop  }
0x8d: {  	[tilespmem:s11], [sflag:$0x1] =	stream.indirect_vreg.gather [hbm4b:s5+s2], $0x80, v4, vm0, $0xb8;
	[tilespmem:$0x18580] =	vst v63  }
0x8e: {  	_ = 	snop  }
0x8f: {  	[tilespmem:s8], [sflag:$0x1] =	stream.indirect_vreg.gather [hbm4b:s3+s2], $0x80, v3, vm0, $0xb8;
	[tilespmem:$0x18580] =	vst v63  }
0x90: {  	s13 =	simm.s32 $0xB100  }
0x91: {  	[tilespmem:s13], [sflag:$0x1] =	stream.indirect_vreg.gather [hbm4b:s4+s2], $0x80, v3, vm0, $0xb8;
	[tilespmem:$0x18580] =	vst v63  }
0x92: {  	s0 =	simm.s32 $0xB900  }
0x93: {  	[tilespmem:s0], [sflag:$0x1] =	stream.indirect_vreg.gather [hbm4b:s5+s2], $0x80, v3, vm0, $0xb8;
	[tilespmem:$0x18580] =	vst v63  }
0x94: {  	s13 =	rddreg [dreg:$0x5]  }
0x95: {  	[tilespmem:s9], [sflag:$0x2] =	stream.linear.gather [hbm4b:s13+s2], $0x40, $0x38;
	[tilespmem:$0x18580] =	vst v63  }
0x96: {  	_ =	swait.ge [sflag:s7], $0x40  }
0x97: {  	[sflag:s7] =	ssyncset.done $0x0  }
0x98: {  	[sflag:s7] =	ssyncadd.s32 $0xFFFFFFC0  }
0x99: {  	v3 =	vld [tilespmem:$0x18100]  }
0x9a: {  	v46 =	vld [tilespmem:$0x18180]  }
0x9b: {  	v57 =	vld [tilespmem:$0x18110]  }
0x9c: {  	v24 =	vld [tilespmem:$0x18120]  }
0x9d: {  	v38 =	vld [tilespmem:$0x18130]  }
0x9e: {  	v47 =	vld [tilespmem:$0x18200]  }
0x9f: {  	v48 =	vld [tilespmem:$0x18280];
	v50 =	vshra.s32 v3, $0xD  }
0xa0: {  	v49 =	vld [tilespmem:$0x18300];
	v3 =	vand.u32 $0x1FFF, v3;
	v19 =	vshra.s32 v57, $0xD;
	v6 =	vand.u32 $0x1FFF, v57  }
0xa1: {  	v51 =	vld [tilespmem:$0x18380];
	v32 =	vshra.s32 v24, $0xD;
	v9 =	vand.u32 $0x1FFF, v24;
	vm1 =	veq.s32 v50, $0x0  }
0xa2: {  	v52 =	vld [tilespmem:$0x18400];
	v11 =	vand.u32 $0x1FFF, v38;
	v4 =	vnsel vm1, $0x0, v46;
	vm1 =	veq.s32 v50, $0x1  }
0xa3: {  	v53 =	vld [tilespmem:$0x18480];
	v46 =	vshra.s32 v38, $0xD;
	v54 =	vnsel vm1, $0x0, v47;
	vm1 =	veq.s32 v50, $0x2  }
0xa4: {  	v55 =	vld [tilespmem:$0x18500];
	v3 =	vadd.s32 v3, v4;
	v56 =	vnsel vm1, $0x0, v48;
	vm1 =	veq.s32 v50, $0x3  }
0xa5: {  	v59 =	vld [tilespmem:$0x18180];
	v3 =	vadd.s32 v54, v3;
	v58 =	vnsel vm1, $0x0, v49;
	vm1 =	veq.s32 v50, $0x4  }
0xa6: {  	v61 =	vld [tilespmem:$0x18200];
	v3 =	vadd.s32 v56, v3;
	v60 =	vnsel vm1, $0x0, v51;
	vm1 =	veq.s32 v50, $0x5  }
0xa7: {  	v63 =	vld [tilespmem:$0x18280];
	v3 =	vadd.s32 v58, v3;
	v62 =	vnsel vm1, $0x0, v52;
	vm1 =	veq.s32 v50, $0x6  }
0xa8: {  	v17 =	vld [tilespmem:$0x18300];
	v3 =	vadd.s32 v60, v3;
	v16 =	vnsel vm1, $0x0, v53;
	vm1 =	veq.s32 v50, $0x7  }
0xa9: {  	v20 =	vld [tilespmem:$0x18380];
	v3 =	vadd.s32 v62, v3;
	v18 =	vnsel vm1, $0x0, v55;
	vm1 =	veq.s32 v19, $0x0  }
0xaa: {  	v21 =	vld [tilespmem:$0x18400];
	v3 =	vadd.s32 v16, v3;
	v7 =	vnsel vm1, $0x0, v59;
	vm1 =	veq.s32 v19, $0x1  }
0xab: {  	v22 =	vld [tilespmem:$0x18480];
	v3 =	vadd.s32 v18, v3;
	v23 =	vnsel vm1, $0x0, v61;
	vm1 =	veq.s32 v19, $0x2  }
0xac: {  	v26 =	vld [tilespmem:$0x18500];
	v6 =	vadd.s32 v6, v7;
	v25 =	vnsel vm1, $0x0, v63;
	vm1 =	veq.s32 v19, $0x3  }
0xad: {  	v28 =	vld [tilespmem:$0x18180];
	v53 =	vshrl.u32 v3, $0x3;
	v27 =	vnsel vm1, $0x0, v17;
	vm1 =	veq.s32 v19, $0x4  }
0xae: {  	v30 =	vld [tilespmem:$0x18200];
	v56 =	vand.u32 $0x7, v3;
	v29 =	vnsel vm1, $0x0, v20;
	vm1 =	veq.s32 v19, $0x5  }
0xaf: {  	v31 =	vld [tilespmem:$0x18280];
	v6 =	vadd.s32 v23, v6;
	v4 =	vnsel vm1, $0x0, v21;
	vm1 =	veq.s32 v19, $0x6  }
0xb0: {  	v33 =	vld [tilespmem:$0x18300];
	v6 =	vadd.s32 v25, v6;
	v12 =	vnsel vm1, $0x0, v22;
	vm1 =	veq.s32 v19, $0x7  }
0xb1: {  	v35 =	vld [tilespmem:$0x18380];
	v6 =	vadd.s32 v27, v6;
	v34 =	vnsel vm1, $0x0, v26;
	vm1 =	veq.s32 v32, $0x0  }
0xb2: {  	v36 =	vld [tilespmem:$0x18400];
	v6 =	vadd.s32 v29, v6;
	v8 =	vnsel vm1, $0x0, v28;
	vm1 =	veq.s32 v32, $0x1  }
0xb3: {  	v39 =	vld [tilespmem:$0x18480];
	v4 =	vadd.s32 v4, v6;
	v37 =	vnsel vm1, $0x0, v30;
	vm1 =	veq.s32 v32, $0x2  }
0xb4: {  	v41 =	vld [tilespmem:$0x18180];
	v4 =	vadd.s32 v12, v4;
	v7 =	vnsel vm1, $0x0, v31;
	vm1 =	veq.s32 v32, $0x3  }
0xb5: {  	v43 =	vld [tilespmem:$0x18200];
	v4 =	vadd.s32 v34, v4;
	v40 =	vnsel vm1, $0x0, v33;
	vm1 =	veq.s32 v32, $0x4  }
0xb6: {  	v8 =	vadd.s32 v9, v8;
	v42 =	vnsel vm1, $0x0, v35;
	vm1 =	veq.s32 v32, $0x5  }
0xb7: {  	v47 =	vld [tilespmem:$0x18280];
	v8 =	vadd.s32 v37, v8;
	v45 =	vnsel vm1, $0x0, v36;
	vm1 =	veq.s32 v32, $0x6  }
0xb8: {  	v49 =	vld [tilespmem:$0x18300];
	v7 =	vadd.s32 v7, v8;
	v48 =	vnsel vm1, $0x0, v39;
	vm1 =	veq.s32 v46, $0x0  }
0xb9: {  	v50 =	vld [tilespmem:$0x18380];
	v7 =	vadd.s32 v40, v7;
	v13 =	vnsel vm1, $0x0, v41;
	vm1 =	veq.s32 v46, $0x1  }
0xba: {  	v44 =	vadd.s32 v42, v7;
	v51 =	vadd.s32 v11, v13;
	v10 =	vnsel vm1, $0x0, v43  }
0xbb: {  	v52 =	vld [tilespmem:$0x18500];
	v6 =	vadd.s32 v45, v44;
	vm1 =	veq.s32 v46, $0x2;
	v7 =	vadd.s32 v10, v51  }
0xbc: {  	v54 =	vld [tilespmem:$0x18400];
	v12 =	vnsel vm1, $0x0, v47;
	vm1 =	veq.s32 v46, $0x3;
	v10 =	vmul.u32 $0x30, v53  }
0xbd: {  	v55 =	vld [tilespmem:$0x18480];
	v6 =	vadd.s32 v48, v6;
	v9 =	vnsel vm1, $0x0, v49;
	vm1 =	veq.s32 v46, $0x4  }
0xbe: {  	v58 =	vld [tilespmem:$0x18500];
	v7 =	vadd.s32 v12, v7;
	v57 =	vnsel vm1, $0x0, v50;
	v10 =	vor.u32 v56, v10  }
0xbf: {  	vm1 =	veq.s32 v32, $0x7;
	v59 =	vadd.s32 v9, v7;
	v60 =	vperm.xlane v10, v0  }
0xc0: {  	v61 =	vnsel vm1, $0x0, v52;
	v5 =	vadd.s32 v57, v59;
	vm1 =	veq.s32 v46, $0x5  }
0xc1: {  	v62 =	vnsel vm1, $0x0, v54;
	vm1 =	veq.s32 v46, $0x6;
	v7 =	vadd.s32 v1, v60  }
0xc2: {  	[tilespmem:$0x80] =	vst v3;
	v3 =	vadd.s32 v62, v5;
	v63 =	vnsel vm1, $0x0, v55;
	vm1 =	veq.s32 v46, $0x7  }
0xc3: {  	[tilespmem:$0x90] =	vst v4;
	v9 =	vadd.s32 v61, v6;
	v3 =	vadd.s32 v63, v3;
	v11 =	vnsel vm1, $0x0, v58  }
0xc4: {  	[tilespmem:$0xA0] =	vst v9;
	v3 =	vadd.s32 v11, v3  }
0xc5: {  	s0 =	simm.s32 $0xC100;
	[tilespmem:$0xB0] =	vst v3;
	v3 =	vperm.xlane v10, v2  }
0xc6: {  	[tilespmem:s0], [sflag:$0x1] =	stream.indirect_vreg.gather [hbm4b:s3+s2], $0x80, v7, vm0, $0xb8;
	[tilespmem:$0x18580] =	vst v63  }
0xc7: {  	s13 =	simm.s32 $0xC900;
	v3 =	vadd.s32 v1, v3  }
0xc8: {  	[tilespmem:s13], [sflag:$0x1] =	stream.indirect_vreg.gather [hbm4b:s4+s2], $0x80, v7, vm0, $0xb8;
	[tilespmem:$0x18580] =	vst v63  }
0xc9: {  	s13 =	simm.s32 $0xD100  }
0xca: {  	[tilespmem:s13], [sflag:$0x1] =	stream.indirect_vreg.gather [hbm4b:s5+s2], $0x80, v7, vm0, $0xb8;
	[tilespmem:$0x18580] =	vst v63  }
0xcb: {  	s13 =	simm.s32 $0xD900  }
0xcc: {  	[tilespmem:s13], [sflag:$0x1] =	stream.indirect_vreg.gather [hbm4b:s3+s2], $0x80, v3, vm0, $0xb8;
	[tilespmem:$0x18580] =	vst v63  }
0xcd: {  	s13 =	simm.s32 $0xE100  }
0xce: {  	[tilespmem:s13], [sflag:$0x1] =	stream.indirect_vreg.gather [hbm4b:s4+s2], $0x80, v3, vm0, $0xb8;
	[tilespmem:$0x18580] =	vst v63  }
0xcf: {  	s13 =	simm.s32 $0xE900  }
0xd0: {  	[tilespmem:s13], [sflag:$0x1] =	stream.indirect_vreg.gather [hbm4b:s5+s2], $0x80, v3, vm0, $0xb8;
	[tilespmem:$0x18580] =	vst v63  }
0xd1: {  	v3 =	vld [tilespmem:$0x90];
	_ =	sdelay $0x4  }
0xd2: {  	v12 =	vshrl.u32 v3, $0x3  }
0xd3: {  	v4 =	vmul.u32 $0x30, v12  }
0xd4: {  	v3 =	vand.u32 $0x7, v3  }
0xd5: {  	v3 =	vor.u32 v3, v4  }
0xd6: {  	v4 =	vperm.xlane v3, v0;
	_ =	sdelay $0x1  }
0xd7: {  	v4 =	vadd.s32 v1, v4;
	_ =	sdelay $0x3  }
0xd8: {  	s13 =	simm.s32 $0xF100;
	v3 =	vperm.xlane v3, v2  }
0xd9: {  	[tilespmem:s13], [sflag:$0x1] =	stream.indirect_vreg.gather [hbm4b:s3+s2], $0x80, v4, vm0, $0xb8;
	[tilespmem:$0x18580] =	vst v63  }
0xda: {  	v3 =	vadd.s32 v1, v3;
	s13 =	simm.s32 $0xF900  }
0xdb: {  	[tilespmem:s13], [sflag:$0x1] =	stream.indirect_vreg.gather [hbm4b:s4+s2], $0x80, v4, vm0, $0xb8;
	[tilespmem:$0x18580] =	vst v63  }
0xdc: {  	s13 =	simm.s32 $0x10100  }
0xdd: {  	[tilespmem:s13], [sflag:$0x1] =	stream.indirect_vreg.gather [hbm4b:s5+s2], $0x80, v4, vm0, $0xb8;
	[tilespmem:$0x18580] =	vst v63  }
0xde: {  	s13 =	simm.s32 $0x10900  }
0xdf: {  	[tilespmem:s13], [sflag:$0x1] =	stream.indirect_vreg.gather [hbm4b:s3+s2], $0x80, v3, vm0, $0xb8;
	[tilespmem:$0x18580] =	vst v63  }
0xe0: {  	s13 =	simm.s32 $0x11100  }
0xe1: {  	[tilespmem:s13], [sflag:$0x1] =	stream.indirect_vreg.gather [hbm4b:s4+s2], $0x80, v3, vm0, $0xb8;
	[tilespmem:$0x18580] =	vst v63  }
0xe2: {  	s13 =	simm.s32 $0x11900  }
0xe3: {  	[tilespmem:s13], [sflag:$0x1] =	stream.indirect_vreg.gather [hbm4b:s5+s2], $0x80, v3, vm0, $0xb8;
	[tilespmem:$0x18580] =	vst v63  }
0xe4: {  	v3 =	vld [tilespmem:$0xA0];
	_ =	sdelay $0x4  }
0xe5: {  	v13 =	vshrl.u32 v3, $0x3  }
0xe6: {  	v4 =	vmul.u32 $0x30, v13  }
0xe7: {  	v3 =	vand.u32 $0x7, v3  }
0xe8: {  	v3 =	vor.u32 v3, v4  }
0xe9: {  	v4 =	vperm.xlane v3, v0;
	_ =	sdelay $0x1  }
0xea: {  	v4 =	vadd.s32 v1, v4;
	_ =	sdelay $0x3  }
0xeb: {  	s13 =	simm.s32 $0x12100;
	v3 =	vperm.xlane v3, v2  }
0xec: {  	[tilespmem:s13], [sflag:$0x1] =	stream.indirect_vreg.gather [hbm4b:s3+s2], $0x80, v4, vm0, $0xb8;
	[tilespmem:$0x18580] =	vst v63  }
0xed: {  	v3 =	vadd.s32 v1, v3;
	s13 =	simm.s32 $0x12900  }
0xee: {  	[tilespmem:s13], [sflag:$0x1] =	stream.indirect_vreg.gather [hbm4b:s4+s2], $0x80, v4, vm0, $0xb8;
	[tilespmem:$0x18580] =	vst v63  }
0xef: {  	s13 =	simm.s32 $0x13100  }
0xf0: {  	[tilespmem:s13], [sflag:$0x1] =	stream.indirect_vreg.gather [hbm4b:s5+s2], $0x80, v4, vm0, $0xb8;
	[tilespmem:$0x18580] =	vst v63  }
0xf1: {  	s13 =	simm.s32 $0x13900  }
0xf2: {  	[tilespmem:s13], [sflag:$0x1] =	stream.indirect_vreg.gather [hbm4b:s3+s2], $0x80, v3, vm0, $0xb8;
	[tilespmem:$0x18580] =	vst v63  }
0xf3: {  	s13 =	simm.s32 $0x14100  }
0xf4: {  	[tilespmem:s13], [sflag:$0x1] =	stream.indirect_vreg.gather [hbm4b:s4+s2], $0x80, v3, vm0, $0xb8;
	[tilespmem:$0x18580] =	vst v63  }
0xf5: {  	s13 =	simm.s32 $0x14900  }
0xf6: {  	[tilespmem:s13], [sflag:$0x1] =	stream.indirect_vreg.gather [hbm4b:s5+s2], $0x80, v3, vm0, $0xb8;
	[tilespmem:$0x18580] =	vst v63  }
0xf7: {  	v3 =	vld [tilespmem:$0xB0];
	_ =	sdelay $0x4  }
0xf8: {  	v14 =	vshrl.u32 v3, $0x3  }
0xf9: {  	v4 =	vmul.u32 $0x30, v14  }
0xfa: {  	v3 =	vand.u32 $0x7, v3  }
0xfb: {  	v3 =	vor.u32 v3, v4  }
0xfc: {  	v4 =	vperm.xlane v3, v0;
	_ =	sdelay $0x1  }
0xfd: {  	v4 =	vadd.s32 v1, v4;
	_ =	sdelay $0x3  }
0xfe: {  	s13 =	simm.s32 $0x15100;
	v3 =	vperm.xlane v3, v2  }
0xff: {  	[tilespmem:s13], [sflag:$0x1] =	stream.indirect_vreg.gather [hbm4b:s3+s2], $0x80, v4, vm0, $0xb8;
	[tilespmem:$0x18580] =	vst v63  }
0x100: {  	v3 =	vadd.s32 v1, v3;
	s13 =	simm.s32 $0x15900  }
0x101: {  	[tilespmem:s13], [sflag:$0x1] =	stream.indirect_vreg.gather [hbm4b:s4+s2], $0x80, v4, vm0, $0xb8;
	[tilespmem:$0x18580] =	vst v63  }
0x102: {  	s13 =	simm.s32 $0x16100  }
0x103: {  	[tilespmem:s13], [sflag:$0x1] =	stream.indirect_vreg.gather [hbm4b:s5+s2], $0x80, v4, vm0, $0xb8;
	[tilespmem:$0x18580] =	vst v63  }
0x104: {  	s13 =	simm.s32 $0x16900  }
0x105: {  	[tilespmem:s13], [sflag:$0x1] =	stream.indirect_vreg.gather [hbm4b:s3+s2], $0x80, v3, vm0, $0xb8;
	[tilespmem:$0x18580] =	vst v63  }
0x106: {  	s13 =	simm.s32 $0x17100  }
0x107: {  	[tilespmem:s13], [sflag:$0x1] =	stream.indirect_vreg.gather [hbm4b:s4+s2], $0x80, v3, vm0, $0xb8;
	[tilespmem:$0x18580] =	vst v63  }
0x108: {  	s13 =	simm.s32 $0x17900  }
0x109: {  	[tilespmem:s13], [sflag:$0x1] =	stream.indirect_vreg.gather [hbm4b:s5+s2], $0x80, v3, vm0, $0xb8;
	[tilespmem:$0x18580] =	vst v63  }
0x10a: {  	_ =	swait.ge [sflag:s12], $0xC000  }
0x10b: {  	[sflag:s12] =	ssyncset.done $0x0  }
0x10c: {  	s13 =	rddreg [dreg:$0x6];
	[sflag:s12] =	ssyncadd.s32 $0xFFFF4000  }
0x10d: {  	[hbm4b:s13+s2] =	stream.linear.scatter [tilespmem:s10], [sflag:$0x2], $0xC000, $0x38;
	[tilespmem:$0x18580] =	vst v63  }
0x10e: {  	_ =	swait.ge [sflag:s7], $0xC000  }
0x10f: {  	[sflag:s7] =	ssyncset.done $0x0  }
0x110: {  	[sflag:s7] =	ssyncadd.s32 $0xFFFF4000  }
0x111: {  	_ =	swait.ge [sflag:s12], $0xC000  }
0x112: {  	[sflag:s12] =	ssyncset.done $0x0  }
0x113: {  	s13 =	rddreg [dreg:$0x7];
	[sflag:s12] =	ssyncadd.s32 $0xFFFF4000  }
0x114: {  	[hbm4b:s13+s2] =	stream.linear.scatter [tilespmem:s0], [sflag:$0x2], $0xC000, $0x38;
	[tilespmem:$0x18580] =	vst v63  }
0x115: {  	_ =	swait.ge [sflag:s7], $0xC000  }
0x116: {  	[sflag:s7] =	ssyncset.done $0x0  }
0x117: {  	s13 =	rddreg [dreg:$0x8];
	[sflag:s7] =	ssyncadd.s32 $0xFFFF4000  }
0x118: {  	[tilespmem:s9], [sflag:$0x2] =	stream.linear.gather [hbm4b:s13+s2], $0x40, $0x38;
	[tilespmem:$0x18580] =	vst v63  }
0x119: {  	_ =	swait.ge [sflag:s7], $0x40  }
0x11a: {  	[sflag:s7] =	ssyncset.done $0x0  }
0x11b: {  	[sflag:s7] =	ssyncadd.s32 $0xFFFFFFC0  }
0x11c: {  	v3 =	vld [tilespmem:$0x18100]  }
0x11d: {  	v15 =	vld [tilespmem:$0x18180]  }
0x11e: {  	v26 =	vld [tilespmem:$0x18110]  }
0x11f: {  	v41 =	vld [tilespmem:$0x18120]  }
0x120: {  	v55 =	vld [tilespmem:$0x18130]  }
0x121: {  	v16 =	vld [tilespmem:$0x18200]  }
0x122: {  	v17 =	vld [tilespmem:$0x18280];
	v19 =	vshra.s32 v3, $0xD  }
0x123: {  	v18 =	vld [tilespmem:$0x18300];
	v3 =	vand.u32 $0x1FFF, v3;
	v36 =	vshra.s32 v26, $0xD;
	v6 =	vand.u32 $0x1FFF, v26  }
0x124: {  	v20 =	vld [tilespmem:$0x18380];
	v49 =	vshra.s32 v41, $0xD;
	v9 =	vand.u32 $0x1FFF, v41;
	vm1 =	veq.s32 v19, $0x0  }
0x125: {  	v21 =	vld [tilespmem:$0x18400];
	v63 =	vshra.s32 v55, $0xD;
	v4 =	vnsel vm1, $0x0, v15;
	vm1 =	veq.s32 v19, $0x1  }
0x126: {  	v22 =	vld [tilespmem:$0x18480];
	v11 =	vand.u32 $0x1FFF, v55;
	v23 =	vnsel vm1, $0x0, v16;
	vm1 =	veq.s32 v19, $0x2  }
0x127: {  	v24 =	vld [tilespmem:$0x18500];
	v3 =	vadd.s32 v3, v4;
	v25 =	vnsel vm1, $0x0, v17;
	vm1 =	veq.s32 v19, $0x3  }
0x128: {  	v28 =	vld [tilespmem:$0x18180];
	v3 =	vadd.s32 v23, v3;
	v27 =	vnsel vm1, $0x0, v18;
	vm1 =	veq.s32 v19, $0x4  }
0x129: {  	v30 =	vld [tilespmem:$0x18200];
	v3 =	vadd.s32 v25, v3;
	v29 =	vnsel vm1, $0x0, v20;
	vm1 =	veq.s32 v19, $0x5  }
0x12a: {  	v32 =	vld [tilespmem:$0x18280];
	v3 =	vadd.s32 v27, v3;
	v31 =	vnsel vm1, $0x0, v21;
	vm1 =	veq.s32 v19, $0x6  }
0x12b: {  	v34 =	vld [tilespmem:$0x18300];
	v3 =	vadd.s32 v29, v3;
	v33 =	vnsel vm1, $0x0, v22;
	vm1 =	veq.s32 v19, $0x7  }
0x12c: {  	v37 =	vld [tilespmem:$0x18380];
	v3 =	vadd.s32 v31, v3;
	v35 =	vnsel vm1, $0x0, v24;
	vm1 =	veq.s32 v36, $0x0  }
0x12d: {  	v38 =	vld [tilespmem:$0x18400];
	v3 =	vadd.s32 v33, v3;
	v7 =	vnsel vm1, $0x0, v28;
	vm1 =	veq.s32 v36, $0x1  }
0x12e: {  	v39 =	vld [tilespmem:$0x18480];
	v3 =	vadd.s32 v35, v3;
	v40 =	vnsel vm1, $0x0, v30;
	vm1 =	veq.s32 v36, $0x2  }
0x12f: {  	v43 =	vld [tilespmem:$0x18500];
	v6 =	vadd.s32 v6, v7;
	v42 =	vnsel vm1, $0x0, v32;
	vm1 =	veq.s32 v36, $0x3  }
0x130: {  	v45 =	vld [tilespmem:$0x18180];
	v25 =	vshrl.u32 v3, $0x3;
	v44 =	vnsel vm1, $0x0, v34;
	vm1 =	veq.s32 v36, $0x4  }
0x131: {  	v47 =	vld [tilespmem:$0x18200];
	v28 =	vand.u32 $0x7, v3;
	v46 =	vnsel vm1, $0x0, v37;
	vm1 =	veq.s32 v36, $0x5  }
0x132: {  	v48 =	vld [tilespmem:$0x18280];
	v6 =	vadd.s32 v40, v6;
	v4 =	vnsel vm1, $0x0, v38;
	vm1 =	veq.s32 v36, $0x6  }
0x133: {  	v50 =	vld [tilespmem:$0x18300];
	v6 =	vadd.s32 v42, v6;
	v12 =	vnsel vm1, $0x0, v39;
	vm1 =	veq.s32 v36, $0x7  }
0x134: {  	v52 =	vld [tilespmem:$0x18380];
	v6 =	vadd.s32 v44, v6;
	v51 =	vnsel vm1, $0x0, v43;
	vm1 =	veq.s32 v49, $0x0  }
0x135: {  	v53 =	vld [tilespmem:$0x18400];
	v6 =	vadd.s32 v46, v6;
	v8 =	vnsel vm1, $0x0, v45;
	vm1 =	veq.s32 v49, $0x1  }
0x136: {  	v56 =	vld [tilespmem:$0x18480];
	v4 =	vadd.s32 v4, v6;
	v54 =	vnsel vm1, $0x0, v47;
	vm1 =	veq.s32 v49, $0x2  }
0x137: {  	v58 =	vld [tilespmem:$0x18180];
	v4 =	vadd.s32 v12, v4;
	v7 =	vnsel vm1, $0x0, v48;
	vm1 =	veq.s32 v49, $0x3  }
0x138: {  	v60 =	vld [tilespmem:$0x18200];
	v4 =	vadd.s32 v51, v4;
	v57 =	vnsel vm1, $0x0, v50;
	vm1 =	veq.s32 v49, $0x4  }
0x139: {  	v8 =	vadd.s32 v9, v8;
	v59 =	vnsel vm1, $0x0, v52;
	vm1 =	veq.s32 v49, $0x5  }
0x13a: {  	v19 =	vld [tilespmem:$0x18280];
	v8 =	vadd.s32 v54, v8;
	v62 =	vnsel vm1, $0x0, v53;
	vm1 =	veq.s32 v49, $0x6  }
0x13b: {  	v21 =	vld [tilespmem:$0x18300];
	v7 =	vadd.s32 v7, v8;
	v20 =	vnsel vm1, $0x0, v56;
	vm1 =	veq.s32 v63, $0x0  }
0x13c: {  	v22 =	vld [tilespmem:$0x18380];
	v7 =	vadd.s32 v57, v7;
	v13 =	vnsel vm1, $0x0, v58;
	vm1 =	veq.s32 v63, $0x1  }
0x13d: {  	v61 =	vadd.s32 v59, v7;
	v23 =	vadd.s32 v11, v13;
	v10 =	vnsel vm1, $0x0, v60  }
0x13e: {  	v24 =	vld [tilespmem:$0x18500];
	v6 =	vadd.s32 v62, v61;
	vm1 =	veq.s32 v63, $0x2;
	v7 =	vadd.s32 v10, v23  }
0x13f: {  	v26 =	vld [tilespmem:$0x18400];
	v12 =	vnsel vm1, $0x0, v19;
	vm1 =	veq.s32 v63, $0x3;
	v10 =	vmul.u32 $0x30, v25  }
0x140: {  	v27 =	vld [tilespmem:$0x18480];
	v6 =	vadd.s32 v20, v6;
	v9 =	vnsel vm1, $0x0, v21;
	vm1 =	veq.s32 v63, $0x4  }
0x141: {  	v30 =	vld [tilespmem:$0x18500];
	v7 =	vadd.s32 v12, v7;
	v29 =	vnsel vm1, $0x0, v22;
	v10 =	vor.u32 v28, v10  }
0x142: {  	vm1 =	veq.s32 v49, $0x7;
	v31 =	vadd.s32 v9, v7;
	v32 =	vperm.xlane v10, v0  }
0x143: {  	v33 =	vnsel vm1, $0x0, v24;
	v5 =	vadd.s32 v29, v31;
	vm1 =	veq.s32 v63, $0x5  }
0x144: {  	v34 =	vnsel vm1, $0x0, v26;
	vm1 =	veq.s32 v63, $0x6;
	v7 =	vadd.s32 v1, v32  }
0x145: {  	[tilespmem:$0x0] =	vst v3;
	v3 =	vadd.s32 v34, v5;
	v35 =	vnsel vm1, $0x0, v27;
	vm1 =	veq.s32 v63, $0x7  }
0x146: {  	[tilespmem:$0x10] =	vst v4;
	v36 =	vadd.s32 v33, v6;
	v3 =	vadd.s32 v35, v3;
	v37 =	vnsel vm1, $0x0, v30  }
0x147: {  	[tilespmem:$0x20] =	vst v36;
	v3 =	vadd.s32 v37, v3  }
0x148: {  	[tilespmem:$0x30] =	vst v3;
	v3 =	vperm.xlane v10, v2  }
0x149: {  	[tilespmem:s10], [sflag:$0x1] =	stream.indirect_vreg.gather [hbm4b:s3+s2], $0x80, v7, vm0, $0xb8;
	[tilespmem:$0x18580] =	vst v63  }
0x14a: {  	v3 =	vadd.s32 v1, v3  }
0x14b: {  	[tilespmem:s14], [sflag:$0x1] =	stream.indirect_vreg.gather [hbm4b:s4+s2], $0x80, v7, vm0, $0xb8;
	[tilespmem:$0x18580] =	vst v63  }
0x14c: {  	_ = 	snop  }
0x14d: {  	[tilespmem:s15], [sflag:$0x1] =	stream.indirect_vreg.gather [hbm4b:s5+s2], $0x80, v7, vm0, $0xb8;
	[tilespmem:$0x18580] =	vst v63  }
0x14e: {  	_ = 	snop  }
0x14f: {  	[tilespmem:s16], [sflag:$0x1] =	stream.indirect_vreg.gather [hbm4b:s3+s2], $0x80, v3, vm0, $0xb8;
	[tilespmem:$0x18580] =	vst v63  }
0x150: {  	_ = 	snop  }
0x151: {  	[tilespmem:s17], [sflag:$0x1] =	stream.indirect_vreg.gather [hbm4b:s4+s2], $0x80, v3, vm0, $0xb8;
	[tilespmem:$0x18580] =	vst v63  }
0x152: {  	_ = 	snop  }
0x153: {  	[tilespmem:s18], [sflag:$0x1] =	stream.indirect_vreg.gather [hbm4b:s5+s2], $0x80, v3, vm0, $0xb8;
	[tilespmem:$0x18580] =	vst v63  }
0x154: {  	v3 =	vld [tilespmem:$0x10];
	_ =	sdelay $0x4  }
0x155: {  	v38 =	vshrl.u32 v3, $0x3  }
0x156: {  	v4 =	vmul.u32 $0x30, v38  }
0x157: {  	v3 =	vand.u32 $0x7, v3  }
0x158: {  	v3 =	vor.u32 v3, v4  }
0x159: {  	v4 =	vperm.xlane v3, v0;
	_ =	sdelay $0x1  }
0x15a: {  	v4 =	vadd.s32 v1, v4;
	_ =	sdelay $0x3  }
0x15b: {  	v3 =	vperm.xlane v3, v2  }
0x15c: {  	[tilespmem:s19], [sflag:$0x1] =	stream.indirect_vreg.gather [hbm4b:s3+s2], $0x80, v4, vm0, $0xb8;
	[tilespmem:$0x18580] =	vst v63  }
0x15d: {  	v3 =	vadd.s32 v1, v3  }
0x15e: {  	[tilespmem:s20], [sflag:$0x1] =	stream.indirect_vreg.gather [hbm4b:s4+s2], $0x80, v4, vm0, $0xb8;
	[tilespmem:$0x18580] =	vst v63  }
0x15f: {  	_ = 	snop  }
0x160: {  	[tilespmem:s21], [sflag:$0x1] =	stream.indirect_vreg.gather [hbm4b:s5+s2], $0x80, v4, vm0, $0xb8;
	[tilespmem:$0x18580] =	vst v63  }
0x161: {  	_ = 	snop  }
0x162: {  	[tilespmem:s22], [sflag:$0x1] =	stream.indirect_vreg.gather [hbm4b:s3+s2], $0x80, v3, vm0, $0xb8;
	[tilespmem:$0x18580] =	vst v63  }
0x163: {  	_ = 	snop  }
0x164: {  	[tilespmem:s23], [sflag:$0x1] =	stream.indirect_vreg.gather [hbm4b:s4+s2], $0x80, v3, vm0, $0xb8;
	[tilespmem:$0x18580] =	vst v63  }
0x165: {  	_ = 	snop  }
0x166: {  	[tilespmem:s24], [sflag:$0x1] =	stream.indirect_vreg.gather [hbm4b:s5+s2], $0x80, v3, vm0, $0xb8;
	[tilespmem:$0x18580] =	vst v63  }
0x167: {  	v3 =	vld [tilespmem:$0x20];
	_ =	sdelay $0x4  }
0x168: {  	v39 =	vshrl.u32 v3, $0x3  }
0x169: {  	v4 =	vmul.u32 $0x30, v39  }
0x16a: {  	v3 =	vand.u32 $0x7, v3  }
0x16b: {  	v3 =	vor.u32 v3, v4  }
0x16c: {  	v4 =	vperm.xlane v3, v0;
	_ =	sdelay $0x1  }
0x16d: {  	v4 =	vadd.s32 v1, v4;
	_ =	sdelay $0x3  }
0x16e: {  	v3 =	vperm.xlane v3, v2  }
0x16f: {  	[tilespmem:s25], [sflag:$0x1] =	stream.indirect_vreg.gather [hbm4b:s3+s2], $0x80, v4, vm0, $0xb8;
	[tilespmem:$0x18580] =	vst v63  }
0x170: {  	v3 =	vadd.s32 v1, v3  }
0x171: {  	[tilespmem:s26], [sflag:$0x1] =	stream.indirect_vreg.gather [hbm4b:s4+s2], $0x80, v4, vm0, $0xb8;
	[tilespmem:$0x18580] =	vst v63  }
0x172: {  	_ = 	snop  }
0x173: {  	[tilespmem:s28], [sflag:$0x1] =	stream.indirect_vreg.gather [hbm4b:s5+s2], $0x80, v4, vm0, $0xb8;
	[tilespmem:$0x18580] =	vst v63  }
0x174: {  	_ = 	snop  }
0x175: {  	[tilespmem:s29], [sflag:$0x1] =	stream.indirect_vreg.gather [hbm4b:s3+s2], $0x80, v3, vm0, $0xb8;
	[tilespmem:$0x18580] =	vst v63  }
0x176: {  	_ = 	snop  }
0x177: {  	[tilespmem:s30], [sflag:$0x1] =	stream.indirect_vreg.gather [hbm4b:s4+s2], $0x80, v3, vm0, $0xb8;
	[tilespmem:$0x18580] =	vst v63  }
0x178: {  	_ = 	snop  }
0x179: {  	[tilespmem:s31], [sflag:$0x1] =	stream.indirect_vreg.gather [hbm4b:s5+s2], $0x80, v3, vm0, $0xb8;
	[tilespmem:$0x18580] =	vst v63  }
0x17a: {  	v3 =	vld [tilespmem:$0x30];
	_ =	sdelay $0x4  }
0x17b: {  	v40 =	vshrl.u32 v3, $0x3  }
0x17c: {  	v4 =	vmul.u32 $0x30, v40  }
0x17d: {  	v3 =	vand.u32 $0x7, v3  }
0x17e: {  	v3 =	vor.u32 v3, v4  }
0x17f: {  	v4 =	vperm.xlane v3, v0;
	_ =	sdelay $0x1  }
0x180: {  	v4 =	vadd.s32 v1, v4;
	_ =	sdelay $0x3  }
0x181: {  	s14 =	simm.s32 $0x9100;
	v3 =	vperm.xlane v3, v2  }
0x182: {  	[tilespmem:s14], [sflag:$0x1] =	stream.indirect_vreg.gather [hbm4b:s3+s2], $0x80, v4, vm0, $0xb8;
	[tilespmem:$0x18580] =	vst v63  }
0x183: {  	v3 =	vadd.s32 v1, v3  }
0x184: {  	[tilespmem:s1], [sflag:$0x1] =	stream.indirect_vreg.gather [hbm4b:s4+s2], $0x80, v4, vm0, $0xb8;
	[tilespmem:$0x18580] =	vst v63  }
0x185: {  	_ = 	snop  }
0x186: {  	[tilespmem:s11], [sflag:$0x1] =	stream.indirect_vreg.gather [hbm4b:s5+s2], $0x80, v4, vm0, $0xb8;
	[tilespmem:$0x18580] =	vst v63  }
0x187: {  	_ = 	snop  }
0x188: {  	[tilespmem:s8], [sflag:$0x1] =	stream.indirect_vreg.gather [hbm4b:s3+s2], $0x80, v3, vm0, $0xb8;
	[tilespmem:$0x18580] =	vst v63  }
0x189: {  	s13 =	simm.s32 $0xB100  }
0x18a: {  	[tilespmem:s13], [sflag:$0x1] =	stream.indirect_vreg.gather [hbm4b:s4+s2], $0x80, v3, vm0, $0xb8;
	[tilespmem:$0x18580] =	vst v63  }
0x18b: {  	s14 =	simm.s32 $0xB900  }
0x18c: {  	[tilespmem:s14], [sflag:$0x1] =	stream.indirect_vreg.gather [hbm4b:s5+s2], $0x80, v3, vm0, $0xb8;
	[tilespmem:$0x18580] =	vst v63  }
0x18d: {  	s13 =	rddreg [dreg:$0x9]  }
0x18e: {  	[tilespmem:s9], [sflag:$0x2] =	stream.linear.gather [hbm4b:s13+s2], $0x40, $0x38;
	[tilespmem:$0x18580] =	vst v63  }
0x18f: {  	_ =	swait.ge [sflag:s7], $0x40  }
0x190: {  	[sflag:s7] =	ssyncset.done $0x0  }
0x191: {  	[sflag:s7] =	ssyncadd.s32 $0xFFFFFFC0  }
0x192: {  	v3 =	vld [tilespmem:$0x18100]  }
0x193: {  	v41 =	vld [tilespmem:$0x18180]  }
0x194: {  	v52 =	vld [tilespmem:$0x18110]  }
0x195: {  	v19 =	vld [tilespmem:$0x18120]  }
0x196: {  	v33 =	vld [tilespmem:$0x18130]  }
0x197: {  	v42 =	vld [tilespmem:$0x18200]  }
0x198: {  	v43 =	vld [tilespmem:$0x18280];
	v45 =	vshra.s32 v3, $0xD  }
0x199: {  	v44 =	vld [tilespmem:$0x18300];
	v3 =	vand.u32 $0x1FFF, v3;
	v62 =	vshra.s32 v52, $0xD;
	v6 =	vand.u32 $0x1FFF, v52  }
0x19a: {  	v46 =	vld [tilespmem:$0x18380];
	v27 =	vshra.s32 v19, $0xD;
	v9 =	vand.u32 $0x1FFF, v19;
	vm1 =	veq.s32 v45, $0x0  }
0x19b: {  	v47 =	vld [tilespmem:$0x18400];
	v11 =	vand.u32 $0x1FFF, v33;
	v4 =	vnsel vm1, $0x0, v41;
	vm1 =	veq.s32 v45, $0x1  }
0x19c: {  	v48 =	vld [tilespmem:$0x18480];
	v41 =	vshra.s32 v33, $0xD;
	v49 =	vnsel vm1, $0x0, v42;
	vm1 =	veq.s32 v45, $0x2  }
0x19d: {  	v50 =	vld [tilespmem:$0x18500];
	v3 =	vadd.s32 v3, v4;
	v51 =	vnsel vm1, $0x0, v43;
	vm1 =	veq.s32 v45, $0x3  }
0x19e: {  	v54 =	vld [tilespmem:$0x18180];
	v3 =	vadd.s32 v49, v3;
	v53 =	vnsel vm1, $0x0, v44;
	vm1 =	veq.s32 v45, $0x4  }
0x19f: {  	v56 =	vld [tilespmem:$0x18200];
	v3 =	vadd.s32 v51, v3;
	v55 =	vnsel vm1, $0x0, v46;
	vm1 =	veq.s32 v45, $0x5  }
0x1a0: {  	v58 =	vld [tilespmem:$0x18280];
	v3 =	vadd.s32 v53, v3;
	v57 =	vnsel vm1, $0x0, v47;
	vm1 =	veq.s32 v45, $0x6  }
0x1a1: {  	v60 =	vld [tilespmem:$0x18300];
	v3 =	vadd.s32 v55, v3;
	v59 =	vnsel vm1, $0x0, v48;
	vm1 =	veq.s32 v45, $0x7  }
0x1a2: {  	v63 =	vld [tilespmem:$0x18380];
	v3 =	vadd.s32 v57, v3;
	v61 =	vnsel vm1, $0x0, v50;
	vm1 =	veq.s32 v62, $0x0  }
0x1a3: {  	v16 =	vld [tilespmem:$0x18400];
	v3 =	vadd.s32 v59, v3;
	v7 =	vnsel vm1, $0x0, v54;
	vm1 =	veq.s32 v62, $0x1  }
0x1a4: {  	v17 =	vld [tilespmem:$0x18480];
	v3 =	vadd.s32 v61, v3;
	v18 =	vnsel vm1, $0x0, v56;
	vm1 =	veq.s32 v62, $0x2  }
0x1a5: {  	v21 =	vld [tilespmem:$0x18500];
	v6 =	vadd.s32 v6, v7;
	v20 =	vnsel vm1, $0x0, v58;
	vm1 =	veq.s32 v62, $0x3  }
0x1a6: {  	v23 =	vld [tilespmem:$0x18180];
	v48 =	vshrl.u32 v3, $0x3;
	v22 =	vnsel vm1, $0x0, v60;
	vm1 =	veq.s32 v62, $0x4  }
0x1a7: {  	v25 =	vld [tilespmem:$0x18200];
	v51 =	vand.u32 $0x7, v3;
	v24 =	vnsel vm1, $0x0, v63;
	vm1 =	veq.s32 v62, $0x5  }
0x1a8: {  	v26 =	vld [tilespmem:$0x18280];
	v6 =	vadd.s32 v18, v6;
	v4 =	vnsel vm1, $0x0, v16;
	vm1 =	veq.s32 v62, $0x6  }
0x1a9: {  	v28 =	vld [tilespmem:$0x18300];
	v6 =	vadd.s32 v20, v6;
	v12 =	vnsel vm1, $0x0, v17;
	vm1 =	veq.s32 v62, $0x7  }
0x1aa: {  	v30 =	vld [tilespmem:$0x18380];
	v6 =	vadd.s32 v22, v6;
	v29 =	vnsel vm1, $0x0, v21;
	vm1 =	veq.s32 v27, $0x0  }
0x1ab: {  	v31 =	vld [tilespmem:$0x18400];
	v6 =	vadd.s32 v24, v6;
	v8 =	vnsel vm1, $0x0, v23;
	vm1 =	veq.s32 v27, $0x1  }
0x1ac: {  	v34 =	vld [tilespmem:$0x18480];
	v4 =	vadd.s32 v4, v6;
	v32 =	vnsel vm1, $0x0, v25;
	vm1 =	veq.s32 v27, $0x2  }
0x1ad: {  	v36 =	vld [tilespmem:$0x18180];
	v4 =	vadd.s32 v12, v4;
	v7 =	vnsel vm1, $0x0, v26;
	vm1 =	veq.s32 v27, $0x3  }
0x1ae: {  	v38 =	vld [tilespmem:$0x18200];
	v4 =	vadd.s32 v29, v4;
	v35 =	vnsel vm1, $0x0, v28;
	vm1 =	veq.s32 v27, $0x4  }
0x1af: {  	v8 =	vadd.s32 v9, v8;
	v37 =	vnsel vm1, $0x0, v30;
	vm1 =	veq.s32 v27, $0x5  }
0x1b0: {  	v42 =	vld [tilespmem:$0x18280];
	v8 =	vadd.s32 v32, v8;
	v40 =	vnsel vm1, $0x0, v31;
	vm1 =	veq.s32 v27, $0x6  }
0x1b1: {  	v44 =	vld [tilespmem:$0x18300];
	v7 =	vadd.s32 v7, v8;
	v43 =	vnsel vm1, $0x0, v34;
	vm1 =	veq.s32 v41, $0x0  }
0x1b2: {  	v45 =	vld [tilespmem:$0x18380];
	v7 =	vadd.s32 v35, v7;
	v13 =	vnsel vm1, $0x0, v36;
	vm1 =	veq.s32 v41, $0x1  }
0x1b3: {  	v39 =	vadd.s32 v37, v7;
	v46 =	vadd.s32 v11, v13;
	v10 =	vnsel vm1, $0x0, v38  }
0x1b4: {  	v47 =	vld [tilespmem:$0x18500];
	v6 =	vadd.s32 v40, v39;
	vm1 =	veq.s32 v41, $0x2;
	v7 =	vadd.s32 v10, v46  }
0x1b5: {  	v49 =	vld [tilespmem:$0x18400];
	v12 =	vnsel vm1, $0x0, v42;
	vm1 =	veq.s32 v41, $0x3;
	v10 =	vmul.u32 $0x30, v48  }
0x1b6: {  	v50 =	vld [tilespmem:$0x18480];
	v6 =	vadd.s32 v43, v6;
	v9 =	vnsel vm1, $0x0, v44;
	vm1 =	veq.s32 v41, $0x4  }
0x1b7: {  	v53 =	vld [tilespmem:$0x18500];
	v7 =	vadd.s32 v12, v7;
	v52 =	vnsel vm1, $0x0, v45;
	v10 =	vor.u32 v51, v10  }
0x1b8: {  	vm1 =	veq.s32 v27, $0x7;
	v54 =	vadd.s32 v9, v7;
	v55 =	vperm.xlane v10, v0  }
0x1b9: {  	v5 =	vadd.s32 v52, v54;
	v56 =	vnsel vm1, $0x0, v47;
	vm1 =	veq.s32 v41, $0x5  }
0x1ba: {  	v57 =	vnsel vm1, $0x0, v49;
	vm1 =	veq.s32 v41, $0x6;
	v7 =	vadd.s32 v1, v55  }
0x1bb: {  	[tilespmem:$0x80] =	vst v3;
	v3 =	vadd.s32 v57, v5;
	v58 =	vnsel vm1, $0x0, v50;
	vm1 =	veq.s32 v41, $0x7  }
0x1bc: {  	[tilespmem:$0x90] =	vst v4;
	v59 =	vadd.s32 v56, v6;
	v3 =	vadd.s32 v58, v3;
	v60 =	vnsel vm1, $0x0, v53  }
0x1bd: {  	[tilespmem:$0xA0] =	vst v59;
	v3 =	vadd.s32 v60, v3  }
0x1be: {  	[tilespmem:$0xB0] =	vst v3;
	v3 =	vperm.xlane v10, v2  }
0x1bf: {  	[tilespmem:s0], [sflag:$0x1] =	stream.indirect_vreg.gather [hbm4b:s3+s2], $0x80, v7, vm0, $0xb8;
	[tilespmem:$0x18580] =	vst v63  }
0x1c0: {  	s14 =	simm.s32 $0xC900;
	v3 =	vadd.s32 v1, v3  }
0x1c1: {  	[tilespmem:s14], [sflag:$0x1] =	stream.indirect_vreg.gather [hbm4b:s4+s2], $0x80, v7, vm0, $0xb8;
	[tilespmem:$0x18580] =	vst v63  }
0x1c2: {  	s13 =	simm.s32 $0xD100  }
0x1c3: {  	[tilespmem:s13], [sflag:$0x1] =	stream.indirect_vreg.gather [hbm4b:s5+s2], $0x80, v7, vm0, $0xb8;
	[tilespmem:$0x18580] =	vst v63  }
0x1c4: {  	s14 =	simm.s32 $0xD900  }
0x1c5: {  	[tilespmem:s14], [sflag:$0x1] =	stream.indirect_vreg.gather [hbm4b:s3+s2], $0x80, v3, vm0, $0xb8;
	[tilespmem:$0x18580] =	vst v63  }
0x1c6: {  	s13 =	simm.s32 $0xE100  }
0x1c7: {  	[tilespmem:s13], [sflag:$0x1] =	stream.indirect_vreg.gather [hbm4b:s4+s2], $0x80, v3, vm0, $0xb8;
	[tilespmem:$0x18580] =	vst v63  }
0x1c8: {  	s14 =	simm.s32 $0xE900  }
0x1c9: {  	[tilespmem:s14], [sflag:$0x1] =	stream.indirect_vreg.gather [hbm4b:s5+s2], $0x80, v3, vm0, $0xb8;
	[tilespmem:$0x18580] =	vst v63  }
0x1ca: {  	v3 =	vld [tilespmem:$0x90];
	_ =	sdelay $0x4  }
0x1cb: {  	v61 =	vshrl.u32 v3, $0x3  }
0x1cc: {  	v4 =	vmul.u32 $0x30, v61  }
0x1cd: {  	v3 =	vand.u32 $0x7, v3  }
0x1ce: {  	v3 =	vor.u32 v3, v4  }
0x1cf: {  	v4 =	vperm.xlane v3, v0;
	_ =	sdelay $0x1  }
0x1d0: {  	v4 =	vadd.s32 v1, v4;
	_ =	sdelay $0x3  }
0x1d1: {  	s13 =	simm.s32 $0xF100;
	v3 =	vperm.xlane v3, v2  }
0x1d2: {  	[tilespmem:s13], [sflag:$0x1] =	stream.indirect_vreg.gather [hbm4b:s3+s2], $0x80, v4, vm0, $0xb8;
	[tilespmem:$0x18580] =	vst v63  }
0x1d3: {  	s14 =	simm.s32 $0xF900;
	v3 =	vadd.s32 v1, v3  }
0x1d4: {  	[tilespmem:s14], [sflag:$0x1] =	stream.indirect_vreg.gather [hbm4b:s4+s2], $0x80, v4, vm0, $0xb8;
	[tilespmem:$0x18580] =	vst v63  }
0x1d5: {  	s13 =	simm.s32 $0x10100  }
0x1d6: {  	[tilespmem:s13], [sflag:$0x1] =	stream.indirect_vreg.gather [hbm4b:s5+s2], $0x80, v4, vm0, $0xb8;
	[tilespmem:$0x18580] =	vst v63  }
0x1d7: {  	s14 =	simm.s32 $0x10900  }
0x1d8: {  	[tilespmem:s14], [sflag:$0x1] =	stream.indirect_vreg.gather [hbm4b:s3+s2], $0x80, v3, vm0, $0xb8;
	[tilespmem:$0x18580] =	vst v63  }
0x1d9: {  	s13 =	simm.s32 $0x11100  }
0x1da: {  	[tilespmem:s13], [sflag:$0x1] =	stream.indirect_vreg.gather [hbm4b:s4+s2], $0x80, v3, vm0, $0xb8;
	[tilespmem:$0x18580] =	vst v63  }
0x1db: {  	s14 =	simm.s32 $0x11900  }
0x1dc: {  	[tilespmem:s14], [sflag:$0x1] =	stream.indirect_vreg.gather [hbm4b:s5+s2], $0x80, v3, vm0, $0xb8;
	[tilespmem:$0x18580] =	vst v63  }
0x1dd: {  	v3 =	vld [tilespmem:$0xA0];
	_ =	sdelay $0x4  }
0x1de: {  	v62 =	vshrl.u32 v3, $0x3  }
0x1df: {  	v4 =	vmul.u32 $0x30, v62  }
0x1e0: {  	v3 =	vand.u32 $0x7, v3  }
0x1e1: {  	v3 =	vor.u32 v3, v4  }
0x1e2: {  	v4 =	vperm.xlane v3, v0;
	_ =	sdelay $0x1  }
0x1e3: {  	v4 =	vadd.s32 v1, v4;
	_ =	sdelay $0x3  }
0x1e4: {  	s13 =	simm.s32 $0x12100;
	v3 =	vperm.xlane v3, v2  }
0x1e5: {  	[tilespmem:s13], [sflag:$0x1] =	stream.indirect_vreg.gather [hbm4b:s3+s2], $0x80, v4, vm0, $0xb8;
	[tilespmem:$0x18580] =	vst v63  }
0x1e6: {  	s14 =	simm.s32 $0x12900;
	v3 =	vadd.s32 v1, v3  }
0x1e7: {  	[tilespmem:s14], [sflag:$0x1] =	stream.indirect_vreg.gather [hbm4b:s4+s2], $0x80, v4, vm0, $0xb8;
	[tilespmem:$0x18580] =	vst v63  }
0x1e8: {  	s13 =	simm.s32 $0x13100  }
0x1e9: {  	[tilespmem:s13], [sflag:$0x1] =	stream.indirect_vreg.gather [hbm4b:s5+s2], $0x80, v4, vm0, $0xb8;
	[tilespmem:$0x18580] =	vst v63  }
0x1ea: {  	s14 =	simm.s32 $0x13900  }
0x1eb: {  	[tilespmem:s14], [sflag:$0x1] =	stream.indirect_vreg.gather [hbm4b:s3+s2], $0x80, v3, vm0, $0xb8;
	[tilespmem:$0x18580] =	vst v63  }
0x1ec: {  	s13 =	simm.s32 $0x14100  }
0x1ed: {  	[tilespmem:s13], [sflag:$0x1] =	stream.indirect_vreg.gather [hbm4b:s4+s2], $0x80, v3, vm0, $0xb8;
	[tilespmem:$0x18580] =	vst v63  }
0x1ee: {  	s14 =	simm.s32 $0x14900  }
0x1ef: {  	[tilespmem:s14], [sflag:$0x1] =	stream.indirect_vreg.gather [hbm4b:s5+s2], $0x80, v3, vm0, $0xb8;
	[tilespmem:$0x18580] =	vst v63  }
0x1f0: {  	v3 =	vld [tilespmem:$0xB0];
	_ =	sdelay $0x4  }
0x1f1: {  	v63 =	vshrl.u32 v3, $0x3  }
0x1f2: {  	v4 =	vmul.u32 $0x30, v63  }
0x1f3: {  	v3 =	vand.u32 $0x7, v3  }
0x1f4: {  	v3 =	vor.u32 v3, v4  }
0x1f5: {  	v4 =	vperm.xlane v3, v0;
	_ =	sdelay $0x1  }
0x1f6: {  	v4 =	vadd.s32 v1, v4;
	_ =	sdelay $0x3  }
0x1f7: {  	s13 =	simm.s32 $0x15100;
	v3 =	vperm.xlane v3, v2  }
0x1f8: {  	[tilespmem:s13], [sflag:$0x1] =	stream.indirect_vreg.gather [hbm4b:s3+s2], $0x80, v4, vm0, $0xb8;
	[tilespmem:$0x18580] =	vst v63  }
0x1f9: {  	s14 =	simm.s32 $0x15900;
	v3 =	vadd.s32 v1, v3  }
0x1fa: {  	[tilespmem:s14], [sflag:$0x1] =	stream.indirect_vreg.gather [hbm4b:s4+s2], $0x80, v4, vm0, $0xb8;
	[tilespmem:$0x18580] =	vst v63  }
0x1fb: {  	s13 =	simm.s32 $0x16100  }
0x1fc: {  	[tilespmem:s13], [sflag:$0x1] =	stream.indirect_vreg.gather [hbm4b:s5+s2], $0x80, v4, vm0, $0xb8;
	[tilespmem:$0x18580] =	vst v63  }
0x1fd: {  	s14 =	simm.s32 $0x16900  }
0x1fe: {  	[tilespmem:s14], [sflag:$0x1] =	stream.indirect_vreg.gather [hbm4b:s3+s2], $0x80, v3, vm0, $0xb8;
	[tilespmem:$0x18580] =	vst v63  }
0x1ff: {  	s13 =	simm.s32 $0x17100  }
0x200: {  	[tilespmem:s13], [sflag:$0x1] =	stream.indirect_vreg.gather [hbm4b:s4+s2], $0x80, v3, vm0, $0xb8;
	[tilespmem:$0x18580] =	vst v63  }
0x201: {  	s14 =	simm.s32 $0x17900  }
0x202: {  	[tilespmem:s14], [sflag:$0x1] =	stream.indirect_vreg.gather [hbm4b:s5+s2], $0x80, v3, vm0, $0xb8;
	[tilespmem:$0x18580] =	vst v63  }
0x203: {  	_ =	swait.ge [sflag:s12], $0xC000  }
0x204: {  	[sflag:s12] =	ssyncset.done $0x0  }
0x205: {  	s1 =	rddreg [dreg:$0xa];
	[sflag:s12] =	ssyncadd.s32 $0xFFFF4000  }
0x206: {  	[hbm4b:s1+s2] =	stream.linear.scatter [tilespmem:s10], [sflag:$0x2], $0xC000, $0x38;
	[tilespmem:$0x18580] =	vst v63  }
0x207: {  	_ =	swait.ge [sflag:s7], $0xC000  }
0x208: {  	[sflag:s7] =	ssyncset.done $0x0  }
0x209: {  	[sflag:s7] =	ssyncadd.s32 $0xFFFF4000  }
0x20a: {  	_ =	swait.ge [sflag:s12], $0xC000  }
0x20b: {  	p0 =	sne.s32 s6, $0x1;
	[sflag:s12] =	ssyncset.done $0x0  }
.Ltmp0:
0x20c: {  	s14 =	rddreg [dreg:$0xb];
	[sflag:s12] =	ssyncadd.s32 $0xFFFF4000;
	(pc) =	sbr.rel @p0 .LBB2_1-.Ltmp0, $4  }
0x20d: {  	[hbm4b:s14+s2] =	stream.linear.scatter [tilespmem:s0], [sflag:$0x2], $0xC000, $0x38;
	[tilespmem:$0x18580] =	vst v63  }
0x20e: {  	_ =	swait.ge [sflag:s7], $0xC000  }
0x20f: {  	[sflag:s7] =	ssyncset.done $0x0  }
0x210: {  	s6 =	sadd.s32 $0xFFFFFFFF, s6;
	[sflag:s7] =	ssyncadd.s32 $0xFFFF4000  }
0x211: {  	_ =	sfence.sel $0x180000  }
0x212: {  	[bflag:$0x0] =	sbarrier.arrive $0xFFFF  }
0x213: {  	_ =	strace $0x9000004A  }
0x214: {  	s0 =	stileid.u32;
	[bflag:$0x2] =	sbarrier.arrive $0xFFFF  }
0x215: {  	p0 =	sne.s32 s0, $0x0;
	s0 =	rddreg [dreg:$0x2]  }
0x216: {  	s0 =	sadd.s32 @!p0 $0x100000, s0  }
0x217: {  	[sflag:s0] =	ssyncadd.tile.s32 @!p0 $0x1;
	_ =	shalt  }
.Lfunc_end2:
_tile_overlayer_lowered:
.L_overlay_start_2:
0x218: {  	(tag) =	ssettag $0x2  }
0x219: {  	s0 =	rddreg [dreg:$0x0];
	s2 =	stileid.u32  }
0x21a: {  	s1 =	rddreg [dreg:$0x1];
	p0 =	sne.s32 s2, $0x0  }
0x21b: {  	s3 =	rddreg [dreg:$0x2];
	[bflag:$0x3] =	sbarrier.arrive $0xFFFF;
	s2 =	simm.s32 @!p0 $0x1C02  }
0x21c: {  	[timem:s3], [sflag:s2] =	dma.local @!p0 [hbm:s0], s1  }
0x21d: {  	s0 =	simm.s32 @!p0 $0x2  }
0x21e: {  	_ =	swait.ge @!p0 [sflag:s0], s1  }
0x21f: {  	s1 =	ssub.s32 @!p0 $0x0, s1;
	[sflag:s0] =	ssyncset.done @!p0 $0x0  }
0x220: {  	[sflag:s0] =	ssyncadd.s32 @!p0 s1  }
0x221: {  	[bflag:$0x3] =	sbarrier.arrive $0xFFFF  }
0x222: {  	_ =	shalt  }

// kernel: kernel.7.cloned.1.call-start
scs
__scs_entry_jumppad:
0x0: {  	(pc) =	sbr.rel $0x88, $3  }
0x1: {  	(tag) =	ssettag $0x0;
	lr =	simm.s32 $0x1  }
0x2: {  	[smem:$0x3F9B] =	sst lr;
	_ =	strace $0xD0000000  }
0x3: {  	_ = 	snop  }
0x4: {  	_ = 	snop  }
0x5: {  	_ = 	snop  }
0x6: {  	_ = 	snop  }
0x7: {  	_ = 	snop  }
__scs_overlays_trampoline_lowered:
0x8: {  	[smem:$0x3FAA] =	sst s0  }
0x9: {  	[smem:$0x3FAB] =	sst s1  }
0xa: {  	[smem:$0x3FAC] =	sst s2  }
0xb: {  	[smem:$0x3FAD] =	sst s3  }
0xc: {  	[smem:$0x3FAE] =	sst s4  }
0xd: {  	[smem:$0x3FAF] =	sst s5  }
0xe: {  	[smem:$0x3FB0] =	sst s6  }
0xf: {  	[smem:$0x3FB1] =	sst s7  }
0x10: {  	[smem:$0x3FB2] =	sst s8  }
0x11: {  	[smem:$0x3FB3] =	sst s9;
	s0 =	simm.s32 @!p0 $0x0  }
0x12: {  	s1 =	sld [smem:$0x3F99];
	s0 =	simm.s32 @p0 $0x1  }
0x13: {  	[smem:$0x3FB4] =	sst s0;
	s0 =	simm.s32 @!p1 $0x0  }
0x14: {  	s2 =	sld [smem:$0x3F98];
	s0 =	simm.s32 @p1 $0x1  }
0x15: {  	[smem:$0x3FB5] =	sst s0;
	s0 =	simm.s32 @!p2 $0x0  }
0x16: {  	s3 =	sld [smem:$0x3FDB];
	s0 =	simm.s32 @p2 $0x1  }
0x17: {  	s4 =	simm.s32 $0x1BF5;
	[smem:$0x3FB7] =	sst s0  }
0x18: {  	s0 =	sld [smem:$0x3F9A];
	_ =	swait.ge [sflag:s4], $0x0  }
0x19: {  	s7 =	sld [smem:$0x3F9B]  }
0x1a: {  	s8 =	sadd.s32 $0xFFFFE003, lr  }
0x1b: {  	s9 =	sadd.s32 $0xFFFFFEF7, lr;
	s5 =	simm.s32 $0xFFFFFFFF;
	p2 =	slt.u32 s8, $0xFFFFF086  }
0x1c: {  	p1 =	slt.u32 s9, $0xF7A;
	s5 =	simm.s32 @!p2 $0x0  }
0x1d: {  	s5 =	simm.s32 @p1 $0x1;
	p0 =	seq.s32 s7, s2  }
0x1e: {  	s7 =	smul.u32 @!p0 $0xF7A, s2;
	p2 =	seq.s32 @!p0 s5, $0x0  }
0x1f: {  	s9 =	smul.u32 $0xF7A, s1;
	s8 =	simm.s32 @!p0 $0x1BF5;
	p2 =	por !p2, p0  }
0x20: {  	[sflag:s8] =	ssyncset.s32 @!p0 $0xFFFFF086;
	s6 =	sadd.s32 @!p0 s3, s7;
	s7 =	simm.s32 @!p0 $0x108  }
0x21: {  	s3 =	sadd.s32 s3, s9;
	s6 =	sadd.s32 @!p0 $0x88, s6;
	s7 =	simm.s32 @p2 $0x1082  }
0x22: {  	[simem:s7], [sflag:s8] =	dma.local @!p0 [hbm:s6], $0xF7A  }
0x23: {  	s9 =	sor.u32 $0xD0000000, s2;
	s6 =	simm.s32 $0x108;
	_ =	swait.ge @!p0 [sflag:s8], $0x0  }
0x24: {  	s3 =	sadd.s32 $0x88, s3;
	s6 =	simm.s32 @!p1 $0x1082;
	[sflag:s4] =	ssyncset.s32 $0xFFFFF086  }
0x25: {  	[simem:s6], [sflag:s4] =	dma.local [hbm:s3], $0xF7A  }
0x26: {  	[smem:$0x3F9B] =	sst s1;
	(tag) =	ssettag s2;
	_ =	strace s9  }
0x27: {  	s1 =	sld [smem:$0x3FAB]  }
0x28: {  	s2 =	sld [smem:$0x3FAC]  }
0x29: {  	s4 =	sld [smem:$0x3FAE]  }
0x2a: {  	p0 =	seq.s32 s5, $0x0;
	s5 =	sld [smem:$0x3FAF]  }
0x2b: {  	s6 =	sld [smem:$0x3FB0]  }
0x2c: {  	s7 =	sld [smem:$0x3FB1]  }
0x2d: {  	s3 =	simm.s32 $0x108;
	s8 =	sld [smem:$0x3FB2]  }
0x2e: {  	s3 =	simm.s32 @!p0 $0x1082;
	s9 =	sld [smem:$0x3FB3]  }
0x2f: {  	lr =	sadd.s32 s0, s3;
	s0 =	sld [smem:$0x3FAA]  }
0x30: {  	s3 =	sld [smem:$0x3FAD]  }
0x31: {  	[smem:$0x3FB6] =	sst s10  }
0x32: {  	s10 =	sld [smem:$0x3FB4];
	_ =	sdelay $0x3  }
0x33: {  	p0 =	seq.s32 s10, $0x1;
	s10 =	sld [smem:$0x3FB6];
	_ =	sdelay $0x3  }
0x34: {  	[smem:$0x3FB6] =	sst s10  }
0x35: {  	s10 =	sld [smem:$0x3FB5];
	_ =	sdelay $0x3  }
0x36: {  	p1 =	seq.s32 s10, $0x1;
	s10 =	sld [smem:$0x3FB6];
	_ =	sdelay $0x3  }
0x37: {  	[smem:$0x3FB6] =	sst s10  }
0x38: {  	s10 =	sld [smem:$0x3FB7]  }
0x39: {  	_ = 	snop;
	(pc) =	sbr.ind lr, $3  }
0x3a: {  	_ = 	snop  }
0x3b: {  	_ = 	snop  }
0x3c: {  	p2 =	seq.s32 s10, $0x1;
	s10 =	sld [smem:$0x3FB6]  }
0x3d: {  	_ =	shalt  }
0x3e: {  	_ =	shalt  }
0x3f: {  	_ =	shalt  }
0x40: {  	_ =	shalt  }
0x41: {  	_ =	shalt  }
0x42: {  	_ =	shalt  }
0x43: {  	_ =	shalt  }
0x44: {  	_ =	shalt  }
0x45: {  	_ =	shalt  }
0x46: {  	_ =	shalt  }
0x47: {  	_ =	shalt  }
0x48: {  	_ =	shalt  }
0x49: {  	_ =	shalt  }
0x4a: {  	_ =	shalt  }
0x4b: {  	_ =	shalt  }
0x4c: {  	_ =	shalt  }
0x4d: {  	_ =	shalt  }
0x4e: {  	_ =	shalt  }
0x4f: {  	_ =	shalt  }
0x50: {  	_ =	shalt  }
0x51: {  	_ =	shalt  }
0x52: {  	_ =	shalt  }
0x53: {  	_ =	shalt  }
0x54: {  	_ =	shalt  }
0x55: {  	_ =	shalt  }
0x56: {  	_ =	shalt  }
0x57: {  	_ =	shalt  }
0x58: {  	_ =	shalt  }
0x59: {  	_ =	shalt  }
0x5a: {  	_ =	shalt  }
0x5b: {  	_ =	shalt  }
0x5c: {  	_ =	shalt  }
0x5d: {  	_ =	shalt  }
0x5e: {  	_ =	shalt  }
0x5f: {  	_ =	shalt  }
0x60: {  	_ =	shalt  }
0x61: {  	_ =	shalt  }
0x62: {  	_ =	shalt  }
0x63: {  	_ =	shalt  }
0x64: {  	_ =	shalt  }
0x65: {  	_ =	shalt  }
0x66: {  	_ =	shalt  }
0x67: {  	_ =	shalt  }
0x68: {  	_ =	shalt  }
0x69: {  	_ =	shalt  }
0x6a: {  	_ =	shalt  }
0x6b: {  	_ =	shalt  }
0x6c: {  	_ =	shalt  }
0x6d: {  	_ =	shalt  }
0x6e: {  	_ =	shalt  }
0x6f: {  	_ =	shalt  }
0x70: {  	_ =	shalt  }
0x71: {  	_ =	shalt  }
0x72: {  	_ =	shalt  }
0x73: {  	_ =	shalt  }
0x74: {  	_ =	shalt  }
0x75: {  	_ =	shalt  }
0x76: {  	_ =	shalt  }
0x77: {  	_ =	shalt  }
0x78: {  	_ =	shalt  }
0x79: {  	_ =	shalt  }
0x7a: {  	_ =	shalt  }
0x7b: {  	_ =	shalt  }
0x7c: {  	_ =	shalt  }
0x7d: {  	_ =	shalt  }
0x7e: {  	_ =	shalt  }
0x7f: {  	_ =	shalt  }
0x80: {  	_ =	shalt  }
0x81: {  	_ =	shalt  }
0x82: {  	_ =	shalt  }
0x83: {  	_ =	shalt  }
0x84: {  	_ =	shalt  }
0x85: {  	_ =	shalt  }
0x86: {  	_ =	shalt  }
0x87: {  	_ =	shalt  }
.Lfunc_end0:
.L_simem_size_0:
called_computation_lowered:
.L_overlay_start_0:
0x88: {  	s2 =	sld [smem:$0x3FD9]  }
0x89: {  	s3 =	sld [smem:$0x3FFE];
	_ =	sdelay $0x1  }
0x8a: {  	s1 =	srdreg.scid  }
0x8b: {  	s0 =	sand.u32 $0x1, s1  }
0x8c: {  	s17 =	sshll.u32 s0, $0xA;
	s2 =	sadd.s32 s3, s2  }
0x8d: {  	s2 =	sadd.s32 s2, s17  }
0x8e: {  	[smem:$0x3FC2] =	sst s2  }
0x8f: {  	_ = 	snop  }
0x90: {  	s2 =	sld [smem:$0x3FC9];
	(tm) =	ssettm $0x1  }
0x91: {  	s18 =	sld [smem:$0x3FFB];
	_ =	sdelay $0x3  }
0x92: {  	_ =	strace s18  }
0x93: {  	s3 =	sld [smem:$0x3FFC];
	_ =	sdelay $0x3  }
0x94: {  	_ =	strace s3  }
0x95: {  	s3 =	sld [smem:$0x3FFD];
	_ =	sdelay $0x3  }
0x96: {  	_ =	strace s3  }
0x97: {  	_ =	strace $0x8FFFFFFF  }
0x98: {  	s19 =	sld [smem:$0x3FDB];
	_ =	sdelay $0x1  }
0x99: {  	s4 =	simm.s32 $_scs_section_size  }
0x9a: {  	s5 =	simm.s32 $_size__tile_overlayer_lowered;
	s6 =	simm.s32 $_tile_overlayer_lowered  }
0x9b: {  	s22 =	simm.s32 $0x1BFF;
	s21 =	sshll.u32 s6, $0x1;
	s3 =	sadd.s32 s4, s19  }
0x9c: {  	s7 =	simm.s32 $0x0;
	s20 =	sshll.u32 s5, $0x1;
	s5 =	sadd.s32 s21, s3  }
0x9d: {  	[timem:s7], [sflag:s22] =	dma.local [hbm:s5], s20  }
0x9e: {  	_ =	swait.ge [sflag:s22], s20  }
0x9f: {  	s4 =	ssub.s32 $0x0, s20;
	[sflag:s22] =	ssyncset.done $0x0  }
0xa0: {  	[sflag:s22] =	ssyncadd.s32 s4;
	_ =	sdelay $0x1  }
0xa1: {  	s23 =	simm.s32 $0x1B8B  }
0xa2: {  	_ =	swait.ge [sflag:s23], $0x1  }
0xa3: {  	[sflag:s23] =	ssyncset.done $0x0  }
0xa4: {  	s25 =	simm.s32 $0x1B8E;
	s24 =	sld [smem:$0x3FFE];
	[sflag:s23] =	ssyncadd.s32 $0xFFFFFFFF  }
0xa5: {  	s26 =	simm.s32 $execute0_lowered;
	[smem:$0x3FD2] =	sst s25  }
0xa6: {  	s5 =	sshll.u32 s26, $0x1;
	_ =	strace $0x80000046;
	[dreg:$0x1] =	wrdreg $0xFFFFFFFF  }
0xa7: {  	s28 =	simm.s32 $_size_execute0_lowered;
	s3 =	sadd.s32 s3, s5;
	[dreg:$0x0] =	wrdreg $0x0  }
0xa8: {  	s5 =	sshll.u32 s28, $0x1;
	[dreg:$0x2] =	wrdreg s3  }
0xa9: {  	[dreg:$0x3] =	wrdreg s5  }
0xaa: {  	[dreg:$0x4] =	wrdreg $0xC0  }
0xab: {  	_ =	task [dreg:s7], $0x5FFFF  }
0xac: {  	[dreg:$0x1] =	wrdreg $0xFFFFFFFF  }
0xad: {  	[dreg:$0x0] =	wrdreg $0x60  }
0xae: {  	[dreg:$0x2] =	wrdreg s2  }
0xaf: {  	[dreg:$0x3] =	wrdreg s24  }
0xb0: {  	[dreg:$0x4] =	wrdreg $0x9  }
0xb1: {  	_ =	task.clear_ibuf [dreg:s7], $0x5FFFF;
	_ =	strace $0x90000046  }
0xb2: {  	s29 =	simm.s32 $0x9;
	_ =	strace $0x80000048  }
0xb3: {  	_ =	swait.ge [sflag:s29], $0x1  }
0xb4: {  	[sflag:s29] =	ssyncadd.s32 $0xFFFFFFFF  }
0xb5: {  	_ =	strace $0x90000048  }
0xb6: {  	_ =	sfence  }
0xb7: {  	s30 =	sld [smem:$0x0];
	_ =	sdelay $0x2  }
0xb8: {  	s31 =	sshll.u32 s1, $0xD;
	s1 =	sshrl.u32 s1, $0x2  }
0xb9: {  	s3 =	sand.u32 $0x4000, s31;
	s1 =	sadd.s32 s1, s30  }
0xba: {  	s0 =	sor.u32 s3, s0;
	s1 =	sshll.u32 s1, $0x11  }
0xbb: {  	s0 =	sor.u32 s1, s0  }
0xbc: {  	s0 =	sadd.s32 $0x8F2B, s0  }
0xbd: {  	[sflag:s0] =	ssyncadd.remote.s32 $0x1  }
0xbe: {  	_ =	sfence.sel $0xFFFF  }
0xbf: {  	[dreg:$0x0] =	wrdreg $0xFFFFFFFF;
	(pc) =	sbr.abs _section_cstart, $3  }
0xc0: {  	[dreg:$0x1] =	wrdreg $0xFFFFFFFF  }
0xc1: {  	_ =	task.clear_ibuf [dreg:s7], $0x2FFFF;
	_ =	strace $0x9FFFFFFF  }
0xc2: {  	(tm) =	ssettm $0x7FFFFFFF  }
0xc3: {  	_ =	shalt  }
tec
execute0_lowered:
.L_overlay_start_1:
0x0: {  	(tag) =	ssettag $0x1  }
0x1: {  	s0 =	srdreg.scid  }
0x2: {  	s1 =	rddreg [dreg:$0x0];
	s2 =	stileid.u32  }
0x3: {  	s5 =	rddreg [dreg:$0x1];
	s26 =	simm.s32 $0x18180;
	s7 =	simm.s32 $0x2  }
0x4: {  	s10 =	simm.s32 $0x1000;
	s11 =	simm.s32 $0x1800;
	s12 =	simm.s32 $0x2000  }
0x5: {  	s13 =	simm.s32 $0x2800;
	s14 =	simm.s32 $0x3000;
	s15 =	simm.s32 $0x3800  }
0x6: {  	s16 =	simm.s32 $0x4000;
	s17 =	simm.s32 $0x4800;
	s18 =	simm.s32 $0x5000  }
0x7: {  	s19 =	simm.s32 $0x5800;
	s20 =	simm.s32 $0x6000;
	s21 =	simm.s32 $0x6800  }
0x8: {  	s28 =	simm.s32 $0x9800;
	s29 =	simm.s32 $0xA000;
	s30 =	simm.s32 $0xA800  }
0x9: {  	s31 =	simm.s32 $0xB000;
	s9 =	simm.s32 $0x18100;
	s0 =	sand.u32 $0x1, s0  }
0xa: {  	s3 =	sshll.u32 s2, $0x5;
	s2 =	simm.s32 $0x0;
	s22 =	sadd.s32 $0x1800, s5  }
0xb: {  	s4 =	sshll.u32 s0, $0x4;
	[smem:$0x7FF] =	sst s2;
	s0 =	ssub.s32 $0x2, s0  }
0xc: {  	s3 =	sor.u32 s4, s3;
	_ =	strace $0x80000047;
	[dreg:$0x3] =	wrdreg s22  }
0xd: {  	s23 =	sshrl.u32 s0, $0x1;
	[dreg:$0x7] =	wrdreg s26;
	s22 =	simm.s32 $0x7000  }
0xe: {  	s26 =	simm.s32 $0x9000;
	s4 =	smul.u32 $0x300, s3;
	s6 =	sadd.s32 s3, s5  }
0xf: {  	s3 =	sadd.s32 $0x22000, s5;
	s0 =	ssub.s32 s0, s23;
	s23 =	simm.s32 $0x7800  }
0x10: {  	s24 =	sadd.s32 $0x21C00, s6;
	s25 =	sadd.s32 $0x21E00, s6;
	s6 =	smax.u32 s0, $0x1  }
0x11: {  	v2 =	vlaneseq.u32;
	s1 =	sadd.s32 s1, s4;
	[dreg:$0x5] =	wrdreg s24;
	s4 =	sadd.s32 $0x22100, s5  }
0x12: {  	vm0 =	vmmov $0xffff;
	v1 =	vshrl.u32 v2, $0x3;
	s5 =	sadd.s32 $0x22200, s5;
	[dreg:$0x6] =	wrdreg s25;
	s24 =	simm.s32 $0x8000  }
0x13: {  	v0 =	vand.u32 $0x7, v2;
	v2 =	vor.u32 $0x8, v2;
	v1 =	vmul.u32 $0x8, v1;
	s25 =	simm.s32 $0x8800;
	[dreg:$0x4] =	wrdreg s1;
	s1 =	simm.s32 $0x1  }
.LBB2_1:
0x14: {  	s0 =	rddreg [dreg:$0x3]  }
0x15: {  	s8 =	rddreg [dreg:$0x7]  }
0x16: {  	[tilespmem:s8], [sflag:$0x2] =	stream.linear.gather [hbm4b:s0+s2], $0x400, $0x38;
	[tilespmem:$0x18580] =	vst v63  }
0x17: {  	_ =	swait.ge [sflag:s7], $0x400  }
0x18: {  	[sflag:s7] =	ssyncset.done $0x0  }
0x19: {  	s8 =	rddreg [dreg:$0x4];
	[sflag:s7] =	ssyncadd.s32 $0xFFFFFC00  }
0x1a: {  	[tilespmem:s2], [sflag:$0x2] =	stream.linear.gather [hbm4b:s8+s2], $0x18000, $0x38;
	[tilespmem:$0x18580] =	vst v63  }
0x1b: {  	_ =	swait.ge [sflag:s7], $0x18000  }
0x1c: {  	[sflag:s7] =	ssyncset.done $0x0  }
0x1d: {  	s8 =	simm.s32 $0x18100;
	s0 =	rddreg [dreg:$0x5];
	[sflag:s7] =	ssyncadd.s32 $0xFFFE8000  }
0x1e: {  	[tilespmem:s8], [sflag:$0x2] =	stream.linear.gather [hbm4b:s0+s2], $0x80, $0x38;
	[tilespmem:$0x18580] =	vst v63  }
0x1f: {  	_ =	swait.ge [sflag:s7], $0x80  }
0x20: {  	[sflag:s7] =	ssyncset.done $0x0  }
0x21: {  	[sflag:s7] =	ssyncadd.s32 $0xFFFFFF80  }
0x22: {  	v3 =	vld [tilespmem:$0x18100]  }
0x23: {  	v4 =	vld [tilespmem:$0x18180]  }
0x24: {  	v5 =	vld [tilespmem:$0x18200]  }
0x25: {  	v42 =	vld [tilespmem:$0x18110]  }
0x26: {  	v56 =	vld [tilespmem:$0x18120]  }
0x27: {  	v25 =	vld [tilespmem:$0x18130]  }
0x28: {  	v6 =	vld [tilespmem:$0x18280]  }
0x29: {  	v7 =	vld [tilespmem:$0x18300];
	v9 =	vshra.s32 v3, $0xD  }
0x2a: {  	v8 =	vld [tilespmem:$0x18380];
	v3 =	vand.u32 $0x1FFF, v3;
	vm1 =	veq.s32 v9, $0x0  }
0x2b: {  	v10 =	vld [tilespmem:$0x18400];
	v52 =	vshra.s32 v42, $0xD;
	v21 =	vshra.s32 v56, $0xD;
	v4 =	vnsel vm1, $0x0, v4  }
0x2c: {  	v11 =	vld [tilespmem:$0x18480];
	v33 =	vshra.s32 v25, $0xD;
	vm1 =	veq.s32 v9, $0x1;
	v3 =	vadd.s32 v3, v4  }
0x2d: {  	v12 =	vld [tilespmem:$0x18500];
	v41 =	vnsel vm1, $0x0, v5;
	vm1 =	veq.s32 v9, $0x2;
	v5 =	vand.u32 $0x1FFF, v42  }
0x2e: {  	v44 =	vld [tilespmem:$0x18180];
	v3 =	vadd.s32 v41, v3;
	v43 =	vnsel vm1, $0x0, v6;
	vm1 =	veq.s32 v9, $0x3  }
0x2f: {  	v46 =	vld [tilespmem:$0x18200];
	v3 =	vadd.s32 v43, v3;
	v45 =	vnsel vm1, $0x0, v7;
	vm1 =	veq.s32 v9, $0x4  }
0x30: {  	v48 =	vld [tilespmem:$0x18280];
	v7 =	vand.u32 $0x1FFF, v56;
	v47 =	vnsel vm1, $0x0, v8;
	vm1 =	veq.s32 v9, $0x5  }
0x31: {  	v50 =	vld [tilespmem:$0x18300];
	v3 =	vadd.s32 v45, v3;
	v49 =	vnsel vm1, $0x0, v10;
	vm1 =	veq.s32 v9, $0x6  }
0x32: {  	v51 =	vld [tilespmem:$0x18380];
	v3 =	vadd.s32 v47, v3;
	v11 =	vnsel vm1, $0x0, v11;
	vm1 =	veq.s32 v9, $0x7  }
0x33: {  	v13 =	vld [tilespmem:$0x18400];
	v10 =	vand.u32 $0x1FFF, v25;
	v53 =	vnsel vm1, $0x0, v12;
	vm1 =	veq.s32 v52, $0x0  }
0x34: {  	v54 =	vld [tilespmem:$0x18480];
	v3 =	vadd.s32 v49, v3;
	v6 =	vnsel vm1, $0x0, v44;
	vm1 =	veq.s32 v52, $0x1  }
0x35: {  	v39 =	vld [tilespmem:$0x18140];
	v5 =	vadd.s32 v5, v6;
	v55 =	vnsel vm1, $0x0, v46;
	vm1 =	veq.s32 v52, $0x2  }
0x36: {  	v14 =	vld [tilespmem:$0x18500];
	v5 =	vadd.s32 v55, v5;
	v57 =	vnsel vm1, $0x0, v48;
	vm1 =	veq.s32 v52, $0x3  }
0x37: {  	v58 =	vld [tilespmem:$0x18180];
	v5 =	vadd.s32 v57, v5;
	v59 =	vnsel vm1, $0x0, v50;
	vm1 =	veq.s32 v52, $0x4  }
0x38: {  	v60 =	vld [tilespmem:$0x18200];
	v5 =	vadd.s32 v59, v5;
	v4 =	vnsel vm1, $0x0, v51;
	vm1 =	veq.s32 v52, $0x5  }
0x39: {  	v61 =	vld [tilespmem:$0x18280];
	v4 =	vadd.s32 v4, v5;
	v62 =	vnsel vm1, $0x0, v13;
	vm1 =	veq.s32 v52, $0x6  }
0x3a: {  	v63 =	vld [tilespmem:$0x18300];
	v49 =	vshra.s32 v39, $0xD;
	v4 =	vadd.s32 v62, v4;
	v18 =	vnsel vm1, $0x0, v54  }
0x3b: {  	v56 =	vld [tilespmem:$0x18150];
	v3 =	vadd.s32 v11, v3;
	vm1 =	veq.s32 v52, $0x7;
	v5 =	vadd.s32 v18, v4  }
0x3c: {  	v19 =	vld [tilespmem:$0x18380];
	v20 =	vnsel vm1, $0x0, v14;
	v4 =	vadd.s32 v53, v3;
	vm1 =	veq.s32 v21, $0x0  }
0x3d: {  	v15 =	vld [tilespmem:$0x18400];
	v3 =	vadd.s32 v20, v5;
	v8 =	vnsel vm1, $0x0, v58;
	vm1 =	veq.s32 v21, $0x1  }
0x3e: {  	v22 =	vld [tilespmem:$0x18480];
	v7 =	vadd.s32 v7, v8;
	v24 =	vnsel vm1, $0x0, v60;
	vm1 =	veq.s32 v21, $0x2  }
0x3f: {  	v23 =	vld [tilespmem:$0x18500];
	v7 =	vadd.s32 v24, v7;
	v6 =	vnsel vm1, $0x0, v61;
	vm1 =	veq.s32 v21, $0x3  }
0x40: {  	v26 =	vld [tilespmem:$0x18180];
	v24 =	vand.u32 $0x1FFF, v56;
	v27 =	vnsel vm1, $0x0, v63;
	vm1 =	veq.s32 v21, $0x4  }
0x41: {  	v28 =	vld [tilespmem:$0x18200];
	v6 =	vadd.s32 v6, v7;
	v29 =	vnsel vm1, $0x0, v19;
	vm1 =	veq.s32 v21, $0x5  }
0x42: {  	v30 =	vld [tilespmem:$0x18280];
	v6 =	vadd.s32 v27, v6;
	v31 =	vnsel vm1, $0x0, v15;
	vm1 =	veq.s32 v21, $0x6  }
0x43: {  	v32 =	vld [tilespmem:$0x18300];
	v6 =	vadd.s32 v29, v6;
	v5 =	vnsel vm1, $0x0, v22;
	vm1 =	veq.s32 v21, $0x7  }
0x44: {  	v34 =	vld [tilespmem:$0x18380];
	v6 =	vadd.s32 v31, v6;
	v35 =	vnsel vm1, $0x0, v23;
	vm1 =	veq.s32 v33, $0x0  }
0x45: {  	v36 =	vld [tilespmem:$0x18400];
	v21 =	vshra.s32 v56, $0xD;
	v5 =	vadd.s32 v5, v6;
	v8 =	vnsel vm1, $0x0, v26  }
0x46: {  	v27 =	vld [tilespmem:$0x18160];
	vm1 =	veq.s32 v33, $0x1;
	v5 =	vadd.s32 v35, v5;
	v8 =	vadd.s32 v10, v8  }
0x47: {  	v16 =	vld [tilespmem:$0x18480];
	v37 =	vnsel vm1, $0x0, v28;
	vm1 =	veq.s32 v33, $0x2;
	v10 =	vand.u32 $0x1FFF, v39  }
0x48: {  	v39 =	vld [tilespmem:$0x18170];
	v8 =	vadd.s32 v37, v8;
	v9 =	vnsel vm1, $0x0, v30;
	vm1 =	veq.s32 v33, $0x3  }
0x49: {  	v38 =	vld [tilespmem:$0x18500];
	v8 =	vadd.s32 v9, v8;
	v40 =	vnsel vm1, $0x0, v32;
	vm1 =	veq.s32 v33, $0x4  }
0x4a: {  	v41 =	vld [tilespmem:$0x18180];
	v8 =	vadd.s32 v40, v8;
	v42 =	vnsel vm1, $0x0, v34;
	vm1 =	veq.s32 v33, $0x5  }
0x4b: {  	v43 =	vld [tilespmem:$0x18200];
	v35 =	vshra.s32 v27, $0xD;
	v44 =	vadd.s32 v42, v8;
	v45 =	vnsel vm1, $0x0, v36  }
0x4c: {  	v46 =	vld [tilespmem:$0x18280];
	v14 =	vand.u32 $0x1FFF, v27;
	vm1 =	veq.s32 v33, $0x6;
	v6 =	vadd.s32 v45, v44  }
0x4d: {  	v47 =	vld [tilespmem:$0x18300];
	v48 =	vnsel vm1, $0x0, v16;
	vm1 =	veq.s32 v33, $0x7;
	v16 =	vand.u32 $0x1FFF, v39  }
0x4e: {  	v50 =	vld [tilespmem:$0x18380];
	v6 =	vadd.s32 v48, v6;
	v51 =	vnsel vm1, $0x0, v38;
	vm1 =	veq.s32 v49, $0x0  }
0x4f: {  	v52 =	vld [tilespmem:$0x18400];
	v13 =	vnsel vm1, $0x0, v41;
	vm1 =	veq.s32 v49, $0x1;
	v6 =	vadd.s32 v51, v6  }
0x50: {  	v53 =	vld [tilespmem:$0x18480];
	v10 =	vadd.s32 v10, v13;
	v54 =	vnsel vm1, $0x0, v43;
	vm1 =	veq.s32 v49, $0x2  }
0x51: {  	v55 =	vld [tilespmem:$0x18500];
	v10 =	vadd.s32 v54, v10;
	v9 =	vnsel vm1, $0x0, v46;
	vm1 =	veq.s32 v49, $0x3  }
0x52: {  	v57 =	vld [tilespmem:$0x18180];
	v54 =	vshrl.u32 v4, $0x3;
	v7 =	vnsel vm1, $0x0, v47;
	vm1 =	veq.s32 v49, $0x4  }
0x53: {  	v59 =	vld [tilespmem:$0x18200];
	v9 =	vadd.s32 v9, v10;
	v58 =	vnsel vm1, $0x0, v50;
	vm1 =	veq.s32 v49, $0x5  }
0x54: {  	v61 =	vld [tilespmem:$0x18280];
	v47 =	vshra.s32 v39, $0xD;
	v60 =	vnsel vm1, $0x0, v52;
	vm1 =	veq.s32 v49, $0x6  }
0x55: {  	v63 =	vld [tilespmem:$0x18300];
	v7 =	vadd.s32 v7, v9;
	v62 =	vnsel vm1, $0x0, v53;
	vm1 =	veq.s32 v49, $0x7  }
0x56: {  	v22 =	vld [tilespmem:$0x18380];
	v7 =	vadd.s32 v58, v7;
	v20 =	vnsel vm1, $0x0, v55;
	vm1 =	veq.s32 v21, $0x0  }
0x57: {  	v23 =	vld [tilespmem:$0x18400];
	v7 =	vadd.s32 v60, v7;
	v10 =	vnsel vm1, $0x0, v57;
	vm1 =	veq.s32 v21, $0x1  }
0x58: {  	v25 =	vld [tilespmem:$0x18480];
	v7 =	vadd.s32 v62, v7;
	v26 =	vnsel vm1, $0x0, v59;
	vm1 =	veq.s32 v21, $0x2  }
0x59: {  	v29 =	vld [tilespmem:$0x18500];
	v7 =	vadd.s32 v20, v7;
	v28 =	vnsel vm1, $0x0, v61;
	vm1 =	veq.s32 v21, $0x3  }
0x5a: {  	v31 =	vld [tilespmem:$0x18180];
	v20 =	vand.u32 $0x7, v4;
	v30 =	vnsel vm1, $0x0, v63;
	vm1 =	veq.s32 v21, $0x4  }
0x5b: {  	v33 =	vld [tilespmem:$0x18200];
	v9 =	vadd.s32 v24, v10;
	v32 =	vnsel vm1, $0x0, v22;
	vm1 =	veq.s32 v21, $0x5  }
0x5c: {  	v34 =	vld [tilespmem:$0x18280];
	v9 =	vadd.s32 v26, v9;
	v8 =	vnsel vm1, $0x0, v23;
	vm1 =	veq.s32 v21, $0x6  }
0x5d: {  	v17 =	vld [tilespmem:$0x18300];
	v9 =	vadd.s32 v28, v9;
	v13 =	vnsel vm1, $0x0, v25;
	vm1 =	veq.s32 v21, $0x7  }
0x5e: {  	v37 =	vld [tilespmem:$0x18380];
	v9 =	vadd.s32 v30, v9;
	v36 =	vnsel vm1, $0x0, v29;
	vm1 =	veq.s32 v35, $0x0  }
0x5f: {  	v18 =	vld [tilespmem:$0x18400];
	v9 =	vadd.s32 v32, v9;
	v11 =	vnsel vm1, $0x0, v31;
	vm1 =	veq.s32 v35, $0x1  }
0x60: {  	v40 =	vld [tilespmem:$0x18480];
	v8 =	vadd.s32 v8, v9;
	v38 =	vnsel vm1, $0x0, v33;
	vm1 =	veq.s32 v35, $0x2  }
0x61: {  	v42 =	vld [tilespmem:$0x18180];
	v8 =	vadd.s32 v13, v8;
	v10 =	vnsel vm1, $0x0, v34;
	vm1 =	veq.s32 v35, $0x3  }
0x62: {  	v44 =	vld [tilespmem:$0x18200];
	v8 =	vadd.s32 v36, v8;
	v41 =	vnsel vm1, $0x0, v17;
	vm1 =	veq.s32 v35, $0x4  }
0x63: {  	v11 =	vadd.s32 v14, v11;
	v43 =	vnsel vm1, $0x0, v37;
	vm1 =	veq.s32 v35, $0x5  }
0x64: {  	v48 =	vld [tilespmem:$0x18280];
	v11 =	vadd.s32 v38, v11;
	v46 =	vnsel vm1, $0x0, v18;
	vm1 =	veq.s32 v35, $0x6  }
0x65: {  	v50 =	vld [tilespmem:$0x18300];
	v10 =	vadd.s32 v10, v11;
	v49 =	vnsel vm1, $0x0, v40;
	vm1 =	veq.s32 v47, $0x0  }
0x66: {  	v51 =	vld [tilespmem:$0x18380];
	v10 =	vadd.s32 v41, v10;
	v17 =	vnsel vm1, $0x0, v42;
	vm1 =	veq.s32 v47, $0x1  }
0x67: {  	v45 =	vadd.s32 v43, v10;
	v52 =	vadd.s32 v16, v17;
	v12 =	vnsel vm1, $0x0, v44  }
0x68: {  	v53 =	vld [tilespmem:$0x18500];
	v9 =	vadd.s32 v46, v45;
	vm1 =	veq.s32 v47, $0x2;
	v10 =	vadd.s32 v12, v52  }
0x69: {  	v55 =	vld [tilespmem:$0x18400];
	v13 =	vnsel vm1, $0x0, v48;
	vm1 =	veq.s32 v47, $0x3;
	v12 =	vmul.u32 $0x30, v54  }
0x6a: {  	v19 =	vld [tilespmem:$0x18480];
	v9 =	vadd.s32 v49, v9;
	v14 =	vnsel vm1, $0x0, v50;
	vm1 =	veq.s32 v47, $0x4  }
0x6b: {  	[tilespmem:$0x18000] =	vst v4;
	v58 =	vld [tilespmem:$0x18500];
	v56 =	vadd.s32 v13, v10;
	v57 =	vnsel vm1, $0x0, v51;
	v12 =	vor.u32 v20, v12  }
0x6c: {  	[tilespmem:$0x18010] =	vst v3;
	vm1 =	veq.s32 v35, $0x7;
	v3 =	vadd.s32 v14, v56;
	v59 =	vperm.xlane v12, v0  }
0x6d: {  	[tilespmem:$0x18020] =	vst v5;
	v60 =	vnsel vm1, $0x0, v53;
	v3 =	vadd.s32 v57, v3;
	vm1 =	veq.s32 v47, $0x5  }
0x6e: {  	[tilespmem:$0x18030] =	vst v6;
	v61 =	vnsel vm1, $0x0, v55;
	vm1 =	veq.s32 v47, $0x6;
	v4 =	vadd.s32 v1, v59  }
0x6f: {  	[tilespmem:$0x18040] =	vst v7;
	v3 =	vadd.s32 v61, v3;
	v62 =	vnsel vm1, $0x0, v19;
	vm1 =	veq.s32 v47, $0x7  }
0x70: {  	[tilespmem:$0x18050] =	vst v8;
	v5 =	vadd.s32 v60, v9;
	v3 =	vadd.s32 v62, v3;
	v63 =	vnsel vm1, $0x0, v58  }
0x71: {  	[tilespmem:$0x18060] =	vst v5;
	v3 =	vadd.s32 v63, v3  }
0x72: {  	[tilespmem:$0x18070] =	vst v3;
	v3 =	vperm.xlane v12, v2  }
0x73: {  	[hbm4b:s3+s2] =	stream.indirect_vreg.scatter [tilespmem:s2], [sflag:$0x1], $0x80, v4, vm0, $0xb8;
	[tilespmem:$0x18580] =	vst v63  }
0x74: {  	s8 =	simm.s32 $0x800;
	v3 =	vadd.s32 v1, v3  }
0x75: {  	[hbm4b:s4+s2] =	stream.indirect_vreg.scatter [tilespmem:s8], [sflag:$0x1], $0x80, v4, vm0, $0xb8;
	[tilespmem:$0x18580] =	vst v63  }
0x76: {  	_ = 	snop  }
0x77: {  	[hbm4b:s5+s2] =	stream.indirect_vreg.scatter [tilespmem:s10], [sflag:$0x1], $0x80, v4, vm0, $0xb8;
	[tilespmem:$0x18580] =	vst v63  }
0x78: {  	_ = 	snop  }
0x79: {  	[hbm4b:s3+s2] =	stream.indirect_vreg.scatter [tilespmem:s11], [sflag:$0x1], $0x80, v3, vm0, $0xb8;
	[tilespmem:$0x18580] =	vst v63  }
0x7a: {  	_ = 	snop  }
0x7b: {  	[hbm4b:s4+s2] =	stream.indirect_vreg.scatter [tilespmem:s12], [sflag:$0x1], $0x80, v3, vm0, $0xb8;
	[tilespmem:$0x18580] =	vst v63  }
0x7c: {  	_ = 	snop  }
0x7d: {  	[hbm4b:s5+s2] =	stream.indirect_vreg.scatter [tilespmem:s13], [sflag:$0x1], $0x80, v3, vm0, $0xb8;
	[tilespmem:$0x18580] =	vst v63  }
0x7e: {  	v3 =	vld [tilespmem:$0x18010];
	_ =	sdelay $0x4  }
0x7f: {  	v9 =	vshrl.u32 v3, $0x3  }
0x80: {  	v4 =	vmul.u32 $0x30, v9  }
0x81: {  	v3 =	vand.u32 $0x7, v3  }
0x82: {  	v3 =	vor.u32 v3, v4  }
0x83: {  	v4 =	vperm.xlane v3, v0;
	_ =	sdelay $0x1  }
0x84: {  	v4 =	vadd.s32 v1, v4;
	_ =	sdelay $0x3  }
0x85: {  	v3 =	vperm.xlane v3, v2  }
0x86: {  	[hbm4b:s3+s2] =	stream.indirect_vreg.scatter [tilespmem:s14], [sflag:$0x1], $0x80, v4, vm0, $0xb8;
	[tilespmem:$0x18580] =	vst v63  }
0x87: {  	v3 =	vadd.s32 v1, v3  }
0x88: {  	[hbm4b:s4+s2] =	stream.indirect_vreg.scatter [tilespmem:s15], [sflag:$0x1], $0x80, v4, vm0, $0xb8;
	[tilespmem:$0x18580] =	vst v63  }
0x89: {  	_ = 	snop  }
0x8a: {  	[hbm4b:s5+s2] =	stream.indirect_vreg.scatter [tilespmem:s16], [sflag:$0x1], $0x80, v4, vm0, $0xb8;
	[tilespmem:$0x18580] =	vst v63  }
0x8b: {  	_ = 	snop  }
0x8c: {  	[hbm4b:s3+s2] =	stream.indirect_vreg.scatter [tilespmem:s17], [sflag:$0x1], $0x80, v3, vm0, $0xb8;
	[tilespmem:$0x18580] =	vst v63  }
0x8d: {  	_ = 	snop  }
0x8e: {  	[hbm4b:s4+s2] =	stream.indirect_vreg.scatter [tilespmem:s18], [sflag:$0x1], $0x80, v3, vm0, $0xb8;
	[tilespmem:$0x18580] =	vst v63  }
0x8f: {  	_ = 	snop  }
0x90: {  	[hbm4b:s5+s2] =	stream.indirect_vreg.scatter [tilespmem:s19], [sflag:$0x1], $0x80, v3, vm0, $0xb8;
	[tilespmem:$0x18580] =	vst v63  }
0x91: {  	v3 =	vld [tilespmem:$0x18020];
	_ =	sdelay $0x4  }
0x92: {  	v10 =	vshrl.u32 v3, $0x3  }
0x93: {  	v4 =	vmul.u32 $0x30, v10  }
0x94: {  	v3 =	vand.u32 $0x7, v3  }
0x95: {  	v3 =	vor.u32 v3, v4  }
0x96: {  	v4 =	vperm.xlane v3, v0;
	_ =	sdelay $0x1  }
0x97: {  	v4 =	vadd.s32 v1, v4;
	_ =	sdelay $0x3  }
0x98: {  	v3 =	vperm.xlane v3, v2  }
0x99: {  	[hbm4b:s3+s2] =	stream.indirect_vreg.scatter [tilespmem:s20], [sflag:$0x1], $0x80, v4, vm0, $0xb8;
	[tilespmem:$0x18580] =	vst v63  }
0x9a: {  	v3 =	vadd.s32 v1, v3  }
0x9b: {  	[hbm4b:s4+s2] =	stream.indirect_vreg.scatter [tilespmem:s21], [sflag:$0x1], $0x80, v4, vm0, $0xb8;
	[tilespmem:$0x18580] =	vst v63  }
0x9c: {  	_ = 	snop  }
0x9d: {  	[hbm4b:s5+s2] =	stream.indirect_vreg.scatter [tilespmem:s22], [sflag:$0x1], $0x80, v4, vm0, $0xb8;
	[tilespmem:$0x18580] =	vst v63  }
0x9e: {  	_ = 	snop  }
0x9f: {  	[hbm4b:s3+s2] =	stream.indirect_vreg.scatter [tilespmem:s23], [sflag:$0x1], $0x80, v3, vm0, $0xb8;
	[tilespmem:$0x18580] =	vst v63  }
0xa0: {  	_ = 	snop  }
0xa1: {  	[hbm4b:s4+s2] =	stream.indirect_vreg.scatter [tilespmem:s24], [sflag:$0x1], $0x80, v3, vm0, $0xb8;
	[tilespmem:$0x18580] =	vst v63  }
0xa2: {  	_ = 	snop  }
0xa3: {  	[hbm4b:s5+s2] =	stream.indirect_vreg.scatter [tilespmem:s25], [sflag:$0x1], $0x80, v3, vm0, $0xb8;
	[tilespmem:$0x18580] =	vst v63  }
0xa4: {  	v3 =	vld [tilespmem:$0x18030];
	_ =	sdelay $0x4  }
0xa5: {  	v11 =	vshrl.u32 v3, $0x3  }
0xa6: {  	v4 =	vmul.u32 $0x30, v11  }
0xa7: {  	v3 =	vand.u32 $0x7, v3  }
0xa8: {  	v3 =	vor.u32 v3, v4  }
0xa9: {  	v4 =	vperm.xlane v3, v0;
	_ =	sdelay $0x1  }
0xaa: {  	v4 =	vadd.s32 v1, v4;
	_ =	sdelay $0x3  }
0xab: {  	v3 =	vperm.xlane v3, v2  }
0xac: {  	[hbm4b:s3+s2] =	stream.indirect_vreg.scatter [tilespmem:s26], [sflag:$0x1], $0x80, v4, vm0, $0xb8;
	[tilespmem:$0x18580] =	vst v63  }
0xad: {  	v3 =	vadd.s32 v1, v3  }
0xae: {  	[hbm4b:s4+s2] =	stream.indirect_vreg.scatter [tilespmem:s28], [sflag:$0x1], $0x80, v4, vm0, $0xb8;
	[tilespmem:$0x18580] =	vst v63  }
0xaf: {  	_ = 	snop  }
0xb0: {  	[hbm4b:s5+s2] =	stream.indirect_vreg.scatter [tilespmem:s29], [sflag:$0x1], $0x80, v4, vm0, $0xb8;
	[tilespmem:$0x18580] =	vst v63  }
0xb1: {  	_ = 	snop  }
0xb2: {  	[hbm4b:s3+s2] =	stream.indirect_vreg.scatter [tilespmem:s30], [sflag:$0x1], $0x80, v3, vm0, $0xb8;
	[tilespmem:$0x18580] =	vst v63  }
0xb3: {  	_ = 	snop  }
0xb4: {  	[hbm4b:s4+s2] =	stream.indirect_vreg.scatter [tilespmem:s31], [sflag:$0x1], $0x80, v3, vm0, $0xb8;
	[tilespmem:$0x18580] =	vst v63  }
0xb5: {  	s8 =	simm.s32 $0xB800  }
0xb6: {  	[hbm4b:s5+s2] =	stream.indirect_vreg.scatter [tilespmem:s8], [sflag:$0x1], $0x80, v3, vm0, $0xb8;
	[tilespmem:$0x18580] =	vst v63  }
0xb7: {  	v3 =	vld [tilespmem:$0x18040];
	_ =	sdelay $0x4  }
0xb8: {  	v12 =	vshrl.u32 v3, $0x3  }
0xb9: {  	v4 =	vmul.u32 $0x30, v12  }
0xba: {  	v3 =	vand.u32 $0x7, v3  }
0xbb: {  	v3 =	vor.u32 v3, v4  }
0xbc: {  	v4 =	vperm.xlane v3, v0;
	_ =	sdelay $0x1  }
0xbd: {  	v4 =	vadd.s32 v1, v4;
	_ =	sdelay $0x3  }
0xbe: {  	s8 =	simm.s32 $0xC000;
	v3 =	vperm.xlane v3, v2  }
0xbf: {  	[hbm4b:s3+s2] =	stream.indirect_vreg.scatter [tilespmem:s8], [sflag:$0x1], $0x80, v4, vm0, $0xb8;
	[tilespmem:$0x18580] =	vst v63  }
0xc0: {  	v3 =	vadd.s32 v1, v3;
	s8 =	simm.s32 $0xC800  }
0xc1: {  	[hbm4b:s4+s2] =	stream.indirect_vreg.scatter [tilespmem:s8], [sflag:$0x1], $0x80, v4, vm0, $0xb8;
	[tilespmem:$0x18580] =	vst v63  }
0xc2: {  	s8 =	simm.s32 $0xD000  }
0xc3: {  	[hbm4b:s5+s2] =	stream.indirect_vreg.scatter [tilespmem:s8], [sflag:$0x1], $0x80, v4, vm0, $0xb8;
	[tilespmem:$0x18580] =	vst v63  }
0xc4: {  	s8 =	simm.s32 $0xD800  }
0xc5: {  	[hbm4b:s3+s2] =	stream.indirect_vreg.scatter [tilespmem:s8], [sflag:$0x1], $0x80, v3, vm0, $0xb8;
	[tilespmem:$0x18580] =	vst v63  }
0xc6: {  	s8 =	simm.s32 $0xE000  }
0xc7: {  	[hbm4b:s4+s2] =	stream.indirect_vreg.scatter [tilespmem:s8], [sflag:$0x1], $0x80, v3, vm0, $0xb8;
	[tilespmem:$0x18580] =	vst v63  }
0xc8: {  	s8 =	simm.s32 $0xE800  }
0xc9: {  	[hbm4b:s5+s2] =	stream.indirect_vreg.scatter [tilespmem:s8], [sflag:$0x1], $0x80, v3, vm0, $0xb8;
	[tilespmem:$0x18580] =	vst v63  }
0xca: {  	v3 =	vld [tilespmem:$0x18050];
	_ =	sdelay $0x4  }
0xcb: {  	v13 =	vshrl.u32 v3, $0x3  }
0xcc: {  	v4 =	vmul.u32 $0x30, v13  }
0xcd: {  	v3 =	vand.u32 $0x7, v3  }
0xce: {  	v3 =	vor.u32 v3, v4  }
0xcf: {  	v4 =	vperm.xlane v3, v0;
	_ =	sdelay $0x1  }
0xd0: {  	v4 =	vadd.s32 v1, v4;
	_ =	sdelay $0x3  }
0xd1: {  	s8 =	simm.s32 $0xF000;
	v3 =	vperm.xlane v3, v2  }
0xd2: {  	[hbm4b:s3+s2] =	stream.indirect_vreg.scatter [tilespmem:s8], [sflag:$0x1], $0x80, v4, vm0, $0xb8;
	[tilespmem:$0x18580] =	vst v63  }
0xd3: {  	v3 =	vadd.s32 v1, v3;
	s8 =	simm.s32 $0xF800  }
0xd4: {  	[hbm4b:s4+s2] =	stream.indirect_vreg.scatter [tilespmem:s8], [sflag:$0x1], $0x80, v4, vm0, $0xb8;
	[tilespmem:$0x18580] =	vst v63  }
0xd5: {  	s8 =	simm.s32 $0x10000  }
0xd6: {  	[hbm4b:s5+s2] =	stream.indirect_vreg.scatter [tilespmem:s8], [sflag:$0x1], $0x80, v4, vm0, $0xb8;
	[tilespmem:$0x18580] =	vst v63  }
0xd7: {  	s8 =	simm.s32 $0x10800  }
0xd8: {  	[hbm4b:s3+s2] =	stream.indirect_vreg.scatter [tilespmem:s8], [sflag:$0x1], $0x80, v3, vm0, $0xb8;
	[tilespmem:$0x18580] =	vst v63  }
0xd9: {  	s8 =	simm.s32 $0x11000  }
0xda: {  	[hbm4b:s4+s2] =	stream.indirect_vreg.scatter [tilespmem:s8], [sflag:$0x1], $0x80, v3, vm0, $0xb8;
	[tilespmem:$0x18580] =	vst v63  }
0xdb: {  	s8 =	simm.s32 $0x11800  }
0xdc: {  	[hbm4b:s5+s2] =	stream.indirect_vreg.scatter [tilespmem:s8], [sflag:$0x1], $0x80, v3, vm0, $0xb8;
	[tilespmem:$0x18580] =	vst v63  }
0xdd: {  	v3 =	vld [tilespmem:$0x18060];
	_ =	sdelay $0x4  }
0xde: {  	v14 =	vshrl.u32 v3, $0x3  }
0xdf: {  	v4 =	vmul.u32 $0x30, v14  }
0xe0: {  	v3 =	vand.u32 $0x7, v3  }
0xe1: {  	v3 =	vor.u32 v3, v4  }
0xe2: {  	v4 =	vperm.xlane v3, v0;
	_ =	sdelay $0x1  }
0xe3: {  	v4 =	vadd.s32 v1, v4;
	_ =	sdelay $0x3  }
0xe4: {  	s8 =	simm.s32 $0x12000;
	v3 =	vperm.xlane v3, v2  }
0xe5: {  	[hbm4b:s3+s2] =	stream.indirect_vreg.scatter [tilespmem:s8], [sflag:$0x1], $0x80, v4, vm0, $0xb8;
	[tilespmem:$0x18580] =	vst v63  }
0xe6: {  	v3 =	vadd.s32 v1, v3;
	s8 =	simm.s32 $0x12800  }
0xe7: {  	[hbm4b:s4+s2] =	stream.indirect_vreg.scatter [tilespmem:s8], [sflag:$0x1], $0x80, v4, vm0, $0xb8;
	[tilespmem:$0x18580] =	vst v63  }
0xe8: {  	s8 =	simm.s32 $0x13000  }
0xe9: {  	[hbm4b:s5+s2] =	stream.indirect_vreg.scatter [tilespmem:s8], [sflag:$0x1], $0x80, v4, vm0, $0xb8;
	[tilespmem:$0x18580] =	vst v63  }
0xea: {  	s8 =	simm.s32 $0x13800  }
0xeb: {  	[hbm4b:s3+s2] =	stream.indirect_vreg.scatter [tilespmem:s8], [sflag:$0x1], $0x80, v3, vm0, $0xb8;
	[tilespmem:$0x18580] =	vst v63  }
0xec: {  	s8 =	simm.s32 $0x14000  }
0xed: {  	[hbm4b:s4+s2] =	stream.indirect_vreg.scatter [tilespmem:s8], [sflag:$0x1], $0x80, v3, vm0, $0xb8;
	[tilespmem:$0x18580] =	vst v63  }
0xee: {  	s8 =	simm.s32 $0x14800  }
0xef: {  	[hbm4b:s5+s2] =	stream.indirect_vreg.scatter [tilespmem:s8], [sflag:$0x1], $0x80, v3, vm0, $0xb8;
	[tilespmem:$0x18580] =	vst v63  }
0xf0: {  	v3 =	vld [tilespmem:$0x18070];
	_ =	sdelay $0x4  }
0xf1: {  	v15 =	vshrl.u32 v3, $0x3  }
0xf2: {  	v4 =	vmul.u32 $0x30, v15  }
0xf3: {  	v3 =	vand.u32 $0x7, v3  }
0xf4: {  	v3 =	vor.u32 v3, v4  }
0xf5: {  	v4 =	vperm.xlane v3, v0;
	_ =	sdelay $0x1  }
0xf6: {  	v4 =	vadd.s32 v1, v4;
	_ =	sdelay $0x3  }
0xf7: {  	s8 =	simm.s32 $0x15000;
	v3 =	vperm.xlane v3, v2  }
0xf8: {  	[hbm4b:s3+s2] =	stream.indirect_vreg.scatter [tilespmem:s8], [sflag:$0x1], $0x80, v4, vm0, $0xb8;
	[tilespmem:$0x18580] =	vst v63  }
0xf9: {  	v3 =	vadd.s32 v1, v3;
	s8 =	simm.s32 $0x15800  }
0xfa: {  	[hbm4b:s4+s2] =	stream.indirect_vreg.scatter [tilespmem:s8], [sflag:$0x1], $0x80, v4, vm0, $0xb8;
	[tilespmem:$0x18580] =	vst v63  }
0xfb: {  	s8 =	simm.s32 $0x16000  }
0xfc: {  	[hbm4b:s5+s2] =	stream.indirect_vreg.scatter [tilespmem:s8], [sflag:$0x1], $0x80, v4, vm0, $0xb8;
	[tilespmem:$0x18580] =	vst v63  }
0xfd: {  	s8 =	simm.s32 $0x16800  }
0xfe: {  	[hbm4b:s3+s2] =	stream.indirect_vreg.scatter [tilespmem:s8], [sflag:$0x1], $0x80, v3, vm0, $0xb8;
	[tilespmem:$0x18580] =	vst v63  }
0xff: {  	s8 =	simm.s32 $0x17000  }
0x100: {  	[hbm4b:s4+s2] =	stream.indirect_vreg.scatter [tilespmem:s8], [sflag:$0x1], $0x80, v3, vm0, $0xb8;
	[tilespmem:$0x18580] =	vst v63  }
0x101: {  	s8 =	simm.s32 $0x17800  }
0x102: {  	[hbm4b:s5+s2] =	stream.indirect_vreg.scatter [tilespmem:s8], [sflag:$0x1], $0x80, v3, vm0, $0xb8;
	[tilespmem:$0x18580] =	vst v63  }
0x103: {  	s0 =	rddreg [dreg:$0x6]  }
0x104: {  	[tilespmem:s9], [sflag:$0x2] =	stream.linear.gather [hbm4b:s0+s2], $0x80, $0x38;
	[tilespmem:$0x18580] =	vst v63  }
0x105: {  	_ =	swait.ge [sflag:s7], $0x80  }
0x106: {  	[sflag:s7] =	ssyncset.done $0x0  }
0x107: {  	[sflag:s7] =	ssyncadd.s32 $0xFFFFFF80  }
0x108: {  	v3 =	vld [tilespmem:$0x18100]  }
0x109: {  	v16 =	vld [tilespmem:$0x18180]  }
0x10a: {  	v17 =	vld [tilespmem:$0x18200]  }
0x10b: {  	v26 =	vld [tilespmem:$0x18110]  }
0x10c: {  	v42 =	vld [tilespmem:$0x18120]  }
0x10d: {  	v18 =	vld [tilespmem:$0x18280]  }
0x10e: {  	v58 =	vld [tilespmem:$0x18130]  }
0x10f: {  	v19 =	vld [tilespmem:$0x18300]  }
0x110: {  	v20 =	vld [tilespmem:$0x18380];
	v21 =	vshra.s32 v3, $0xD;
	v3 =	vand.u32 $0x1FFF, v3;
	v36 =	vshra.s32 v26, $0xD  }
0x111: {  	v22 =	vld [tilespmem:$0x18400];
	v5 =	vand.u32 $0x1FFF, v26;
	v53 =	vshra.s32 v42, $0xD;
	vm1 =	veq.s32 v21, $0x0  }
0x112: {  	v23 =	vld [tilespmem:$0x18480];
	v7 =	vand.u32 $0x1FFF, v42;
	v4 =	vnsel vm1, $0x0, v16;
	vm1 =	veq.s32 v21, $0x1  }
0x113: {  	v24 =	vld [tilespmem:$0x18500];
	v10 =	vand.u32 $0x1FFF, v58;
	v25 =	vnsel vm1, $0x0, v17;
	vm1 =	veq.s32 v21, $0x2  }
0x114: {  	v28 =	vld [tilespmem:$0x18180];
	v3 =	vadd.s32 v3, v4;
	v27 =	vnsel vm1, $0x0, v18;
	vm1 =	veq.s32 v21, $0x3  }
0x115: {  	v30 =	vld [tilespmem:$0x18200];
	v3 =	vadd.s32 v25, v3;
	v29 =	vnsel vm1, $0x0, v19;
	vm1 =	veq.s32 v21, $0x4  }
0x116: {  	v32 =	vld [tilespmem:$0x18280];
	v3 =	vadd.s32 v27, v3;
	v31 =	vnsel vm1, $0x0, v20;
	vm1 =	veq.s32 v21, $0x5  }
0x117: {  	v34 =	vld [tilespmem:$0x18300];
	v3 =	vadd.s32 v29, v3;
	v33 =	vnsel vm1, $0x0, v22;
	vm1 =	veq.s32 v21, $0x6  }
0x118: {  	v35 =	vld [tilespmem:$0x18380];
	v3 =	vadd.s32 v31, v3;
	v11 =	vnsel vm1, $0x0, v23;
	vm1 =	veq.s32 v21, $0x7  }
0x119: {  	v37 =	vld [tilespmem:$0x18400];
	v22 =	vshra.s32 v58, $0xD;
	v38 =	vnsel vm1, $0x0, v24;
	vm1 =	veq.s32 v36, $0x0  }
0x11a: {  	v39 =	vld [tilespmem:$0x18480];
	v3 =	vadd.s32 v33, v3;
	v6 =	vnsel vm1, $0x0, v28;
	vm1 =	veq.s32 v36, $0x1  }
0x11b: {  	v40 =	vld [tilespmem:$0x18500];
	v5 =	vadd.s32 v5, v6;
	v41 =	vnsel vm1, $0x0, v30;
	vm1 =	veq.s32 v36, $0x2  }
0x11c: {  	v29 =	vld [tilespmem:$0x18140];
	v5 =	vadd.s32 v41, v5;
	v43 =	vnsel vm1, $0x0, v32;
	vm1 =	veq.s32 v36, $0x3  }
0x11d: {  	v44 =	vld [tilespmem:$0x18180];
	v5 =	vadd.s32 v43, v5;
	v45 =	vnsel vm1, $0x0, v34;
	vm1 =	veq.s32 v36, $0x4  }
0x11e: {  	v46 =	vld [tilespmem:$0x18200];
	v5 =	vadd.s32 v45, v5;
	v4 =	vnsel vm1, $0x0, v35;
	vm1 =	veq.s32 v36, $0x5  }
0x11f: {  	v47 =	vld [tilespmem:$0x18280];
	v4 =	vadd.s32 v4, v5;
	v48 =	vnsel vm1, $0x0, v37;
	vm1 =	veq.s32 v36, $0x6  }
0x120: {  	v49 =	vld [tilespmem:$0x18300];
	v3 =	vadd.s32 v11, v3;
	v4 =	vadd.s32 v48, v4;
	v50 =	vnsel vm1, $0x0, v39  }
0x121: {  	v51 =	vld [tilespmem:$0x18380];
	vm1 =	veq.s32 v36, $0x7;
	v39 =	vshra.s32 v29, $0xD;
	v5 =	vadd.s32 v50, v4  }
0x122: {  	v54 =	vld [tilespmem:$0x18400];
	v52 =	vnsel vm1, $0x0, v40;
	v4 =	vadd.s32 v38, v3;
	vm1 =	veq.s32 v53, $0x0  }
0x123: {  	v55 =	vld [tilespmem:$0x18480];
	v3 =	vadd.s32 v52, v5;
	v8 =	vnsel vm1, $0x0, v44;
	vm1 =	veq.s32 v53, $0x1  }
0x124: {  	v56 =	vld [tilespmem:$0x18500];
	v7 =	vadd.s32 v7, v8;
	v57 =	vnsel vm1, $0x0, v46;
	vm1 =	veq.s32 v53, $0x2  }
0x125: {  	v46 =	vld [tilespmem:$0x18150];
	v7 =	vadd.s32 v57, v7;
	v6 =	vnsel vm1, $0x0, v47;
	vm1 =	veq.s32 v53, $0x3  }
0x126: {  	v59 =	vld [tilespmem:$0x18180];
	v6 =	vadd.s32 v6, v7;
	v60 =	vnsel vm1, $0x0, v49;
	vm1 =	veq.s32 v53, $0x4  }
0x127: {  	v61 =	vld [tilespmem:$0x18200];
	v6 =	vadd.s32 v60, v6;
	v62 =	vnsel vm1, $0x0, v51;
	vm1 =	veq.s32 v53, $0x5  }
0x128: {  	v63 =	vld [tilespmem:$0x18280];
	v6 =	vadd.s32 v62, v6;
	v20 =	vnsel vm1, $0x0, v54;
	vm1 =	veq.s32 v53, $0x6  }
0x129: {  	v26 =	vld [tilespmem:$0x18480];
	v5 =	vnsel vm1, $0x0, v55;
	vm1 =	veq.s32 v53, $0x7;
	v6 =	vadd.s32 v20, v6  }
0x12a: {  	v21 =	vld [tilespmem:$0x18300];
	v55 =	vshra.s32 v46, $0xD;
	v24 =	vnsel vm1, $0x0, v56;
	vm1 =	veq.s32 v22, $0x0  }
0x12b: {  	v23 =	vld [tilespmem:$0x18380];
	v58 =	vand.u32 $0x1FFF, v46;
	v5 =	vadd.s32 v5, v6;
	v8 =	vnsel vm1, $0x0, v59  }
0x12c: {  	v25 =	vld [tilespmem:$0x18400];
	vm1 =	veq.s32 v22, $0x1;
	v5 =	vadd.s32 v24, v5;
	v8 =	vadd.s32 v10, v8  }
0x12d: {  	v28 =	vld [tilespmem:$0x18500];
	v27 =	vnsel vm1, $0x0, v61;
	vm1 =	veq.s32 v22, $0x2;
	v10 =	vand.u32 $0x1FFF, v29  }
0x12e: {  	v61 =	vld [tilespmem:$0x18160];
	v8 =	vadd.s32 v27, v8;
	v9 =	vnsel vm1, $0x0, v63;
	vm1 =	veq.s32 v22, $0x3  }
0x12f: {  	v31 =	vld [tilespmem:$0x18180];
	v8 =	vadd.s32 v9, v8;
	v30 =	vnsel vm1, $0x0, v21;
	vm1 =	veq.s32 v22, $0x4  }
0x130: {  	v33 =	vld [tilespmem:$0x18200];
	v8 =	vadd.s32 v30, v8;
	v32 =	vnsel vm1, $0x0, v23;
	vm1 =	veq.s32 v22, $0x5  }
0x131: {  	v30 =	vld [tilespmem:$0x18170];
	v34 =	vadd.s32 v32, v8;
	v35 =	vnsel vm1, $0x0, v25;
	vm1 =	veq.s32 v22, $0x6  }
0x132: {  	v36 =	vld [tilespmem:$0x18280];
	v6 =	vadd.s32 v35, v34;
	v38 =	vnsel vm1, $0x0, v26;
	vm1 =	veq.s32 v22, $0x7  }
0x133: {  	v37 =	vld [tilespmem:$0x18300];
	v24 =	vshra.s32 v61, $0xD;
	v41 =	vnsel vm1, $0x0, v28;
	vm1 =	veq.s32 v39, $0x0  }
0x134: {  	v40 =	vld [tilespmem:$0x18380];
	v14 =	vand.u32 $0x1FFF, v61;
	v6 =	vadd.s32 v38, v6;
	v13 =	vnsel vm1, $0x0, v31  }
0x135: {  	v42 =	vld [tilespmem:$0x18400];
	vm1 =	veq.s32 v39, $0x1;
	v6 =	vadd.s32 v41, v6;
	v10 =	vadd.s32 v10, v13  }
0x136: {  	v43 =	vld [tilespmem:$0x18480];
	v44 =	vnsel vm1, $0x0, v33;
	vm1 =	veq.s32 v39, $0x2;
	v38 =	vshra.s32 v30, $0xD  }
0x137: {  	v45 =	vld [tilespmem:$0x18500];
	v16 =	vand.u32 $0x1FFF, v30;
	v9 =	vnsel vm1, $0x0, v36;
	vm1 =	veq.s32 v39, $0x3  }
0x138: {  	v47 =	vld [tilespmem:$0x18180];
	v10 =	vadd.s32 v44, v10;
	v7 =	vnsel vm1, $0x0, v37;
	vm1 =	veq.s32 v39, $0x4  }
0x139: {  	v49 =	vld [tilespmem:$0x18200];
	v9 =	vadd.s32 v9, v10;
	v48 =	vnsel vm1, $0x0, v40;
	vm1 =	veq.s32 v39, $0x5  }
0x13a: {  	v51 =	vld [tilespmem:$0x18280];
	v7 =	vadd.s32 v7, v9;
	v50 =	vnsel vm1, $0x0, v42;
	vm1 =	veq.s32 v39, $0x6  }
0x13b: {  	v53 =	vld [tilespmem:$0x18300];
	v7 =	vadd.s32 v48, v7;
	v52 =	vnsel vm1, $0x0, v43;
	vm1 =	veq.s32 v39, $0x7  }
0x13c: {  	v56 =	vld [tilespmem:$0x18380];
	v48 =	vand.u32 $0x7, v4;
	v54 =	vnsel vm1, $0x0, v45;
	vm1 =	veq.s32 v55, $0x0  }
0x13d: {  	v57 =	vld [tilespmem:$0x18400];
	v7 =	vadd.s32 v50, v7;
	v10 =	vnsel vm1, $0x0, v47;
	vm1 =	veq.s32 v55, $0x1  }
0x13e: {  	v59 =	vld [tilespmem:$0x18480];
	v7 =	vadd.s32 v52, v7;
	v60 =	vnsel vm1, $0x0, v49;
	vm1 =	veq.s32 v55, $0x2  }
0x13f: {  	v63 =	vld [tilespmem:$0x18500];
	v45 =	vshrl.u32 v4, $0x3;
	v62 =	vnsel vm1, $0x0, v51;
	vm1 =	veq.s32 v55, $0x3  }
0x140: {  	v20 =	vld [tilespmem:$0x18180];
	v7 =	vadd.s32 v54, v7;
	v19 =	vnsel vm1, $0x0, v53;
	vm1 =	veq.s32 v55, $0x4  }
0x141: {  	v22 =	vld [tilespmem:$0x18200];
	v9 =	vadd.s32 v58, v10;
	v21 =	vnsel vm1, $0x0, v56;
	vm1 =	veq.s32 v55, $0x5  }
0x142: {  	v23 =	vld [tilespmem:$0x18280];
	v9 =	vadd.s32 v60, v9;
	v8 =	vnsel vm1, $0x0, v57;
	vm1 =	veq.s32 v55, $0x6  }
0x143: {  	v25 =	vld [tilespmem:$0x18300];
	v9 =	vadd.s32 v62, v9;
	v13 =	vnsel vm1, $0x0, v59;
	vm1 =	veq.s32 v55, $0x7  }
0x144: {  	v27 =	vld [tilespmem:$0x18380];
	v9 =	vadd.s32 v19, v9;
	v26 =	vnsel vm1, $0x0, v63;
	vm1 =	veq.s32 v24, $0x0  }
0x145: {  	v28 =	vld [tilespmem:$0x18400];
	v9 =	vadd.s32 v21, v9;
	v11 =	vnsel vm1, $0x0, v20;
	vm1 =	veq.s32 v24, $0x1  }
0x146: {  	v31 =	vld [tilespmem:$0x18480];
	v8 =	vadd.s32 v8, v9;
	v29 =	vnsel vm1, $0x0, v22;
	vm1 =	veq.s32 v24, $0x2  }
0x147: {  	v33 =	vld [tilespmem:$0x18180];
	v8 =	vadd.s32 v13, v8;
	v10 =	vnsel vm1, $0x0, v23;
	vm1 =	veq.s32 v24, $0x3  }
0x148: {  	v35 =	vld [tilespmem:$0x18200];
	v8 =	vadd.s32 v26, v8;
	v32 =	vnsel vm1, $0x0, v25;
	vm1 =	veq.s32 v24, $0x4  }
0x149: {  	v11 =	vadd.s32 v14, v11;
	v34 =	vnsel vm1, $0x0, v27;
	vm1 =	veq.s32 v24, $0x5  }
0x14a: {  	v39 =	vld [tilespmem:$0x18280];
	v11 =	vadd.s32 v29, v11;
	v37 =	vnsel vm1, $0x0, v28;
	vm1 =	veq.s32 v24, $0x6  }
0x14b: {  	v41 =	vld [tilespmem:$0x18300];
	v10 =	vadd.s32 v10, v11;
	v40 =	vnsel vm1, $0x0, v31;
	vm1 =	veq.s32 v38, $0x0  }
0x14c: {  	v42 =	vld [tilespmem:$0x18380];
	v10 =	vadd.s32 v32, v10;
	v17 =	vnsel vm1, $0x0, v33;
	vm1 =	veq.s32 v38, $0x1  }
0x14d: {  	v36 =	vadd.s32 v34, v10;
	v43 =	vadd.s32 v16, v17;
	v12 =	vnsel vm1, $0x0, v35  }
0x14e: {  	v44 =	vld [tilespmem:$0x18500];
	v9 =	vadd.s32 v37, v36;
	vm1 =	veq.s32 v38, $0x2;
	v10 =	vadd.s32 v12, v43  }
0x14f: {  	v46 =	vld [tilespmem:$0x18400];
	v13 =	vnsel vm1, $0x0, v39;
	vm1 =	veq.s32 v38, $0x3;
	v12 =	vmul.u32 $0x30, v45  }
0x150: {  	v47 =	vld [tilespmem:$0x18480];
	v9 =	vadd.s32 v40, v9;
	v14 =	vnsel vm1, $0x0, v41;
	vm1 =	veq.s32 v38, $0x4  }
0x151: {  	[tilespmem:$0x18080] =	vst v4;
	v51 =	vld [tilespmem:$0x18500];
	v49 =	vadd.s32 v13, v10;
	v50 =	vnsel vm1, $0x0, v42;
	v12 =	vor.u32 v48, v12  }
0x152: {  	[tilespmem:$0x18090] =	vst v3;
	vm1 =	veq.s32 v24, $0x7;
	v3 =	vadd.s32 v14, v49;
	v52 =	vperm.xlane v12, v0  }
0x153: {  	[tilespmem:$0x180A0] =	vst v5;
	v3 =	vadd.s32 v50, v3;
	v53 =	vnsel vm1, $0x0, v44;
	vm1 =	veq.s32 v38, $0x5  }
0x154: {  	[tilespmem:$0x180B0] =	vst v6;
	v54 =	vnsel vm1, $0x0, v46;
	vm1 =	veq.s32 v38, $0x6;
	v4 =	vadd.s32 v1, v52  }
0x155: {  	[tilespmem:$0x180C0] =	vst v7;
	v3 =	vadd.s32 v54, v3;
	v55 =	vnsel vm1, $0x0, v47;
	vm1 =	veq.s32 v38, $0x7  }
0x156: {  	[tilespmem:$0x180D0] =	vst v8;
	v5 =	vadd.s32 v53, v9;
	v3 =	vadd.s32 v55, v3;
	v56 =	vnsel vm1, $0x0, v51  }
0x157: {  	[tilespmem:$0x180E0] =	vst v5;
	v3 =	vadd.s32 v56, v3  }
0x158: {  	[tilespmem:$0x180F0] =	vst v3;
	v3 =	vperm.xlane v12, v2  }
0x159: {  	[hbm4b:s3+s2] =	stream.indirect_vreg.scatter [tilespmem:s2], [sflag:$0x1], $0x80, v4, vm0, $0xb8;
	[tilespmem:$0x18580] =	vst v63  }
0x15a: {  	s0 =	simm.s32 $0x800;
	v3 =	vadd.s32 v1, v3  }
0x15b: {  	[hbm4b:s4+s2] =	stream.indirect_vreg.scatter [tilespmem:s0], [sflag:$0x1], $0x80, v4, vm0, $0xb8;
	[tilespmem:$0x18580] =	vst v63  }
0x15c: {  	_ = 	snop  }
0x15d: {  	[hbm4b:s5+s2] =	stream.indirect_vreg.scatter [tilespmem:s10], [sflag:$0x1], $0x80, v4, vm0, $0xb8;
	[tilespmem:$0x18580] =	vst v63  }
0x15e: {  	_ = 	snop  }
0x15f: {  	[hbm4b:s3+s2] =	stream.indirect_vreg.scatter [tilespmem:s11], [sflag:$0x1], $0x80, v3, vm0, $0xb8;
	[tilespmem:$0x18580] =	vst v63  }
0x160: {  	_ = 	snop  }
0x161: {  	[hbm4b:s4+s2] =	stream.indirect_vreg.scatter [tilespmem:s12], [sflag:$0x1], $0x80, v3, vm0, $0xb8;
	[tilespmem:$0x18580] =	vst v63  }
0x162: {  	_ = 	snop  }
0x163: {  	[hbm4b:s5+s2] =	stream.indirect_vreg.scatter [tilespmem:s13], [sflag:$0x1], $0x80, v3, vm0, $0xb8;
	[tilespmem:$0x18580] =	vst v63  }
0x164: {  	v3 =	vld [tilespmem:$0x18090];
	_ =	sdelay $0x4  }
0x165: {  	v57 =	vshrl.u32 v3, $0x3  }
0x166: {  	v4 =	vmul.u32 $0x30, v57  }
0x167: {  	v3 =	vand.u32 $0x7, v3  }
0x168: {  	v3 =	vor.u32 v3, v4  }
0x169: {  	v4 =	vperm.xlane v3, v0;
	_ =	sdelay $0x1  }
0x16a: {  	v4 =	vadd.s32 v1, v4;
	_ =	sdelay $0x3  }
0x16b: {  	v3 =	vperm.xlane v3, v2  }
0x16c: {  	[hbm4b:s3+s2] =	stream.indirect_vreg.scatter [tilespmem:s14], [sflag:$0x1], $0x80, v4, vm0, $0xb8;
	[tilespmem:$0x18580] =	vst v63  }
0x16d: {  	v3 =	vadd.s32 v1, v3  }
0x16e: {  	[hbm4b:s4+s2] =	stream.indirect_vreg.scatter [tilespmem:s15], [sflag:$0x1], $0x80, v4, vm0, $0xb8;
	[tilespmem:$0x18580] =	vst v63  }
0x16f: {  	_ = 	snop  }
0x170: {  	[hbm4b:s5+s2] =	stream.indirect_vreg.scatter [tilespmem:s16], [sflag:$0x1], $0x80, v4, vm0, $0xb8;
	[tilespmem:$0x18580] =	vst v63  }
0x171: {  	_ = 	snop  }
0x172: {  	[hbm4b:s3+s2] =	stream.indirect_vreg.scatter [tilespmem:s17], [sflag:$0x1], $0x80, v3, vm0, $0xb8;
	[tilespmem:$0x18580] =	vst v63  }
0x173: {  	_ = 	snop  }
0x174: {  	[hbm4b:s4+s2] =	stream.indirect_vreg.scatter [tilespmem:s18], [sflag:$0x1], $0x80, v3, vm0, $0xb8;
	[tilespmem:$0x18580] =	vst v63  }
0x175: {  	_ = 	snop  }
0x176: {  	[hbm4b:s5+s2] =	stream.indirect_vreg.scatter [tilespmem:s19], [sflag:$0x1], $0x80, v3, vm0, $0xb8;
	[tilespmem:$0x18580] =	vst v63  }
0x177: {  	v3 =	vld [tilespmem:$0x180A0];
	_ =	sdelay $0x4  }
0x178: {  	v58 =	vshrl.u32 v3, $0x3  }
0x179: {  	v4 =	vmul.u32 $0x30, v58  }
0x17a: {  	v3 =	vand.u32 $0x7, v3  }
0x17b: {  	v3 =	vor.u32 v3, v4  }
0x17c: {  	v4 =	vperm.xlane v3, v0;
	_ =	sdelay $0x1  }
0x17d: {  	v4 =	vadd.s32 v1, v4;
	_ =	sdelay $0x3  }
0x17e: {  	v3 =	vperm.xlane v3, v2  }
0x17f: {  	[hbm4b:s3+s2] =	stream.indirect_vreg.scatter [tilespmem:s20], [sflag:$0x1], $0x80, v4, vm0, $0xb8;
	[tilespmem:$0x18580] =	vst v63  }
0x180: {  	v3 =	vadd.s32 v1, v3  }
0x181: {  	[hbm4b:s4+s2] =	stream.indirect_vreg.scatter [tilespmem:s21], [sflag:$0x1], $0x80, v4, vm0, $0xb8;
	[tilespmem:$0x18580] =	vst v63  }
0x182: {  	_ = 	snop  }
0x183: {  	[hbm4b:s5+s2] =	stream.indirect_vreg.scatter [tilespmem:s22], [sflag:$0x1], $0x80, v4, vm0, $0xb8;
	[tilespmem:$0x18580] =	vst v63  }
0x184: {  	_ = 	snop  }
0x185: {  	[hbm4b:s3+s2] =	stream.indirect_vreg.scatter [tilespmem:s23], [sflag:$0x1], $0x80, v3, vm0, $0xb8;
	[tilespmem:$0x18580] =	vst v63  }
0x186: {  	_ = 	snop  }
0x187: {  	[hbm4b:s4+s2] =	stream.indirect_vreg.scatter [tilespmem:s24], [sflag:$0x1], $0x80, v3, vm0, $0xb8;
	[tilespmem:$0x18580] =	vst v63  }
0x188: {  	_ = 	snop  }
0x189: {  	[hbm4b:s5+s2] =	stream.indirect_vreg.scatter [tilespmem:s25], [sflag:$0x1], $0x80, v3, vm0, $0xb8;
	[tilespmem:$0x18580] =	vst v63  }
0x18a: {  	v3 =	vld [tilespmem:$0x180B0];
	_ =	sdelay $0x4  }
0x18b: {  	v59 =	vshrl.u32 v3, $0x3  }
0x18c: {  	v4 =	vmul.u32 $0x30, v59  }
0x18d: {  	v3 =	vand.u32 $0x7, v3  }
0x18e: {  	v3 =	vor.u32 v3, v4  }
0x18f: {  	v4 =	vperm.xlane v3, v0;
	_ =	sdelay $0x1  }
0x190: {  	v4 =	vadd.s32 v1, v4;
	_ =	sdelay $0x3  }
0x191: {  	v3 =	vperm.xlane v3, v2  }
0x192: {  	[hbm4b:s3+s2] =	stream.indirect_vreg.scatter [tilespmem:s26], [sflag:$0x1], $0x80, v4, vm0, $0xb8;
	[tilespmem:$0x18580] =	vst v63  }
0x193: {  	v3 =	vadd.s32 v1, v3  }
0x194: {  	[hbm4b:s4+s2] =	stream.indirect_vreg.scatter [tilespmem:s28], [sflag:$0x1], $0x80, v4, vm0, $0xb8;
	[tilespmem:$0x18580] =	vst v63  }
0x195: {  	_ = 	snop  }
0x196: {  	[hbm4b:s5+s2] =	stream.indirect_vreg.scatter [tilespmem:s29], [sflag:$0x1], $0x80, v4, vm0, $0xb8;
	[tilespmem:$0x18580] =	vst v63  }
0x197: {  	_ = 	snop  }
0x198: {  	[hbm4b:s3+s2] =	stream.indirect_vreg.scatter [tilespmem:s30], [sflag:$0x1], $0x80, v3, vm0, $0xb8;
	[tilespmem:$0x18580] =	vst v63  }
0x199: {  	_ = 	snop  }
0x19a: {  	[hbm4b:s4+s2] =	stream.indirect_vreg.scatter [tilespmem:s31], [sflag:$0x1], $0x80, v3, vm0, $0xb8;
	[tilespmem:$0x18580] =	vst v63  }
0x19b: {  	s0 =	simm.s32 $0xB800  }
0x19c: {  	[hbm4b:s5+s2] =	stream.indirect_vreg.scatter [tilespmem:s0], [sflag:$0x1], $0x80, v3, vm0, $0xb8;
	[tilespmem:$0x18580] =	vst v63  }
0x19d: {  	v3 =	vld [tilespmem:$0x180C0];
	_ =	sdelay $0x4  }
0x19e: {  	v60 =	vshrl.u32 v3, $0x3  }
0x19f: {  	v4 =	vmul.u32 $0x30, v60  }
0x1a0: {  	v3 =	vand.u32 $0x7, v3  }
0x1a1: {  	v3 =	vor.u32 v3, v4  }
0x1a2: {  	v4 =	vperm.xlane v3, v0;
	_ =	sdelay $0x1  }
0x1a3: {  	v4 =	vadd.s32 v1, v4;
	_ =	sdelay $0x3  }
0x1a4: {  	s0 =	simm.s32 $0xC000;
	v3 =	vperm.xlane v3, v2  }
0x1a5: {  	[hbm4b:s3+s2] =	stream.indirect_vreg.scatter [tilespmem:s0], [sflag:$0x1], $0x80, v4, vm0, $0xb8;
	[tilespmem:$0x18580] =	vst v63  }
0x1a6: {  	v3 =	vadd.s32 v1, v3;
	s0 =	simm.s32 $0xC800  }
0x1a7: {  	[hbm4b:s4+s2] =	stream.indirect_vreg.scatter [tilespmem:s0], [sflag:$0x1], $0x80, v4, vm0, $0xb8;
	[tilespmem:$0x18580] =	vst v63  }
0x1a8: {  	s0 =	simm.s32 $0xD000  }
0x1a9: {  	[hbm4b:s5+s2] =	stream.indirect_vreg.scatter [tilespmem:s0], [sflag:$0x1], $0x80, v4, vm0, $0xb8;
	[tilespmem:$0x18580] =	vst v63  }
0x1aa: {  	s0 =	simm.s32 $0xD800  }
0x1ab: {  	[hbm4b:s3+s2] =	stream.indirect_vreg.scatter [tilespmem:s0], [sflag:$0x1], $0x80, v3, vm0, $0xb8;
	[tilespmem:$0x18580] =	vst v63  }
0x1ac: {  	s0 =	simm.s32 $0xE000  }
0x1ad: {  	[hbm4b:s4+s2] =	stream.indirect_vreg.scatter [tilespmem:s0], [sflag:$0x1], $0x80, v3, vm0, $0xb8;
	[tilespmem:$0x18580] =	vst v63  }
0x1ae: {  	s0 =	simm.s32 $0xE800  }
0x1af: {  	[hbm4b:s5+s2] =	stream.indirect_vreg.scatter [tilespmem:s0], [sflag:$0x1], $0x80, v3, vm0, $0xb8;
	[tilespmem:$0x18580] =	vst v63  }
0x1b0: {  	v3 =	vld [tilespmem:$0x180D0];
	_ =	sdelay $0x4  }
0x1b1: {  	v61 =	vshrl.u32 v3, $0x3  }
0x1b2: {  	v4 =	vmul.u32 $0x30, v61  }
0x1b3: {  	v3 =	vand.u32 $0x7, v3  }
0x1b4: {  	v3 =	vor.u32 v3, v4  }
0x1b5: {  	v4 =	vperm.xlane v3, v0;
	_ =	sdelay $0x1  }
0x1b6: {  	v4 =	vadd.s32 v1, v4;
	_ =	sdelay $0x3  }
0x1b7: {  	s0 =	simm.s32 $0xF000;
	v3 =	vperm.xlane v3, v2  }
0x1b8: {  	[hbm4b:s3+s2] =	stream.indirect_vreg.scatter [tilespmem:s0], [sflag:$0x1], $0x80, v4, vm0, $0xb8;
	[tilespmem:$0x18580] =	vst v63  }
0x1b9: {  	v3 =	vadd.s32 v1, v3;
	s0 =	simm.s32 $0xF800  }
0x1ba: {  	[hbm4b:s4+s2] =	stream.indirect_vreg.scatter [tilespmem:s0], [sflag:$0x1], $0x80, v4, vm0, $0xb8;
	[tilespmem:$0x18580] =	vst v63  }
0x1bb: {  	s0 =	simm.s32 $0x10000  }
0x1bc: {  	[hbm4b:s5+s2] =	stream.indirect_vreg.scatter [tilespmem:s0], [sflag:$0x1], $0x80, v4, vm0, $0xb8;
	[tilespmem:$0x18580] =	vst v63  }
0x1bd: {  	s0 =	simm.s32 $0x10800  }
0x1be: {  	[hbm4b:s3+s2] =	stream.indirect_vreg.scatter [tilespmem:s0], [sflag:$0x1], $0x80, v3, vm0, $0xb8;
	[tilespmem:$0x18580] =	vst v63  }
0x1bf: {  	s0 =	simm.s32 $0x11000  }
0x1c0: {  	[hbm4b:s4+s2] =	stream.indirect_vreg.scatter [tilespmem:s0], [sflag:$0x1], $0x80, v3, vm0, $0xb8;
	[tilespmem:$0x18580] =	vst v63  }
0x1c1: {  	s0 =	simm.s32 $0x11800  }
0x1c2: {  	[hbm4b:s5+s2] =	stream.indirect_vreg.scatter [tilespmem:s0], [sflag:$0x1], $0x80, v3, vm0, $0xb8;
	[tilespmem:$0x18580] =	vst v63  }
0x1c3: {  	v3 =	vld [tilespmem:$0x180E0];
	_ =	sdelay $0x4  }
0x1c4: {  	v62 =	vshrl.u32 v3, $0x3  }
0x1c5: {  	v4 =	vmul.u32 $0x30, v62  }
0x1c6: {  	v3 =	vand.u32 $0x7, v3  }
0x1c7: {  	v3 =	vor.u32 v3, v4  }
0x1c8: {  	v4 =	vperm.xlane v3, v0;
	_ =	sdelay $0x1  }
0x1c9: {  	v4 =	vadd.s32 v1, v4;
	_ =	sdelay $0x3  }
0x1ca: {  	s0 =	simm.s32 $0x12000;
	v3 =	vperm.xlane v3, v2  }
0x1cb: {  	[hbm4b:s3+s2] =	stream.indirect_vreg.scatter [tilespmem:s0], [sflag:$0x1], $0x80, v4, vm0, $0xb8;
	[tilespmem:$0x18580] =	vst v63  }
0x1cc: {  	v3 =	vadd.s32 v1, v3;
	s0 =	simm.s32 $0x12800  }
0x1cd: {  	[hbm4b:s4+s2] =	stream.indirect_vreg.scatter [tilespmem:s0], [sflag:$0x1], $0x80, v4, vm0, $0xb8;
	[tilespmem:$0x18580] =	vst v63  }
0x1ce: {  	s0 =	simm.s32 $0x13000  }
0x1cf: {  	[hbm4b:s5+s2] =	stream.indirect_vreg.scatter [tilespmem:s0], [sflag:$0x1], $0x80, v4, vm0, $0xb8;
	[tilespmem:$0x18580] =	vst v63  }
0x1d0: {  	s0 =	simm.s32 $0x13800  }
0x1d1: {  	[hbm4b:s3+s2] =	stream.indirect_vreg.scatter [tilespmem:s0], [sflag:$0x1], $0x80, v3, vm0, $0xb8;
	[tilespmem:$0x18580] =	vst v63  }
0x1d2: {  	s0 =	simm.s32 $0x14000  }
0x1d3: {  	[hbm4b:s4+s2] =	stream.indirect_vreg.scatter [tilespmem:s0], [sflag:$0x1], $0x80, v3, vm0, $0xb8;
	[tilespmem:$0x18580] =	vst v63  }
0x1d4: {  	s0 =	simm.s32 $0x14800  }
0x1d5: {  	[hbm4b:s5+s2] =	stream.indirect_vreg.scatter [tilespmem:s0], [sflag:$0x1], $0x80, v3, vm0, $0xb8;
	[tilespmem:$0x18580] =	vst v63  }
0x1d6: {  	v3 =	vld [tilespmem:$0x180F0];
	_ =	sdelay $0x4  }
0x1d7: {  	v63 =	vshrl.u32 v3, $0x3  }
0x1d8: {  	v4 =	vmul.u32 $0x30, v63  }
0x1d9: {  	v3 =	vand.u32 $0x7, v3  }
0x1da: {  	v3 =	vor.u32 v3, v4  }
0x1db: {  	v4 =	vperm.xlane v3, v0;
	_ =	sdelay $0x1  }
0x1dc: {  	v4 =	vadd.s32 v1, v4;
	_ =	sdelay $0x3  }
0x1dd: {  	s0 =	simm.s32 $0x15000;
	v3 =	vperm.xlane v3, v2  }
0x1de: {  	[hbm4b:s3+s2] =	stream.indirect_vreg.scatter [tilespmem:s0], [sflag:$0x1], $0x80, v4, vm0, $0xb8;
	[tilespmem:$0x18580] =	vst v63  }
0x1df: {  	v3 =	vadd.s32 v1, v3;
	s0 =	simm.s32 $0x15800  }
0x1e0: {  	[hbm4b:s4+s2] =	stream.indirect_vreg.scatter [tilespmem:s0], [sflag:$0x1], $0x80, v4, vm0, $0xb8;
	[tilespmem:$0x18580] =	vst v63  }
0x1e1: {  	s0 =	simm.s32 $0x16000  }
0x1e2: {  	[hbm4b:s5+s2] =	stream.indirect_vreg.scatter [tilespmem:s0], [sflag:$0x1], $0x80, v4, vm0, $0xb8;
	[tilespmem:$0x18580] =	vst v63  }
0x1e3: {  	s0 =	simm.s32 $0x16800  }
0x1e4: {  	[hbm4b:s3+s2] =	stream.indirect_vreg.scatter [tilespmem:s0], [sflag:$0x1], $0x80, v3, vm0, $0xb8;
	[tilespmem:$0x18580] =	vst v63  }
0x1e5: {  	s0 =	simm.s32 $0x17000  }
0x1e6: {  	[hbm4b:s4+s2] =	stream.indirect_vreg.scatter [tilespmem:s0], [sflag:$0x1], $0x80, v3, vm0, $0xb8;
	[tilespmem:$0x18580] =	vst v63  }
0x1e7: {  	_ = 	snop  }
0x1e8: {  	[hbm4b:s5+s2] =	stream.indirect_vreg.scatter [tilespmem:s8], [sflag:$0x1], $0x80, v3, vm0, $0xb8;
	[tilespmem:$0x18580] =	vst v63  }
0x1e9: {  	p0 =	sne.s32 s6, $0x1;
	_ =	swait.ge [sflag:s1], $0x18000  }
.Ltmp0:
0x1ea: {  	[sflag:s1] =	ssyncset.done $0x0;
	(pc) =	sbr.rel @p0 .LBB2_1-.Ltmp0, $4  }
0x1eb: {  	[sflag:s1] =	ssyncadd.s32 $0xFFFE8000  }
0x1ec: {  	_ =	swait.ge [sflag:s1], $0x18000  }
0x1ed: {  	[sflag:s1] =	ssyncset.done $0x0  }
0x1ee: {  	s6 =	sadd.s32 $0xFFFFFFFF, s6;
	[sflag:s1] =	ssyncadd.s32 $0xFFFE8000  }
0x1ef: {  	_ =	sfence.sel $0x180000  }
0x1f0: {  	[bflag:$0x0] =	sbarrier.arrive $0xFFFF  }
0x1f1: {  	_ =	strace $0x90000047  }
0x1f2: {  	s0 =	stileid.u32;
	[bflag:$0x2] =	sbarrier.arrive $0xFFFF  }
0x1f3: {  	p0 =	sne.s32 s0, $0x0;
	s0 =	rddreg [dreg:$0x2]  }
0x1f4: {  	s0 =	sadd.s32 @!p0 $0x100000, s0  }
0x1f5: {  	[sflag:s0] =	ssyncadd.tile.s32 @!p0 $0x1;
	_ =	shalt  }
.Lfunc_end2:
_tile_overlayer_lowered:
.L_overlay_start_2:
0x1f6: {  	(tag) =	ssettag $0x2  }
0x1f7: {  	s0 =	rddreg [dreg:$0x0];
	s2 =	stileid.u32  }
0x1f8: {  	s1 =	rddreg [dreg:$0x1];
	p0 =	sne.s32 s2, $0x0  }
0x1f9: {  	s3 =	rddreg [dreg:$0x2];
	[bflag:$0x3] =	sbarrier.arrive $0xFFFF;
	s2 =	simm.s32 @!p0 $0x1C02  }
0x1fa: {  	[timem:s3], [sflag:s2] =	dma.local @!p0 [hbm:s0], s1  }
0x1fb: {  	s0 =	simm.s32 @!p0 $0x2  }
0x1fc: {  	_ =	swait.ge @!p0 [sflag:s0], s1  }
0x1fd: {  	s1 =	ssub.s32 @!p0 $0x0, s1;
	[sflag:s0] =	ssyncset.done @!p0 $0x0  }
0x1fe: {  	[sflag:s0] =	ssyncadd.s32 @!p0 s1  }
0x1ff: {  	[bflag:$0x3] =	sbarrier.arrive $0xFFFF  }
0x200: {  	_ =	shalt  }

</sc_bundles>
